<compile_context>
chip_gen: v7x
topology: tpu7x:2x2x1
jax: 0.10.2.dev20260603
libtpu: 0.0.44.dev20260713+nightly
codegen_flags: <defaults>
</compile_context>

<pallas_src>
import functools

import jax
import jax.numpy as jnp
from jax import lax
from jax.experimental import pallas as pl
from jax.experimental.pallas import tpu as pltpu
from jax.experimental.pallas import tpu_sc as plsc

NC = 2
NS = 16
NW = NC * NS
L = 16



def _sc_mesh():
  return plsc.VectorSubcoreMesh(core_axis_name="c", subcore_axis_name="s")


_SC_PARAMS = pltpu.CompilerParams(
    use_tc_tiling_on_sc=False, needs_layout_passes=False)


def _reduce_and_emit(acc_v, stack_sh, stack_v, sum_v, out_slice, sid, stripe):
  pltpu.sync_copy(acc_v, stack_sh.at[sid])
  plsc.subcore_barrier()
  pltpu.sync_copy(stack_sh.at[:, pl.ds(sid * stripe, stripe)], stack_v)

  def rstep(j, carry):
    tot = stack_v[0, pl.ds(j * L, L)]
    for s in range(1, NS):
      tot = tot + stack_v[s, pl.ds(j * L, L)]
    sum_v[pl.ds(j * L, L)] = tot
    return carry

  lax.fori_loop(0, stripe // L, rstep, 0)
  pltpu.sync_copy(sum_v, out_slice)
  plsc.subcore_barrier()


def _make_deg_kernel(r, epw):
  stripe = r // NS

  @functools.partial(
      pl.kernel,
      mesh=_sc_mesh(),
      out_type=jax.ShapeDtypeStruct((NC, 1, r), jnp.float32),
      compiler_params=_SC_PARAMS,
      scratch_types=[
          pltpu.VMEM((epw,), jnp.int32),
          pltpu.VMEM((r,), jnp.float32),
          pltpu.VMEM((NS, stripe), jnp.float32),
          pltpu.VMEM((stripe,), jnp.float32),
          pltpu.VMEM_SHARED((NS, r), jnp.float32),
      ],
  )
  def deg_kernel(ei_h, zeros_h, out_h, dst_v, acc_v, stack_v, sum_v,
                 stack_sh):
    cid = lax.axis_index("c")
    sid = lax.axis_index("s")
    wid = cid * NS + sid
    pltpu.sync_copy(ei_h.at[1, pl.ds(wid * epw, epw)], dst_v)
    pltpu.sync_copy(zeros_h, acc_v)
    ones16 = jnp.ones((L,), jnp.float32)
    u = 8
    n_main = epw // (L * u)

    def step(i, carry):
      base = i * (L * u)
      ds = [dst_v[pl.ds(base + k * L, L)] for k in range(u)]
      for k in range(u):
        plsc.addupdate_scatter(acc_v, [ds[k]], ones16)
      return carry

    lax.fori_loop(0, n_main, step, 0)
    for t in range(n_main * u, epw // L):
      d16 = dst_v[pl.ds(t * L, L)]
      plsc.addupdate_scatter(acc_v, [d16], ones16)
    _reduce_and_emit(acc_v, stack_sh, stack_v, sum_v,
                     out_h.at[cid, 0, pl.ds(sid * stripe, stripe)],
                     sid, stripe)

  return deg_kernel


def _make_scatter_kernel(n, r, epw, f):
  stripe = r // NS

  g = 2 if f % 2 == 0 else 1
  np_ = f // g

  @functools.partial(
      pl.kernel,
      mesh=_sc_mesh(),
      out_type=jax.ShapeDtypeStruct((NC, f, r), jnp.float32),
      compiler_params=_SC_PARAMS,
      scratch_types=[
          pltpu.VMEM((epw,), jnp.int32),
          pltpu.VMEM((epw,), jnp.int32),
          pltpu.VMEM((g, n), jnp.float32),
          pltpu.VMEM((g, n), jnp.float32),
          pltpu.VMEM((g, r), jnp.float32),
          pltpu.VMEM((NS, g, stripe), jnp.float32),
          pltpu.VMEM((g, stripe), jnp.float32),
          pltpu.VMEM_SHARED((NS, g, r), jnp.float32),
          pltpu.SemaphoreType.DMA,
          pltpu.SemaphoreType.DMA,
          pltpu.SemaphoreType.DMA,
          pltpu.SemaphoreType.DMA,
      ],
  )
  def scatter_kernel(y_h, ei_h, zeros_h, out_h,
                     src_v, dst_v, yc0_v, yc1_v, acc_v, stack_v, sum_v,
                     stack_sh, sem_s, sem_d, sem_y, sem_z):
    cid = lax.axis_index("c")
    sid = lax.axis_index("s")
    wid = cid * NS + sid
    ycs = [yc0_v, yc1_v]
    cp = [
        pltpu.async_copy(ei_h.at[0, pl.ds(wid * epw, epw)], src_v, sem_s),
        pltpu.async_copy(ei_h.at[1, pl.ds(wid * epw, epw)], dst_v, sem_d),
        pltpu.async_copy(y_h.at[pl.ds(0, g)], ycs[0], sem_y),
        pltpu.async_copy(zeros_h, acc_v, sem_z),
    ]
    for p in cp:
      p.wait()
    cvecs = [jnp.full((L,), cc, jnp.int32) for cc in range(g)]

    for c in range(np_):
      yc_v = ycs[c % 2]
      u = 8
      n_main = epw // (L * u)

      def step(i, carry):
        base = i * (L * u)
        ss = [src_v[pl.ds(base + k * L, L)] for k in range(u)]
        ds = [dst_v[pl.ds(base + k * L, L)] for k in range(u)]
        vs = [[plsc.load_gather(yc_v, [cvecs[cc], ss[k]]) for cc in range(g)]
              for k in range(u)]
        for k in range(u):
          for cc in range(g):
            plsc.addupdate_scatter(acc_v, [cvecs[cc], ds[k]], vs[k][cc])
        return carry

      lax.fori_loop(0, n_main, step, 0)
      for t in range(n_main * u, epw // L):
        s16 = src_v[pl.ds(t * L, L)]
        d16 = dst_v[pl.ds(t * L, L)]
        for cc in range(g):
          vals = plsc.load_gather(yc_v, [cvecs[cc], s16])
          plsc.addupdate_scatter(acc_v, [cvecs[cc], d16], vals)

      pltpu.sync_copy(acc_v, stack_sh.at[sid])
      pend = []
      if c + 1 < np_:
        pend.append(pltpu.async_copy(y_h.at[pl.ds((c + 1) * g, g)],
                                     ycs[(c + 1) % 2], sem_y))
        pend.append(pltpu.async_copy(zeros_h, acc_v, sem_z))
      plsc.subcore_barrier()
      pltpu.sync_copy(
          stack_sh.at[:, :, pl.ds(sid * stripe, stripe)], stack_v)

      def rstep(j, carry):
        for cc in range(g):
          tot = stack_v[0, cc, pl.ds(j * L, L)]
          for s in range(1, NS):
            tot = tot + stack_v[s, cc, pl.ds(j * L, L)]
          sum_v[cc, pl.ds(j * L, L)] = tot
        return carry

      lax.fori_loop(0, stripe // L, rstep, 0)
      pltpu.sync_copy(
          sum_v, out_h.at[cid, pl.ds(c * g, g), pl.ds(sid * stripe, stripe)])
      for p in pend:
        p.wait()
      plsc.subcore_barrier()

  return scatter_kernel



_BLK = 2048


def _ka1_body(x_ref, w1_ref, xwt_ref):
  xw = jnp.dot(x_ref[...], w1_ref[...],
               preferred_element_type=jnp.float32)
  xwt_ref[...] = xw.T


def _ka1_call(x, w1, n):
  return pl.pallas_call(
      _ka1_body,
      out_shape=jax.ShapeDtypeStruct((4, n), jnp.float32),
  )(x, w1)


def _ka2_body(n, xwt_ref, degp_ref, y1_ref, dinv_ref):
  deg = jnp.sum(degp_ref[...], axis=0)[:, :n] + 1.0
  dinv = lax.rsqrt(deg)
  y1_ref[...] = xwt_ref[...] * dinv
  dinv_ref[...] = dinv


def _ka2_call(xwt, degp, n):
  return pl.pallas_call(
      functools.partial(_ka2_body, n),
      out_shape=[
          jax.ShapeDtypeStruct((4, n), jnp.float32),
          jax.ShapeDtypeStruct((1, n), jnp.float32),
      ],
  )(xwt, degp)


def _glue_body(n, f_in, f_out, accp_ref, y_ref, dinv_ref, b_ref, wt_ref,
               out_ref):
  dinv = dinv_ref[...]
  acc = jnp.sum(accp_ref[...], axis=0)[:, :n]
  h = jnp.maximum(dinv * (acc + y_ref[...]) + b_ref[...], 0.0)
  yn = wt_ref[:, 0:1] * h[0:1, :]
  for c in range(1, f_in):
    yn = yn + wt_ref[:, c:c + 1] * h[c:c + 1, :]
  out_ref[...] = yn * dinv


def _glue_call(accp, y, dinv, b, wt, n, f_in, f_out):
  body = functools.partial(_glue_body, n, f_in, f_out)
  return pl.pallas_call(
      body,
      out_shape=jax.ShapeDtypeStruct((f_out, n), jnp.float32),
  )(accp, y, dinv, b, wt)


def _kd_body(n, accp_ref, y3_ref, dinv_ref, b3_ref, out_ref):
  acc = jnp.sum(accp_ref[...], axis=0)[:, :n]
  res = jnp.tanh(
      dinv_ref[...] * (acc + y3_ref[...]) + b3_ref[...])
  out_ref[...] = jnp.reshape(res, (n, 1))


def _kd_call(accp, y3, dinv, b3, n):
  return pl.pallas_call(
      functools.partial(_kd_body, n),
      out_shape=jax.ShapeDtypeStruct((n, 1), jnp.float32),
  )(accp, y3, dinv, b3)



def kernel(x, edge_index, W1, b1, W2, b2, W3, b3):
  n, d = x.shape
  e = edge_index.shape[1]

  ndum = 512
  r = NS * (-(-(n + ndum) // (NS * L)) * L)
  if e % (NW * L) == 0:
    ei = edge_index
  else:
    pad = -(-e // (NW * L)) * (NW * L) - e
    src = jnp.concatenate([edge_index[0], jnp.zeros((pad,), jnp.int32)])
    dst = jnp.concatenate(
        [edge_index[1], n + (jnp.arange(pad, dtype=jnp.int32) % ndum)])
    ei = jnp.stack([src, dst])
  epw = ei.shape[1] // NW

  zeros_r = jnp.zeros((r,), jnp.float32)
  zeros_2r = jnp.zeros((2, r), jnp.float32)
  zeros_1r = jnp.zeros((1, r), jnp.float32)
  w2t = W2.T
  w3t = W3.T
  b1r = b1.reshape(4, 1)
  b2r = b2.reshape(2, 1)
  b3r = b3.reshape(1, 1)

  degp = _make_deg_kernel(r, epw)(ei, zeros_r)
  xwt = _ka1_call(x, W1, n)
  y1, dinv = _ka2_call(xwt, degp, n)
  acc1p = _make_scatter_kernel(n, r, epw, 4)(y1, ei, zeros_2r)
  y2 = _glue_call(acc1p, y1, dinv, b1r, w2t, n, 4, 2)
  acc2p = _make_scatter_kernel(n, r, epw, 2)(y2, ei, zeros_2r)
  y3 = _glue_call(acc2p, y2, dinv, b2r, w3t, n, 2, 1)
  acc3p = _make_scatter_kernel(n, r, epw, 1)(y3, ei, zeros_1r)
  return _kd_call(acc3p, y3, dinv, b3r, n)

# --- scband reference (transcript-rebuilt; emitter-appended) ---
"""Pipeline reference for scband-graph-autoencoder-62706522521944 (READ-ONLY COPY).

The authoritative reference and input builder live on the scoring server;
editing this copy changes nothing except your own understanding.
"""

import jax, jax.numpy as jnp
import numpy as np

N = 10000
E = 320000
D = 128


def setup_inputs(seed: int = 0) -> dict:
    key = jax.random.key(seed)
    ks = jax.random.split(key, 10)
    x = jax.random.normal(ks[0], (N, D), dtype=jnp.float32)
    edge_index = jax.random.randint(ks[1], (2, E), 0, N, dtype=jnp.int32)
    # encoder GCN weights: (D->4), (4->2), (2->1), glorot-ish init
    W1 = jax.random.normal(ks[2], (D, 4), dtype=jnp.float32) / np.sqrt(D)
    b1 = jnp.zeros((4,), dtype=jnp.float32)
    W2 = jax.random.normal(ks[3], (4, 2), dtype=jnp.float32) / np.sqrt(4.0)
    b2 = jnp.zeros((2,), dtype=jnp.float32)
    W3 = jax.random.normal(ks[4], (2, 1), dtype=jnp.float32) / np.sqrt(2.0)
    b3 = jnp.zeros((1,), dtype=jnp.float32)
    return {"x": x, "edge_index": edge_index, "W1": W1, "b1": b1, "W2": W2, "b2": b2, "W3": W3, "b3": b3}


def _gcn_conv(x, src, dst, W, b, n):
    # PyG GCNConv: add self-loops, symmetric normalization D^-1/2 (A+I) D^-1/2 x W + b
    xw = x @ W
    loop = jnp.arange(n, dtype=src.dtype)
    s = jnp.concatenate([src, loop])
    d = jnp.concatenate([dst, loop])
    deg = jnp.zeros((n,), dtype=xw.dtype).at[d].add(1.0)
    dinv = jnp.where(deg > 0, jax.lax.rsqrt(jnp.maximum(deg, 1e-12)), 0.0)
    norm = dinv[s] * dinv[d]
    msg = xw[s] * norm[:, None]
    out = jnp.zeros((n, xw.shape[1]), dtype=xw.dtype).at[d].add(msg)
    return out + b


def reference(x, edge_index, W1, b1, W2, b2, W3, b3):
    # GraphAutoencoder.forward == encode(data); dropout is identity in eval mode
    n = x.shape[0]
    src = edge_index[0]
    dst = edge_index[1]
    h = _gcn_conv(x, src, dst, W1, b1, n)
    h = jax.nn.relu(h)
    h = _gcn_conv(h, src, dst, W2, b2, n)
    h = jax.nn.relu(h)
    h = _gcn_conv(h, src, dst, W3, b3, n)
    return jnp.tanh(h)

if __name__ == "__main__":
    import jax
    _d = setup_inputs()
    print(jax.jit(kernel)(*tuple(_d.values())))

</pallas_src>

<mosaic_0001>
#map = affine_map<(d0, d1) -> (0, 0)>
#map1 = affine_map<(d0, d1) -> (0, 0, 0)>
module attributes {stable_mosaic.version = 14 : i64} {
  func.func @scatter_kernel(%arg0: i32, %arg1: i32, %arg2: memref<2x10000xf32, #tpu.memory_space<hbm>>, %arg3: memref<2x320000xi32, #tpu.memory_space<hbm>>, %arg4: memref<2x10752xf32, #tpu.memory_space<hbm>>, %arg5: memref<2x2x10752xf32, #tpu.memory_space<hbm>>, %arg6: memref<10000xi32, #tpu.memory_space<vmem>>, %arg7: memref<10000xi32, #tpu.memory_space<vmem>>, %arg8: memref<2x10000xf32, #tpu.memory_space<vmem>>, %arg9: memref<2x10000xf32, #tpu.memory_space<vmem>>, %arg10: memref<2x10752xf32, #tpu.memory_space<vmem>>, %arg11: memref<16x2x672xf32, #tpu.memory_space<vmem>>, %arg12: memref<2x672xf32, #tpu.memory_space<vmem>>, %arg13: memref<16x2x10752xf32, #tpu.memory_space<vmem_shared>>, %arg14: memref<!tpu.dma_semaphore, #tpu.memory_space<semaphore_mem>>, %arg15: memref<!tpu.dma_semaphore, #tpu.memory_space<semaphore_mem>>, %arg16: memref<!tpu.dma_semaphore, #tpu.memory_space<semaphore_mem>>, %arg17: memref<!tpu.dma_semaphore, #tpu.memory_space<semaphore_mem>>) attributes {dimension_semantics = [#tpu.dimension_semantics<core_parallel>, #tpu.dimension_semantics<subcore_parallel>], iteration_bounds = array<i64: 2, 16>, scalar_prefetch = 0 : i64, scratch_operands = 12 : i64, tpu.core_type = #tpu.core_type<sc_vector_subcore>, window_params = [{transform_indices = #map}, {transform_indices = #map}, {transform_indices = #map}, {transform_indices = #map1}]} {
    %mul3A = arith.constant 16 : i32
    %mul3A_0 = arith.muli %arg0, %mul3A : i32
    %add3A = arith.addi %mul3A_0, %arg1 : i32
    %mul3A_1 = arith.constant 10000 : i32
    %mul3A_2 = arith.muli %add3A, %mul3A_1 : i32
    %dma_start3A = arith.constant 0 : i32
    %dma_start3A_3 = tpu.memref_slice %arg3[%dma_start3A, %mul3A_2] : memref<2x320000xi32, #tpu.memory_space<hbm>> -> memref<1x10000xi32, #tpu.memory_space<hbm>>
    %dma_start3A_4 = tpu.memref_squeeze %dma_start3A_3 : memref<1x10000xi32, #tpu.memory_space<hbm>> -> memref<10000xi32, #tpu.memory_space<hbm>>
    %dma_start3A_5 = tpu.memref_slice %arg3[%dma_start3A, %mul3A_2] : memref<2x320000xi32, #tpu.memory_space<hbm>> -> memref<1x10000xi32, #tpu.memory_space<hbm>>
    %dma_start3A_6 = tpu.memref_squeeze %dma_start3A_5 : memref<1x10000xi32, #tpu.memory_space<hbm>> -> memref<10000xi32, #tpu.memory_space<hbm>>
    tpu.enqueue_dma source(%dma_start3A_6 : memref<10000xi32, #tpu.memory_space<hbm>>) target(%arg6 : memref<10000xi32, #tpu.memory_space<vmem>>) target_semaphore(%arg14 : memref<!tpu.dma_semaphore, #tpu.memory_space<semaphore_mem>>)
    %mul3A_7 = arith.constant 10000 : i32
    %mul3A_8 = arith.muli %add3A, %mul3A_7 : i32
    %dma_start3A_9 = arith.constant 1 : i32
    %dma_start3A_10 = tpu.memref_slice %arg3[%dma_start3A_9, %mul3A_8] : memref<2x320000xi32, #tpu.memory_space<hbm>> -> memref<1x10000xi32, #tpu.memory_space<hbm>>
    %dma_start3A_11 = tpu.memref_squeeze %dma_start3A_10 : memref<1x10000xi32, #tpu.memory_space<hbm>> -> memref<10000xi32, #tpu.memory_space<hbm>>
    %dma_start3A_12 = tpu.memref_slice %arg3[%dma_start3A_9, %mul3A_8] : memref<2x320000xi32, #tpu.memory_space<hbm>> -> memref<1x10000xi32, #tpu.memory_space<hbm>>
    %dma_start3A_13 = tpu.memref_squeeze %dma_start3A_12 : memref<1x10000xi32, #tpu.memory_space<hbm>> -> memref<10000xi32, #tpu.memory_space<hbm>>
    tpu.enqueue_dma source(%dma_start3A_13 : memref<10000xi32, #tpu.memory_space<hbm>>) target(%arg7 : memref<10000xi32, #tpu.memory_space<vmem>>) target_semaphore(%arg15 : memref<!tpu.dma_semaphore, #tpu.memory_space<semaphore_mem>>)
    %dma_start3A_14 = arith.constant 0 : i32
    %dma_start3A_15 = arith.constant 0 : i32
    %dma_start3A_16 = tpu.memref_slice %arg2[%dma_start3A_14, %dma_start3A_15] : memref<2x10000xf32, #tpu.memory_space<hbm>> -> memref<2x10000xf32, #tpu.memory_space<hbm>>
    %dma_start3A_17 = arith.constant 0 : i32
    %dma_start3A_18 = arith.constant 0 : i32
    %dma_start3A_19 = tpu.memref_slice %arg2[%dma_start3A_17, %dma_start3A_18] : memref<2x10000xf32, #tpu.memory_space<hbm>> -> memref<2x10000xf32, #tpu.memory_space<hbm>>
    tpu.enqueue_dma source(%dma_start3A_19 : memref<2x10000xf32, #tpu.memory_space<hbm>>) target(%arg8 : memref<2x10000xf32, #tpu.memory_space<vmem>>) target_semaphore(%arg16 : memref<!tpu.dma_semaphore, #tpu.memory_space<semaphore_mem>>)
    tpu.enqueue_dma source(%arg4 : memref<2x10752xf32, #tpu.memory_space<hbm>>) target(%arg10 : memref<2x10752xf32, #tpu.memory_space<vmem>>) target_semaphore(%arg17 : memref<!tpu.dma_semaphore, #tpu.memory_space<semaphore_mem>>)
    %dma_wait3A = arith.constant 0 : i32
    %dma_wait3A_20 = tpu.memref_slice %arg3[%dma_wait3A, %mul3A_2] : memref<2x320000xi32, #tpu.memory_space<hbm>> -> memref<1x10000xi32, #tpu.memory_space<hbm>>
    %dma_wait3A_21 = tpu.memref_squeeze %dma_wait3A_20 : memref<1x10000xi32, #tpu.memory_space<hbm>> -> memref<10000xi32, #tpu.memory_space<hbm>>
    %dma_wait3A_22 = tpu.memref_slice %arg3[%dma_wait3A, %mul3A_2] : memref<2x320000xi32, #tpu.memory_space<hbm>> -> memref<1x10000xi32, #tpu.memory_space<hbm>>
    %dma_wait3A_23 = tpu.memref_squeeze %dma_wait3A_22 : memref<1x10000xi32, #tpu.memory_space<hbm>> -> memref<10000xi32, #tpu.memory_space<hbm>>
    tpu.wait_dma2 semaphore(%arg14 : memref<!tpu.dma_semaphore, #tpu.memory_space<semaphore_mem>>) src(%dma_wait3A_23 : memref<10000xi32, #tpu.memory_space<hbm>>) dst(%arg6 : memref<10000xi32, #tpu.memory_space<vmem>>)
    %dma_wait3A_24 = arith.constant 1 : i32
    %dma_wait3A_25 = tpu.memref_slice %arg3[%dma_wait3A_24, %mul3A_8] : memref<2x320000xi32, #tpu.memory_space<hbm>> -> memref<1x10000xi32, #tpu.memory_space<hbm>>
    %dma_wait3A_26 = tpu.memref_squeeze %dma_wait3A_25 : memref<1x10000xi32, #tpu.memory_space<hbm>> -> memref<10000xi32, #tpu.memory_space<hbm>>
    %dma_wait3A_27 = tpu.memref_slice %arg3[%dma_wait3A_24, %mul3A_8] : memref<2x320000xi32, #tpu.memory_space<hbm>> -> memref<1x10000xi32, #tpu.memory_space<hbm>>
    %dma_wait3A_28 = tpu.memref_squeeze %dma_wait3A_27 : memref<1x10000xi32, #tpu.memory_space<hbm>> -> memref<10000xi32, #tpu.memory_space<hbm>>
    tpu.wait_dma2 semaphore(%arg15 : memref<!tpu.dma_semaphore, #tpu.memory_space<semaphore_mem>>) src(%dma_wait3A_28 : memref<10000xi32, #tpu.memory_space<hbm>>) dst(%arg7 : memref<10000xi32, #tpu.memory_space<vmem>>)
    %dma_wait3A_29 = arith.constant 0 : i32
    %dma_wait3A_30 = arith.constant 0 : i32
    %dma_wait3A_31 = tpu.memref_slice %arg2[%dma_wait3A_29, %dma_wait3A_30] : memref<2x10000xf32, #tpu.memory_space<hbm>> -> memref<2x10000xf32, #tpu.memory_space<hbm>>
    %dma_wait3A_32 = arith.constant 0 : i32
    %dma_wait3A_33 = arith.constant 0 : i32
    %dma_wait3A_34 = tpu.memref_slice %arg2[%dma_wait3A_32, %dma_wait3A_33] : memref<2x10000xf32, #tpu.memory_space<hbm>> -> memref<2x10000xf32, #tpu.memory_space<hbm>>
    tpu.wait_dma2 semaphore(%arg16 : memref<!tpu.dma_semaphore, #tpu.memory_space<semaphore_mem>>) src(%dma_wait3A_34 : memref<2x10000xf32, #tpu.memory_space<hbm>>) dst(%arg8 : memref<2x10000xf32, #tpu.memory_space<vmem>>)
    tpu.wait_dma2 semaphore(%arg17 : memref<!tpu.dma_semaphore, #tpu.memory_space<semaphore_mem>>) src(%arg4 : memref<2x10752xf32, #tpu.memory_space<hbm>>) dst(%arg10 : memref<2x10752xf32, #tpu.memory_space<vmem>>)
    %broadcast_in_dim3A = arith.constant 0 : i32
    %broadcast_in_dim3A_35 = vector.broadcast %broadcast_in_dim3A : i32 to vector<16xi32>
    %broadcast_in_dim3A_36 = arith.constant 1 : i32
    %broadcast_in_dim3A_37 = vector.broadcast %broadcast_in_dim3A_36 : i32 to vector<16xi32>
    %scan3A = arith.constant 0 : i32
    %scan3A_38 = arith.constant 0 : i32
    %scan3A_39 = arith.constant 78 : i32
    %scan3A_40 = arith.addi %scan3A_38, %scan3A_39 : i32
    %scan3A_41 = arith.constant 1 : i32
    scf.for %scan3A_58 = %scan3A_38 to %scan3A_40 step %scan3A_41  : i32 {
      %mul3A_59 = arith.constant 128 : i32
      %mul3A_60 = arith.muli %scan3A_58, %mul3A_59 : i32
      %add3A_61 = arith.constant 0 : i32
      %add3A_62 = arith.addi %mul3A_60, %add3A_61 : i32
      %get3A_63 = arith.index_cast %add3A_62 : i32 to index
      %get3A_64 = tpu.vector_load %arg6[%get3A_63] {strides = array<i32>} : memref<10000xi32, #tpu.memory_space<vmem>>, vector<16xi32>,
      %add3A_65 = arith.constant 16 : i32
      %add3A_66 = arith.addi %mul3A_60, %add3A_65 : i32
      %get3A_67 = arith.index_cast %add3A_66 : i32 to index
      %get3A_68 = tpu.vector_load %arg6[%get3A_67] {strides = array<i32>} : memref<10000xi32, #tpu.memory_space<vmem>>, vector<16xi32>,
      %add3A_69 = arith.constant 32 : i32
      %add3A_70 = arith.addi %mul3A_60, %add3A_69 : i32
      %get3A_71 = arith.index_cast %add3A_70 : i32 to index
      %get3A_72 = tpu.vector_load %arg6[%get3A_71] {strides = array<i32>} : memref<10000xi32, #tpu.memory_space<vmem>>, vector<16xi32>,
      %add3A_73 = arith.constant 48 : i32
      %add3A_74 = arith.addi %mul3A_60, %add3A_73 : i32
      %get3A_75 = arith.index_cast %add3A_74 : i32 to index
      %get3A_76 = tpu.vector_load %arg6[%get3A_75] {strides = array<i32>} : memref<10000xi32, #tpu.memory_space<vmem>>, vector<16xi32>,
      %add3A_77 = arith.constant 64 : i32
      %add3A_78 = arith.addi %mul3A_60, %add3A_77 : i32
      %get3A_79 = arith.index_cast %add3A_78 : i32 to index
      %get3A_80 = tpu.vector_load %arg6[%get3A_79] {strides = array<i32>} : memref<10000xi32, #tpu.memory_space<vmem>>, vector<16xi32>,
      %add3A_81 = arith.constant 80 : i32
      %add3A_82 = arith.addi %mul3A_60, %add3A_81 : i32
      %get3A_83 = arith.index_cast %add3A_82 : i32 to index
      %get3A_84 = tpu.vector_load %arg6[%get3A_83] {strides = array<i32>} : memref<10000xi32, #tpu.memory_space<vmem>>, vector<16xi32>,
      %add3A_85 = arith.constant 96 : i32
      %add3A_86 = arith.addi %mul3A_60, %add3A_85 : i32
      %get3A_87 = arith.index_cast %add3A_86 : i32 to index
      %get3A_88 = tpu.vector_load %arg6[%get3A_87] {strides = array<i32>} : memref<10000xi32, #tpu.memory_space<vmem>>, vector<16xi32>,
      %add3A_89 = arith.constant 112 : i32
      %add3A_90 = arith.addi %mul3A_60, %add3A_89 : i32
      %get3A_91 = arith.index_cast %add3A_90 : i32 to index
      %get3A_92 = tpu.vector_load %arg6[%get3A_91] {strides = array<i32>} : memref<10000xi32, #tpu.memory_space<vmem>>, vector<16xi32>,
      %add3A_93 = arith.constant 0 : i32
      %add3A_94 = arith.addi %mul3A_60, %add3A_93 : i32
      %get3A_95 = arith.index_cast %add3A_94 : i32 to index
      %get3A_96 = tpu.vector_load %arg7[%get3A_95] {strides = array<i32>} : memref<10000xi32, #tpu.memory_space<vmem>>, vector<16xi32>,
      %add3A_97 = arith.constant 16 : i32
      %add3A_98 = arith.addi %mul3A_60, %add3A_97 : i32
      %get3A_99 = arith.index_cast %add3A_98 : i32 to index
      %get3A_100 = tpu.vector_load %arg7[%get3A_99] {strides = array<i32>} : memref<10000xi32, #tpu.memory_space<vmem>>, vector<16xi32>,
      %add3A_101 = arith.constant 32 : i32
      %add3A_102 = arith.addi %mul3A_60, %add3A_101 : i32
      %get3A_103 = arith.index_cast %add3A_102 : i32 to index
      %get3A_104 = tpu.vector_load %arg7[%get3A_103] {strides = array<i32>} : memref<10000xi32, #tpu.memory_space<vmem>>, vector<16xi32>,
      %add3A_105 = arith.constant 48 : i32
      %add3A_106 = arith.addi %mul3A_60, %add3A_105 : i32
      %get3A_107 = arith.index_cast %add3A_106 : i32 to index
      %get3A_108 = tpu.vector_load %arg7[%get3A_107] {strides = array<i32>} : memref<10000xi32, #tpu.memory_space<vmem>>, vector<16xi32>,
      %add3A_109 = arith.constant 64 : i32
      %add3A_110 = arith.addi %mul3A_60, %add3A_109 : i32
      %get3A_111 = arith.index_cast %add3A_110 : i32 to index
      %get3A_112 = tpu.vector_load %arg7[%get3A_111] {strides = array<i32>} : memref<10000xi32, #tpu.memory_space<vmem>>, vector<16xi32>,
      %add3A_113 = arith.constant 80 : i32
      %add3A_114 = arith.addi %mul3A_60, %add3A_113 : i32
      %get3A_115 = arith.index_cast %add3A_114 : i32 to index
      %get3A_116 = tpu.vector_load %arg7[%get3A_115] {strides = array<i32>} : memref<10000xi32, #tpu.memory_space<vmem>>, vector<16xi32>,
      %add3A_117 = arith.constant 96 : i32
      %add3A_118 = arith.addi %mul3A_60, %add3A_117 : i32
      %get3A_119 = arith.index_cast %add3A_118 : i32 to index
      %get3A_120 = tpu.vector_load %arg7[%get3A_119] {strides = array<i32>} : memref<10000xi32, #tpu.memory_space<vmem>>, vector<16xi32>,
      %add3A_121 = arith.constant 112 : i32
      %add3A_122 = arith.addi %mul3A_60, %add3A_121 : i32
      %get3A_123 = arith.index_cast %add3A_122 : i32 to index
      %get3A_124 = tpu.vector_load %arg7[%get3A_123] {strides = array<i32>} : memref<10000xi32, #tpu.memory_space<vmem>>, vector<16xi32>,
      %gather3A_125 = tpu.vector_load_idx %arg8[%broadcast_in_dim3A_35, %get3A_64] : memref<2x10000xf32, #tpu.memory_space<vmem>>[vector<16xi32>, vector<16xi32>], vector<16xf32>,
      %gather3A_126 = tpu.vector_load_idx %arg8[%broadcast_in_dim3A_37, %get3A_64] : memref<2x10000xf32, #tpu.memory_space<vmem>>[vector<16xi32>, vector<16xi32>], vector<16xf32>,
      %gather3A_127 = tpu.vector_load_idx %arg8[%broadcast_in_dim3A_35, %get3A_68] : memref<2x10000xf32, #tpu.memory_space<vmem>>[vector<16xi32>, vector<16xi32>], vector<16xf32>,
      %gather3A_128 = tpu.vector_load_idx %arg8[%broadcast_in_dim3A_37, %get3A_68] : memref<2x10000xf32, #tpu.memory_space<vmem>>[vector<16xi32>, vector<16xi32>], vector<16xf32>,
      %gather3A_129 = tpu.vector_load_idx %arg8[%broadcast_in_dim3A_35, %get3A_72] : memref<2x10000xf32, #tpu.memory_space<vmem>>[vector<16xi32>, vector<16xi32>], vector<16xf32>,
      %gather3A_130 = tpu.vector_load_idx %arg8[%broadcast_in_dim3A_37, %get3A_72] : memref<2x10000xf32, #tpu.memory_space<vmem>>[vector<16xi32>, vector<16xi32>], vector<16xf32>,
      %gather3A_131 = tpu.vector_load_idx %arg8[%broadcast_in_dim3A_35, %get3A_76] : memref<2x10000xf32, #tpu.memory_space<vmem>>[vector<16xi32>, vector<16xi32>], vector<16xf32>,
      %gather3A_132 = tpu.vector_load_idx %arg8[%broadcast_in_dim3A_37, %get3A_76] : memref<2x10000xf32, #tpu.memory_space<vmem>>[vector<16xi32>, vector<16xi32>], vector<16xf32>,
      %gather3A_133 = tpu.vector_load_idx %arg8[%broadcast_in_dim3A_35, %get3A_80] : memref<2x10000xf32, #tpu.memory_space<vmem>>[vector<16xi32>, vector<16xi32>], vector<16xf32>,
      %gather3A_134 = tpu.vector_load_idx %arg8[%broadcast_in_dim3A_37, %get3A_80] : memref<2x10000xf32, #tpu.memory_space<vmem>>[vector<16xi32>, vector<16xi32>], vector<16xf32>,
      %gather3A_135 = tpu.vector_load_idx %arg8[%broadcast_in_dim3A_35, %get3A_84] : memref<2x10000xf32, #tpu.memory_space<vmem>>[vector<16xi32>, vector<16xi32>], vector<16xf32>,
      %gather3A_136 = tpu.vector_load_idx %arg8[%broadcast_in_dim3A_37, %get3A_84] : memref<2x10000xf32, #tpu.memory_space<vmem>>[vector<16xi32>, vector<16xi32>], vector<16xf32>,
      %gather3A_137 = tpu.vector_load_idx %arg8[%broadcast_in_dim3A_35, %get3A_88] : memref<2x10000xf32, #tpu.memory_space<vmem>>[vector<16xi32>, vector<16xi32>], vector<16xf32>,
      %gather3A_138 = tpu.vector_load_idx %arg8[%broadcast_in_dim3A_37, %get3A_88] : memref<2x10000xf32, #tpu.memory_space<vmem>>[vector<16xi32>, vector<16xi32>], vector<16xf32>,
      %gather3A_139 = tpu.vector_load_idx %arg8[%broadcast_in_dim3A_35, %get3A_92] : memref<2x10000xf32, #tpu.memory_space<vmem>>[vector<16xi32>, vector<16xi32>], vector<16xf32>,
      %gather3A_140 = tpu.vector_load_idx %arg8[%broadcast_in_dim3A_37, %get3A_92] : memref<2x10000xf32, #tpu.memory_space<vmem>>[vector<16xi32>, vector<16xi32>], vector<16xf32>,
      tpu.vector_store_idx %arg10[%broadcast_in_dim3A_35, %get3A_96], %gather3A_125 {add = true} : memref<2x10752xf32, #tpu.memory_space<vmem>>[vector<16xi32>, vector<16xi32>], vector<16xf32>,
      tpu.vector_store_idx %arg10[%broadcast_in_dim3A_37, %get3A_96], %gather3A_126 {add = true} : memref<2x10752xf32, #tpu.memory_space<vmem>>[vector<16xi32>, vector<16xi32>], vector<16xf32>,
      tpu.vector_store_idx %arg10[%broadcast_in_dim3A_35, %get3A_100], %gather3A_127 {add = true} : memref<2x10752xf32, #tpu.memory_space<vmem>>[vector<16xi32>, vector<16xi32>], vector<16xf32>,
      tpu.vector_store_idx %arg10[%broadcast_in_dim3A_37, %get3A_100], %gather3A_128 {add = true} : memref<2x10752xf32, #tpu.memory_space<vmem>>[vector<16xi32>, vector<16xi32>], vector<16xf32>,
      tpu.vector_store_idx %arg10[%broadcast_in_dim3A_35, %get3A_104], %gather3A_129 {add = true} : memref<2x10752xf32, #tpu.memory_space<vmem>>[vector<16xi32>, vector<16xi32>], vector<16xf32>,
      tpu.vector_store_idx %arg10[%broadcast_in_dim3A_37, %get3A_104], %gather3A_130 {add = true} : memref<2x10752xf32, #tpu.memory_space<vmem>>[vector<16xi32>, vector<16xi32>], vector<16xf32>,
      tpu.vector_store_idx %arg10[%broadcast_in_dim3A_35, %get3A_108], %gather3A_131 {add = true} : memref<2x10752xf32, #tpu.memory_space<vmem>>[vector<16xi32>, vector<16xi32>], vector<16xf32>,
      tpu.vector_store_idx %arg10[%broadcast_in_dim3A_37, %get3A_108], %gather3A_132 {add = true} : memref<2x10752xf32, #tpu.memory_space<vmem>>[vector<16xi32>, vector<16xi32>], vector<16xf32>,
      tpu.vector_store_idx %arg10[%broadcast_in_dim3A_35, %get3A_112], %gather3A_133 {add = true} : memref<2x10752xf32, #tpu.memory_space<vmem>>[vector<16xi32>, vector<16xi32>], vector<16xf32>,
      tpu.vector_store_idx %arg10[%broadcast_in_dim3A_37, %get3A_112], %gather3A_134 {add = true} : memref<2x10752xf32, #tpu.memory_space<vmem>>[vector<16xi32>, vector<16xi32>], vector<16xf32>,
      tpu.vector_store_idx %arg10[%broadcast_in_dim3A_35, %get3A_116], %gather3A_135 {add = true} : memref<2x10752xf32, #tpu.memory_space<vmem>>[vector<16xi32>, vector<16xi32>], vector<16xf32>,
      tpu.vector_store_idx %arg10[%broadcast_in_dim3A_37, %get3A_116], %gather3A_136 {add = true} : memref<2x10752xf32, #tpu.memory_space<vmem>>[vector<16xi32>, vector<16xi32>], vector<16xf32>,
      tpu.vector_store_idx %arg10[%broadcast_in_dim3A_35, %get3A_120], %gather3A_137 {add = true} : memref<2x10752xf32, #tpu.memory_space<vmem>>[vector<16xi32>, vector<16xi32>], vector<16xf32>,
      tpu.vector_store_idx %arg10[%broadcast_in_dim3A_37, %get3A_120], %gather3A_138 {add = true} : memref<2x10752xf32, #tpu.memory_space<vmem>>[vector<16xi32>, vector<16xi32>], vector<16xf32>,
      tpu.vector_store_idx %arg10[%broadcast_in_dim3A_35, %get3A_124], %gather3A_139 {add = true} : memref<2x10752xf32, #tpu.memory_space<vmem>>[vector<16xi32>, vector<16xi32>], vector<16xf32>,
      tpu.vector_store_idx %arg10[%broadcast_in_dim3A_37, %get3A_124], %gather3A_140 {add = true} : memref<2x10752xf32, #tpu.memory_space<vmem>>[vector<16xi32>, vector<16xi32>], vector<16xf32>,
    }
    %scan3A_42 = arith.constant 78 : i32
    %get3A = arith.constant 9984 : index
    %get3A_43 = tpu.vector_load %arg6[%get3A] {strides = array<i32>} : memref<10000xi32, #tpu.memory_space<vmem>>, vector<16xi32>,
    %get3A_44 = arith.constant 9984 : index
    %get3A_45 = tpu.vector_load %arg7[%get3A_44] {strides = array<i32>} : memref<10000xi32, #tpu.memory_space<vmem>>, vector<16xi32>,
    %gather3A = tpu.vector_load_idx %arg8[%broadcast_in_dim3A_35, %get3A_43] : memref<2x10000xf32, #tpu.memory_space<vmem>>[vector<16xi32>, vector<16xi32>], vector<16xf32>,
    tpu.vector_store_idx %arg10[%broadcast_in_dim3A_35, %get3A_45], %gather3A {add = true} : memref<2x10752xf32, #tpu.memory_space<vmem>>[vector<16xi32>, vector<16xi32>], vector<16xf32>,
    %gather3A_46 = tpu.vector_load_idx %arg8[%broadcast_in_dim3A_37, %get3A_43] : memref<2x10000xf32, #tpu.memory_space<vmem>>[vector<16xi32>, vector<16xi32>], vector<16xf32>,
    tpu.vector_store_idx %arg10[%broadcast_in_dim3A_37, %get3A_45], %gather3A_46 {add = true} : memref<2x10752xf32, #tpu.memory_space<vmem>>[vector<16xi32>, vector<16xi32>], vector<16xf32>,
    "tpu.region"() ({
      %run_scoped3A = tpu.sem_alloc : memref<!tpu.dma_semaphore, #tpu.memory_space<semaphore_mem>>
      %dma_start3A_58 = arith.constant 0 : i32
      %dma_start3A_59 = arith.constant 0 : i32
      %dma_start3A_60 = tpu.memref_slice %arg13[%arg1, %dma_start3A_58, %dma_start3A_59] : memref<16x2x10752xf32, #tpu.memory_space<vmem_shared>> -> memref<1x2x10752xf32, #tpu.memory_space<vmem_shared>>
      %dma_start3A_61 = tpu.memref_squeeze %dma_start3A_60 : memref<1x2x10752xf32, #tpu.memory_space<vmem_shared>> -> memref<2x10752xf32, #tpu.memory_space<vmem_shared>>
      %dma_start3A_62 = arith.constant 0 : i32
      %dma_start3A_63 = arith.constant 0 : i32
      %dma_start3A_64 = tpu.memref_slice %arg13[%arg1, %dma_start3A_62, %dma_start3A_63] : memref<16x2x10752xf32, #tpu.memory_space<vmem_shared>> -> memref<1x2x10752xf32, #tpu.memory_space<vmem_shared>>
      %dma_start3A_65 = tpu.memref_squeeze %dma_start3A_64 : memref<1x2x10752xf32, #tpu.memory_space<vmem_shared>> -> memref<2x10752xf32, #tpu.memory_space<vmem_shared>>
      tpu.enqueue_dma source(%arg10 : memref<2x10752xf32, #tpu.memory_space<vmem>>) target(%dma_start3A_65 : memref<2x10752xf32, #tpu.memory_space<vmem_shared>>) target_semaphore(%run_scoped3A : memref<!tpu.dma_semaphore, #tpu.memory_space<semaphore_mem>>)
      %dma_wait3A_66 = arith.constant 0 : i32
      %dma_wait3A_67 = arith.constant 0 : i32
      %dma_wait3A_68 = tpu.memref_slice %arg13[%arg1, %dma_wait3A_66, %dma_wait3A_67] : memref<16x2x10752xf32, #tpu.memory_space<vmem_shared>> -> memref<1x2x10752xf32, #tpu.memory_space<vmem_shared>>
      %dma_wait3A_69 = tpu.memref_squeeze %dma_wait3A_68 : memref<1x2x10752xf32, #tpu.memory_space<vmem_shared>> -> memref<2x10752xf32, #tpu.memory_space<vmem_shared>>
      %dma_wait3A_70 = arith.constant 0 : i32
      %dma_wait3A_71 = arith.constant 0 : i32
      %dma_wait3A_72 = tpu.memref_slice %arg13[%arg1, %dma_wait3A_70, %dma_wait3A_71] : memref<16x2x10752xf32, #tpu.memory_space<vmem_shared>> -> memref<1x2x10752xf32, #tpu.memory_space<vmem_shared>>
      %dma_wait3A_73 = tpu.memref_squeeze %dma_wait3A_72 : memref<1x2x10752xf32, #tpu.memory_space<vmem_shared>> -> memref<2x10752xf32, #tpu.memory_space<vmem_shared>>
      tpu.wait_dma2 semaphore(%run_scoped3A : memref<!tpu.dma_semaphore, #tpu.memory_space<semaphore_mem>>) src(%arg10 : memref<2x10752xf32, #tpu.memory_space<vmem>>) dst(%dma_wait3A_73 : memref<2x10752xf32, #tpu.memory_space<vmem_shared>>)
      tpu.yield
    }) : () -> ()
    %barrier3A = arith.constant 0 : index
    tpu.barrier barrier_id(%barrier3A)
    %mul3A_47 = arith.constant 672 : i32
    %mul3A_48 = arith.muli %arg1, %mul3A_47 : i32
    "tpu.region"() ({
      %run_scoped3A = tpu.sem_alloc : memref<!tpu.dma_semaphore, #tpu.memory_space<semaphore_mem>>
      %dma_start3A_58 = arith.constant 0 : i32
      %dma_start3A_59 = arith.constant 0 : i32
      %dma_start3A_60 = tpu.memref_slice %arg13[%dma_start3A_58, %dma_start3A_59, %mul3A_48] : memref<16x2x10752xf32, #tpu.memory_space<vmem_shared>> -> memref<16x2x672xf32, #tpu.memory_space<vmem_shared>>
      %dma_start3A_61 = arith.constant 0 : i32
      %dma_start3A_62 = arith.constant 0 : i32
      %dma_start3A_63 = tpu.memref_slice %arg13[%dma_start3A_61, %dma_start3A_62, %mul3A_48] : memref<16x2x10752xf32, #tpu.memory_space<vmem_shared>> -> memref<16x2x672xf32, #tpu.memory_space<vmem_shared>>
      tpu.enqueue_dma source(%dma_start3A_63 : memref<16x2x672xf32, #tpu.memory_space<vmem_shared>>) target(%arg11 : memref<16x2x672xf32, #tpu.memory_space<vmem>>) target_semaphore(%run_scoped3A : memref<!tpu.dma_semaphore, #tpu.memory_space<semaphore_mem>>)
      %dma_wait3A_64 = arith.constant 0 : i32
      %dma_wait3A_65 = arith.constant 0 : i32
      %dma_wait3A_66 = tpu.memref_slice %arg13[%dma_wait3A_64, %dma_wait3A_65, %mul3A_48] : memref<16x2x10752xf32, #tpu.memory_space<vmem_shared>> -> memref<16x2x672xf32, #tpu.memory_space<vmem_shared>>
      %dma_wait3A_67 = arith.constant 0 : i32
      %dma_wait3A_68 = arith.constant 0 : i32
      %dma_wait3A_69 = tpu.memref_slice %arg13[%dma_wait3A_67, %dma_wait3A_68, %mul3A_48] : memref<16x2x10752xf32, #tpu.memory_space<vmem_shared>> -> memref<16x2x672xf32, #tpu.memory_space<vmem_shared>>
      tpu.wait_dma2 semaphore(%run_scoped3A : memref<!tpu.dma_semaphore, #tpu.memory_space<semaphore_mem>>) src(%dma_wait3A_69 : memref<16x2x672xf32, #tpu.memory_space<vmem_shared>>) dst(%arg11 : memref<16x2x672xf32, #tpu.memory_space<vmem>>)
      tpu.yield
    }) : () -> ()
    %scan3A_49 = arith.constant 0 : i32
    %scan3A_50 = arith.constant 0 : i32
    %scan3A_51 = arith.constant 42 : i32
    %scan3A_52 = arith.addi %scan3A_50, %scan3A_51 : i32
    %scan3A_53 = arith.constant 1 : i32
    scf.for %scan3A_58 = %scan3A_50 to %scan3A_52 step %scan3A_53  : i32 {
      %mul3A_59 = arith.constant 16 : i32
      %mul3A_60 = arith.muli %scan3A_58, %mul3A_59 : i32
      %get3A_61 = arith.constant 0 : i32
      %get3A_62 = arith.constant 0 : i32
      %get3A_63 = arith.index_cast %get3A_61 : i32 to index
      %get3A_64 = arith.index_cast %get3A_62 : i32 to index
      %get3A_65 = arith.index_cast %mul3A_60 : i32 to index
      %get3A_66 = tpu.vector_load %arg11[%get3A_63, %get3A_64, %get3A_65] {strides = array<i32>} : memref<16x2x672xf32, #tpu.memory_space<vmem>>, vector<16xf32>,
      %mul3A_67 = arith.constant 16 : i32
      %mul3A_68 = arith.muli %scan3A_58, %mul3A_67 : i32
      %get3A_69 = arith.constant 1 : i32
      %get3A_70 = arith.constant 0 : i32
      %get3A_71 = arith.index_cast %get3A_69 : i32 to index
      %get3A_72 = arith.index_cast %get3A_70 : i32 to index
      %get3A_73 = arith.index_cast %mul3A_68 : i32 to index
      %get3A_74 = tpu.vector_load %arg11[%get3A_71, %get3A_72, %get3A_73] {strides = array<i32>} : memref<16x2x672xf32, #tpu.memory_space<vmem>>, vector<16xf32>,
      %add3A_75 = arith.addf %get3A_66, %get3A_74 : vector<16xf32>
      %mul3A_76 = arith.constant 16 : i32
      %mul3A_77 = arith.muli %scan3A_58, %mul3A_76 : i32
      %get3A_78 = arith.constant 2 : i32
      %get3A_79 = arith.constant 0 : i32
      %get3A_80 = arith.index_cast %get3A_78 : i32 to index
      %get3A_81 = arith.index_cast %get3A_79 : i32 to index
      %get3A_82 = arith.index_cast %mul3A_77 : i32 to index
      %get3A_83 = tpu.vector_load %arg11[%get3A_80, %get3A_81, %get3A_82] {strides = array<i32>} : memref<16x2x672xf32, #tpu.memory_space<vmem>>, vector<16xf32>,
      %add3A_84 = arith.addf %add3A_75, %get3A_83 : vector<16xf32>
      %mul3A_85 = arith.constant 16 : i32
      %mul3A_86 = arith.muli %scan3A_58, %mul3A_85 : i32
      %get3A_87 = arith.constant 3 : i32
      %get3A_88 = arith.constant 0 : i32
      %get3A_89 = arith.index_cast %get3A_87 : i32 to index
      %get3A_90 = arith.index_cast %get3A_88 : i32 to index
      %get3A_91 = arith.index_cast %mul3A_86 : i32 to index
      %get3A_92 = tpu.vector_load %arg11[%get3A_89, %get3A_90, %get3A_91] {strides = array<i32>} : memref<16x2x672xf32, #tpu.memory_space<vmem>>, vector<16xf32>,
      %add3A_93 = arith.addf %add3A_84, %get3A_92 : vector<16xf32>
      %mul3A_94 = arith.constant 16 : i32
      %mul3A_95 = arith.muli %scan3A_58, %mul3A_94 : i32
      %get3A_96 = arith.constant 4 : i32
      %get3A_97 = arith.constant 0 : i32
      %get3A_98 = arith.index_cast %get3A_96 : i32 to index
      %get3A_99 = arith.index_cast %get3A_97 : i32 to index
      %get3A_100 = arith.index_cast %mul3A_95 : i32 to index
      %get3A_101 = tpu.vector_load %arg11[%get3A_98, %get3A_99, %get3A_100] {strides = array<i32>} : memref<16x2x672xf32, #tpu.memory_space<vmem>>, vector<16xf32>,
      %add3A_102 = arith.addf %add3A_93, %get3A_101 : vector<16xf32>
      %mul3A_103 = arith.constant 16 : i32
      %mul3A_104 = arith.muli %scan3A_58, %mul3A_103 : i32
      %get3A_105 = arith.constant 5 : i32
      %get3A_106 = arith.constant 0 : i32
      %get3A_107 = arith.index_cast %get3A_105 : i32 to index
      %get3A_108 = arith.index_cast %get3A_106 : i32 to index
      %get3A_109 = arith.index_cast %mul3A_104 : i32 to index
      %get3A_110 = tpu.vector_load %arg11[%get3A_107, %get3A_108, %get3A_109] {strides = array<i32>} : memref<16x2x672xf32, #tpu.memory_space<vmem>>, vector<16xf32>,
      %add3A_111 = arith.addf %add3A_102, %get3A_110 : vector<16xf32>
      %mul3A_112 = arith.constant 16 : i32
      %mul3A_113 = arith.muli %scan3A_58, %mul3A_112 : i32
      %get3A_114 = arith.constant 6 : i32
      %get3A_115 = arith.constant 0 : i32
      %get3A_116 = arith.index_cast %get3A_114 : i32 to index
      %get3A_117 = arith.index_cast %get3A_115 : i32 to index
      %get3A_118 = arith.index_cast %mul3A_113 : i32 to index
      %get3A_119 = tpu.vector_load %arg11[%get3A_116, %get3A_117, %get3A_118] {strides = array<i32>} : memref<16x2x672xf32, #tpu.memory_space<vmem>>, vector<16xf32>,
      %add3A_120 = arith.addf %add3A_111, %get3A_119 : vector<16xf32>
      %mul3A_121 = arith.constant 16 : i32
      %mul3A_122 = arith.muli %scan3A_58, %mul3A_121 : i32
      %get3A_123 = arith.constant 7 : i32
      %get3A_124 = arith.constant 0 : i32
      %get3A_125 = arith.index_cast %get3A_123 : i32 to index
      %get3A_126 = arith.index_cast %get3A_124 : i32 to index
      %get3A_127 = arith.index_cast %mul3A_122 : i32 to index
      %get3A_128 = tpu.vector_load %arg11[%get3A_125, %get3A_126, %get3A_127] {strides = array<i32>} : memref<16x2x672xf32, #tpu.memory_space<vmem>>, vector<16xf32>,
      %add3A_129 = arith.addf %add3A_120, %get3A_128 : vector<16xf32>
      %mul3A_130 = arith.constant 16 : i32
      %mul3A_131 = arith.muli %scan3A_58, %mul3A_130 : i32
      %get3A_132 = arith.constant 8 : i32
      %get3A_133 = arith.constant 0 : i32
      %get3A_134 = arith.index_cast %get3A_132 : i32 to index
      %get3A_135 = arith.index_cast %get3A_133 : i32 to index
      %get3A_136 = arith.index_cast %mul3A_131 : i32 to index
      %get3A_137 = tpu.vector_load %arg11[%get3A_134, %get3A_135, %get3A_136] {strides = array<i32>} : memref<16x2x672xf32, #tpu.memory_space<vmem>>, vector<16xf32>,
      %add3A_138 = arith.addf %add3A_129, %get3A_137 : vector<16xf32>
      %mul3A_139 = arith.constant 16 : i32
      %mul3A_140 = arith.muli %scan3A_58, %mul3A_139 : i32
      %get3A_141 = arith.constant 9 : i32
      %get3A_142 = arith.constant 0 : i32
      %get3A_143 = arith.index_cast %get3A_141 : i32 to index
      %get3A_144 = arith.index_cast %get3A_142 : i32 to index
      %get3A_145 = arith.index_cast %mul3A_140 : i32 to index
      %get3A_146 = tpu.vector_load %arg11[%get3A_143, %get3A_144, %get3A_145] {strides = array<i32>} : memref<16x2x672xf32, #tpu.memory_space<vmem>>, vector<16xf32>,
      %add3A_147 = arith.addf %add3A_138, %get3A_146 : vector<16xf32>
      %mul3A_148 = arith.constant 16 : i32
      %mul3A_149 = arith.muli %scan3A_58, %mul3A_148 : i32
      %get3A_150 = arith.constant 10 : i32
      %get3A_151 = arith.constant 0 : i32
      %get3A_152 = arith.index_cast %get3A_150 : i32 to index
      %get3A_153 = arith.index_cast %get3A_151 : i32 to index
      %get3A_154 = arith.index_cast %mul3A_149 : i32 to index
      %get3A_155 = tpu.vector_load %arg11[%get3A_152, %get3A_153, %get3A_154] {strides = array<i32>} : memref<16x2x672xf32, #tpu.memory_space<vmem>>, vector<16xf32>,
      %add3A_156 = arith.addf %add3A_147, %get3A_155 : vector<16xf32>
      %mul3A_157 = arith.constant 16 : i32
      %mul3A_158 = arith.muli %scan3A_58, %mul3A_157 : i32
      %get3A_159 = arith.constant 11 : i32
      %get3A_160 = arith.constant 0 : i32
      %get3A_161 = arith.index_cast %get3A_159 : i32 to index
      %get3A_162 = arith.index_cast %get3A_160 : i32 to index
      %get3A_163 = arith.index_cast %mul3A_158 : i32 to index
      %get3A_164 = tpu.vector_load %arg11[%get3A_161, %get3A_162, %get3A_163] {strides = array<i32>} : memref<16x2x672xf32, #tpu.memory_space<vmem>>, vector<16xf32>,
      %add3A_165 = arith.addf %add3A_156, %get3A_164 : vector<16xf32>
      %mul3A_166 = arith.constant 16 : i32
      %mul3A_167 = arith.muli %scan3A_58, %mul3A_166 : i32
      %get3A_168 = arith.constant 12 : i32
      %get3A_169 = arith.constant 0 : i32
      %get3A_170 = arith.index_cast %get3A_168 : i32 to index
      %get3A_171 = arith.index_cast %get3A_169 : i32 to index
      %get3A_172 = arith.index_cast %mul3A_167 : i32 to index
      %get3A_173 = tpu.vector_load %arg11[%get3A_170, %get3A_171, %get3A_172] {strides = array<i32>} : memref<16x2x672xf32, #tpu.memory_space<vmem>>, vector<16xf32>,
      %add3A_174 = arith.addf %add3A_165, %get3A_173 : vector<16xf32>
      %mul3A_175 = arith.constant 16 : i32
      %mul3A_176 = arith.muli %scan3A_58, %mul3A_175 : i32
      %get3A_177 = arith.constant 13 : i32
      %get3A_178 = arith.constant 0 : i32
      %get3A_179 = arith.index_cast %get3A_177 : i32 to index
      %get3A_180 = arith.index_cast %get3A_178 : i32 to index
      %get3A_181 = arith.index_cast %mul3A_176 : i32 to index
      %get3A_182 = tpu.vector_load %arg11[%get3A_179, %get3A_180, %get3A_181] {strides = array<i32>} : memref<16x2x672xf32, #tpu.memory_space<vmem>>, vector<16xf32>,
      %add3A_183 = arith.addf %add3A_174, %get3A_182 : vector<16xf32>
      %mul3A_184 = arith.constant 16 : i32
      %mul3A_185 = arith.muli %scan3A_58, %mul3A_184 : i32
      %get3A_186 = arith.constant 14 : i32
      %get3A_187 = arith.constant 0 : i32
      %get3A_188 = arith.index_cast %get3A_186 : i32 to index
      %get3A_189 = arith.index_cast %get3A_187 : i32 to index
      %get3A_190 = arith.index_cast %mul3A_185 : i32 to index
      %get3A_191 = tpu.vector_load %arg11[%get3A_188, %get3A_189, %get3A_190] {strides = array<i32>} : memref<16x2x672xf32, #tpu.memory_space<vmem>>, vector<16xf32>,
      %add3A_192 = arith.addf %add3A_183, %get3A_191 : vector<16xf32>
      %mul3A_193 = arith.constant 16 : i32
      %mul3A_194 = arith.muli %scan3A_58, %mul3A_193 : i32
      %get3A_195 = arith.constant 15 : i32
      %get3A_196 = arith.constant 0 : i32
      %get3A_197 = arith.index_cast %get3A_195 : i32 to index
      %get3A_198 = arith.index_cast %get3A_196 : i32 to index
      %get3A_199 = arith.index_cast %mul3A_194 : i32 to index
      %get3A_200 = tpu.vector_load %arg11[%get3A_197, %get3A_198, %get3A_199] {strides = array<i32>} : memref<16x2x672xf32, #tpu.memory_space<vmem>>, vector<16xf32>,
      %add3A_201 = arith.addf %add3A_192, %get3A_200 : vector<16xf32>
      %mul3A_202 = arith.constant 16 : i32
      %mul3A_203 = arith.muli %scan3A_58, %mul3A_202 : i32
      %swap3A = arith.constant 0 : i32
      %swap3A_204 = arith.index_cast %swap3A : i32 to index
      %swap3A_205 = arith.index_cast %mul3A_203 : i32 to index
      %swap3A_206 = tpu.vector_load %arg12[%swap3A_204, %swap3A_205] {strides = array<i32>} : memref<2x672xf32, #tpu.memory_space<vmem>>, vector<16xf32>,
      tpu.vector_store %arg12[%swap3A_204, %swap3A_205], %add3A_201 {strides = array<i32>} : memref<2x672xf32, #tpu.memory_space<vmem>>, vector<16xf32>,
      %mul3A_207 = arith.constant 16 : i32
      %mul3A_208 = arith.muli %scan3A_58, %mul3A_207 : i32
      %get3A_209 = arith.constant 0 : i32
      %get3A_210 = arith.constant 1 : i32
      %get3A_211 = arith.index_cast %get3A_209 : i32 to index
      %get3A_212 = arith.index_cast %get3A_210 : i32 to index
      %get3A_213 = arith.index_cast %mul3A_208 : i32 to index
      %get3A_214 = tpu.vector_load %arg11[%get3A_211, %get3A_212, %get3A_213] {strides = array<i32>} : memref<16x2x672xf32, #tpu.memory_space<vmem>>, vector<16xf32>,
      %mul3A_215 = arith.constant 16 : i32
      %mul3A_216 = arith.muli %scan3A_58, %mul3A_215 : i32
      %get3A_217 = arith.constant 1 : i32
      %get3A_218 = arith.constant 1 : i32
      %get3A_219 = arith.index_cast %get3A_217 : i32 to index
      %get3A_220 = arith.index_cast %get3A_218 : i32 to index
      %get3A_221 = arith.index_cast %mul3A_216 : i32 to index
      %get3A_222 = tpu.vector_load %arg11[%get3A_219, %get3A_220, %get3A_221] {strides = array<i32>} : memref<16x2x672xf32, #tpu.memory_space<vmem>>, vector<16xf32>,
      %add3A_223 = arith.addf %get3A_214, %get3A_222 : vector<16xf32>
      %mul3A_224 = arith.constant 16 : i32
      %mul3A_225 = arith.muli %scan3A_58, %mul3A_224 : i32
      %get3A_226 = arith.constant 2 : i32
      %get3A_227 = arith.constant 1 : i32
      %get3A_228 = arith.index_cast %get3A_226 : i32 to index
      %get3A_229 = arith.index_cast %get3A_227 : i32 to index
      %get3A_230 = arith.index_cast %mul3A_225 : i32 to index
      %get3A_231 = tpu.vector_load %arg11[%get3A_228, %get3A_229, %get3A_230] {strides = array<i32>} : memref<16x2x672xf32, #tpu.memory_space<vmem>>, vector<16xf32>,
      %add3A_232 = arith.addf %add3A_223, %get3A_231 : vector<16xf32>
      %mul3A_233 = arith.constant 16 : i32
      %mul3A_234 = arith.muli %scan3A_58, %mul3A_233 : i32
      %get3A_235 = arith.constant 3 : i32
      %get3A_236 = arith.constant 1 : i32
      %get3A_237 = arith.index_cast %get3A_235 : i32 to index
      %get3A_238 = arith.index_cast %get3A_236 : i32 to index
      %get3A_239 = arith.index_cast %mul3A_234 : i32 to index
      %get3A_240 = tpu.vector_load %arg11[%get3A_237, %get3A_238, %get3A_239] {strides = array<i32>} : memref<16x2x672xf32, #tpu.memory_space<vmem>>, vector<16xf32>,
      %add3A_241 = arith.addf %add3A_232, %get3A_240 : vector<16xf32>
      %mul3A_242 = arith.constant 16 : i32
      %mul3A_243 = arith.muli %scan3A_58, %mul3A_242 : i32
      %get3A_244 = arith.constant 4 : i32
      %get3A_245 = arith.constant 1 : i32
      %get3A_246 = arith.index_cast %get3A_244 : i32 to index
      %get3A_247 = arith.index_cast %get3A_245 : i32 to index
      %get3A_248 = arith.index_cast %mul3A_243 : i32 to index
      %get3A_249 = tpu.vector_load %arg11[%get3A_246, %get3A_247, %get3A_248] {strides = array<i32>} : memref<16x2x672xf32, #tpu.memory_space<vmem>>, vector<16xf32>,
      %add3A_250 = arith.addf %add3A_241, %get3A_249 : vector<16xf32>
      %mul3A_251 = arith.constant 16 : i32
      %mul3A_252 = arith.muli %scan3A_58, %mul3A_251 : i32
      %get3A_253 = arith.constant 5 : i32
      %get3A_254 = arith.constant 1 : i32
      %get3A_255 = arith.index_cast %get3A_253 : i32 to index
      %get3A_256 = arith.index_cast %get3A_254 : i32 to index
      %get3A_257 = arith.index_cast %mul3A_252 : i32 to index
      %get3A_258 = tpu.vector_load %arg11[%get3A_255, %get3A_256, %get3A_257] {strides = array<i32>} : memref<16x2x672xf32, #tpu.memory_space<vmem>>, vector<16xf32>,
      %add3A_259 = arith.addf %add3A_250, %get3A_258 : vector<16xf32>
      %mul3A_260 = arith.constant 16 : i32
      %mul3A_261 = arith.muli %scan3A_58, %mul3A_260 : i32
      %get3A_262 = arith.constant 6 : i32
      %get3A_263 = arith.constant 1 : i32
      %get3A_264 = arith.index_cast %get3A_262 : i32 to index
      %get3A_265 = arith.index_cast %get3A_263 : i32 to index
      %get3A_266 = arith.index_cast %mul3A_261 : i32 to index
      %get3A_267 = tpu.vector_load %arg11[%get3A_264, %get3A_265, %get3A_266] {strides = array<i32>} : memref<16x2x672xf32, #tpu.memory_space<vmem>>, vector<16xf32>,
      %add3A_268 = arith.addf %add3A_259, %get3A_267 : vector<16xf32>
      %mul3A_269 = arith.constant 16 : i32
      %mul3A_270 = arith.muli %scan3A_58, %mul3A_269 : i32
      %get3A_271 = arith.constant 7 : i32
      %get3A_272 = arith.constant 1 : i32
      %get3A_273 = arith.index_cast %get3A_271 : i32 to index
      %get3A_274 = arith.index_cast %get3A_272 : i32 to index
      %get3A_275 = arith.index_cast %mul3A_270 : i32 to index
      %get3A_276 = tpu.vector_load %arg11[%get3A_273, %get3A_274, %get3A_275] {strides = array<i32>} : memref<16x2x672xf32, #tpu.memory_space<vmem>>, vector<16xf32>,
      %add3A_277 = arith.addf %add3A_268, %get3A_276 : vector<16xf32>
      %mul3A_278 = arith.constant 16 : i32
      %mul3A_279 = arith.muli %scan3A_58, %mul3A_278 : i32
      %get3A_280 = arith.constant 8 : i32
      %get3A_281 = arith.constant 1 : i32
      %get3A_282 = arith.index_cast %get3A_280 : i32 to index
      %get3A_283 = arith.index_cast %get3A_281 : i32 to index
      %get3A_284 = arith.index_cast %mul3A_279 : i32 to index
      %get3A_285 = tpu.vector_load %arg11[%get3A_282, %get3A_283, %get3A_284] {strides = array<i32>} : memref<16x2x672xf32, #tpu.memory_space<vmem>>, vector<16xf32>,
      %add3A_286 = arith.addf %add3A_277, %get3A_285 : vector<16xf32>
      %mul3A_287 = arith.constant 16 : i32
      %mul3A_288 = arith.muli %scan3A_58, %mul3A_287 : i32
      %get3A_289 = arith.constant 9 : i32
      %get3A_290 = arith.constant 1 : i32
      %get3A_291 = arith.index_cast %get3A_289 : i32 to index
      %get3A_292 = arith.index_cast %get3A_290 : i32 to index
      %get3A_293 = arith.index_cast %mul3A_288 : i32 to index
      %get3A_294 = tpu.vector_load %arg11[%get3A_291, %get3A_292, %get3A_293] {strides = array<i32>} : memref<16x2x672xf32, #tpu.memory_space<vmem>>, vector<16xf32>,
      %add3A_295 = arith.addf %add3A_286, %get3A_294 : vector<16xf32>
      %mul3A_296 = arith.constant 16 : i32
      %mul3A_297 = arith.muli %scan3A_58, %mul3A_296 : i32
      %get3A_298 = arith.constant 10 : i32
      %get3A_299 = arith.constant 1 : i32
      %get3A_300 = arith.index_cast %get3A_298 : i32 to index
      %get3A_301 = arith.index_cast %get3A_299 : i32 to index
      %get3A_302 = arith.index_cast %mul3A_297 : i32 to index
      %get3A_303 = tpu.vector_load %arg11[%get3A_300, %get3A_301, %get3A_302] {strides = array<i32>} : memref<16x2x672xf32, #tpu.memory_space<vmem>>, vector<16xf32>,
      %add3A_304 = arith.addf %add3A_295, %get3A_303 : vector<16xf32>
      %mul3A_305 = arith.constant 16 : i32
      %mul3A_306 = arith.muli %scan3A_58, %mul3A_305 : i32
      %get3A_307 = arith.constant 11 : i32
      %get3A_308 = arith.constant 1 : i32
      %get3A_309 = arith.index_cast %get3A_307 : i32 to index
      %get3A_310 = arith.index_cast %get3A_308 : i32 to index
      %get3A_311 = arith.index_cast %mul3A_306 : i32 to index
      %get3A_312 = tpu.vector_load %arg11[%get3A_309, %get3A_310, %get3A_311] {strides = array<i32>} : memref<16x2x672xf32, #tpu.memory_space<vmem>>, vector<16xf32>,
      %add3A_313 = arith.addf %add3A_304, %get3A_312 : vector<16xf32>
      %mul3A_314 = arith.constant 16 : i32
      %mul3A_315 = arith.muli %scan3A_58, %mul3A_314 : i32
      %get3A_316 = arith.constant 12 : i32
      %get3A_317 = arith.constant 1 : i32
      %get3A_318 = arith.index_cast %get3A_316 : i32 to index
      %get3A_319 = arith.index_cast %get3A_317 : i32 to index
      %get3A_320 = arith.index_cast %mul3A_315 : i32 to index
      %get3A_321 = tpu.vector_load %arg11[%get3A_318, %get3A_319, %get3A_320] {strides = array<i32>} : memref<16x2x672xf32, #tpu.memory_space<vmem>>, vector<16xf32>,
      %add3A_322 = arith.addf %add3A_313, %get3A_321 : vector<16xf32>
      %mul3A_323 = arith.constant 16 : i32
      %mul3A_324 = arith.muli %scan3A_58, %mul3A_323 : i32
      %get3A_325 = arith.constant 13 : i32
      %get3A_326 = arith.constant 1 : i32
      %get3A_327 = arith.index_cast %get3A_325 : i32 to index
      %get3A_328 = arith.index_cast %get3A_326 : i32 to index
      %get3A_329 = arith.index_cast %mul3A_324 : i32 to index
      %get3A_330 = tpu.vector_load %arg11[%get3A_327, %get3A_328, %get3A_329] {strides = array<i32>} : memref<16x2x672xf32, #tpu.memory_space<vmem>>, vector<16xf32>,
      %add3A_331 = arith.addf %add3A_322, %get3A_330 : vector<16xf32>
      %mul3A_332 = arith.constant 16 : i32
      %mul3A_333 = arith.muli %scan3A_58, %mul3A_332 : i32
      %get3A_334 = arith.constant 14 : i32
      %get3A_335 = arith.constant 1 : i32
      %get3A_336 = arith.index_cast %get3A_334 : i32 to index
      %get3A_337 = arith.index_cast %get3A_335 : i32 to index
      %get3A_338 = arith.index_cast %mul3A_333 : i32 to index
      %get3A_339 = tpu.vector_load %arg11[%get3A_336, %get3A_337, %get3A_338] {strides = array<i32>} : memref<16x2x672xf32, #tpu.memory_space<vmem>>, vector<16xf32>,
      %add3A_340 = arith.addf %add3A_331, %get3A_339 : vector<16xf32>
      %mul3A_341 = arith.constant 16 : i32
      %mul3A_342 = arith.muli %scan3A_58, %mul3A_341 : i32
      %get3A_343 = arith.constant 15 : i32
      %get3A_344 = arith.constant 1 : i32
      %get3A_345 = arith.index_cast %get3A_343 : i32 to index
      %get3A_346 = arith.index_cast %get3A_344 : i32 to index
      %get3A_347 = arith.index_cast %mul3A_342 : i32 to index
      %get3A_348 = tpu.vector_load %arg11[%get3A_345, %get3A_346, %get3A_347] {strides = array<i32>} : memref<16x2x672xf32, #tpu.memory_space<vmem>>, vector<16xf32>,
      %add3A_349 = arith.addf %add3A_340, %get3A_348 : vector<16xf32>
      %mul3A_350 = arith.constant 16 : i32
      %mul3A_351 = arith.muli %scan3A_58, %mul3A_350 : i32
      %swap3A_352 = arith.constant 1 : i32
      %swap3A_353 = arith.index_cast %swap3A_352 : i32 to index
      %swap3A_354 = arith.index_cast %mul3A_351 : i32 to index
      %swap3A_355 = tpu.vector_load %arg12[%swap3A_353, %swap3A_354] {strides = array<i32>} : memref<2x672xf32, #tpu.memory_space<vmem>>, vector<16xf32>,
      tpu.vector_store %arg12[%swap3A_353, %swap3A_354], %add3A_349 {strides = array<i32>} : memref<2x672xf32, #tpu.memory_space<vmem>>, vector<16xf32>,
    }
    %scan3A_54 = arith.constant 42 : i32
    %mul3A_55 = arith.constant 672 : i32
    %mul3A_56 = arith.muli %arg1, %mul3A_55 : i32
    "tpu.region"() ({
      %run_scoped3A = tpu.sem_alloc : memref<!tpu.dma_semaphore, #tpu.memory_space<semaphore_mem>>
      %dma_start3A_58 = arith.constant 0 : i32
      %dma_start3A_59 = tpu.memref_slice %arg5[%arg0, %dma_start3A_58, %mul3A_56] : memref<2x2x10752xf32, #tpu.memory_space<hbm>> -> memref<1x2x672xf32, #tpu.memory_space<hbm>>
      %dma_start3A_60 = tpu.memref_squeeze %dma_start3A_59 : memref<1x2x672xf32, #tpu.memory_space<hbm>> -> memref<2x672xf32, #tpu.memory_space<hbm>>
      %dma_start3A_61 = arith.constant 0 : i32
      %dma_start3A_62 = tpu.memref_slice %arg5[%arg0, %dma_start3A_61, %mul3A_56] : memref<2x2x10752xf32, #tpu.memory_space<hbm>> -> memref<1x2x672xf32, #tpu.memory_space<hbm>>
      %dma_start3A_63 = tpu.memref_squeeze %dma_start3A_62 : memref<1x2x672xf32, #tpu.memory_space<hbm>> -> memref<2x672xf32, #tpu.memory_space<hbm>>
      tpu.enqueue_dma source(%arg12 : memref<2x672xf32, #tpu.memory_space<vmem>>) target(%dma_start3A_63 : memref<2x672xf32, #tpu.memory_space<hbm>>) target_semaphore(%run_scoped3A : memref<!tpu.dma_semaphore, #tpu.memory_space<semaphore_mem>>)
      %dma_wait3A_64 = arith.constant 0 : i32
      %dma_wait3A_65 = tpu.memref_slice %arg5[%arg0, %dma_wait3A_64, %mul3A_56] : memref<2x2x10752xf32, #tpu.memory_space<hbm>> -> memref<1x2x672xf32, #tpu.memory_space<hbm>>
      %dma_wait3A_66 = tpu.memref_squeeze %dma_wait3A_65 : memref<1x2x672xf32, #tpu.memory_space<hbm>> -> memref<2x672xf32, #tpu.memory_space<hbm>>
      %dma_wait3A_67 = arith.constant 0 : i32
      %dma_wait3A_68 = tpu.memref_slice %arg5[%arg0, %dma_wait3A_67, %mul3A_56] : memref<2x2x10752xf32, #tpu.memory_space<hbm>> -> memref<1x2x672xf32, #tpu.memory_space<hbm>>
      %dma_wait3A_69 = tpu.memref_squeeze %dma_wait3A_68 : memref<1x2x672xf32, #tpu.memory_space<hbm>> -> memref<2x672xf32, #tpu.memory_space<hbm>>
      tpu.wait_dma2 semaphore(%run_scoped3A : memref<!tpu.dma_semaphore, #tpu.memory_space<semaphore_mem>>) src(%arg12 : memref<2x672xf32, #tpu.memory_space<vmem>>) dst(%dma_wait3A_69 : memref<2x672xf32, #tpu.memory_space<hbm>>)
      tpu.yield
    }) : () -> ()
    %barrier3A_57 = arith.constant 0 : index
    tpu.barrier barrier_id(%barrier3A_57)
    return
  }
}

#map = affine_map<(d0, d1) -> (0, 0)>
#map1 = affine_map<(d0, d1) -> (0)>
#map2 = affine_map<(d0, d1) -> (0, 0, 0)>
module attributes {stable_mosaic.version = 14 : i64} {
  func.func @deg_kernel(%arg0: i32, %arg1: i32, %arg2: memref<2x320000xi32, #tpu.memory_space<hbm>>, %arg3: memref<10752xf32, #tpu.memory_space<hbm>>, %arg4: memref<2x1x10752xf32, #tpu.memory_space<hbm>>, %arg5: memref<10000xi32, #tpu.memory_space<vmem>>, %arg6: memref<10752xf32, #tpu.memory_space<vmem>>, %arg7: memref<16x672xf32, #tpu.memory_space<vmem>>, %arg8: memref<672xf32, #tpu.memory_space<vmem>>, %arg9: memref<16x10752xf32, #tpu.memory_space<vmem_shared>>) attributes {dimension_semantics = [#tpu.dimension_semantics<core_parallel>, #tpu.dimension_semantics<subcore_parallel>], iteration_bounds = array<i64: 2, 16>, scalar_prefetch = 0 : i64, scratch_operands = 5 : i64, tpu.core_type = #tpu.core_type<sc_vector_subcore>, window_params = [{transform_indices = #map}, {transform_indices = #map1}, {transform_indices = #map2}]} {
    %mul3A = arith.constant 16 : i32
    %mul3A_0 = arith.muli %arg0, %mul3A : i32
    %add3A = arith.addi %mul3A_0, %arg1 : i32
    %mul3A_1 = arith.constant 10000 : i32
    %mul3A_2 = arith.muli %add3A, %mul3A_1 : i32
    %run_scoped3A = arith.constant 1 : i32
    "tpu.region"() ({
      %run_scoped3A_22 = tpu.sem_alloc : memref<!tpu.dma_semaphore, #tpu.memory_space<semaphore_mem>>
      %dma_start3A = tpu.memref_slice %arg2[%run_scoped3A, %mul3A_2] : memref<2x320000xi32, #tpu.memory_space<hbm>> -> memref<1x10000xi32, #tpu.memory_space<hbm>>
      %dma_start3A_23 = tpu.memref_squeeze %dma_start3A : memref<1x10000xi32, #tpu.memory_space<hbm>> -> memref<10000xi32, #tpu.memory_space<hbm>>
      %dma_start3A_24 = tpu.memref_slice %arg2[%run_scoped3A, %mul3A_2] : memref<2x320000xi32, #tpu.memory_space<hbm>> -> memref<1x10000xi32, #tpu.memory_space<hbm>>
      %dma_start3A_25 = tpu.memref_squeeze %dma_start3A_24 : memref<1x10000xi32, #tpu.memory_space<hbm>> -> memref<10000xi32, #tpu.memory_space<hbm>>
      tpu.enqueue_dma source(%dma_start3A_25 : memref<10000xi32, #tpu.memory_space<hbm>>) target(%arg5 : memref<10000xi32, #tpu.memory_space<vmem>>) target_semaphore(%run_scoped3A_22 : memref<!tpu.dma_semaphore, #tpu.memory_space<semaphore_mem>>)
      %dma_wait3A = tpu.memref_slice %arg2[%run_scoped3A, %mul3A_2] : memref<2x320000xi32, #tpu.memory_space<hbm>> -> memref<1x10000xi32, #tpu.memory_space<hbm>>
      %dma_wait3A_26 = tpu.memref_squeeze %dma_wait3A : memref<1x10000xi32, #tpu.memory_space<hbm>> -> memref<10000xi32, #tpu.memory_space<hbm>>
      %dma_wait3A_27 = tpu.memref_slice %arg2[%run_scoped3A, %mul3A_2] : memref<2x320000xi32, #tpu.memory_space<hbm>> -> memref<1x10000xi32, #tpu.memory_space<hbm>>
      %dma_wait3A_28 = tpu.memref_squeeze %dma_wait3A_27 : memref<1x10000xi32, #tpu.memory_space<hbm>> -> memref<10000xi32, #tpu.memory_space<hbm>>
      tpu.wait_dma2 semaphore(%run_scoped3A_22 : memref<!tpu.dma_semaphore, #tpu.memory_space<semaphore_mem>>) src(%dma_wait3A_28 : memref<10000xi32, #tpu.memory_space<hbm>>) dst(%arg5 : memref<10000xi32, #tpu.memory_space<vmem>>)
      tpu.yield
    }) : () -> ()
    "tpu.region"() ({
      %run_scoped3A_22 = tpu.sem_alloc : memref<!tpu.dma_semaphore, #tpu.memory_space<semaphore_mem>>
      tpu.enqueue_dma source(%arg3 : memref<10752xf32, #tpu.memory_space<hbm>>) target(%arg6 : memref<10752xf32, #tpu.memory_space<vmem>>) target_semaphore(%run_scoped3A_22 : memref<!tpu.dma_semaphore, #tpu.memory_space<semaphore_mem>>)
      tpu.wait_dma2 semaphore(%run_scoped3A_22 : memref<!tpu.dma_semaphore, #tpu.memory_space<semaphore_mem>>) src(%arg3 : memref<10752xf32, #tpu.memory_space<hbm>>) dst(%arg6 : memref<10752xf32, #tpu.memory_space<vmem>>)
      tpu.yield
    }) : () -> ()
    %broadcast_in_dim3A = arith.constant 1.000000e+00 : f32
    %broadcast_in_dim3A_3 = vector.broadcast %broadcast_in_dim3A : f32 to vector<16xf32>
    %scan3A = arith.constant 0 : i32
    %scan3A_4 = arith.constant 0 : i32
    %scan3A_5 = arith.constant 78 : i32
    %scan3A_6 = arith.addi %scan3A_4, %scan3A_5 : i32
    %scan3A_7 = arith.constant 1 : i32
    scf.for %scan3A_22 = %scan3A_4 to %scan3A_6 step %scan3A_7  : i32 {
      %mul3A_23 = arith.constant 128 : i32
      %mul3A_24 = arith.muli %scan3A_22, %mul3A_23 : i32
      %add3A_25 = arith.constant 0 : i32
      %add3A_26 = arith.addi %mul3A_24, %add3A_25 : i32
      %get3A_27 = arith.index_cast %add3A_26 : i32 to index
      %get3A_28 = tpu.vector_load %arg5[%get3A_27] {strides = array<i32>} : memref<10000xi32, #tpu.memory_space<vmem>>, vector<16xi32>,
      %add3A_29 = arith.constant 16 : i32
      %add3A_30 = arith.addi %mul3A_24, %add3A_29 : i32
      %get3A_31 = arith.index_cast %add3A_30 : i32 to index
      %get3A_32 = tpu.vector_load %arg5[%get3A_31] {strides = array<i32>} : memref<10000xi32, #tpu.memory_space<vmem>>, vector<16xi32>,
      %add3A_33 = arith.constant 32 : i32
      %add3A_34 = arith.addi %mul3A_24, %add3A_33 : i32
      %get3A_35 = arith.index_cast %add3A_34 : i32 to index
      %get3A_36 = tpu.vector_load %arg5[%get3A_35] {strides = array<i32>} : memref<10000xi32, #tpu.memory_space<vmem>>, vector<16xi32>,
      %add3A_37 = arith.constant 48 : i32
      %add3A_38 = arith.addi %mul3A_24, %add3A_37 : i32
      %get3A_39 = arith.index_cast %add3A_38 : i32 to index
      %get3A_40 = tpu.vector_load %arg5[%get3A_39] {strides = array<i32>} : memref<10000xi32, #tpu.memory_space<vmem>>, vector<16xi32>,
      %add3A_41 = arith.constant 64 : i32
      %add3A_42 = arith.addi %mul3A_24, %add3A_41 : i32
      %get3A_43 = arith.index_cast %add3A_42 : i32 to index
      %get3A_44 = tpu.vector_load %arg5[%get3A_43] {strides = array<i32>} : memref<10000xi32, #tpu.memory_space<vmem>>, vector<16xi32>,
      %add3A_45 = arith.constant 80 : i32
      %add3A_46 = arith.addi %mul3A_24, %add3A_45 : i32
      %get3A_47 = arith.index_cast %add3A_46 : i32 to index
      %get3A_48 = tpu.vector_load %arg5[%get3A_47] {strides = array<i32>} : memref<10000xi32, #tpu.memory_space<vmem>>, vector<16xi32>,
      %add3A_49 = arith.constant 96 : i32
      %add3A_50 = arith.addi %mul3A_24, %add3A_49 : i32
      %get3A_51 = arith.index_cast %add3A_50 : i32 to index
      %get3A_52 = tpu.vector_load %arg5[%get3A_51] {strides = array<i32>} : memref<10000xi32, #tpu.memory_space<vmem>>, vector<16xi32>,
      %add3A_53 = arith.constant 112 : i32
      %add3A_54 = arith.addi %mul3A_24, %add3A_53 : i32
      %get3A_55 = arith.index_cast %add3A_54 : i32 to index
      %get3A_56 = tpu.vector_load %arg5[%get3A_55] {strides = array<i32>} : memref<10000xi32, #tpu.memory_space<vmem>>, vector<16xi32>,
      tpu.vector_store_idx %arg6[%get3A_28], %broadcast_in_dim3A_3 {add = true} : memref<10752xf32, #tpu.memory_space<vmem>>[vector<16xi32>], vector<16xf32>,
      tpu.vector_store_idx %arg6[%get3A_32], %broadcast_in_dim3A_3 {add = true} : memref<10752xf32, #tpu.memory_space<vmem>>[vector<16xi32>], vector<16xf32>,
      tpu.vector_store_idx %arg6[%get3A_36], %broadcast_in_dim3A_3 {add = true} : memref<10752xf32, #tpu.memory_space<vmem>>[vector<16xi32>], vector<16xf32>,
      tpu.vector_store_idx %arg6[%get3A_40], %broadcast_in_dim3A_3 {add = true} : memref<10752xf32, #tpu.memory_space<vmem>>[vector<16xi32>], vector<16xf32>,
      tpu.vector_store_idx %arg6[%get3A_44], %broadcast_in_dim3A_3 {add = true} : memref<10752xf32, #tpu.memory_space<vmem>>[vector<16xi32>], vector<16xf32>,
      tpu.vector_store_idx %arg6[%get3A_48], %broadcast_in_dim3A_3 {add = true} : memref<10752xf32, #tpu.memory_space<vmem>>[vector<16xi32>], vector<16xf32>,
      tpu.vector_store_idx %arg6[%get3A_52], %broadcast_in_dim3A_3 {add = true} : memref<10752xf32, #tpu.memory_space<vmem>>[vector<16xi32>], vector<16xf32>,
      tpu.vector_store_idx %arg6[%get3A_56], %broadcast_in_dim3A_3 {add = true} : memref<10752xf32, #tpu.memory_space<vmem>>[vector<16xi32>], vector<16xf32>,
    }
    %scan3A_8 = arith.constant 78 : i32
    %get3A = arith.constant 9984 : index
    %get3A_9 = tpu.vector_load %arg5[%get3A] {strides = array<i32>} : memref<10000xi32, #tpu.memory_space<vmem>>, vector<16xi32>,
    tpu.vector_store_idx %arg6[%get3A_9], %broadcast_in_dim3A_3 {add = true} : memref<10752xf32, #tpu.memory_space<vmem>>[vector<16xi32>], vector<16xf32>,
    %mul3A_10 = arith.constant 672 : i32
    %mul3A_11 = arith.muli %arg1, %mul3A_10 : i32
    "tpu.region"() ({
      %run_scoped3A_22 = tpu.sem_alloc : memref<!tpu.dma_semaphore, #tpu.memory_space<semaphore_mem>>
      %dma_start3A = arith.constant 0 : i32
      %dma_start3A_23 = tpu.memref_slice %arg9[%arg1, %dma_start3A] : memref<16x10752xf32, #tpu.memory_space<vmem_shared>> -> memref<1x10752xf32, #tpu.memory_space<vmem_shared>>
      %dma_start3A_24 = tpu.memref_squeeze %dma_start3A_23 : memref<1x10752xf32, #tpu.memory_space<vmem_shared>> -> memref<10752xf32, #tpu.memory_space<vmem_shared>>
      %dma_start3A_25 = arith.constant 0 : i32
      %dma_start3A_26 = tpu.memref_slice %arg9[%arg1, %dma_start3A_25] : memref<16x10752xf32, #tpu.memory_space<vmem_shared>> -> memref<1x10752xf32, #tpu.memory_space<vmem_shared>>
      %dma_start3A_27 = tpu.memref_squeeze %dma_start3A_26 : memref<1x10752xf32, #tpu.memory_space<vmem_shared>> -> memref<10752xf32, #tpu.memory_space<vmem_shared>>
      tpu.enqueue_dma source(%arg6 : memref<10752xf32, #tpu.memory_space<vmem>>) target(%dma_start3A_27 : memref<10752xf32, #tpu.memory_space<vmem_shared>>) target_semaphore(%run_scoped3A_22 : memref<!tpu.dma_semaphore, #tpu.memory_space<semaphore_mem>>)
      %dma_wait3A = arith.constant 0 : i32
      %dma_wait3A_28 = tpu.memref_slice %arg9[%arg1, %dma_wait3A] : memref<16x10752xf32, #tpu.memory_space<vmem_shared>> -> memref<1x10752xf32, #tpu.memory_space<vmem_shared>>
      %dma_wait3A_29 = tpu.memref_squeeze %dma_wait3A_28 : memref<1x10752xf32, #tpu.memory_space<vmem_shared>> -> memref<10752xf32, #tpu.memory_space<vmem_shared>>
      %dma_wait3A_30 = arith.constant 0 : i32
      %dma_wait3A_31 = tpu.memref_slice %arg9[%arg1, %dma_wait3A_30] : memref<16x10752xf32, #tpu.memory_space<vmem_shared>> -> memref<1x10752xf32, #tpu.memory_space<vmem_shared>>
      %dma_wait3A_32 = tpu.memref_squeeze %dma_wait3A_31 : memref<1x10752xf32, #tpu.memory_space<vmem_shared>> -> memref<10752xf32, #tpu.memory_space<vmem_shared>>
      tpu.wait_dma2 semaphore(%run_scoped3A_22 : memref<!tpu.dma_semaphore, #tpu.memory_space<semaphore_mem>>) src(%arg6 : memref<10752xf32, #tpu.memory_space<vmem>>) dst(%dma_wait3A_32 : memref<10752xf32, #tpu.memory_space<vmem_shared>>)
      tpu.yield
    }) : () -> ()
    %barrier3A = arith.constant 0 : index
    tpu.barrier barrier_id(%barrier3A)
    %mul3A_12 = arith.constant 672 : i32
    %mul3A_13 = arith.muli %arg1, %mul3A_12 : i32
    "tpu.region"() ({
      %run_scoped3A_22 = tpu.sem_alloc : memref<!tpu.dma_semaphore, #tpu.memory_space<semaphore_mem>>
      %dma_start3A = arith.constant 0 : i32
      %dma_start3A_23 = tpu.memref_slice %arg9[%dma_start3A, %mul3A_13] : memref<16x10752xf32, #tpu.memory_space<vmem_shared>> -> memref<16x672xf32, #tpu.memory_space<vmem_shared>>
      %dma_start3A_24 = arith.constant 0 : i32
      %dma_start3A_25 = tpu.memref_slice %arg9[%dma_start3A_24, %mul3A_13] : memref<16x10752xf32, #tpu.memory_space<vmem_shared>> -> memref<16x672xf32, #tpu.memory_space<vmem_shared>>
      tpu.enqueue_dma source(%dma_start3A_25 : memref<16x672xf32, #tpu.memory_space<vmem_shared>>) target(%arg7 : memref<16x672xf32, #tpu.memory_space<vmem>>) target_semaphore(%run_scoped3A_22 : memref<!tpu.dma_semaphore, #tpu.memory_space<semaphore_mem>>)
      %dma_wait3A = arith.constant 0 : i32
      %dma_wait3A_26 = tpu.memref_slice %arg9[%dma_wait3A, %mul3A_13] : memref<16x10752xf32, #tpu.memory_space<vmem_shared>> -> memref<16x672xf32, #tpu.memory_space<vmem_shared>>
      %dma_wait3A_27 = arith.constant 0 : i32
      %dma_wait3A_28 = tpu.memref_slice %arg9[%dma_wait3A_27, %mul3A_13] : memref<16x10752xf32, #tpu.memory_space<vmem_shared>> -> memref<16x672xf32, #tpu.memory_space<vmem_shared>>
      tpu.wait_dma2 semaphore(%run_scoped3A_22 : memref<!tpu.dma_semaphore, #tpu.memory_space<semaphore_mem>>) src(%dma_wait3A_28 : memref<16x672xf32, #tpu.memory_space<vmem_shared>>) dst(%arg7 : memref<16x672xf32, #tpu.memory_space<vmem>>)
      tpu.yield
    }) : () -> ()
    %scan3A_14 = arith.constant 0 : i32
    %scan3A_15 = arith.constant 0 : i32
    %scan3A_16 = arith.constant 42 : i32
    %scan3A_17 = arith.addi %scan3A_15, %scan3A_16 : i32
    %scan3A_18 = arith.constant 1 : i32
    scf.for %scan3A_22 = %scan3A_15 to %scan3A_17 step %scan3A_18  : i32 {
      %mul3A_23 = arith.constant 16 : i32
      %mul3A_24 = arith.muli %scan3A_22, %mul3A_23 : i32
      %get3A_25 = arith.constant 0 : i32
      %get3A_26 = arith.index_cast %get3A_25 : i32 to index
      %get3A_27 = arith.index_cast %mul3A_24 : i32 to index
      %get3A_28 = tpu.vector_load %arg7[%get3A_26, %get3A_27] {strides = array<i32>} : memref<16x672xf32, #tpu.memory_space<vmem>>, vector<16xf32>,
      %mul3A_29 = arith.constant 16 : i32
      %mul3A_30 = arith.muli %scan3A_22, %mul3A_29 : i32
      %get3A_31 = arith.constant 1 : i32
      %get3A_32 = arith.index_cast %get3A_31 : i32 to index
      %get3A_33 = arith.index_cast %mul3A_30 : i32 to index
      %get3A_34 = tpu.vector_load %arg7[%get3A_32, %get3A_33] {strides = array<i32>} : memref<16x672xf32, #tpu.memory_space<vmem>>, vector<16xf32>,
      %add3A_35 = arith.addf %get3A_28, %get3A_34 : vector<16xf32>
      %mul3A_36 = arith.constant 16 : i32
      %mul3A_37 = arith.muli %scan3A_22, %mul3A_36 : i32
      %get3A_38 = arith.constant 2 : i32
      %get3A_39 = arith.index_cast %get3A_38 : i32 to index
      %get3A_40 = arith.index_cast %mul3A_37 : i32 to index
      %get3A_41 = tpu.vector_load %arg7[%get3A_39, %get3A_40] {strides = array<i32>} : memref<16x672xf32, #tpu.memory_space<vmem>>, vector<16xf32>,
      %add3A_42 = arith.addf %add3A_35, %get3A_41 : vector<16xf32>
      %mul3A_43 = arith.constant 16 : i32
      %mul3A_44 = arith.muli %scan3A_22, %mul3A_43 : i32
      %get3A_45 = arith.constant 3 : i32
      %get3A_46 = arith.index_cast %get3A_45 : i32 to index
      %get3A_47 = arith.index_cast %mul3A_44 : i32 to index
      %get3A_48 = tpu.vector_load %arg7[%get3A_46, %get3A_47] {strides = array<i32>} : memref<16x672xf32, #tpu.memory_space<vmem>>, vector<16xf32>,
      %add3A_49 = arith.addf %add3A_42, %get3A_48 : vector<16xf32>
      %mul3A_50 = arith.constant 16 : i32
      %mul3A_51 = arith.muli %scan3A_22, %mul3A_50 : i32
      %get3A_52 = arith.constant 4 : i32
      %get3A_53 = arith.index_cast %get3A_52 : i32 to index
      %get3A_54 = arith.index_cast %mul3A_51 : i32 to index
      %get3A_55 = tpu.vector_load %arg7[%get3A_53, %get3A_54] {strides = array<i32>} : memref<16x672xf32, #tpu.memory_space<vmem>>, vector<16xf32>,
      %add3A_56 = arith.addf %add3A_49, %get3A_55 : vector<16xf32>
      %mul3A_57 = arith.constant 16 : i32
      %mul3A_58 = arith.muli %scan3A_22, %mul3A_57 : i32
      %get3A_59 = arith.constant 5 : i32
      %get3A_60 = arith.index_cast %get3A_59 : i32 to index
      %get3A_61 = arith.index_cast %mul3A_58 : i32 to index
      %get3A_62 = tpu.vector_load %arg7[%get3A_60, %get3A_61] {strides = array<i32>} : memref<16x672xf32, #tpu.memory_space<vmem>>, vector<16xf32>,
      %add3A_63 = arith.addf %add3A_56, %get3A_62 : vector<16xf32>
      %mul3A_64 = arith.constant 16 : i32
      %mul3A_65 = arith.muli %scan3A_22, %mul3A_64 : i32
      %get3A_66 = arith.constant 6 : i32
      %get3A_67 = arith.index_cast %get3A_66 : i32 to index
      %get3A_68 = arith.index_cast %mul3A_65 : i32 to index
      %get3A_69 = tpu.vector_load %arg7[%get3A_67, %get3A_68] {strides = array<i32>} : memref<16x672xf32, #tpu.memory_space<vmem>>, vector<16xf32>,
      %add3A_70 = arith.addf %add3A_63, %get3A_69 : vector<16xf32>
      %mul3A_71 = arith.constant 16 : i32
      %mul3A_72 = arith.muli %scan3A_22, %mul3A_71 : i32
      %get3A_73 = arith.constant 7 : i32
      %get3A_74 = arith.index_cast %get3A_73 : i32 to index
      %get3A_75 = arith.index_cast %mul3A_72 : i32 to index
      %get3A_76 = tpu.vector_load %arg7[%get3A_74, %get3A_75] {strides = array<i32>} : memref<16x672xf32, #tpu.memory_space<vmem>>, vector<16xf32>,
      %add3A_77 = arith.addf %add3A_70, %get3A_76 : vector<16xf32>
      %mul3A_78 = arith.constant 16 : i32
      %mul3A_79 = arith.muli %scan3A_22, %mul3A_78 : i32
      %get3A_80 = arith.constant 8 : i32
      %get3A_81 = arith.index_cast %get3A_80 : i32 to index
      %get3A_82 = arith.index_cast %mul3A_79 : i32 to index
      %get3A_83 = tpu.vector_load %arg7[%get3A_81, %get3A_82] {strides = array<i32>} : memref<16x672xf32, #tpu.memory_space<vmem>>, vector<16xf32>,
      %add3A_84 = arith.addf %add3A_77, %get3A_83 : vector<16xf32>
      %mul3A_85 = arith.constant 16 : i32
      %mul3A_86 = arith.muli %scan3A_22, %mul3A_85 : i32
      %get3A_87 = arith.constant 9 : i32
      %get3A_88 = arith.index_cast %get3A_87 : i32 to index
      %get3A_89 = arith.index_cast %mul3A_86 : i32 to index
      %get3A_90 = tpu.vector_load %arg7[%get3A_88, %get3A_89] {strides = array<i32>} : memref<16x672xf32, #tpu.memory_space<vmem>>, vector<16xf32>,
      %add3A_91 = arith.addf %add3A_84, %get3A_90 : vector<16xf32>
      %mul3A_92 = arith.constant 16 : i32
      %mul3A_93 = arith.muli %scan3A_22, %mul3A_92 : i32
      %get3A_94 = arith.constant 10 : i32
      %get3A_95 = arith.index_cast %get3A_94 : i32 to index
      %get3A_96 = arith.index_cast %mul3A_93 : i32 to index
      %get3A_97 = tpu.vector_load %arg7[%get3A_95, %get3A_96] {strides = array<i32>} : memref<16x672xf32, #tpu.memory_space<vmem>>, vector<16xf32>,
      %add3A_98 = arith.addf %add3A_91, %get3A_97 : vector<16xf32>
      %mul3A_99 = arith.constant 16 : i32
      %mul3A_100 = arith.muli %scan3A_22, %mul3A_99 : i32
      %get3A_101 = arith.constant 11 : i32
      %get3A_102 = arith.index_cast %get3A_101 : i32 to index
      %get3A_103 = arith.index_cast %mul3A_100 : i32 to index
      %get3A_104 = tpu.vector_load %arg7[%get3A_102, %get3A_103] {strides = array<i32>} : memref<16x672xf32, #tpu.memory_space<vmem>>, vector<16xf32>,
      %add3A_105 = arith.addf %add3A_98, %get3A_104 : vector<16xf32>
      %mul3A_106 = arith.constant 16 : i32
      %mul3A_107 = arith.muli %scan3A_22, %mul3A_106 : i32
      %get3A_108 = arith.constant 12 : i32
      %get3A_109 = arith.index_cast %get3A_108 : i32 to index
      %get3A_110 = arith.index_cast %mul3A_107 : i32 to index
      %get3A_111 = tpu.vector_load %arg7[%get3A_109, %get3A_110] {strides = array<i32>} : memref<16x672xf32, #tpu.memory_space<vmem>>, vector<16xf32>,
      %add3A_112 = arith.addf %add3A_105, %get3A_111 : vector<16xf32>
      %mul3A_113 = arith.constant 16 : i32
      %mul3A_114 = arith.muli %scan3A_22, %mul3A_113 : i32
      %get3A_115 = arith.constant 13 : i32
      %get3A_116 = arith.index_cast %get3A_115 : i32 to index
      %get3A_117 = arith.index_cast %mul3A_114 : i32 to index
      %get3A_118 = tpu.vector_load %arg7[%get3A_116, %get3A_117] {strides = array<i32>} : memref<16x672xf32, #tpu.memory_space<vmem>>, vector<16xf32>,
      %add3A_119 = arith.addf %add3A_112, %get3A_118 : vector<16xf32>
      %mul3A_120 = arith.constant 16 : i32
      %mul3A_121 = arith.muli %scan3A_22, %mul3A_120 : i32
      %get3A_122 = arith.constant 14 : i32
      %get3A_123 = arith.index_cast %get3A_122 : i32 to index
      %get3A_124 = arith.index_cast %mul3A_121 : i32 to index
      %get3A_125 = tpu.vector_load %arg7[%get3A_123, %get3A_124] {strides = array<i32>} : memref<16x672xf32, #tpu.memory_space<vmem>>, vector<16xf32>,
      %add3A_126 = arith.addf %add3A_119, %get3A_125 : vector<16xf32>
      %mul3A_127 = arith.constant 16 : i32
      %mul3A_128 = arith.muli %scan3A_22, %mul3A_127 : i32
      %get3A_129 = arith.constant 15 : i32
      %get3A_130 = arith.index_cast %get3A_129 : i32 to index
      %get3A_131 = arith.index_cast %mul3A_128 : i32 to index
      %get3A_132 = tpu.vector_load %arg7[%get3A_130, %get3A_131] {strides = array<i32>} : memref<16x672xf32, #tpu.memory_space<vmem>>, vector<16xf32>,
      %add3A_133 = arith.addf %add3A_126, %get3A_132 : vector<16xf32>
      %mul3A_134 = arith.constant 16 : i32
      %mul3A_135 = arith.muli %scan3A_22, %mul3A_134 : i32
      %swap3A = arith.index_cast %mul3A_135 : i32 to index
      %swap3A_136 = tpu.vector_load %arg8[%swap3A] {strides = array<i32>} : memref<672xf32, #tpu.memory_space<vmem>>, vector<16xf32>,
      tpu.vector_store %arg8[%swap3A], %add3A_133 {strides = array<i32>} : memref<672xf32, #tpu.memory_space<vmem>>, vector<16xf32>,
    }
    %scan3A_19 = arith.constant 42 : i32
    %run_scoped3A_20 = arith.constant 0 : i32
    "tpu.region"() ({
      %run_scoped3A_22 = tpu.sem_alloc : memref<!tpu.dma_semaphore, #tpu.memory_space<semaphore_mem>>
      %dma_start3A = tpu.memref_slice %arg4[%arg0, %run_scoped3A_20, %mul3A_11] : memref<2x1x10752xf32, #tpu.memory_space<hbm>> -> memref<1x1x672xf32, #tpu.memory_space<hbm>>
      %dma_start3A_23 = tpu.memref_squeeze %dma_start3A : memref<1x1x672xf32, #tpu.memory_space<hbm>> -> memref<672xf32, #tpu.memory_space<hbm>>
      %dma_start3A_24 = tpu.memref_slice %arg4[%arg0, %run_scoped3A_20, %mul3A_11] : memref<2x1x10752xf32, #tpu.memory_space<hbm>> -> memref<1x1x672xf32, #tpu.memory_space<hbm>>
      %dma_start3A_25 = tpu.memref_squeeze %dma_start3A_24 : memref<1x1x672xf32, #tpu.memory_space<hbm>> -> memref<672xf32, #tpu.memory_space<hbm>>
      tpu.enqueue_dma source(%arg8 : memref<672xf32, #tpu.memory_space<vmem>>) target(%dma_start3A_25 : memref<672xf32, #tpu.memory_space<hbm>>) target_semaphore(%run_scoped3A_22 : memref<!tpu.dma_semaphore, #tpu.memory_space<semaphore_mem>>)
      %dma_wait3A = tpu.memref_slice %arg4[%arg0, %run_scoped3A_20, %mul3A_11] : memref<2x1x10752xf32, #tpu.memory_space<hbm>> -> memref<1x1x672xf32, #tpu.memory_space<hbm>>
      %dma_wait3A_26 = tpu.memref_squeeze %dma_wait3A : memref<1x1x672xf32, #tpu.memory_space<hbm>> -> memref<672xf32, #tpu.memory_space<hbm>>
      %dma_wait3A_27 = tpu.memref_slice %arg4[%arg0, %run_scoped3A_20, %mul3A_11] : memref<2x1x10752xf32, #tpu.memory_space<hbm>> -> memref<1x1x672xf32, #tpu.memory_space<hbm>>
      %dma_wait3A_28 = tpu.memref_squeeze %dma_wait3A_27 : memref<1x1x672xf32, #tpu.memory_space<hbm>> -> memref<672xf32, #tpu.memory_space<hbm>>
      tpu.wait_dma2 semaphore(%run_scoped3A_22 : memref<!tpu.dma_semaphore, #tpu.memory_space<semaphore_mem>>) src(%arg8 : memref<672xf32, #tpu.memory_space<vmem>>) dst(%dma_wait3A_28 : memref<672xf32, #tpu.memory_space<hbm>>)
      tpu.yield
    }) : () -> ()
    %barrier3A_21 = arith.constant 0 : index
    tpu.barrier barrier_id(%barrier3A_21)
    return
  }
}

#map = affine_map<(d0, d1) -> (0, 0)>
#map1 = affine_map<(d0, d1) -> (0, 0, 0)>
module attributes {stable_mosaic.version = 14 : i64} {
  func.func @scatter_kernel(%arg0: i32, %arg1: i32, %arg2: memref<1x10000xf32, #tpu.memory_space<hbm>>, %arg3: memref<2x320000xi32, #tpu.memory_space<hbm>>, %arg4: memref<1x10752xf32, #tpu.memory_space<hbm>>, %arg5: memref<2x1x10752xf32, #tpu.memory_space<hbm>>, %arg6: memref<10000xi32, #tpu.memory_space<vmem>>, %arg7: memref<10000xi32, #tpu.memory_space<vmem>>, %arg8: memref<1x10000xf32, #tpu.memory_space<vmem>>, %arg9: memref<1x10000xf32, #tpu.memory_space<vmem>>, %arg10: memref<1x10752xf32, #tpu.memory_space<vmem>>, %arg11: memref<16x1x672xf32, #tpu.memory_space<vmem>>, %arg12: memref<1x672xf32, #tpu.memory_space<vmem>>, %arg13: memref<16x1x10752xf32, #tpu.memory_space<vmem_shared>>, %arg14: memref<!tpu.dma_semaphore, #tpu.memory_space<semaphore_mem>>, %arg15: memref<!tpu.dma_semaphore, #tpu.memory_space<semaphore_mem>>, %arg16: memref<!tpu.dma_semaphore, #tpu.memory_space<semaphore_mem>>, %arg17: memref<!tpu.dma_semaphore, #tpu.memory_space<semaphore_mem>>) attributes {dimension_semantics = [#tpu.dimension_semantics<core_parallel>, #tpu.dimension_semantics<subcore_parallel>], iteration_bounds = array<i64: 2, 16>, scalar_prefetch = 0 : i64, scratch_operands = 12 : i64, tpu.core_type = #tpu.core_type<sc_vector_subcore>, window_params = [{transform_indices = #map}, {transform_indices = #map}, {transform_indices = #map}, {transform_indices = #map1}]} {
    %mul3A = arith.constant 16 : i32
    %mul3A_0 = arith.muli %arg0, %mul3A : i32
    %add3A = arith.addi %mul3A_0, %arg1 : i32
    %mul3A_1 = arith.constant 10000 : i32
    %mul3A_2 = arith.muli %add3A, %mul3A_1 : i32
    %dma_start3A = arith.constant 0 : i32
    %dma_start3A_3 = tpu.memref_slice %arg3[%dma_start3A, %mul3A_2] : memref<2x320000xi32, #tpu.memory_space<hbm>> -> memref<1x10000xi32, #tpu.memory_space<hbm>>
    %dma_start3A_4 = tpu.memref_squeeze %dma_start3A_3 : memref<1x10000xi32, #tpu.memory_space<hbm>> -> memref<10000xi32, #tpu.memory_space<hbm>>
    %dma_start3A_5 = tpu.memref_slice %arg3[%dma_start3A, %mul3A_2] : memref<2x320000xi32, #tpu.memory_space<hbm>> -> memref<1x10000xi32, #tpu.memory_space<hbm>>
    %dma_start3A_6 = tpu.memref_squeeze %dma_start3A_5 : memref<1x10000xi32, #tpu.memory_space<hbm>> -> memref<10000xi32, #tpu.memory_space<hbm>>
    tpu.enqueue_dma source(%dma_start3A_6 : memref<10000xi32, #tpu.memory_space<hbm>>) target(%arg6 : memref<10000xi32, #tpu.memory_space<vmem>>) target_semaphore(%arg14 : memref<!tpu.dma_semaphore, #tpu.memory_space<semaphore_mem>>)
    %mul3A_7 = arith.constant 10000 : i32
    %mul3A_8 = arith.muli %add3A, %mul3A_7 : i32
    %dma_start3A_9 = arith.constant 1 : i32
    %dma_start3A_10 = tpu.memref_slice %arg3[%dma_start3A_9, %mul3A_8] : memref<2x320000xi32, #tpu.memory_space<hbm>> -> memref<1x10000xi32, #tpu.memory_space<hbm>>
    %dma_start3A_11 = tpu.memref_squeeze %dma_start3A_10 : memref<1x10000xi32, #tpu.memory_space<hbm>> -> memref<10000xi32, #tpu.memory_space<hbm>>
    %dma_start3A_12 = tpu.memref_slice %arg3[%dma_start3A_9, %mul3A_8] : memref<2x320000xi32, #tpu.memory_space<hbm>> -> memref<1x10000xi32, #tpu.memory_space<hbm>>
    %dma_start3A_13 = tpu.memref_squeeze %dma_start3A_12 : memref<1x10000xi32, #tpu.memory_space<hbm>> -> memref<10000xi32, #tpu.memory_space<hbm>>
    tpu.enqueue_dma source(%dma_start3A_13 : memref<10000xi32, #tpu.memory_space<hbm>>) target(%arg7 : memref<10000xi32, #tpu.memory_space<vmem>>) target_semaphore(%arg15 : memref<!tpu.dma_semaphore, #tpu.memory_space<semaphore_mem>>)
    %dma_start3A_14 = arith.constant 0 : i32
    %dma_start3A_15 = arith.constant 0 : i32
    %dma_start3A_16 = tpu.memref_slice %arg2[%dma_start3A_14, %dma_start3A_15] : memref<1x10000xf32, #tpu.memory_space<hbm>> -> memref<1x10000xf32, #tpu.memory_space<hbm>>
    %dma_start3A_17 = arith.constant 0 : i32
    %dma_start3A_18 = arith.constant 0 : i32
    %dma_start3A_19 = tpu.memref_slice %arg2[%dma_start3A_17, %dma_start3A_18] : memref<1x10000xf32, #tpu.memory_space<hbm>> -> memref<1x10000xf32, #tpu.memory_space<hbm>>
    tpu.enqueue_dma source(%dma_start3A_19 : memref<1x10000xf32, #tpu.memory_space<hbm>>) target(%arg8 : memref<1x10000xf32, #tpu.memory_space<vmem>>) target_semaphore(%arg16 : memref<!tpu.dma_semaphore, #tpu.memory_space<semaphore_mem>>)
    tpu.enqueue_dma source(%arg4 : memref<1x10752xf32, #tpu.memory_space<hbm>>) target(%arg10 : memref<1x10752xf32, #tpu.memory_space<vmem>>) target_semaphore(%arg17 : memref<!tpu.dma_semaphore, #tpu.memory_space<semaphore_mem>>)
    %dma_wait3A = arith.constant 0 : i32
    %dma_wait3A_20 = tpu.memref_slice %arg3[%dma_wait3A, %mul3A_2] : memref<2x320000xi32, #tpu.memory_space<hbm>> -> memref<1x10000xi32, #tpu.memory_space<hbm>>
    %dma_wait3A_21 = tpu.memref_squeeze %dma_wait3A_20 : memref<1x10000xi32, #tpu.memory_space<hbm>> -> memref<10000xi32, #tpu.memory_space<hbm>>
    %dma_wait3A_22 = tpu.memref_slice %arg3[%dma_wait3A, %mul3A_2] : memref<2x320000xi32, #tpu.memory_space<hbm>> -> memref<1x10000xi32, #tpu.memory_space<hbm>>
    %dma_wait3A_23 = tpu.memref_squeeze %dma_wait3A_22 : memref<1x10000xi32, #tpu.memory_space<hbm>> -> memref<10000xi32, #tpu.memory_space<hbm>>
    tpu.wait_dma2 semaphore(%arg14 : memref<!tpu.dma_semaphore, #tpu.memory_space<semaphore_mem>>) src(%dma_wait3A_23 : memref<10000xi32, #tpu.memory_space<hbm>>) dst(%arg6 : memref<10000xi32, #tpu.memory_space<vmem>>)
    %dma_wait3A_24 = arith.constant 1 : i32
    %dma_wait3A_25 = tpu.memref_slice %arg3[%dma_wait3A_24, %mul3A_8] : memref<2x320000xi32, #tpu.memory_space<hbm>> -> memref<1x10000xi32, #tpu.memory_space<hbm>>
    %dma_wait3A_26 = tpu.memref_squeeze %dma_wait3A_25 : memref<1x10000xi32, #tpu.memory_space<hbm>> -> memref<10000xi32, #tpu.memory_space<hbm>>
    %dma_wait3A_27 = tpu.memref_slice %arg3[%dma_wait3A_24, %mul3A_8] : memref<2x320000xi32, #tpu.memory_space<hbm>> -> memref<1x10000xi32, #tpu.memory_space<hbm>>
    %dma_wait3A_28 = tpu.memref_squeeze %dma_wait3A_27 : memref<1x10000xi32, #tpu.memory_space<hbm>> -> memref<10000xi32, #tpu.memory_space<hbm>>
    tpu.wait_dma2 semaphore(%arg15 : memref<!tpu.dma_semaphore, #tpu.memory_space<semaphore_mem>>) src(%dma_wait3A_28 : memref<10000xi32, #tpu.memory_space<hbm>>) dst(%arg7 : memref<10000xi32, #tpu.memory_space<vmem>>)
    %dma_wait3A_29 = arith.constant 0 : i32
    %dma_wait3A_30 = arith.constant 0 : i32
    %dma_wait3A_31 = tpu.memref_slice %arg2[%dma_wait3A_29, %dma_wait3A_30] : memref<1x10000xf32, #tpu.memory_space<hbm>> -> memref<1x10000xf32, #tpu.memory_space<hbm>>
    %dma_wait3A_32 = arith.constant 0 : i32
    %dma_wait3A_33 = arith.constant 0 : i32
    %dma_wait3A_34 = tpu.memref_slice %arg2[%dma_wait3A_32, %dma_wait3A_33] : memref<1x10000xf32, #tpu.memory_space<hbm>> -> memref<1x10000xf32, #tpu.memory_space<hbm>>
    tpu.wait_dma2 semaphore(%arg16 : memref<!tpu.dma_semaphore, #tpu.memory_space<semaphore_mem>>) src(%dma_wait3A_34 : memref<1x10000xf32, #tpu.memory_space<hbm>>) dst(%arg8 : memref<1x10000xf32, #tpu.memory_space<vmem>>)
    tpu.wait_dma2 semaphore(%arg17 : memref<!tpu.dma_semaphore, #tpu.memory_space<semaphore_mem>>) src(%arg4 : memref<1x10752xf32, #tpu.memory_space<hbm>>) dst(%arg10 : memref<1x10752xf32, #tpu.memory_space<vmem>>)
    %broadcast_in_dim3A = arith.constant 0 : i32
    %broadcast_in_dim3A_35 = vector.broadcast %broadcast_in_dim3A : i32 to vector<16xi32>
    %scan3A = arith.constant 0 : i32
    %scan3A_36 = arith.constant 0 : i32
    %scan3A_37 = arith.constant 78 : i32
    %scan3A_38 = arith.addi %scan3A_36, %scan3A_37 : i32
    %scan3A_39 = arith.constant 1 : i32
    scf.for %scan3A_55 = %scan3A_36 to %scan3A_38 step %scan3A_39  : i32 {
      %mul3A_56 = arith.constant 128 : i32
      %mul3A_57 = arith.muli %scan3A_55, %mul3A_56 : i32
      %add3A_58 = arith.constant 0 : i32
      %add3A_59 = arith.addi %mul3A_57, %add3A_58 : i32
      %get3A_60 = arith.index_cast %add3A_59 : i32 to index
      %get3A_61 = tpu.vector_load %arg6[%get3A_60] {strides = array<i32>} : memref<10000xi32, #tpu.memory_space<vmem>>, vector<16xi32>,
      %add3A_62 = arith.constant 16 : i32
      %add3A_63 = arith.addi %mul3A_57, %add3A_62 : i32
      %get3A_64 = arith.index_cast %add3A_63 : i32 to index
      %get3A_65 = tpu.vector_load %arg6[%get3A_64] {strides = array<i32>} : memref<10000xi32, #tpu.memory_space<vmem>>, vector<16xi32>,
      %add3A_66 = arith.constant 32 : i32
      %add3A_67 = arith.addi %mul3A_57, %add3A_66 : i32
      %get3A_68 = arith.index_cast %add3A_67 : i32 to index
      %get3A_69 = tpu.vector_load %arg6[%get3A_68] {strides = array<i32>} : memref<10000xi32, #tpu.memory_space<vmem>>, vector<16xi32>,
      %add3A_70 = arith.constant 48 : i32
      %add3A_71 = arith.addi %mul3A_57, %add3A_70 : i32
      %get3A_72 = arith.index_cast %add3A_71 : i32 to index
      %get3A_73 = tpu.vector_load %arg6[%get3A_72] {strides = array<i32>} : memref<10000xi32, #tpu.memory_space<vmem>>, vector<16xi32>,
      %add3A_74 = arith.constant 64 : i32
      %add3A_75 = arith.addi %mul3A_57, %add3A_74 : i32
      %get3A_76 = arith.index_cast %add3A_75 : i32 to index
      %get3A_77 = tpu.vector_load %arg6[%get3A_76] {strides = array<i32>} : memref<10000xi32, #tpu.memory_space<vmem>>, vector<16xi32>,
      %add3A_78 = arith.constant 80 : i32
      %add3A_79 = arith.addi %mul3A_57, %add3A_78 : i32
      %get3A_80 = arith.index_cast %add3A_79 : i32 to index
      %get3A_81 = tpu.vector_load %arg6[%get3A_80] {strides = array<i32>} : memref<10000xi32, #tpu.memory_space<vmem>>, vector<16xi32>,
      %add3A_82 = arith.constant 96 : i32
      %add3A_83 = arith.addi %mul3A_57, %add3A_82 : i32
      %get3A_84 = arith.index_cast %add3A_83 : i32 to index
      %get3A_85 = tpu.vector_load %arg6[%get3A_84] {strides = array<i32>} : memref<10000xi32, #tpu.memory_space<vmem>>, vector<16xi32>,
      %add3A_86 = arith.constant 112 : i32
      %add3A_87 = arith.addi %mul3A_57, %add3A_86 : i32
      %get3A_88 = arith.index_cast %add3A_87 : i32 to index
      %get3A_89 = tpu.vector_load %arg6[%get3A_88] {strides = array<i32>} : memref<10000xi32, #tpu.memory_space<vmem>>, vector<16xi32>,
      %add3A_90 = arith.constant 0 : i32
      %add3A_91 = arith.addi %mul3A_57, %add3A_90 : i32
      %get3A_92 = arith.index_cast %add3A_91 : i32 to index
      %get3A_93 = tpu.vector_load %arg7[%get3A_92] {strides = array<i32>} : memref<10000xi32, #tpu.memory_space<vmem>>, vector<16xi32>,
      %add3A_94 = arith.constant 16 : i32
      %add3A_95 = arith.addi %mul3A_57, %add3A_94 : i32
      %get3A_96 = arith.index_cast %add3A_95 : i32 to index
      %get3A_97 = tpu.vector_load %arg7[%get3A_96] {strides = array<i32>} : memref<10000xi32, #tpu.memory_space<vmem>>, vector<16xi32>,
      %add3A_98 = arith.constant 32 : i32
      %add3A_99 = arith.addi %mul3A_57, %add3A_98 : i32
      %get3A_100 = arith.index_cast %add3A_99 : i32 to index
      %get3A_101 = tpu.vector_load %arg7[%get3A_100] {strides = array<i32>} : memref<10000xi32, #tpu.memory_space<vmem>>, vector<16xi32>,
      %add3A_102 = arith.constant 48 : i32
      %add3A_103 = arith.addi %mul3A_57, %add3A_102 : i32
      %get3A_104 = arith.index_cast %add3A_103 : i32 to index
      %get3A_105 = tpu.vector_load %arg7[%get3A_104] {strides = array<i32>} : memref<10000xi32, #tpu.memory_space<vmem>>, vector<16xi32>,
      %add3A_106 = arith.constant 64 : i32
      %add3A_107 = arith.addi %mul3A_57, %add3A_106 : i32
      %get3A_108 = arith.index_cast %add3A_107 : i32 to index
      %get3A_109 = tpu.vector_load %arg7[%get3A_108] {strides = array<i32>} : memref<10000xi32, #tpu.memory_space<vmem>>, vector<16xi32>,
      %add3A_110 = arith.constant 80 : i32
      %add3A_111 = arith.addi %mul3A_57, %add3A_110 : i32
      %get3A_112 = arith.index_cast %add3A_111 : i32 to index
      %get3A_113 = tpu.vector_load %arg7[%get3A_112] {strides = array<i32>} : memref<10000xi32, #tpu.memory_space<vmem>>, vector<16xi32>,
      %add3A_114 = arith.constant 96 : i32
      %add3A_115 = arith.addi %mul3A_57, %add3A_114 : i32
      %get3A_116 = arith.index_cast %add3A_115 : i32 to index
      %get3A_117 = tpu.vector_load %arg7[%get3A_116] {strides = array<i32>} : memref<10000xi32, #tpu.memory_space<vmem>>, vector<16xi32>,
      %add3A_118 = arith.constant 112 : i32
      %add3A_119 = arith.addi %mul3A_57, %add3A_118 : i32
      %get3A_120 = arith.index_cast %add3A_119 : i32 to index
      %get3A_121 = tpu.vector_load %arg7[%get3A_120] {strides = array<i32>} : memref<10000xi32, #tpu.memory_space<vmem>>, vector<16xi32>,
      %gather3A_122 = tpu.vector_load_idx %arg8[%broadcast_in_dim3A_35, %get3A_61] : memref<1x10000xf32, #tpu.memory_space<vmem>>[vector<16xi32>, vector<16xi32>], vector<16xf32>,
      %gather3A_123 = tpu.vector_load_idx %arg8[%broadcast_in_dim3A_35, %get3A_65] : memref<1x10000xf32, #tpu.memory_space<vmem>>[vector<16xi32>, vector<16xi32>], vector<16xf32>,
      %gather3A_124 = tpu.vector_load_idx %arg8[%broadcast_in_dim3A_35, %get3A_69] : memref<1x10000xf32, #tpu.memory_space<vmem>>[vector<16xi32>, vector<16xi32>], vector<16xf32>,
      %gather3A_125 = tpu.vector_load_idx %arg8[%broadcast_in_dim3A_35, %get3A_73] : memref<1x10000xf32, #tpu.memory_space<vmem>>[vector<16xi32>, vector<16xi32>], vector<16xf32>,
      %gather3A_126 = tpu.vector_load_idx %arg8[%broadcast_in_dim3A_35, %get3A_77] : memref<1x10000xf32, #tpu.memory_space<vmem>>[vector<16xi32>, vector<16xi32>], vector<16xf32>,
      %gather3A_127 = tpu.vector_load_idx %arg8[%broadcast_in_dim3A_35, %get3A_81] : memref<1x10000xf32, #tpu.memory_space<vmem>>[vector<16xi32>, vector<16xi32>], vector<16xf32>,
      %gather3A_128 = tpu.vector_load_idx %arg8[%broadcast_in_dim3A_35, %get3A_85] : memref<1x10000xf32, #tpu.memory_space<vmem>>[vector<16xi32>, vector<16xi32>], vector<16xf32>,
      %gather3A_129 = tpu.vector_load_idx %arg8[%broadcast_in_dim3A_35, %get3A_89] : memref<1x10000xf32, #tpu.memory_space<vmem>>[vector<16xi32>, vector<16xi32>], vector<16xf32>,
      tpu.vector_store_idx %arg10[%broadcast_in_dim3A_35, %get3A_93], %gather3A_122 {add = true} : memref<1x10752xf32, #tpu.memory_space<vmem>>[vector<16xi32>, vector<16xi32>], vector<16xf32>,
      tpu.vector_store_idx %arg10[%broadcast_in_dim3A_35, %get3A_97], %gather3A_123 {add = true} : memref<1x10752xf32, #tpu.memory_space<vmem>>[vector<16xi32>, vector<16xi32>], vector<16xf32>,
      tpu.vector_store_idx %arg10[%broadcast_in_dim3A_35, %get3A_101], %gather3A_124 {add = true} : memref<1x10752xf32, #tpu.memory_space<vmem>>[vector<16xi32>, vector<16xi32>], vector<16xf32>,
      tpu.vector_store_idx %arg10[%broadcast_in_dim3A_35, %get3A_105], %gather3A_125 {add = true} : memref<1x10752xf32, #tpu.memory_space<vmem>>[vector<16xi32>, vector<16xi32>], vector<16xf32>,
      tpu.vector_store_idx %arg10[%broadcast_in_dim3A_35, %get3A_109], %gather3A_126 {add = true} : memref<1x10752xf32, #tpu.memory_space<vmem>>[vector<16xi32>, vector<16xi32>], vector<16xf32>,
      tpu.vector_store_idx %arg10[%broadcast_in_dim3A_35, %get3A_113], %gather3A_127 {add = true} : memref<1x10752xf32, #tpu.memory_space<vmem>>[vector<16xi32>, vector<16xi32>], vector<16xf32>,
      tpu.vector_store_idx %arg10[%broadcast_in_dim3A_35, %get3A_117], %gather3A_128 {add = true} : memref<1x10752xf32, #tpu.memory_space<vmem>>[vector<16xi32>, vector<16xi32>], vector<16xf32>,
      tpu.vector_store_idx %arg10[%broadcast_in_dim3A_35, %get3A_121], %gather3A_129 {add = true} : memref<1x10752xf32, #tpu.memory_space<vmem>>[vector<16xi32>, vector<16xi32>], vector<16xf32>,
    }
    %scan3A_40 = arith.constant 78 : i32
    %get3A = arith.constant 9984 : index
    %get3A_41 = tpu.vector_load %arg6[%get3A] {strides = array<i32>} : memref<10000xi32, #tpu.memory_space<vmem>>, vector<16xi32>,
    %get3A_42 = arith.constant 9984 : index
    %get3A_43 = tpu.vector_load %arg7[%get3A_42] {strides = array<i32>} : memref<10000xi32, #tpu.memory_space<vmem>>, vector<16xi32>,
    %gather3A = tpu.vector_load_idx %arg8[%broadcast_in_dim3A_35, %get3A_41] : memref<1x10000xf32, #tpu.memory_space<vmem>>[vector<16xi32>, vector<16xi32>], vector<16xf32>,
    tpu.vector_store_idx %arg10[%broadcast_in_dim3A_35, %get3A_43], %gather3A {add = true} : memref<1x10752xf32, #tpu.memory_space<vmem>>[vector<16xi32>, vector<16xi32>], vector<16xf32>,
    "tpu.region"() ({
      %run_scoped3A = tpu.sem_alloc : memref<!tpu.dma_semaphore, #tpu.memory_space<semaphore_mem>>
      %dma_start3A_55 = arith.constant 0 : i32
      %dma_start3A_56 = arith.constant 0 : i32
      %dma_start3A_57 = tpu.memref_slice %arg13[%arg1, %dma_start3A_55, %dma_start3A_56] : memref<16x1x10752xf32, #tpu.memory_space<vmem_shared>> -> memref<1x1x10752xf32, #tpu.memory_space<vmem_shared>>
      %dma_start3A_58 = tpu.memref_squeeze %dma_start3A_57 : memref<1x1x10752xf32, #tpu.memory_space<vmem_shared>> -> memref<1x10752xf32, #tpu.memory_space<vmem_shared>>
      %dma_start3A_59 = arith.constant 0 : i32
      %dma_start3A_60 = arith.constant 0 : i32
      %dma_start3A_61 = tpu.memref_slice %arg13[%arg1, %dma_start3A_59, %dma_start3A_60] : memref<16x1x10752xf32, #tpu.memory_space<vmem_shared>> -> memref<1x1x10752xf32, #tpu.memory_space<vmem_shared>>
      %dma_start3A_62 = tpu.memref_squeeze %dma_start3A_61 : memref<1x1x10752xf32, #tpu.memory_space<vmem_shared>> -> memref<1x10752xf32, #tpu.memory_space<vmem_shared>>
      tpu.enqueue_dma source(%arg10 : memref<1x10752xf32, #tpu.memory_space<vmem>>) target(%dma_start3A_62 : memref<1x10752xf32, #tpu.memory_space<vmem_shared>>) target_semaphore(%run_scoped3A : memref<!tpu.dma_semaphore, #tpu.memory_space<semaphore_mem>>)
      %dma_wait3A_63 = arith.constant 0 : i32
      %dma_wait3A_64 = arith.constant 0 : i32
      %dma_wait3A_65 = tpu.memref_slice %arg13[%arg1, %dma_wait3A_63, %dma_wait3A_64] : memref<16x1x10752xf32, #tpu.memory_space<vmem_shared>> -> memref<1x1x10752xf32, #tpu.memory_space<vmem_shared>>
      %dma_wait3A_66 = tpu.memref_squeeze %dma_wait3A_65 : memref<1x1x10752xf32, #tpu.memory_space<vmem_shared>> -> memref<1x10752xf32, #tpu.memory_space<vmem_shared>>
      %dma_wait3A_67 = arith.constant 0 : i32
      %dma_wait3A_68 = arith.constant 0 : i32
      %dma_wait3A_69 = tpu.memref_slice %arg13[%arg1, %dma_wait3A_67, %dma_wait3A_68] : memref<16x1x10752xf32, #tpu.memory_space<vmem_shared>> -> memref<1x1x10752xf32, #tpu.memory_space<vmem_shared>>
      %dma_wait3A_70 = tpu.memref_squeeze %dma_wait3A_69 : memref<1x1x10752xf32, #tpu.memory_space<vmem_shared>> -> memref<1x10752xf32, #tpu.memory_space<vmem_shared>>
      tpu.wait_dma2 semaphore(%run_scoped3A : memref<!tpu.dma_semaphore, #tpu.memory_space<semaphore_mem>>) src(%arg10 : memref<1x10752xf32, #tpu.memory_space<vmem>>) dst(%dma_wait3A_70 : memref<1x10752xf32, #tpu.memory_space<vmem_shared>>)
      tpu.yield
    }) : () -> ()
    %barrier3A = arith.constant 0 : index
    tpu.barrier barrier_id(%barrier3A)
    %mul3A_44 = arith.constant 672 : i32
    %mul3A_45 = arith.muli %arg1, %mul3A_44 : i32
    "tpu.region"() ({
      %run_scoped3A = tpu.sem_alloc : memref<!tpu.dma_semaphore, #tpu.memory_space<semaphore_mem>>
      %dma_start3A_55 = arith.constant 0 : i32
      %dma_start3A_56 = arith.constant 0 : i32
      %dma_start3A_57 = tpu.memref_slice %arg13[%dma_start3A_55, %dma_start3A_56, %mul3A_45] : memref<16x1x10752xf32, #tpu.memory_space<vmem_shared>> -> memref<16x1x672xf32, #tpu.memory_space<vmem_shared>>
      %dma_start3A_58 = arith.constant 0 : i32
      %dma_start3A_59 = arith.constant 0 : i32
      %dma_start3A_60 = tpu.memref_slice %arg13[%dma_start3A_58, %dma_start3A_59, %mul3A_45] : memref<16x1x10752xf32, #tpu.memory_space<vmem_shared>> -> memref<16x1x672xf32, #tpu.memory_space<vmem_shared>>
      tpu.enqueue_dma source(%dma_start3A_60 : memref<16x1x672xf32, #tpu.memory_space<vmem_shared>>) target(%arg11 : memref<16x1x672xf32, #tpu.memory_space<vmem>>) target_semaphore(%run_scoped3A : memref<!tpu.dma_semaphore, #tpu.memory_space<semaphore_mem>>)
      %dma_wait3A_61 = arith.constant 0 : i32
      %dma_wait3A_62 = arith.constant 0 : i32
      %dma_wait3A_63 = tpu.memref_slice %arg13[%dma_wait3A_61, %dma_wait3A_62, %mul3A_45] : memref<16x1x10752xf32, #tpu.memory_space<vmem_shared>> -> memref<16x1x672xf32, #tpu.memory_space<vmem_shared>>
      %dma_wait3A_64 = arith.constant 0 : i32
      %dma_wait3A_65 = arith.constant 0 : i32
      %dma_wait3A_66 = tpu.memref_slice %arg13[%dma_wait3A_64, %dma_wait3A_65, %mul3A_45] : memref<16x1x10752xf32, #tpu.memory_space<vmem_shared>> -> memref<16x1x672xf32, #tpu.memory_space<vmem_shared>>
      tpu.wait_dma2 semaphore(%run_scoped3A : memref<!tpu.dma_semaphore, #tpu.memory_space<semaphore_mem>>) src(%dma_wait3A_66 : memref<16x1x672xf32, #tpu.memory_space<vmem_shared>>) dst(%arg11 : memref<16x1x672xf32, #tpu.memory_space<vmem>>)
      tpu.yield
    }) : () -> ()
    %scan3A_46 = arith.constant 0 : i32
    %scan3A_47 = arith.constant 0 : i32
    %scan3A_48 = arith.constant 42 : i32
    %scan3A_49 = arith.addi %scan3A_47, %scan3A_48 : i32
    %scan3A_50 = arith.constant 1 : i32
    scf.for %scan3A_55 = %scan3A_47 to %scan3A_49 step %scan3A_50  : i32 {
      %mul3A_56 = arith.constant 16 : i32
      %mul3A_57 = arith.muli %scan3A_55, %mul3A_56 : i32
      %get3A_58 = arith.constant 0 : i32
      %get3A_59 = arith.constant 0 : i32
      %get3A_60 = arith.index_cast %get3A_58 : i32 to index
      %get3A_61 = arith.index_cast %get3A_59 : i32 to index
      %get3A_62 = arith.index_cast %mul3A_57 : i32 to index
      %get3A_63 = tpu.vector_load %arg11[%get3A_60, %get3A_61, %get3A_62] {strides = array<i32>} : memref<16x1x672xf32, #tpu.memory_space<vmem>>, vector<16xf32>,
      %mul3A_64 = arith.constant 16 : i32
      %mul3A_65 = arith.muli %scan3A_55, %mul3A_64 : i32
      %get3A_66 = arith.constant 1 : i32
      %get3A_67 = arith.constant 0 : i32
      %get3A_68 = arith.index_cast %get3A_66 : i32 to index
      %get3A_69 = arith.index_cast %get3A_67 : i32 to index
      %get3A_70 = arith.index_cast %mul3A_65 : i32 to index
      %get3A_71 = tpu.vector_load %arg11[%get3A_68, %get3A_69, %get3A_70] {strides = array<i32>} : memref<16x1x672xf32, #tpu.memory_space<vmem>>, vector<16xf32>,
      %add3A_72 = arith.addf %get3A_63, %get3A_71 : vector<16xf32>
      %mul3A_73 = arith.constant 16 : i32
      %mul3A_74 = arith.muli %scan3A_55, %mul3A_73 : i32
      %get3A_75 = arith.constant 2 : i32
      %get3A_76 = arith.constant 0 : i32
      %get3A_77 = arith.index_cast %get3A_75 : i32 to index
      %get3A_78 = arith.index_cast %get3A_76 : i32 to index
      %get3A_79 = arith.index_cast %mul3A_74 : i32 to index
      %get3A_80 = tpu.vector_load %arg11[%get3A_77, %get3A_78, %get3A_79] {strides = array<i32>} : memref<16x1x672xf32, #tpu.memory_space<vmem>>, vector<16xf32>,
      %add3A_81 = arith.addf %add3A_72, %get3A_80 : vector<16xf32>
      %mul3A_82 = arith.constant 16 : i32
      %mul3A_83 = arith.muli %scan3A_55, %mul3A_82 : i32
      %get3A_84 = arith.constant 3 : i32
      %get3A_85 = arith.constant 0 : i32
      %get3A_86 = arith.index_cast %get3A_84 : i32 to index
      %get3A_87 = arith.index_cast %get3A_85 : i32 to index
      %get3A_88 = arith.index_cast %mul3A_83 : i32 to index
      %get3A_89 = tpu.vector_load %arg11[%get3A_86, %get3A_87, %get3A_88] {strides = array<i32>} : memref<16x1x672xf32, #tpu.memory_space<vmem>>, vector<16xf32>,
      %add3A_90 = arith.addf %add3A_81, %get3A_89 : vector<16xf32>
      %mul3A_91 = arith.constant 16 : i32
      %mul3A_92 = arith.muli %scan3A_55, %mul3A_91 : i32
      %get3A_93 = arith.constant 4 : i32
      %get3A_94 = arith.constant 0 : i32
      %get3A_95 = arith.index_cast %get3A_93 : i32 to index
      %get3A_96 = arith.index_cast %get3A_94 : i32 to index
      %get3A_97 = arith.index_cast %mul3A_92 : i32 to index
      %get3A_98 = tpu.vector_load %arg11[%get3A_95, %get3A_96, %get3A_97] {strides = array<i32>} : memref<16x1x672xf32, #tpu.memory_space<vmem>>, vector<16xf32>,
      %add3A_99 = arith.addf %add3A_90, %get3A_98 : vector<16xf32>
      %mul3A_100 = arith.constant 16 : i32
      %mul3A_101 = arith.muli %scan3A_55, %mul3A_100 : i32
      %get3A_102 = arith.constant 5 : i32
      %get3A_103 = arith.constant 0 : i32
      %get3A_104 = arith.index_cast %get3A_102 : i32 to index
      %get3A_105 = arith.index_cast %get3A_103 : i32 to index
      %get3A_106 = arith.index_cast %mul3A_101 : i32 to index
      %get3A_107 = tpu.vector_load %arg11[%get3A_104, %get3A_105, %get3A_106] {strides = array<i32>} : memref<16x1x672xf32, #tpu.memory_space<vmem>>, vector<16xf32>,
      %add3A_108 = arith.addf %add3A_99, %get3A_107 : vector<16xf32>
      %mul3A_109 = arith.constant 16 : i32
      %mul3A_110 = arith.muli %scan3A_55, %mul3A_109 : i32
      %get3A_111 = arith.constant 6 : i32
      %get3A_112 = arith.constant 0 : i32
      %get3A_113 = arith.index_cast %get3A_111 : i32 to index
      %get3A_114 = arith.index_cast %get3A_112 : i32 to index
      %get3A_115 = arith.index_cast %mul3A_110 : i32 to index
      %get3A_116 = tpu.vector_load %arg11[%get3A_113, %get3A_114, %get3A_115] {strides = array<i32>} : memref<16x1x672xf32, #tpu.memory_space<vmem>>, vector<16xf32>,
      %add3A_117 = arith.addf %add3A_108, %get3A_116 : vector<16xf32>
      %mul3A_118 = arith.constant 16 : i32
      %mul3A_119 = arith.muli %scan3A_55, %mul3A_118 : i32
      %get3A_120 = arith.constant 7 : i32
      %get3A_121 = arith.constant 0 : i32
      %get3A_122 = arith.index_cast %get3A_120 : i32 to index
      %get3A_123 = arith.index_cast %get3A_121 : i32 to index
      %get3A_124 = arith.index_cast %mul3A_119 : i32 to index
      %get3A_125 = tpu.vector_load %arg11[%get3A_122, %get3A_123, %get3A_124] {strides = array<i32>} : memref<16x1x672xf32, #tpu.memory_space<vmem>>, vector<16xf32>,
      %add3A_126 = arith.addf %add3A_117, %get3A_125 : vector<16xf32>
      %mul3A_127 = arith.constant 16 : i32
      %mul3A_128 = arith.muli %scan3A_55, %mul3A_127 : i32
      %get3A_129 = arith.constant 8 : i32
      %get3A_130 = arith.constant 0 : i32
      %get3A_131 = arith.index_cast %get3A_129 : i32 to index
      %get3A_132 = arith.index_cast %get3A_130 : i32 to index
      %get3A_133 = arith.index_cast %mul3A_128 : i32 to index
      %get3A_134 = tpu.vector_load %arg11[%get3A_131, %get3A_132, %get3A_133] {strides = array<i32>} : memref<16x1x672xf32, #tpu.memory_space<vmem>>, vector<16xf32>,
      %add3A_135 = arith.addf %add3A_126, %get3A_134 : vector<16xf32>
      %mul3A_136 = arith.constant 16 : i32
      %mul3A_137 = arith.muli %scan3A_55, %mul3A_136 : i32
      %get3A_138 = arith.constant 9 : i32
      %get3A_139 = arith.constant 0 : i32
      %get3A_140 = arith.index_cast %get3A_138 : i32 to index
      %get3A_141 = arith.index_cast %get3A_139 : i32 to index
      %get3A_142 = arith.index_cast %mul3A_137 : i32 to index
      %get3A_143 = tpu.vector_load %arg11[%get3A_140, %get3A_141, %get3A_142] {strides = array<i32>} : memref<16x1x672xf32, #tpu.memory_space<vmem>>, vector<16xf32>,
      %add3A_144 = arith.addf %add3A_135, %get3A_143 : vector<16xf32>
      %mul3A_145 = arith.constant 16 : i32
      %mul3A_146 = arith.muli %scan3A_55, %mul3A_145 : i32
      %get3A_147 = arith.constant 10 : i32
      %get3A_148 = arith.constant 0 : i32
      %get3A_149 = arith.index_cast %get3A_147 : i32 to index
      %get3A_150 = arith.index_cast %get3A_148 : i32 to index
      %get3A_151 = arith.index_cast %mul3A_146 : i32 to index
      %get3A_152 = tpu.vector_load %arg11[%get3A_149, %get3A_150, %get3A_151] {strides = array<i32>} : memref<16x1x672xf32, #tpu.memory_space<vmem>>, vector<16xf32>,
      %add3A_153 = arith.addf %add3A_144, %get3A_152 : vector<16xf32>
      %mul3A_154 = arith.constant 16 : i32
      %mul3A_155 = arith.muli %scan3A_55, %mul3A_154 : i32
      %get3A_156 = arith.constant 11 : i32
      %get3A_157 = arith.constant 0 : i32
      %get3A_158 = arith.index_cast %get3A_156 : i32 to index
      %get3A_159 = arith.index_cast %get3A_157 : i32 to index
      %get3A_160 = arith.index_cast %mul3A_155 : i32 to index
      %get3A_161 = tpu.vector_load %arg11[%get3A_158, %get3A_159, %get3A_160] {strides = array<i32>} : memref<16x1x672xf32, #tpu.memory_space<vmem>>, vector<16xf32>,
      %add3A_162 = arith.addf %add3A_153, %get3A_161 : vector<16xf32>
      %mul3A_163 = arith.constant 16 : i32
      %mul3A_164 = arith.muli %scan3A_55, %mul3A_163 : i32
      %get3A_165 = arith.constant 12 : i32
      %get3A_166 = arith.constant 0 : i32
      %get3A_167 = arith.index_cast %get3A_165 : i32 to index
      %get3A_168 = arith.index_cast %get3A_166 : i32 to index
      %get3A_169 = arith.index_cast %mul3A_164 : i32 to index
      %get3A_170 = tpu.vector_load %arg11[%get3A_167, %get3A_168, %get3A_169] {strides = array<i32>} : memref<16x1x672xf32, #tpu.memory_space<vmem>>, vector<16xf32>,
      %add3A_171 = arith.addf %add3A_162, %get3A_170 : vector<16xf32>
      %mul3A_172 = arith.constant 16 : i32
      %mul3A_173 = arith.muli %scan3A_55, %mul3A_172 : i32
      %get3A_174 = arith.constant 13 : i32
      %get3A_175 = arith.constant 0 : i32
      %get3A_176 = arith.index_cast %get3A_174 : i32 to index
      %get3A_177 = arith.index_cast %get3A_175 : i32 to index
      %get3A_178 = arith.index_cast %mul3A_173 : i32 to index
      %get3A_179 = tpu.vector_load %arg11[%get3A_176, %get3A_177, %get3A_178] {strides = array<i32>} : memref<16x1x672xf32, #tpu.memory_space<vmem>>, vector<16xf32>,
      %add3A_180 = arith.addf %add3A_171, %get3A_179 : vector<16xf32>
      %mul3A_181 = arith.constant 16 : i32
      %mul3A_182 = arith.muli %scan3A_55, %mul3A_181 : i32
      %get3A_183 = arith.constant 14 : i32
      %get3A_184 = arith.constant 0 : i32
      %get3A_185 = arith.index_cast %get3A_183 : i32 to index
      %get3A_186 = arith.index_cast %get3A_184 : i32 to index
      %get3A_187 = arith.index_cast %mul3A_182 : i32 to index
      %get3A_188 = tpu.vector_load %arg11[%get3A_185, %get3A_186, %get3A_187] {strides = array<i32>} : memref<16x1x672xf32, #tpu.memory_space<vmem>>, vector<16xf32>,
      %add3A_189 = arith.addf %add3A_180, %get3A_188 : vector<16xf32>
      %mul3A_190 = arith.constant 16 : i32
      %mul3A_191 = arith.muli %scan3A_55, %mul3A_190 : i32
      %get3A_192 = arith.constant 15 : i32
      %get3A_193 = arith.constant 0 : i32
      %get3A_194 = arith.index_cast %get3A_192 : i32 to index
      %get3A_195 = arith.index_cast %get3A_193 : i32 to index
      %get3A_196 = arith.index_cast %mul3A_191 : i32 to index
      %get3A_197 = tpu.vector_load %arg11[%get3A_194, %get3A_195, %get3A_196] {strides = array<i32>} : memref<16x1x672xf32, #tpu.memory_space<vmem>>, vector<16xf32>,
      %add3A_198 = arith.addf %add3A_189, %get3A_197 : vector<16xf32>
      %mul3A_199 = arith.constant 16 : i32
      %mul3A_200 = arith.muli %scan3A_55, %mul3A_199 : i32
      %swap3A = arith.constant 0 : i32
      %swap3A_201 = arith.index_cast %swap3A : i32 to index
      %swap3A_202 = arith.index_cast %mul3A_200 : i32 to index
      %swap3A_203 = tpu.vector_load %arg12[%swap3A_201, %swap3A_202] {strides = array<i32>} : memref<1x672xf32, #tpu.memory_space<vmem>>, vector<16xf32>,
      tpu.vector_store %arg12[%swap3A_201, %swap3A_202], %add3A_198 {strides = array<i32>} : memref<1x672xf32, #tpu.memory_space<vmem>>, vector<16xf32>,
    }
    %scan3A_51 = arith.constant 42 : i32
    %mul3A_52 = arith.constant 672 : i32
    %mul3A_53 = arith.muli %arg1, %mul3A_52 : i32
    "tpu.region"() ({
      %run_scoped3A = tpu.sem_alloc : memref<!tpu.dma_semaphore, #tpu.memory_space<semaphore_mem>>
      %dma_start3A_55 = arith.constant 0 : i32
      %dma_start3A_56 = tpu.memref_slice %arg5[%arg0, %dma_start3A_55, %mul3A_53] : memref<2x1x10752xf32, #tpu.memory_space<hbm>> -> memref<1x1x672xf32, #tpu.memory_space<hbm>>
      %dma_start3A_57 = tpu.memref_squeeze %dma_start3A_56 : memref<1x1x672xf32, #tpu.memory_space<hbm>> -> memref<1x672xf32, #tpu.memory_space<hbm>>
      %dma_start3A_58 = arith.constant 0 : i32
      %dma_start3A_59 = tpu.memref_slice %arg5[%arg0, %dma_start3A_58, %mul3A_53] : memref<2x1x10752xf32, #tpu.memory_space<hbm>> -> memref<1x1x672xf32, #tpu.memory_space<hbm>>
      %dma_start3A_60 = tpu.memref_squeeze %dma_start3A_59 : memref<1x1x672xf32, #tpu.memory_space<hbm>> -> memref<1x672xf32, #tpu.memory_space<hbm>>
      tpu.enqueue_dma source(%arg12 : memref<1x672xf32, #tpu.memory_space<vmem>>) target(%dma_start3A_60 : memref<1x672xf32, #tpu.memory_space<hbm>>) target_semaphore(%run_scoped3A : memref<!tpu.dma_semaphore, #tpu.memory_space<semaphore_mem>>)
      %dma_wait3A_61 = arith.constant 0 : i32
      %dma_wait3A_62 = tpu.memref_slice %arg5[%arg0, %dma_wait3A_61, %mul3A_53] : memref<2x1x10752xf32, #tpu.memory_space<hbm>> -> memref<1x1x672xf32, #tpu.memory_space<hbm>>
      %dma_wait3A_63 = tpu.memref_squeeze %dma_wait3A_62 : memref<1x1x672xf32, #tpu.memory_space<hbm>> -> memref<1x672xf32, #tpu.memory_space<hbm>>
      %dma_wait3A_64 = arith.constant 0 : i32
      %dma_wait3A_65 = tpu.memref_slice %arg5[%arg0, %dma_wait3A_64, %mul3A_53] : memref<2x1x10752xf32, #tpu.memory_space<hbm>> -> memref<1x1x672xf32, #tpu.memory_space<hbm>>
      %dma_wait3A_66 = tpu.memref_squeeze %dma_wait3A_65 : memref<1x1x672xf32, #tpu.memory_space<hbm>> -> memref<1x672xf32, #tpu.memory_space<hbm>>
      tpu.wait_dma2 semaphore(%run_scoped3A : memref<!tpu.dma_semaphore, #tpu.memory_space<semaphore_mem>>) src(%arg12 : memref<1x672xf32, #tpu.memory_space<vmem>>) dst(%dma_wait3A_66 : memref<1x672xf32, #tpu.memory_space<hbm>>)
      tpu.yield
    }) : () -> ()
    %barrier3A_54 = arith.constant 0 : index
    tpu.barrier barrier_id(%barrier3A_54)
    return
  }
}

#map = affine_map<(d0, d1) -> (0, 0)>
#map1 = affine_map<(d0, d1) -> (0, 0, 0)>
module attributes {stable_mosaic.version = 14 : i64} {
  func.func @scatter_kernel(%arg0: i32, %arg1: i32, %arg2: memref<4x10000xf32, #tpu.memory_space<hbm>>, %arg3: memref<2x320000xi32, #tpu.memory_space<hbm>>, %arg4: memref<2x10752xf32, #tpu.memory_space<hbm>>, %arg5: memref<2x4x10752xf32, #tpu.memory_space<hbm>>, %arg6: memref<10000xi32, #tpu.memory_space<vmem>>, %arg7: memref<10000xi32, #tpu.memory_space<vmem>>, %arg8: memref<2x10000xf32, #tpu.memory_space<vmem>>, %arg9: memref<2x10000xf32, #tpu.memory_space<vmem>>, %arg10: memref<2x10752xf32, #tpu.memory_space<vmem>>, %arg11: memref<16x2x672xf32, #tpu.memory_space<vmem>>, %arg12: memref<2x672xf32, #tpu.memory_space<vmem>>, %arg13: memref<16x2x10752xf32, #tpu.memory_space<vmem_shared>>, %arg14: memref<!tpu.dma_semaphore, #tpu.memory_space<semaphore_mem>>, %arg15: memref<!tpu.dma_semaphore, #tpu.memory_space<semaphore_mem>>, %arg16: memref<!tpu.dma_semaphore, #tpu.memory_space<semaphore_mem>>, %arg17: memref<!tpu.dma_semaphore, #tpu.memory_space<semaphore_mem>>) attributes {dimension_semantics = [#tpu.dimension_semantics<core_parallel>, #tpu.dimension_semantics<subcore_parallel>], iteration_bounds = array<i64: 2, 16>, scalar_prefetch = 0 : i64, scratch_operands = 12 : i64, tpu.core_type = #tpu.core_type<sc_vector_subcore>, window_params = [{transform_indices = #map}, {transform_indices = #map}, {transform_indices = #map}, {transform_indices = #map1}]} {
    %mul3A = arith.constant 16 : i32
    %mul3A_0 = arith.muli %arg0, %mul3A : i32
    %add3A = arith.addi %mul3A_0, %arg1 : i32
    %mul3A_1 = arith.constant 10000 : i32
    %mul3A_2 = arith.muli %add3A, %mul3A_1 : i32
    %dma_start3A = arith.constant 0 : i32
    %dma_start3A_3 = tpu.memref_slice %arg3[%dma_start3A, %mul3A_2] : memref<2x320000xi32, #tpu.memory_space<hbm>> -> memref<1x10000xi32, #tpu.memory_space<hbm>>
    %dma_start3A_4 = tpu.memref_squeeze %dma_start3A_3 : memref<1x10000xi32, #tpu.memory_space<hbm>> -> memref<10000xi32, #tpu.memory_space<hbm>>
    %dma_start3A_5 = tpu.memref_slice %arg3[%dma_start3A, %mul3A_2] : memref<2x320000xi32, #tpu.memory_space<hbm>> -> memref<1x10000xi32, #tpu.memory_space<hbm>>
    %dma_start3A_6 = tpu.memref_squeeze %dma_start3A_5 : memref<1x10000xi32, #tpu.memory_space<hbm>> -> memref<10000xi32, #tpu.memory_space<hbm>>
    tpu.enqueue_dma source(%dma_start3A_6 : memref<10000xi32, #tpu.memory_space<hbm>>) target(%arg6 : memref<10000xi32, #tpu.memory_space<vmem>>) target_semaphore(%arg14 : memref<!tpu.dma_semaphore, #tpu.memory_space<semaphore_mem>>)
    %mul3A_7 = arith.constant 10000 : i32
    %mul3A_8 = arith.muli %add3A, %mul3A_7 : i32
    %dma_start3A_9 = arith.constant 1 : i32
    %dma_start3A_10 = tpu.memref_slice %arg3[%dma_start3A_9, %mul3A_8] : memref<2x320000xi32, #tpu.memory_space<hbm>> -> memref<1x10000xi32, #tpu.memory_space<hbm>>
    %dma_start3A_11 = tpu.memref_squeeze %dma_start3A_10 : memref<1x10000xi32, #tpu.memory_space<hbm>> -> memref<10000xi32, #tpu.memory_space<hbm>>
    %dma_start3A_12 = tpu.memref_slice %arg3[%dma_start3A_9, %mul3A_8] : memref<2x320000xi32, #tpu.memory_space<hbm>> -> memref<1x10000xi32, #tpu.memory_space<hbm>>
    %dma_start3A_13 = tpu.memref_squeeze %dma_start3A_12 : memref<1x10000xi32, #tpu.memory_space<hbm>> -> memref<10000xi32, #tpu.memory_space<hbm>>
    tpu.enqueue_dma source(%dma_start3A_13 : memref<10000xi32, #tpu.memory_space<hbm>>) target(%arg7 : memref<10000xi32, #tpu.memory_space<vmem>>) target_semaphore(%arg15 : memref<!tpu.dma_semaphore, #tpu.memory_space<semaphore_mem>>)
    %dma_start3A_14 = arith.constant 0 : i32
    %dma_start3A_15 = arith.constant 0 : i32
    %dma_start3A_16 = tpu.memref_slice %arg2[%dma_start3A_14, %dma_start3A_15] : memref<4x10000xf32, #tpu.memory_space<hbm>> -> memref<2x10000xf32, #tpu.memory_space<hbm>>
    %dma_start3A_17 = arith.constant 0 : i32
    %dma_start3A_18 = arith.constant 0 : i32
    %dma_start3A_19 = tpu.memref_slice %arg2[%dma_start3A_17, %dma_start3A_18] : memref<4x10000xf32, #tpu.memory_space<hbm>> -> memref<2x10000xf32, #tpu.memory_space<hbm>>
    tpu.enqueue_dma source(%dma_start3A_19 : memref<2x10000xf32, #tpu.memory_space<hbm>>) target(%arg8 : memref<2x10000xf32, #tpu.memory_space<vmem>>) target_semaphore(%arg16 : memref<!tpu.dma_semaphore, #tpu.memory_space<semaphore_mem>>)
    tpu.enqueue_dma source(%arg4 : memref<2x10752xf32, #tpu.memory_space<hbm>>) target(%arg10 : memref<2x10752xf32, #tpu.memory_space<vmem>>) target_semaphore(%arg17 : memref<!tpu.dma_semaphore, #tpu.memory_space<semaphore_mem>>)
    %dma_wait3A = arith.constant 0 : i32
    %dma_wait3A_20 = tpu.memref_slice %arg3[%dma_wait3A, %mul3A_2] : memref<2x320000xi32, #tpu.memory_space<hbm>> -> memref<1x10000xi32, #tpu.memory_space<hbm>>
    %dma_wait3A_21 = tpu.memref_squeeze %dma_wait3A_20 : memref<1x10000xi32, #tpu.memory_space<hbm>> -> memref<10000xi32, #tpu.memory_space<hbm>>
    %dma_wait3A_22 = tpu.memref_slice %arg3[%dma_wait3A, %mul3A_2] : memref<2x320000xi32, #tpu.memory_space<hbm>> -> memref<1x10000xi32, #tpu.memory_space<hbm>>
    %dma_wait3A_23 = tpu.memref_squeeze %dma_wait3A_22 : memref<1x10000xi32, #tpu.memory_space<hbm>> -> memref<10000xi32, #tpu.memory_space<hbm>>
    tpu.wait_dma2 semaphore(%arg14 : memref<!tpu.dma_semaphore, #tpu.memory_space<semaphore_mem>>) src(%dma_wait3A_23 : memref<10000xi32, #tpu.memory_space<hbm>>) dst(%arg6 : memref<10000xi32, #tpu.memory_space<vmem>>)
    %dma_wait3A_24 = arith.constant 1 : i32
    %dma_wait3A_25 = tpu.memref_slice %arg3[%dma_wait3A_24, %mul3A_8] : memref<2x320000xi32, #tpu.memory_space<hbm>> -> memref<1x10000xi32, #tpu.memory_space<hbm>>
    %dma_wait3A_26 = tpu.memref_squeeze %dma_wait3A_25 : memref<1x10000xi32, #tpu.memory_space<hbm>> -> memref<10000xi32, #tpu.memory_space<hbm>>
    %dma_wait3A_27 = tpu.memref_slice %arg3[%dma_wait3A_24, %mul3A_8] : memref<2x320000xi32, #tpu.memory_space<hbm>> -> memref<1x10000xi32, #tpu.memory_space<hbm>>
    %dma_wait3A_28 = tpu.memref_squeeze %dma_wait3A_27 : memref<1x10000xi32, #tpu.memory_space<hbm>> -> memref<10000xi32, #tpu.memory_space<hbm>>
    tpu.wait_dma2 semaphore(%arg15 : memref<!tpu.dma_semaphore, #tpu.memory_space<semaphore_mem>>) src(%dma_wait3A_28 : memref<10000xi32, #tpu.memory_space<hbm>>) dst(%arg7 : memref<10000xi32, #tpu.memory_space<vmem>>)
    %dma_wait3A_29 = arith.constant 0 : i32
    %dma_wait3A_30 = arith.constant 0 : i32
    %dma_wait3A_31 = tpu.memref_slice %arg2[%dma_wait3A_29, %dma_wait3A_30] : memref<4x10000xf32, #tpu.memory_space<hbm>> -> memref<2x10000xf32, #tpu.memory_space<hbm>>
    %dma_wait3A_32 = arith.constant 0 : i32
    %dma_wait3A_33 = arith.constant 0 : i32
    %dma_wait3A_34 = tpu.memref_slice %arg2[%dma_wait3A_32, %dma_wait3A_33] : memref<4x10000xf32, #tpu.memory_space<hbm>> -> memref<2x10000xf32, #tpu.memory_space<hbm>>
    tpu.wait_dma2 semaphore(%arg16 : memref<!tpu.dma_semaphore, #tpu.memory_space<semaphore_mem>>) src(%dma_wait3A_34 : memref<2x10000xf32, #tpu.memory_space<hbm>>) dst(%arg8 : memref<2x10000xf32, #tpu.memory_space<vmem>>)
    tpu.wait_dma2 semaphore(%arg17 : memref<!tpu.dma_semaphore, #tpu.memory_space<semaphore_mem>>) src(%arg4 : memref<2x10752xf32, #tpu.memory_space<hbm>>) dst(%arg10 : memref<2x10752xf32, #tpu.memory_space<vmem>>)
    %broadcast_in_dim3A = arith.constant 0 : i32
    %broadcast_in_dim3A_35 = vector.broadcast %broadcast_in_dim3A : i32 to vector<16xi32>
    %broadcast_in_dim3A_36 = arith.constant 1 : i32
    %broadcast_in_dim3A_37 = vector.broadcast %broadcast_in_dim3A_36 : i32 to vector<16xi32>
    %scan3A = arith.constant 0 : i32
    %scan3A_38 = arith.constant 0 : i32
    %scan3A_39 = arith.constant 78 : i32
    %scan3A_40 = arith.addi %scan3A_38, %scan3A_39 : i32
    %scan3A_41 = arith.constant 1 : i32
    scf.for %scan3A_94 = %scan3A_38 to %scan3A_40 step %scan3A_41  : i32 {
      %mul3A_95 = arith.constant 128 : i32
      %mul3A_96 = arith.muli %scan3A_94, %mul3A_95 : i32
      %add3A_97 = arith.constant 0 : i32
      %add3A_98 = arith.addi %mul3A_96, %add3A_97 : i32
      %get3A_99 = arith.index_cast %add3A_98 : i32 to index
      %get3A_100 = tpu.vector_load %arg6[%get3A_99] {strides = array<i32>} : memref<10000xi32, #tpu.memory_space<vmem>>, vector<16xi32>,
      %add3A_101 = arith.constant 16 : i32
      %add3A_102 = arith.addi %mul3A_96, %add3A_101 : i32
      %get3A_103 = arith.index_cast %add3A_102 : i32 to index
      %get3A_104 = tpu.vector_load %arg6[%get3A_103] {strides = array<i32>} : memref<10000xi32, #tpu.memory_space<vmem>>, vector<16xi32>,
      %add3A_105 = arith.constant 32 : i32
      %add3A_106 = arith.addi %mul3A_96, %add3A_105 : i32
      %get3A_107 = arith.index_cast %add3A_106 : i32 to index
      %get3A_108 = tpu.vector_load %arg6[%get3A_107] {strides = array<i32>} : memref<10000xi32, #tpu.memory_space<vmem>>, vector<16xi32>,
      %add3A_109 = arith.constant 48 : i32
      %add3A_110 = arith.addi %mul3A_96, %add3A_109 : i32
      %get3A_111 = arith.index_cast %add3A_110 : i32 to index
      %get3A_112 = tpu.vector_load %arg6[%get3A_111] {strides = array<i32>} : memref<10000xi32, #tpu.memory_space<vmem>>, vector<16xi32>,
      %add3A_113 = arith.constant 64 : i32
      %add3A_114 = arith.addi %mul3A_96, %add3A_113 : i32
      %get3A_115 = arith.index_cast %add3A_114 : i32 to index
      %get3A_116 = tpu.vector_load %arg6[%get3A_115] {strides = array<i32>} : memref<10000xi32, #tpu.memory_space<vmem>>, vector<16xi32>,
      %add3A_117 = arith.constant 80 : i32
      %add3A_118 = arith.addi %mul3A_96, %add3A_117 : i32
      %get3A_119 = arith.index_cast %add3A_118 : i32 to index
      %get3A_120 = tpu.vector_load %arg6[%get3A_119] {strides = array<i32>} : memref<10000xi32, #tpu.memory_space<vmem>>, vector<16xi32>,
      %add3A_121 = arith.constant 96 : i32
      %add3A_122 = arith.addi %mul3A_96, %add3A_121 : i32
      %get3A_123 = arith.index_cast %add3A_122 : i32 to index
      %get3A_124 = tpu.vector_load %arg6[%get3A_123] {strides = array<i32>} : memref<10000xi32, #tpu.memory_space<vmem>>, vector<16xi32>,
      %add3A_125 = arith.constant 112 : i32
      %add3A_126 = arith.addi %mul3A_96, %add3A_125 : i32
      %get3A_127 = arith.index_cast %add3A_126 : i32 to index
      %get3A_128 = tpu.vector_load %arg6[%get3A_127] {strides = array<i32>} : memref<10000xi32, #tpu.memory_space<vmem>>, vector<16xi32>,
      %add3A_129 = arith.constant 0 : i32
      %add3A_130 = arith.addi %mul3A_96, %add3A_129 : i32
      %get3A_131 = arith.index_cast %add3A_130 : i32 to index
      %get3A_132 = tpu.vector_load %arg7[%get3A_131] {strides = array<i32>} : memref<10000xi32, #tpu.memory_space<vmem>>, vector<16xi32>,
      %add3A_133 = arith.constant 16 : i32
      %add3A_134 = arith.addi %mul3A_96, %add3A_133 : i32
      %get3A_135 = arith.index_cast %add3A_134 : i32 to index
      %get3A_136 = tpu.vector_load %arg7[%get3A_135] {strides = array<i32>} : memref<10000xi32, #tpu.memory_space<vmem>>, vector<16xi32>,
      %add3A_137 = arith.constant 32 : i32
      %add3A_138 = arith.addi %mul3A_96, %add3A_137 : i32
      %get3A_139 = arith.index_cast %add3A_138 : i32 to index
      %get3A_140 = tpu.vector_load %arg7[%get3A_139] {strides = array<i32>} : memref<10000xi32, #tpu.memory_space<vmem>>, vector<16xi32>,
      %add3A_141 = arith.constant 48 : i32
      %add3A_142 = arith.addi %mul3A_96, %add3A_141 : i32
      %get3A_143 = arith.index_cast %add3A_142 : i32 to index
      %get3A_144 = tpu.vector_load %arg7[%get3A_143] {strides = array<i32>} : memref<10000xi32, #tpu.memory_space<vmem>>, vector<16xi32>,
      %add3A_145 = arith.constant 64 : i32
      %add3A_146 = arith.addi %mul3A_96, %add3A_145 : i32
      %get3A_147 = arith.index_cast %add3A_146 : i32 to index
      %get3A_148 = tpu.vector_load %arg7[%get3A_147] {strides = array<i32>} : memref<10000xi32, #tpu.memory_space<vmem>>, vector<16xi32>,
      %add3A_149 = arith.constant 80 : i32
      %add3A_150 = arith.addi %mul3A_96, %add3A_149 : i32
      %get3A_151 = arith.index_cast %add3A_150 : i32 to index
      %get3A_152 = tpu.vector_load %arg7[%get3A_151] {strides = array<i32>} : memref<10000xi32, #tpu.memory_space<vmem>>, vector<16xi32>,
      %add3A_153 = arith.constant 96 : i32
      %add3A_154 = arith.addi %mul3A_96, %add3A_153 : i32
      %get3A_155 = arith.index_cast %add3A_154 : i32 to index
      %get3A_156 = tpu.vector_load %arg7[%get3A_155] {strides = array<i32>} : memref<10000xi32, #tpu.memory_space<vmem>>, vector<16xi32>,
      %add3A_157 = arith.constant 112 : i32
      %add3A_158 = arith.addi %mul3A_96, %add3A_157 : i32
      %get3A_159 = arith.index_cast %add3A_158 : i32 to index
      %get3A_160 = tpu.vector_load %arg7[%get3A_159] {strides = array<i32>} : memref<10000xi32, #tpu.memory_space<vmem>>, vector<16xi32>,
      %gather3A_161 = tpu.vector_load_idx %arg8[%broadcast_in_dim3A_35, %get3A_100] : memref<2x10000xf32, #tpu.memory_space<vmem>>[vector<16xi32>, vector<16xi32>], vector<16xf32>,
      %gather3A_162 = tpu.vector_load_idx %arg8[%broadcast_in_dim3A_37, %get3A_100] : memref<2x10000xf32, #tpu.memory_space<vmem>>[vector<16xi32>, vector<16xi32>], vector<16xf32>,
      %gather3A_163 = tpu.vector_load_idx %arg8[%broadcast_in_dim3A_35, %get3A_104] : memref<2x10000xf32, #tpu.memory_space<vmem>>[vector<16xi32>, vector<16xi32>], vector<16xf32>,
      %gather3A_164 = tpu.vector_load_idx %arg8[%broadcast_in_dim3A_37, %get3A_104] : memref<2x10000xf32, #tpu.memory_space<vmem>>[vector<16xi32>, vector<16xi32>], vector<16xf32>,
      %gather3A_165 = tpu.vector_load_idx %arg8[%broadcast_in_dim3A_35, %get3A_108] : memref<2x10000xf32, #tpu.memory_space<vmem>>[vector<16xi32>, vector<16xi32>], vector<16xf32>,
      %gather3A_166 = tpu.vector_load_idx %arg8[%broadcast_in_dim3A_37, %get3A_108] : memref<2x10000xf32, #tpu.memory_space<vmem>>[vector<16xi32>, vector<16xi32>], vector<16xf32>,
      %gather3A_167 = tpu.vector_load_idx %arg8[%broadcast_in_dim3A_35, %get3A_112] : memref<2x10000xf32, #tpu.memory_space<vmem>>[vector<16xi32>, vector<16xi32>], vector<16xf32>,
      %gather3A_168 = tpu.vector_load_idx %arg8[%broadcast_in_dim3A_37, %get3A_112] : memref<2x10000xf32, #tpu.memory_space<vmem>>[vector<16xi32>, vector<16xi32>], vector<16xf32>,
      %gather3A_169 = tpu.vector_load_idx %arg8[%broadcast_in_dim3A_35, %get3A_116] : memref<2x10000xf32, #tpu.memory_space<vmem>>[vector<16xi32>, vector<16xi32>], vector<16xf32>,
      %gather3A_170 = tpu.vector_load_idx %arg8[%broadcast_in_dim3A_37, %get3A_116] : memref<2x10000xf32, #tpu.memory_space<vmem>>[vector<16xi32>, vector<16xi32>], vector<16xf32>,
      %gather3A_171 = tpu.vector_load_idx %arg8[%broadcast_in_dim3A_35, %get3A_120] : memref<2x10000xf32, #tpu.memory_space<vmem>>[vector<16xi32>, vector<16xi32>], vector<16xf32>,
      %gather3A_172 = tpu.vector_load_idx %arg8[%broadcast_in_dim3A_37, %get3A_120] : memref<2x10000xf32, #tpu.memory_space<vmem>>[vector<16xi32>, vector<16xi32>], vector<16xf32>,
      %gather3A_173 = tpu.vector_load_idx %arg8[%broadcast_in_dim3A_35, %get3A_124] : memref<2x10000xf32, #tpu.memory_space<vmem>>[vector<16xi32>, vector<16xi32>], vector<16xf32>,
      %gather3A_174 = tpu.vector_load_idx %arg8[%broadcast_in_dim3A_37, %get3A_124] : memref<2x10000xf32, #tpu.memory_space<vmem>>[vector<16xi32>, vector<16xi32>], vector<16xf32>,
      %gather3A_175 = tpu.vector_load_idx %arg8[%broadcast_in_dim3A_35, %get3A_128] : memref<2x10000xf32, #tpu.memory_space<vmem>>[vector<16xi32>, vector<16xi32>], vector<16xf32>,
      %gather3A_176 = tpu.vector_load_idx %arg8[%broadcast_in_dim3A_37, %get3A_128] : memref<2x10000xf32, #tpu.memory_space<vmem>>[vector<16xi32>, vector<16xi32>], vector<16xf32>,
      tpu.vector_store_idx %arg10[%broadcast_in_dim3A_35, %get3A_132], %gather3A_161 {add = true} : memref<2x10752xf32, #tpu.memory_space<vmem>>[vector<16xi32>, vector<16xi32>], vector<16xf32>,
      tpu.vector_store_idx %arg10[%broadcast_in_dim3A_37, %get3A_132], %gather3A_162 {add = true} : memref<2x10752xf32, #tpu.memory_space<vmem>>[vector<16xi32>, vector<16xi32>], vector<16xf32>,
      tpu.vector_store_idx %arg10[%broadcast_in_dim3A_35, %get3A_136], %gather3A_163 {add = true} : memref<2x10752xf32, #tpu.memory_space<vmem>>[vector<16xi32>, vector<16xi32>], vector<16xf32>,
      tpu.vector_store_idx %arg10[%broadcast_in_dim3A_37, %get3A_136], %gather3A_164 {add = true} : memref<2x10752xf32, #tpu.memory_space<vmem>>[vector<16xi32>, vector<16xi32>], vector<16xf32>,
      tpu.vector_store_idx %arg10[%broadcast_in_dim3A_35, %get3A_140], %gather3A_165 {add = true} : memref<2x10752xf32, #tpu.memory_space<vmem>>[vector<16xi32>, vector<16xi32>], vector<16xf32>,
      tpu.vector_store_idx %arg10[%broadcast_in_dim3A_37, %get3A_140], %gather3A_166 {add = true} : memref<2x10752xf32, #tpu.memory_space<vmem>>[vector<16xi32>, vector<16xi32>], vector<16xf32>,
      tpu.vector_store_idx %arg10[%broadcast_in_dim3A_35, %get3A_144], %gather3A_167 {add = true} : memref<2x10752xf32, #tpu.memory_space<vmem>>[vector<16xi32>, vector<16xi32>], vector<16xf32>,
      tpu.vector_store_idx %arg10[%broadcast_in_dim3A_37, %get3A_144], %gather3A_168 {add = true} : memref<2x10752xf32, #tpu.memory_space<vmem>>[vector<16xi32>, vector<16xi32>], vector<16xf32>,
      tpu.vector_store_idx %arg10[%broadcast_in_dim3A_35, %get3A_148], %gather3A_169 {add = true} : memref<2x10752xf32, #tpu.memory_space<vmem>>[vector<16xi32>, vector<16xi32>], vector<16xf32>,
      tpu.vector_store_idx %arg10[%broadcast_in_dim3A_37, %get3A_148], %gather3A_170 {add = true} : memref<2x10752xf32, #tpu.memory_space<vmem>>[vector<16xi32>, vector<16xi32>], vector<16xf32>,
      tpu.vector_store_idx %arg10[%broadcast_in_dim3A_35, %get3A_152], %gather3A_171 {add = true} : memref<2x10752xf32, #tpu.memory_space<vmem>>[vector<16xi32>, vector<16xi32>], vector<16xf32>,
      tpu.vector_store_idx %arg10[%broadcast_in_dim3A_37, %get3A_152], %gather3A_172 {add = true} : memref<2x10752xf32, #tpu.memory_space<vmem>>[vector<16xi32>, vector<16xi32>], vector<16xf32>,
      tpu.vector_store_idx %arg10[%broadcast_in_dim3A_35, %get3A_156], %gather3A_173 {add = true} : memref<2x10752xf32, #tpu.memory_space<vmem>>[vector<16xi32>, vector<16xi32>], vector<16xf32>,
      tpu.vector_store_idx %arg10[%broadcast_in_dim3A_37, %get3A_156], %gather3A_174 {add = true} : memref<2x10752xf32, #tpu.memory_space<vmem>>[vector<16xi32>, vector<16xi32>], vector<16xf32>,
      tpu.vector_store_idx %arg10[%broadcast_in_dim3A_35, %get3A_160], %gather3A_175 {add = true} : memref<2x10752xf32, #tpu.memory_space<vmem>>[vector<16xi32>, vector<16xi32>], vector<16xf32>,
      tpu.vector_store_idx %arg10[%broadcast_in_dim3A_37, %get3A_160], %gather3A_176 {add = true} : memref<2x10752xf32, #tpu.memory_space<vmem>>[vector<16xi32>, vector<16xi32>], vector<16xf32>,
    }
    %scan3A_42 = arith.constant 78 : i32
    %get3A = arith.constant 9984 : index
    %get3A_43 = tpu.vector_load %arg6[%get3A] {strides = array<i32>} : memref<10000xi32, #tpu.memory_space<vmem>>, vector<16xi32>,
    %get3A_44 = arith.constant 9984 : index
    %get3A_45 = tpu.vector_load %arg7[%get3A_44] {strides = array<i32>} : memref<10000xi32, #tpu.memory_space<vmem>>, vector<16xi32>,
    %gather3A = tpu.vector_load_idx %arg8[%broadcast_in_dim3A_35, %get3A_43] : memref<2x10000xf32, #tpu.memory_space<vmem>>[vector<16xi32>, vector<16xi32>], vector<16xf32>,
    tpu.vector_store_idx %arg10[%broadcast_in_dim3A_35, %get3A_45], %gather3A {add = true} : memref<2x10752xf32, #tpu.memory_space<vmem>>[vector<16xi32>, vector<16xi32>], vector<16xf32>,
    %gather3A_46 = tpu.vector_load_idx %arg8[%broadcast_in_dim3A_37, %get3A_43] : memref<2x10000xf32, #tpu.memory_space<vmem>>[vector<16xi32>, vector<16xi32>], vector<16xf32>,
    tpu.vector_store_idx %arg10[%broadcast_in_dim3A_37, %get3A_45], %gather3A_46 {add = true} : memref<2x10752xf32, #tpu.memory_space<vmem>>[vector<16xi32>, vector<16xi32>], vector<16xf32>,
    "tpu.region"() ({
      %run_scoped3A = tpu.sem_alloc : memref<!tpu.dma_semaphore, #tpu.memory_space<semaphore_mem>>
      %dma_start3A_94 = arith.constant 0 : i32
      %dma_start3A_95 = arith.constant 0 : i32
      %dma_start3A_96 = tpu.memref_slice %arg13[%arg1, %dma_start3A_94, %dma_start3A_95] : memref<16x2x10752xf32, #tpu.memory_space<vmem_shared>> -> memref<1x2x10752xf32, #tpu.memory_space<vmem_shared>>
      %dma_start3A_97 = tpu.memref_squeeze %dma_start3A_96 : memref<1x2x10752xf32, #tpu.memory_space<vmem_shared>> -> memref<2x10752xf32, #tpu.memory_space<vmem_shared>>
      %dma_start3A_98 = arith.constant 0 : i32
      %dma_start3A_99 = arith.constant 0 : i32
      %dma_start3A_100 = tpu.memref_slice %arg13[%arg1, %dma_start3A_98, %dma_start3A_99] : memref<16x2x10752xf32, #tpu.memory_space<vmem_shared>> -> memref<1x2x10752xf32, #tpu.memory_space<vmem_shared>>
      %dma_start3A_101 = tpu.memref_squeeze %dma_start3A_100 : memref<1x2x10752xf32, #tpu.memory_space<vmem_shared>> -> memref<2x10752xf32, #tpu.memory_space<vmem_shared>>
      tpu.enqueue_dma source(%arg10 : memref<2x10752xf32, #tpu.memory_space<vmem>>) target(%dma_start3A_101 : memref<2x10752xf32, #tpu.memory_space<vmem_shared>>) target_semaphore(%run_scoped3A : memref<!tpu.dma_semaphore, #tpu.memory_space<semaphore_mem>>)
      %dma_wait3A_102 = arith.constant 0 : i32
      %dma_wait3A_103 = arith.constant 0 : i32
      %dma_wait3A_104 = tpu.memref_slice %arg13[%arg1, %dma_wait3A_102, %dma_wait3A_103] : memref<16x2x10752xf32, #tpu.memory_space<vmem_shared>> -> memref<1x2x10752xf32, #tpu.memory_space<vmem_shared>>
      %dma_wait3A_105 = tpu.memref_squeeze %dma_wait3A_104 : memref<1x2x10752xf32, #tpu.memory_space<vmem_shared>> -> memref<2x10752xf32, #tpu.memory_space<vmem_shared>>
      %dma_wait3A_106 = arith.constant 0 : i32
      %dma_wait3A_107 = arith.constant 0 : i32
      %dma_wait3A_108 = tpu.memref_slice %arg13[%arg1, %dma_wait3A_106, %dma_wait3A_107] : memref<16x2x10752xf32, #tpu.memory_space<vmem_shared>> -> memref<1x2x10752xf32, #tpu.memory_space<vmem_shared>>
      %dma_wait3A_109 = tpu.memref_squeeze %dma_wait3A_108 : memref<1x2x10752xf32, #tpu.memory_space<vmem_shared>> -> memref<2x10752xf32, #tpu.memory_space<vmem_shared>>
      tpu.wait_dma2 semaphore(%run_scoped3A : memref<!tpu.dma_semaphore, #tpu.memory_space<semaphore_mem>>) src(%arg10 : memref<2x10752xf32, #tpu.memory_space<vmem>>) dst(%dma_wait3A_109 : memref<2x10752xf32, #tpu.memory_space<vmem_shared>>)
      tpu.yield
    }) : () -> ()
    %dma_start3A_47 = arith.constant 2 : i32
    %dma_start3A_48 = arith.constant 0 : i32
    %dma_start3A_49 = tpu.memref_slice %arg2[%dma_start3A_47, %dma_start3A_48] : memref<4x10000xf32, #tpu.memory_space<hbm>> -> memref<2x10000xf32, #tpu.memory_space<hbm>>
    %dma_start3A_50 = arith.constant 2 : i32
    %dma_start3A_51 = arith.constant 0 : i32
    %dma_start3A_52 = tpu.memref_slice %arg2[%dma_start3A_50, %dma_start3A_51] : memref<4x10000xf32, #tpu.memory_space<hbm>> -> memref<2x10000xf32, #tpu.memory_space<hbm>>
    tpu.enqueue_dma source(%dma_start3A_52 : memref<2x10000xf32, #tpu.memory_space<hbm>>) target(%arg9 : memref<2x10000xf32, #tpu.memory_space<vmem>>) target_semaphore(%arg16 : memref<!tpu.dma_semaphore, #tpu.memory_space<semaphore_mem>>)
    tpu.enqueue_dma source(%arg4 : memref<2x10752xf32, #tpu.memory_space<hbm>>) target(%arg10 : memref<2x10752xf32, #tpu.memory_space<vmem>>) target_semaphore(%arg17 : memref<!tpu.dma_semaphore, #tpu.memory_space<semaphore_mem>>)
    %barrier3A = arith.constant 0 : index
    tpu.barrier barrier_id(%barrier3A)
    %mul3A_53 = arith.constant 672 : i32
    %mul3A_54 = arith.muli %arg1, %mul3A_53 : i32
    "tpu.region"() ({
      %run_scoped3A = tpu.sem_alloc : memref<!tpu.dma_semaphore, #tpu.memory_space<semaphore_mem>>
      %dma_start3A_94 = arith.constant 0 : i32
      %dma_start3A_95 = arith.constant 0 : i32
      %dma_start3A_96 = tpu.memref_slice %arg13[%dma_start3A_94, %dma_start3A_95, %mul3A_54] : memref<16x2x10752xf32, #tpu.memory_space<vmem_shared>> -> memref<16x2x672xf32, #tpu.memory_space<vmem_shared>>
      %dma_start3A_97 = arith.constant 0 : i32
      %dma_start3A_98 = arith.constant 0 : i32
      %dma_start3A_99 = tpu.memref_slice %arg13[%dma_start3A_97, %dma_start3A_98, %mul3A_54] : memref<16x2x10752xf32, #tpu.memory_space<vmem_shared>> -> memref<16x2x672xf32, #tpu.memory_space<vmem_shared>>
      tpu.enqueue_dma source(%dma_start3A_99 : memref<16x2x672xf32, #tpu.memory_space<vmem_shared>>) target(%arg11 : memref<16x2x672xf32, #tpu.memory_space<vmem>>) target_semaphore(%run_scoped3A : memref<!tpu.dma_semaphore, #tpu.memory_space<semaphore_mem>>)
      %dma_wait3A_100 = arith.constant 0 : i32
      %dma_wait3A_101 = arith.constant 0 : i32
      %dma_wait3A_102 = tpu.memref_slice %arg13[%dma_wait3A_100, %dma_wait3A_101, %mul3A_54] : memref<16x2x10752xf32, #tpu.memory_space<vmem_shared>> -> memref<16x2x672xf32, #tpu.memory_space<vmem_shared>>
      %dma_wait3A_103 = arith.constant 0 : i32
      %dma_wait3A_104 = arith.constant 0 : i32
      %dma_wait3A_105 = tpu.memref_slice %arg13[%dma_wait3A_103, %dma_wait3A_104, %mul3A_54] : memref<16x2x10752xf32, #tpu.memory_space<vmem_shared>> -> memref<16x2x672xf32, #tpu.memory_space<vmem_shared>>
      tpu.wait_dma2 semaphore(%run_scoped3A : memref<!tpu.dma_semaphore, #tpu.memory_space<semaphore_mem>>) src(%dma_wait3A_105 : memref<16x2x672xf32, #tpu.memory_space<vmem_shared>>) dst(%arg11 : memref<16x2x672xf32, #tpu.memory_space<vmem>>)
      tpu.yield
    }) : () -> ()
    %scan3A_55 = arith.constant 0 : i32
    %scan3A_56 = arith.constant 0 : i32
    %scan3A_57 = arith.constant 42 : i32
    %scan3A_58 = arith.addi %scan3A_56, %scan3A_57 : i32
    %scan3A_59 = arith.constant 1 : i32
    scf.for %scan3A_94 = %scan3A_56 to %scan3A_58 step %scan3A_59  : i32 {
      %mul3A_95 = arith.constant 16 : i32
      %mul3A_96 = arith.muli %scan3A_94, %mul3A_95 : i32
      %get3A_97 = arith.constant 0 : i32
      %get3A_98 = arith.constant 0 : i32
      %get3A_99 = arith.index_cast %get3A_97 : i32 to index
      %get3A_100 = arith.index_cast %get3A_98 : i32 to index
      %get3A_101 = arith.index_cast %mul3A_96 : i32 to index
      %get3A_102 = tpu.vector_load %arg11[%get3A_99, %get3A_100, %get3A_101] {strides = array<i32>} : memref<16x2x672xf32, #tpu.memory_space<vmem>>, vector<16xf32>,
      %mul3A_103 = arith.constant 16 : i32
      %mul3A_104 = arith.muli %scan3A_94, %mul3A_103 : i32
      %get3A_105 = arith.constant 1 : i32
      %get3A_106 = arith.constant 0 : i32
      %get3A_107 = arith.index_cast %get3A_105 : i32 to index
      %get3A_108 = arith.index_cast %get3A_106 : i32 to index
      %get3A_109 = arith.index_cast %mul3A_104 : i32 to index
      %get3A_110 = tpu.vector_load %arg11[%get3A_107, %get3A_108, %get3A_109] {strides = array<i32>} : memref<16x2x672xf32, #tpu.memory_space<vmem>>, vector<16xf32>,
      %add3A_111 = arith.addf %get3A_102, %get3A_110 : vector<16xf32>
      %mul3A_112 = arith.constant 16 : i32
      %mul3A_113 = arith.muli %scan3A_94, %mul3A_112 : i32
      %get3A_114 = arith.constant 2 : i32
      %get3A_115 = arith.constant 0 : i32
      %get3A_116 = arith.index_cast %get3A_114 : i32 to index
      %get3A_117 = arith.index_cast %get3A_115 : i32 to index
      %get3A_118 = arith.index_cast %mul3A_113 : i32 to index
      %get3A_119 = tpu.vector_load %arg11[%get3A_116, %get3A_117, %get3A_118] {strides = array<i32>} : memref<16x2x672xf32, #tpu.memory_space<vmem>>, vector<16xf32>,
      %add3A_120 = arith.addf %add3A_111, %get3A_119 : vector<16xf32>
      %mul3A_121 = arith.constant 16 : i32
      %mul3A_122 = arith.muli %scan3A_94, %mul3A_121 : i32
      %get3A_123 = arith.constant 3 : i32
      %get3A_124 = arith.constant 0 : i32
      %get3A_125 = arith.index_cast %get3A_123 : i32 to index
      %get3A_126 = arith.index_cast %get3A_124 : i32 to index
      %get3A_127 = arith.index_cast %mul3A_122 : i32 to index
      %get3A_128 = tpu.vector_load %arg11[%get3A_125, %get3A_126, %get3A_127] {strides = array<i32>} : memref<16x2x672xf32, #tpu.memory_space<vmem>>, vector<16xf32>,
      %add3A_129 = arith.addf %add3A_120, %get3A_128 : vector<16xf32>
      %mul3A_130 = arith.constant 16 : i32
      %mul3A_131 = arith.muli %scan3A_94, %mul3A_130 : i32
      %get3A_132 = arith.constant 4 : i32
      %get3A_133 = arith.constant 0 : i32
      %get3A_134 = arith.index_cast %get3A_132 : i32 to index
      %get3A_135 = arith.index_cast %get3A_133 : i32 to index
      %get3A_136 = arith.index_cast %mul3A_131 : i32 to index
      %get3A_137 = tpu.vector_load %arg11[%get3A_134, %get3A_135, %get3A_136] {strides = array<i32>} : memref<16x2x672xf32, #tpu.memory_space<vmem>>, vector<16xf32>,
      %add3A_138 = arith.addf %add3A_129, %get3A_137 : vector<16xf32>
      %mul3A_139 = arith.constant 16 : i32
      %mul3A_140 = arith.muli %scan3A_94, %mul3A_139 : i32
      %get3A_141 = arith.constant 5 : i32
      %get3A_142 = arith.constant 0 : i32
      %get3A_143 = arith.index_cast %get3A_141 : i32 to index
      %get3A_144 = arith.index_cast %get3A_142 : i32 to index
      %get3A_145 = arith.index_cast %mul3A_140 : i32 to index
      %get3A_146 = tpu.vector_load %arg11[%get3A_143, %get3A_144, %get3A_145] {strides = array<i32>} : memref<16x2x672xf32, #tpu.memory_space<vmem>>, vector<16xf32>,
      %add3A_147 = arith.addf %add3A_138, %get3A_146 : vector<16xf32>
      %mul3A_148 = arith.constant 16 : i32
      %mul3A_149 = arith.muli %scan3A_94, %mul3A_148 : i32
      %get3A_150 = arith.constant 6 : i32
      %get3A_151 = arith.constant 0 : i32
      %get3A_152 = arith.index_cast %get3A_150 : i32 to index
      %get3A_153 = arith.index_cast %get3A_151 : i32 to index
      %get3A_154 = arith.index_cast %mul3A_149 : i32 to index
      %get3A_155 = tpu.vector_load %arg11[%get3A_152, %get3A_153, %get3A_154] {strides = array<i32>} : memref<16x2x672xf32, #tpu.memory_space<vmem>>, vector<16xf32>,
      %add3A_156 = arith.addf %add3A_147, %get3A_155 : vector<16xf32>
      %mul3A_157 = arith.constant 16 : i32
      %mul3A_158 = arith.muli %scan3A_94, %mul3A_157 : i32
      %get3A_159 = arith.constant 7 : i32
      %get3A_160 = arith.constant 0 : i32
      %get3A_161 = arith.index_cast %get3A_159 : i32 to index
      %get3A_162 = arith.index_cast %get3A_160 : i32 to index
      %get3A_163 = arith.index_cast %mul3A_158 : i32 to index
      %get3A_164 = tpu.vector_load %arg11[%get3A_161, %get3A_162, %get3A_163] {strides = array<i32>} : memref<16x2x672xf32, #tpu.memory_space<vmem>>, vector<16xf32>,
      %add3A_165 = arith.addf %add3A_156, %get3A_164 : vector<16xf32>
      %mul3A_166 = arith.constant 16 : i32
      %mul3A_167 = arith.muli %scan3A_94, %mul3A_166 : i32
      %get3A_168 = arith.constant 8 : i32
      %get3A_169 = arith.constant 0 : i32
      %get3A_170 = arith.index_cast %get3A_168 : i32 to index
      %get3A_171 = arith.index_cast %get3A_169 : i32 to index
      %get3A_172 = arith.index_cast %mul3A_167 : i32 to index
      %get3A_173 = tpu.vector_load %arg11[%get3A_170, %get3A_171, %get3A_172] {strides = array<i32>} : memref<16x2x672xf32, #tpu.memory_space<vmem>>, vector<16xf32>,
      %add3A_174 = arith.addf %add3A_165, %get3A_173 : vector<16xf32>
      %mul3A_175 = arith.constant 16 : i32
      %mul3A_176 = arith.muli %scan3A_94, %mul3A_175 : i32
      %get3A_177 = arith.constant 9 : i32
      %get3A_178 = arith.constant 0 : i32
      %get3A_179 = arith.index_cast %get3A_177 : i32 to index
      %get3A_180 = arith.index_cast %get3A_178 : i32 to index
      %get3A_181 = arith.index_cast %mul3A_176 : i32 to index
      %get3A_182 = tpu.vector_load %arg11[%get3A_179, %get3A_180, %get3A_181] {strides = array<i32>} : memref<16x2x672xf32, #tpu.memory_space<vmem>>, vector<16xf32>,
      %add3A_183 = arith.addf %add3A_174, %get3A_182 : vector<16xf32>
      %mul3A_184 = arith.constant 16 : i32
      %mul3A_185 = arith.muli %scan3A_94, %mul3A_184 : i32
      %get3A_186 = arith.constant 10 : i32
      %get3A_187 = arith.constant 0 : i32
      %get3A_188 = arith.index_cast %get3A_186 : i32 to index
      %get3A_189 = arith.index_cast %get3A_187 : i32 to index
      %get3A_190 = arith.index_cast %mul3A_185 : i32 to index
      %get3A_191 = tpu.vector_load %arg11[%get3A_188, %get3A_189, %get3A_190] {strides = array<i32>} : memref<16x2x672xf32, #tpu.memory_space<vmem>>, vector<16xf32>,
      %add3A_192 = arith.addf %add3A_183, %get3A_191 : vector<16xf32>
      %mul3A_193 = arith.constant 16 : i32
      %mul3A_194 = arith.muli %scan3A_94, %mul3A_193 : i32
      %get3A_195 = arith.constant 11 : i32
      %get3A_196 = arith.constant 0 : i32
      %get3A_197 = arith.index_cast %get3A_195 : i32 to index
      %get3A_198 = arith.index_cast %get3A_196 : i32 to index
      %get3A_199 = arith.index_cast %mul3A_194 : i32 to index
      %get3A_200 = tpu.vector_load %arg11[%get3A_197, %get3A_198, %get3A_199] {strides = array<i32>} : memref<16x2x672xf32, #tpu.memory_space<vmem>>, vector<16xf32>,
      %add3A_201 = arith.addf %add3A_192, %get3A_200 : vector<16xf32>
      %mul3A_202 = arith.constant 16 : i32
      %mul3A_203 = arith.muli %scan3A_94, %mul3A_202 : i32
      %get3A_204 = arith.constant 12 : i32
      %get3A_205 = arith.constant 0 : i32
      %get3A_206 = arith.index_cast %get3A_204 : i32 to index
      %get3A_207 = arith.index_cast %get3A_205 : i32 to index
      %get3A_208 = arith.index_cast %mul3A_203 : i32 to index
      %get3A_209 = tpu.vector_load %arg11[%get3A_206, %get3A_207, %get3A_208] {strides = array<i32>} : memref<16x2x672xf32, #tpu.memory_space<vmem>>, vector<16xf32>,
      %add3A_210 = arith.addf %add3A_201, %get3A_209 : vector<16xf32>
      %mul3A_211 = arith.constant 16 : i32
      %mul3A_212 = arith.muli %scan3A_94, %mul3A_211 : i32
      %get3A_213 = arith.constant 13 : i32
      %get3A_214 = arith.constant 0 : i32
      %get3A_215 = arith.index_cast %get3A_213 : i32 to index
      %get3A_216 = arith.index_cast %get3A_214 : i32 to index
      %get3A_217 = arith.index_cast %mul3A_212 : i32 to index
      %get3A_218 = tpu.vector_load %arg11[%get3A_215, %get3A_216, %get3A_217] {strides = array<i32>} : memref<16x2x672xf32, #tpu.memory_space<vmem>>, vector<16xf32>,
      %add3A_219 = arith.addf %add3A_210, %get3A_218 : vector<16xf32>
      %mul3A_220 = arith.constant 16 : i32
      %mul3A_221 = arith.muli %scan3A_94, %mul3A_220 : i32
      %get3A_222 = arith.constant 14 : i32
      %get3A_223 = arith.constant 0 : i32
      %get3A_224 = arith.index_cast %get3A_222 : i32 to index
      %get3A_225 = arith.index_cast %get3A_223 : i32 to index
      %get3A_226 = arith.index_cast %mul3A_221 : i32 to index
      %get3A_227 = tpu.vector_load %arg11[%get3A_224, %get3A_225, %get3A_226] {strides = array<i32>} : memref<16x2x672xf32, #tpu.memory_space<vmem>>, vector<16xf32>,
      %add3A_228 = arith.addf %add3A_219, %get3A_227 : vector<16xf32>
      %mul3A_229 = arith.constant 16 : i32
      %mul3A_230 = arith.muli %scan3A_94, %mul3A_229 : i32
      %get3A_231 = arith.constant 15 : i32
      %get3A_232 = arith.constant 0 : i32
      %get3A_233 = arith.index_cast %get3A_231 : i32 to index
      %get3A_234 = arith.index_cast %get3A_232 : i32 to index
      %get3A_235 = arith.index_cast %mul3A_230 : i32 to index
      %get3A_236 = tpu.vector_load %arg11[%get3A_233, %get3A_234, %get3A_235] {strides = array<i32>} : memref<16x2x672xf32, #tpu.memory_space<vmem>>, vector<16xf32>,
      %add3A_237 = arith.addf %add3A_228, %get3A_236 : vector<16xf32>
      %mul3A_238 = arith.constant 16 : i32
      %mul3A_239 = arith.muli %scan3A_94, %mul3A_238 : i32
      %swap3A = arith.constant 0 : i32
      %swap3A_240 = arith.index_cast %swap3A : i32 to index
      %swap3A_241 = arith.index_cast %mul3A_239 : i32 to index
      %swap3A_242 = tpu.vector_load %arg12[%swap3A_240, %swap3A_241] {strides = array<i32>} : memref<2x672xf32, #tpu.memory_space<vmem>>, vector<16xf32>,
      tpu.vector_store %arg12[%swap3A_240, %swap3A_241], %add3A_237 {strides = array<i32>} : memref<2x672xf32, #tpu.memory_space<vmem>>, vector<16xf32>,
      %mul3A_243 = arith.constant 16 : i32
      %mul3A_244 = arith.muli %scan3A_94, %mul3A_243 : i32
      %get3A_245 = arith.constant 0 : i32
      %get3A_246 = arith.constant 1 : i32
      %get3A_247 = arith.index_cast %get3A_245 : i32 to index
      %get3A_248 = arith.index_cast %get3A_246 : i32 to index
      %get3A_249 = arith.index_cast %mul3A_244 : i32 to index
      %get3A_250 = tpu.vector_load %arg11[%get3A_247, %get3A_248, %get3A_249] {strides = array<i32>} : memref<16x2x672xf32, #tpu.memory_space<vmem>>, vector<16xf32>,
      %mul3A_251 = arith.constant 16 : i32
      %mul3A_252 = arith.muli %scan3A_94, %mul3A_251 : i32
      %get3A_253 = arith.constant 1 : i32
      %get3A_254 = arith.constant 1 : i32
      %get3A_255 = arith.index_cast %get3A_253 : i32 to index
      %get3A_256 = arith.index_cast %get3A_254 : i32 to index
      %get3A_257 = arith.index_cast %mul3A_252 : i32 to index
      %get3A_258 = tpu.vector_load %arg11[%get3A_255, %get3A_256, %get3A_257] {strides = array<i32>} : memref<16x2x672xf32, #tpu.memory_space<vmem>>, vector<16xf32>,
      %add3A_259 = arith.addf %get3A_250, %get3A_258 : vector<16xf32>
      %mul3A_260 = arith.constant 16 : i32
      %mul3A_261 = arith.muli %scan3A_94, %mul3A_260 : i32
      %get3A_262 = arith.constant 2 : i32
      %get3A_263 = arith.constant 1 : i32
      %get3A_264 = arith.index_cast %get3A_262 : i32 to index
      %get3A_265 = arith.index_cast %get3A_263 : i32 to index
      %get3A_266 = arith.index_cast %mul3A_261 : i32 to index
      %get3A_267 = tpu.vector_load %arg11[%get3A_264, %get3A_265, %get3A_266] {strides = array<i32>} : memref<16x2x672xf32, #tpu.memory_space<vmem>>, vector<16xf32>,
      %add3A_268 = arith.addf %add3A_259, %get3A_267 : vector<16xf32>
      %mul3A_269 = arith.constant 16 : i32
      %mul3A_270 = arith.muli %scan3A_94, %mul3A_269 : i32
      %get3A_271 = arith.constant 3 : i32
      %get3A_272 = arith.constant 1 : i32
      %get3A_273 = arith.index_cast %get3A_271 : i32 to index
      %get3A_274 = arith.index_cast %get3A_272 : i32 to index
      %get3A_275 = arith.index_cast %mul3A_270 : i32 to index
      %get3A_276 = tpu.vector_load %arg11[%get3A_273, %get3A_274, %get3A_275] {strides = array<i32>} : memref<16x2x672xf32, #tpu.memory_space<vmem>>, vector<16xf32>,
      %add3A_277 = arith.addf %add3A_268, %get3A_276 : vector<16xf32>
      %mul3A_278 = arith.constant 16 : i32
      %mul3A_279 = arith.muli %scan3A_94, %mul3A_278 : i32
      %get3A_280 = arith.constant 4 : i32
      %get3A_281 = arith.constant 1 : i32
      %get3A_282 = arith.index_cast %get3A_280 : i32 to index
      %get3A_283 = arith.index_cast %get3A_281 : i32 to index
      %get3A_284 = arith.index_cast %mul3A_279 : i32 to index
      %get3A_285 = tpu.vector_load %arg11[%get3A_282, %get3A_283, %get3A_284] {strides = array<i32>} : memref<16x2x672xf32, #tpu.memory_space<vmem>>, vector<16xf32>,
      %add3A_286 = arith.addf %add3A_277, %get3A_285 : vector<16xf32>
      %mul3A_287 = arith.constant 16 : i32
      %mul3A_288 = arith.muli %scan3A_94, %mul3A_287 : i32
      %get3A_289 = arith.constant 5 : i32
      %get3A_290 = arith.constant 1 : i32
      %get3A_291 = arith.index_cast %get3A_289 : i32 to index
      %get3A_292 = arith.index_cast %get3A_290 : i32 to index
      %get3A_293 = arith.index_cast %mul3A_288 : i32 to index
      %get3A_294 = tpu.vector_load %arg11[%get3A_291, %get3A_292, %get3A_293] {strides = array<i32>} : memref<16x2x672xf32, #tpu.memory_space<vmem>>, vector<16xf32>,
      %add3A_295 = arith.addf %add3A_286, %get3A_294 : vector<16xf32>
      %mul3A_296 = arith.constant 16 : i32
      %mul3A_297 = arith.muli %scan3A_94, %mul3A_296 : i32
      %get3A_298 = arith.constant 6 : i32
      %get3A_299 = arith.constant 1 : i32
      %get3A_300 = arith.index_cast %get3A_298 : i32 to index
      %get3A_301 = arith.index_cast %get3A_299 : i32 to index
      %get3A_302 = arith.index_cast %mul3A_297 : i32 to index
      %get3A_303 = tpu.vector_load %arg11[%get3A_300, %get3A_301, %get3A_302] {strides = array<i32>} : memref<16x2x672xf32, #tpu.memory_space<vmem>>, vector<16xf32>,
      %add3A_304 = arith.addf %add3A_295, %get3A_303 : vector<16xf32>
      %mul3A_305 = arith.constant 16 : i32
      %mul3A_306 = arith.muli %scan3A_94, %mul3A_305 : i32
      %get3A_307 = arith.constant 7 : i32
      %get3A_308 = arith.constant 1 : i32
      %get3A_309 = arith.index_cast %get3A_307 : i32 to index
      %get3A_310 = arith.index_cast %get3A_308 : i32 to index
      %get3A_311 = arith.index_cast %mul3A_306 : i32 to index
      %get3A_312 = tpu.vector_load %arg11[%get3A_309, %get3A_310, %get3A_311] {strides = array<i32>} : memref<16x2x672xf32, #tpu.memory_space<vmem>>, vector<16xf32>,
      %add3A_313 = arith.addf %add3A_304, %get3A_312 : vector<16xf32>
      %mul3A_314 = arith.constant 16 : i32
      %mul3A_315 = arith.muli %scan3A_94, %mul3A_314 : i32
      %get3A_316 = arith.constant 8 : i32
      %get3A_317 = arith.constant 1 : i32
      %get3A_318 = arith.index_cast %get3A_316 : i32 to index
      %get3A_319 = arith.index_cast %get3A_317 : i32 to index
      %get3A_320 = arith.index_cast %mul3A_315 : i32 to index
      %get3A_321 = tpu.vector_load %arg11[%get3A_318, %get3A_319, %get3A_320] {strides = array<i32>} : memref<16x2x672xf32, #tpu.memory_space<vmem>>, vector<16xf32>,
      %add3A_322 = arith.addf %add3A_313, %get3A_321 : vector<16xf32>
      %mul3A_323 = arith.constant 16 : i32
      %mul3A_324 = arith.muli %scan3A_94, %mul3A_323 : i32
      %get3A_325 = arith.constant 9 : i32
      %get3A_326 = arith.constant 1 : i32
      %get3A_327 = arith.index_cast %get3A_325 : i32 to index
      %get3A_328 = arith.index_cast %get3A_326 : i32 to index
      %get3A_329 = arith.index_cast %mul3A_324 : i32 to index
      %get3A_330 = tpu.vector_load %arg11[%get3A_327, %get3A_328, %get3A_329] {strides = array<i32>} : memref<16x2x672xf32, #tpu.memory_space<vmem>>, vector<16xf32>,
      %add3A_331 = arith.addf %add3A_322, %get3A_330 : vector<16xf32>
      %mul3A_332 = arith.constant 16 : i32
      %mul3A_333 = arith.muli %scan3A_94, %mul3A_332 : i32
      %get3A_334 = arith.constant 10 : i32
      %get3A_335 = arith.constant 1 : i32
      %get3A_336 = arith.index_cast %get3A_334 : i32 to index
      %get3A_337 = arith.index_cast %get3A_335 : i32 to index
      %get3A_338 = arith.index_cast %mul3A_333 : i32 to index
      %get3A_339 = tpu.vector_load %arg11[%get3A_336, %get3A_337, %get3A_338] {strides = array<i32>} : memref<16x2x672xf32, #tpu.memory_space<vmem>>, vector<16xf32>,
      %add3A_340 = arith.addf %add3A_331, %get3A_339 : vector<16xf32>
      %mul3A_341 = arith.constant 16 : i32
      %mul3A_342 = arith.muli %scan3A_94, %mul3A_341 : i32
      %get3A_343 = arith.constant 11 : i32
      %get3A_344 = arith.constant 1 : i32
      %get3A_345 = arith.index_cast %get3A_343 : i32 to index
      %get3A_346 = arith.index_cast %get3A_344 : i32 to index
      %get3A_347 = arith.index_cast %mul3A_342 : i32 to index
      %get3A_348 = tpu.vector_load %arg11[%get3A_345, %get3A_346, %get3A_347] {strides = array<i32>} : memref<16x2x672xf32, #tpu.memory_space<vmem>>, vector<16xf32>,
      %add3A_349 = arith.addf %add3A_340, %get3A_348 : vector<16xf32>
      %mul3A_350 = arith.constant 16 : i32
      %mul3A_351 = arith.muli %scan3A_94, %mul3A_350 : i32
      %get3A_352 = arith.constant 12 : i32
      %get3A_353 = arith.constant 1 : i32
      %get3A_354 = arith.index_cast %get3A_352 : i32 to index
      %get3A_355 = arith.index_cast %get3A_353 : i32 to index
      %get3A_356 = arith.index_cast %mul3A_351 : i32 to index
      %get3A_357 = tpu.vector_load %arg11[%get3A_354, %get3A_355, %get3A_356] {strides = array<i32>} : memref<16x2x672xf32, #tpu.memory_space<vmem>>, vector<16xf32>,
      %add3A_358 = arith.addf %add3A_349, %get3A_357 : vector<16xf32>
      %mul3A_359 = arith.constant 16 : i32
      %mul3A_360 = arith.muli %scan3A_94, %mul3A_359 : i32
      %get3A_361 = arith.constant 13 : i32
      %get3A_362 = arith.constant 1 : i32
      %get3A_363 = arith.index_cast %get3A_361 : i32 to index
      %get3A_364 = arith.index_cast %get3A_362 : i32 to index
      %get3A_365 = arith.index_cast %mul3A_360 : i32 to index
      %get3A_366 = tpu.vector_load %arg11[%get3A_363, %get3A_364, %get3A_365] {strides = array<i32>} : memref<16x2x672xf32, #tpu.memory_space<vmem>>, vector<16xf32>,
      %add3A_367 = arith.addf %add3A_358, %get3A_366 : vector<16xf32>
      %mul3A_368 = arith.constant 16 : i32
      %mul3A_369 = arith.muli %scan3A_94, %mul3A_368 : i32
      %get3A_370 = arith.constant 14 : i32
      %get3A_371 = arith.constant 1 : i32
      %get3A_372 = arith.index_cast %get3A_370 : i32 to index
      %get3A_373 = arith.index_cast %get3A_371 : i32 to index
      %get3A_374 = arith.index_cast %mul3A_369 : i32 to index
      %get3A_375 = tpu.vector_load %arg11[%get3A_372, %get3A_373, %get3A_374] {strides = array<i32>} : memref<16x2x672xf32, #tpu.memory_space<vmem>>, vector<16xf32>,
      %add3A_376 = arith.addf %add3A_367, %get3A_375 : vector<16xf32>
      %mul3A_377 = arith.constant 16 : i32
      %mul3A_378 = arith.muli %scan3A_94, %mul3A_377 : i32
      %get3A_379 = arith.constant 15 : i32
      %get3A_380 = arith.constant 1 : i32
      %get3A_381 = arith.index_cast %get3A_379 : i32 to index
      %get3A_382 = arith.index_cast %get3A_380 : i32 to index
      %get3A_383 = arith.index_cast %mul3A_378 : i32 to index
      %get3A_384 = tpu.vector_load %arg11[%get3A_381, %get3A_382, %get3A_383] {strides = array<i32>} : memref<16x2x672xf32, #tpu.memory_space<vmem>>, vector<16xf32>,
      %add3A_385 = arith.addf %add3A_376, %get3A_384 : vector<16xf32>
      %mul3A_386 = arith.constant 16 : i32
      %mul3A_387 = arith.muli %scan3A_94, %mul3A_386 : i32
      %swap3A_388 = arith.constant 1 : i32
      %swap3A_389 = arith.index_cast %swap3A_388 : i32 to index
      %swap3A_390 = arith.index_cast %mul3A_387 : i32 to index
      %swap3A_391 = tpu.vector_load %arg12[%swap3A_389, %swap3A_390] {strides = array<i32>} : memref<2x672xf32, #tpu.memory_space<vmem>>, vector<16xf32>,
      tpu.vector_store %arg12[%swap3A_389, %swap3A_390], %add3A_385 {strides = array<i32>} : memref<2x672xf32, #tpu.memory_space<vmem>>, vector<16xf32>,
    }
    %scan3A_60 = arith.constant 42 : i32
    %mul3A_61 = arith.constant 672 : i32
    %mul3A_62 = arith.muli %arg1, %mul3A_61 : i32
    "tpu.region"() ({
      %run_scoped3A = tpu.sem_alloc : memref<!tpu.dma_semaphore, #tpu.memory_space<semaphore_mem>>
      %dma_start3A_94 = arith.constant 0 : i32
      %dma_start3A_95 = tpu.memref_slice %arg5[%arg0, %dma_start3A_94, %mul3A_62] : memref<2x4x10752xf32, #tpu.memory_space<hbm>> -> memref<1x2x672xf32, #tpu.memory_space<hbm>>
      %dma_start3A_96 = tpu.memref_squeeze %dma_start3A_95 : memref<1x2x672xf32, #tpu.memory_space<hbm>> -> memref<2x672xf32, #tpu.memory_space<hbm>>
      %dma_start3A_97 = arith.constant 0 : i32
      %dma_start3A_98 = tpu.memref_slice %arg5[%arg0, %dma_start3A_97, %mul3A_62] : memref<2x4x10752xf32, #tpu.memory_space<hbm>> -> memref<1x2x672xf32, #tpu.memory_space<hbm>>
      %dma_start3A_99 = tpu.memref_squeeze %dma_start3A_98 : memref<1x2x672xf32, #tpu.memory_space<hbm>> -> memref<2x672xf32, #tpu.memory_space<hbm>>
      tpu.enqueue_dma source(%arg12 : memref<2x672xf32, #tpu.memory_space<vmem>>) target(%dma_start3A_99 : memref<2x672xf32, #tpu.memory_space<hbm>>) target_semaphore(%run_scoped3A : memref<!tpu.dma_semaphore, #tpu.memory_space<semaphore_mem>>)
      %dma_wait3A_100 = arith.constant 0 : i32
      %dma_wait3A_101 = tpu.memref_slice %arg5[%arg0, %dma_wait3A_100, %mul3A_62] : memref<2x4x10752xf32, #tpu.memory_space<hbm>> -> memref<1x2x672xf32, #tpu.memory_space<hbm>>
      %dma_wait3A_102 = tpu.memref_squeeze %dma_wait3A_101 : memref<1x2x672xf32, #tpu.memory_space<hbm>> -> memref<2x672xf32, #tpu.memory_space<hbm>>
      %dma_wait3A_103 = arith.constant 0 : i32
      %dma_wait3A_104 = tpu.memref_slice %arg5[%arg0, %dma_wait3A_103, %mul3A_62] : memref<2x4x10752xf32, #tpu.memory_space<hbm>> -> memref<1x2x672xf32, #tpu.memory_space<hbm>>
      %dma_wait3A_105 = tpu.memref_squeeze %dma_wait3A_104 : memref<1x2x672xf32, #tpu.memory_space<hbm>> -> memref<2x672xf32, #tpu.memory_space<hbm>>
      tpu.wait_dma2 semaphore(%run_scoped3A : memref<!tpu.dma_semaphore, #tpu.memory_space<semaphore_mem>>) src(%arg12 : memref<2x672xf32, #tpu.memory_space<vmem>>) dst(%dma_wait3A_105 : memref<2x672xf32, #tpu.memory_space<hbm>>)
      tpu.yield
    }) : () -> ()
    %dma_wait3A_63 = arith.constant 2 : i32
    %dma_wait3A_64 = arith.constant 0 : i32
    %dma_wait3A_65 = tpu.memref_slice %arg2[%dma_wait3A_63, %dma_wait3A_64] : memref<4x10000xf32, #tpu.memory_space<hbm>> -> memref<2x10000xf32, #tpu.memory_space<hbm>>
    %dma_wait3A_66 = arith.constant 2 : i32
    %dma_wait3A_67 = arith.constant 0 : i32
    %dma_wait3A_68 = tpu.memref_slice %arg2[%dma_wait3A_66, %dma_wait3A_67] : memref<4x10000xf32, #tpu.memory_space<hbm>> -> memref<2x10000xf32, #tpu.memory_space<hbm>>
    tpu.wait_dma2 semaphore(%arg16 : memref<!tpu.dma_semaphore, #tpu.memory_space<semaphore_mem>>) src(%dma_wait3A_68 : memref<2x10000xf32, #tpu.memory_space<hbm>>) dst(%arg9 : memref<2x10000xf32, #tpu.memory_space<vmem>>)
    tpu.wait_dma2 semaphore(%arg17 : memref<!tpu.dma_semaphore, #tpu.memory_space<semaphore_mem>>) src(%arg4 : memref<2x10752xf32, #tpu.memory_space<hbm>>) dst(%arg10 : memref<2x10752xf32, #tpu.memory_space<vmem>>)
    %barrier3A_69 = arith.constant 0 : index
    tpu.barrier barrier_id(%barrier3A_69)
    %scan3A_70 = arith.constant 0 : i32
    %scan3A_71 = arith.constant 0 : i32
    %scan3A_72 = arith.constant 78 : i32
    %scan3A_73 = arith.addi %scan3A_71, %scan3A_72 : i32
    %scan3A_74 = arith.constant 1 : i32
    scf.for %scan3A_94 = %scan3A_71 to %scan3A_73 step %scan3A_74  : i32 {
      %mul3A_95 = arith.constant 128 : i32
      %mul3A_96 = arith.muli %scan3A_94, %mul3A_95 : i32
      %add3A_97 = arith.constant 0 : i32
      %add3A_98 = arith.addi %mul3A_96, %add3A_97 : i32
      %get3A_99 = arith.index_cast %add3A_98 : i32 to index
      %get3A_100 = tpu.vector_load %arg6[%get3A_99] {strides = array<i32>} : memref<10000xi32, #tpu.memory_space<vmem>>, vector<16xi32>,
      %add3A_101 = arith.constant 16 : i32
      %add3A_102 = arith.addi %mul3A_96, %add3A_101 : i32
      %get3A_103 = arith.index_cast %add3A_102 : i32 to index
      %get3A_104 = tpu.vector_load %arg6[%get3A_103] {strides = array<i32>} : memref<10000xi32, #tpu.memory_space<vmem>>, vector<16xi32>,
      %add3A_105 = arith.constant 32 : i32
      %add3A_106 = arith.addi %mul3A_96, %add3A_105 : i32
      %get3A_107 = arith.index_cast %add3A_106 : i32 to index
      %get3A_108 = tpu.vector_load %arg6[%get3A_107] {strides = array<i32>} : memref<10000xi32, #tpu.memory_space<vmem>>, vector<16xi32>,
      %add3A_109 = arith.constant 48 : i32
      %add3A_110 = arith.addi %mul3A_96, %add3A_109 : i32
      %get3A_111 = arith.index_cast %add3A_110 : i32 to index
      %get3A_112 = tpu.vector_load %arg6[%get3A_111] {strides = array<i32>} : memref<10000xi32, #tpu.memory_space<vmem>>, vector<16xi32>,
      %add3A_113 = arith.constant 64 : i32
      %add3A_114 = arith.addi %mul3A_96, %add3A_113 : i32
      %get3A_115 = arith.index_cast %add3A_114 : i32 to index
      %get3A_116 = tpu.vector_load %arg6[%get3A_115] {strides = array<i32>} : memref<10000xi32, #tpu.memory_space<vmem>>, vector<16xi32>,
      %add3A_117 = arith.constant 80 : i32
      %add3A_118 = arith.addi %mul3A_96, %add3A_117 : i32
      %get3A_119 = arith.index_cast %add3A_118 : i32 to index
      %get3A_120 = tpu.vector_load %arg6[%get3A_119] {strides = array<i32>} : memref<10000xi32, #tpu.memory_space<vmem>>, vector<16xi32>,
      %add3A_121 = arith.constant 96 : i32
      %add3A_122 = arith.addi %mul3A_96, %add3A_121 : i32
      %get3A_123 = arith.index_cast %add3A_122 : i32 to index
      %get3A_124 = tpu.vector_load %arg6[%get3A_123] {strides = array<i32>} : memref<10000xi32, #tpu.memory_space<vmem>>, vector<16xi32>,
      %add3A_125 = arith.constant 112 : i32
      %add3A_126 = arith.addi %mul3A_96, %add3A_125 : i32
      %get3A_127 = arith.index_cast %add3A_126 : i32 to index
      %get3A_128 = tpu.vector_load %arg6[%get3A_127] {strides = array<i32>} : memref<10000xi32, #tpu.memory_space<vmem>>, vector<16xi32>,
      %add3A_129 = arith.constant 0 : i32
      %add3A_130 = arith.addi %mul3A_96, %add3A_129 : i32
      %get3A_131 = arith.index_cast %add3A_130 : i32 to index
      %get3A_132 = tpu.vector_load %arg7[%get3A_131] {strides = array<i32>} : memref<10000xi32, #tpu.memory_space<vmem>>, vector<16xi32>,
      %add3A_133 = arith.constant 16 : i32
      %add3A_134 = arith.addi %mul3A_96, %add3A_133 : i32
      %get3A_135 = arith.index_cast %add3A_134 : i32 to index
      %get3A_136 = tpu.vector_load %arg7[%get3A_135] {strides = array<i32>} : memref<10000xi32, #tpu.memory_space<vmem>>, vector<16xi32>,
      %add3A_137 = arith.constant 32 : i32
      %add3A_138 = arith.addi %mul3A_96, %add3A_137 : i32
      %get3A_139 = arith.index_cast %add3A_138 : i32 to index
      %get3A_140 = tpu.vector_load %arg7[%get3A_139] {strides = array<i32>} : memref<10000xi32, #tpu.memory_space<vmem>>, vector<16xi32>,
      %add3A_141 = arith.constant 48 : i32
      %add3A_142 = arith.addi %mul3A_96, %add3A_141 : i32
      %get3A_143 = arith.index_cast %add3A_142 : i32 to index
      %get3A_144 = tpu.vector_load %arg7[%get3A_143] {strides = array<i32>} : memref<10000xi32, #tpu.memory_space<vmem>>, vector<16xi32>,
      %add3A_145 = arith.constant 64 : i32
      %add3A_146 = arith.addi %mul3A_96, %add3A_145 : i32
      %get3A_147 = arith.index_cast %add3A_146 : i32 to index
      %get3A_148 = tpu.vector_load %arg7[%get3A_147] {strides = array<i32>} : memref<10000xi32, #tpu.memory_space<vmem>>, vector<16xi32>,
      %add3A_149 = arith.constant 80 : i32
      %add3A_150 = arith.addi %mul3A_96, %add3A_149 : i32
      %get3A_151 = arith.index_cast %add3A_150 : i32 to index
      %get3A_152 = tpu.vector_load %arg7[%get3A_151] {strides = array<i32>} : memref<10000xi32, #tpu.memory_space<vmem>>, vector<16xi32>,
      %add3A_153 = arith.constant 96 : i32
      %add3A_154 = arith.addi %mul3A_96, %add3A_153 : i32
      %get3A_155 = arith.index_cast %add3A_154 : i32 to index
      %get3A_156 = tpu.vector_load %arg7[%get3A_155] {strides = array<i32>} : memref<10000xi32, #tpu.memory_space<vmem>>, vector<16xi32>,
      %add3A_157 = arith.constant 112 : i32
      %add3A_158 = arith.addi %mul3A_96, %add3A_157 : i32
      %get3A_159 = arith.index_cast %add3A_158 : i32 to index
      %get3A_160 = tpu.vector_load %arg7[%get3A_159] {strides = array<i32>} : memref<10000xi32, #tpu.memory_space<vmem>>, vector<16xi32>,
      %gather3A_161 = tpu.vector_load_idx %arg9[%broadcast_in_dim3A_35, %get3A_100] : memref<2x10000xf32, #tpu.memory_space<vmem>>[vector<16xi32>, vector<16xi32>], vector<16xf32>,
      %gather3A_162 = tpu.vector_load_idx %arg9[%broadcast_in_dim3A_37, %get3A_100] : memref<2x10000xf32, #tpu.memory_space<vmem>>[vector<16xi32>, vector<16xi32>], vector<16xf32>,
      %gather3A_163 = tpu.vector_load_idx %arg9[%broadcast_in_dim3A_35, %get3A_104] : memref<2x10000xf32, #tpu.memory_space<vmem>>[vector<16xi32>, vector<16xi32>], vector<16xf32>,
      %gather3A_164 = tpu.vector_load_idx %arg9[%broadcast_in_dim3A_37, %get3A_104] : memref<2x10000xf32, #tpu.memory_space<vmem>>[vector<16xi32>, vector<16xi32>], vector<16xf32>,
      %gather3A_165 = tpu.vector_load_idx %arg9[%broadcast_in_dim3A_35, %get3A_108] : memref<2x10000xf32, #tpu.memory_space<vmem>>[vector<16xi32>, vector<16xi32>], vector<16xf32>,
      %gather3A_166 = tpu.vector_load_idx %arg9[%broadcast_in_dim3A_37, %get3A_108] : memref<2x10000xf32, #tpu.memory_space<vmem>>[vector<16xi32>, vector<16xi32>], vector<16xf32>,
      %gather3A_167 = tpu.vector_load_idx %arg9[%broadcast_in_dim3A_35, %get3A_112] : memref<2x10000xf32, #tpu.memory_space<vmem>>[vector<16xi32>, vector<16xi32>], vector<16xf32>,
      %gather3A_168 = tpu.vector_load_idx %arg9[%broadcast_in_dim3A_37, %get3A_112] : memref<2x10000xf32, #tpu.memory_space<vmem>>[vector<16xi32>, vector<16xi32>], vector<16xf32>,
      %gather3A_169 = tpu.vector_load_idx %arg9[%broadcast_in_dim3A_35, %get3A_116] : memref<2x10000xf32, #tpu.memory_space<vmem>>[vector<16xi32>, vector<16xi32>], vector<16xf32>,
      %gather3A_170 = tpu.vector_load_idx %arg9[%broadcast_in_dim3A_37, %get3A_116] : memref<2x10000xf32, #tpu.memory_space<vmem>>[vector<16xi32>, vector<16xi32>], vector<16xf32>,
      %gather3A_171 = tpu.vector_load_idx %arg9[%broadcast_in_dim3A_35, %get3A_120] : memref<2x10000xf32, #tpu.memory_space<vmem>>[vector<16xi32>, vector<16xi32>], vector<16xf32>,
      %gather3A_172 = tpu.vector_load_idx %arg9[%broadcast_in_dim3A_37, %get3A_120] : memref<2x10000xf32, #tpu.memory_space<vmem>>[vector<16xi32>, vector<16xi32>], vector<16xf32>,
      %gather3A_173 = tpu.vector_load_idx %arg9[%broadcast_in_dim3A_35, %get3A_124] : memref<2x10000xf32, #tpu.memory_space<vmem>>[vector<16xi32>, vector<16xi32>], vector<16xf32>,
      %gather3A_174 = tpu.vector_load_idx %arg9[%broadcast_in_dim3A_37, %get3A_124] : memref<2x10000xf32, #tpu.memory_space<vmem>>[vector<16xi32>, vector<16xi32>], vector<16xf32>,
      %gather3A_175 = tpu.vector_load_idx %arg9[%broadcast_in_dim3A_35, %get3A_128] : memref<2x10000xf32, #tpu.memory_space<vmem>>[vector<16xi32>, vector<16xi32>], vector<16xf32>,
      %gather3A_176 = tpu.vector_load_idx %arg9[%broadcast_in_dim3A_37, %get3A_128] : memref<2x10000xf32, #tpu.memory_space<vmem>>[vector<16xi32>, vector<16xi32>], vector<16xf32>,
      tpu.vector_store_idx %arg10[%broadcast_in_dim3A_35, %get3A_132], %gather3A_161 {add = true} : memref<2x10752xf32, #tpu.memory_space<vmem>>[vector<16xi32>, vector<16xi32>], vector<16xf32>,
      tpu.vector_store_idx %arg10[%broadcast_in_dim3A_37, %get3A_132], %gather3A_162 {add = true} : memref<2x10752xf32, #tpu.memory_space<vmem>>[vector<16xi32>, vector<16xi32>], vector<16xf32>,
      tpu.vector_store_idx %arg10[%broadcast_in_dim3A_35, %get3A_136], %gather3A_163 {add = true} : memref<2x10752xf32, #tpu.memory_space<vmem>>[vector<16xi32>, vector<16xi32>], vector<16xf32>,
      tpu.vector_store_idx %arg10[%broadcast_in_dim3A_37, %get3A_136], %gather3A_164 {add = true} : memref<2x10752xf32, #tpu.memory_space<vmem>>[vector<16xi32>, vector<16xi32>], vector<16xf32>,
      tpu.vector_store_idx %arg10[%broadcast_in_dim3A_35, %get3A_140], %gather3A_165 {add = true} : memref<2x10752xf32, #tpu.memory_space<vmem>>[vector<16xi32>, vector<16xi32>], vector<16xf32>,
      tpu.vector_store_idx %arg10[%broadcast_in_dim3A_37, %get3A_140], %gather3A_166 {add = true} : memref<2x10752xf32, #tpu.memory_space<vmem>>[vector<16xi32>, vector<16xi32>], vector<16xf32>,
      tpu.vector_store_idx %arg10[%broadcast_in_dim3A_35, %get3A_144], %gather3A_167 {add = true} : memref<2x10752xf32, #tpu.memory_space<vmem>>[vector<16xi32>, vector<16xi32>], vector<16xf32>,
      tpu.vector_store_idx %arg10[%broadcast_in_dim3A_37, %get3A_144], %gather3A_168 {add = true} : memref<2x10752xf32, #tpu.memory_space<vmem>>[vector<16xi32>, vector<16xi32>], vector<16xf32>,
      tpu.vector_store_idx %arg10[%broadcast_in_dim3A_35, %get3A_148], %gather3A_169 {add = true} : memref<2x10752xf32, #tpu.memory_space<vmem>>[vector<16xi32>, vector<16xi32>], vector<16xf32>,
      tpu.vector_store_idx %arg10[%broadcast_in_dim3A_37, %get3A_148], %gather3A_170 {add = true} : memref<2x10752xf32, #tpu.memory_space<vmem>>[vector<16xi32>, vector<16xi32>], vector<16xf32>,
      tpu.vector_store_idx %arg10[%broadcast_in_dim3A_35, %get3A_152], %gather3A_171 {add = true} : memref<2x10752xf32, #tpu.memory_space<vmem>>[vector<16xi32>, vector<16xi32>], vector<16xf32>,
      tpu.vector_store_idx %arg10[%broadcast_in_dim3A_37, %get3A_152], %gather3A_172 {add = true} : memref<2x10752xf32, #tpu.memory_space<vmem>>[vector<16xi32>, vector<16xi32>], vector<16xf32>,
      tpu.vector_store_idx %arg10[%broadcast_in_dim3A_35, %get3A_156], %gather3A_173 {add = true} : memref<2x10752xf32, #tpu.memory_space<vmem>>[vector<16xi32>, vector<16xi32>], vector<16xf32>,
      tpu.vector_store_idx %arg10[%broadcast_in_dim3A_37, %get3A_156], %gather3A_174 {add = true} : memref<2x10752xf32, #tpu.memory_space<vmem>>[vector<16xi32>, vector<16xi32>], vector<16xf32>,
      tpu.vector_store_idx %arg10[%broadcast_in_dim3A_35, %get3A_160], %gather3A_175 {add = true} : memref<2x10752xf32, #tpu.memory_space<vmem>>[vector<16xi32>, vector<16xi32>], vector<16xf32>,
      tpu.vector_store_idx %arg10[%broadcast_in_dim3A_37, %get3A_160], %gather3A_176 {add = true} : memref<2x10752xf32, #tpu.memory_space<vmem>>[vector<16xi32>, vector<16xi32>], vector<16xf32>,
    }
    %scan3A_75 = arith.constant 78 : i32
    %get3A_76 = arith.constant 9984 : index
    %get3A_77 = tpu.vector_load %arg6[%get3A_76] {strides = array<i32>} : memref<10000xi32, #tpu.memory_space<vmem>>, vector<16xi32>,
    %get3A_78 = arith.constant 9984 : index
    %get3A_79 = tpu.vector_load %arg7[%get3A_78] {strides = array<i32>} : memref<10000xi32, #tpu.memory_space<vmem>>, vector<16xi32>,
    %gather3A_80 = tpu.vector_load_idx %arg9[%broadcast_in_dim3A_35, %get3A_77] : memref<2x10000xf32, #tpu.memory_space<vmem>>[vector<16xi32>, vector<16xi32>], vector<16xf32>,
    tpu.vector_store_idx %arg10[%broadcast_in_dim3A_35, %get3A_79], %gather3A_80 {add = true} : memref<2x10752xf32, #tpu.memory_space<vmem>>[vector<16xi32>, vector<16xi32>], vector<16xf32>,
    %gather3A_81 = tpu.vector_load_idx %arg9[%broadcast_in_dim3A_37, %get3A_77] : memref<2x10000xf32, #tpu.memory_space<vmem>>[vector<16xi32>, vector<16xi32>], vector<16xf32>,
    tpu.vector_store_idx %arg10[%broadcast_in_dim3A_37, %get3A_79], %gather3A_81 {add = true} : memref<2x10752xf32, #tpu.memory_space<vmem>>[vector<16xi32>, vector<16xi32>], vector<16xf32>,
    "tpu.region"() ({
      %run_scoped3A = tpu.sem_alloc : memref<!tpu.dma_semaphore, #tpu.memory_space<semaphore_mem>>
      %dma_start3A_94 = arith.constant 0 : i32
      %dma_start3A_95 = arith.constant 0 : i32
      %dma_start3A_96 = tpu.memref_slice %arg13[%arg1, %dma_start3A_94, %dma_start3A_95] : memref<16x2x10752xf32, #tpu.memory_space<vmem_shared>> -> memref<1x2x10752xf32, #tpu.memory_space<vmem_shared>>
      %dma_start3A_97 = tpu.memref_squeeze %dma_start3A_96 : memref<1x2x10752xf32, #tpu.memory_space<vmem_shared>> -> memref<2x10752xf32, #tpu.memory_space<vmem_shared>>
      %dma_start3A_98 = arith.constant 0 : i32
      %dma_start3A_99 = arith.constant 0 : i32
      %dma_start3A_100 = tpu.memref_slice %arg13[%arg1, %dma_start3A_98, %dma_start3A_99] : memref<16x2x10752xf32, #tpu.memory_space<vmem_shared>> -> memref<1x2x10752xf32, #tpu.memory_space<vmem_shared>>
      %dma_start3A_101 = tpu.memref_squeeze %dma_start3A_100 : memref<1x2x10752xf32, #tpu.memory_space<vmem_shared>> -> memref<2x10752xf32, #tpu.memory_space<vmem_shared>>
      tpu.enqueue_dma source(%arg10 : memref<2x10752xf32, #tpu.memory_space<vmem>>) target(%dma_start3A_101 : memref<2x10752xf32, #tpu.memory_space<vmem_shared>>) target_semaphore(%run_scoped3A : memref<!tpu.dma_semaphore, #tpu.memory_space<semaphore_mem>>)
      %dma_wait3A_102 = arith.constant 0 : i32
      %dma_wait3A_103 = arith.constant 0 : i32
      %dma_wait3A_104 = tpu.memref_slice %arg13[%arg1, %dma_wait3A_102, %dma_wait3A_103] : memref<16x2x10752xf32, #tpu.memory_space<vmem_shared>> -> memref<1x2x10752xf32, #tpu.memory_space<vmem_shared>>
      %dma_wait3A_105 = tpu.memref_squeeze %dma_wait3A_104 : memref<1x2x10752xf32, #tpu.memory_space<vmem_shared>> -> memref<2x10752xf32, #tpu.memory_space<vmem_shared>>
      %dma_wait3A_106 = arith.constant 0 : i32
      %dma_wait3A_107 = arith.constant 0 : i32
      %dma_wait3A_108 = tpu.memref_slice %arg13[%arg1, %dma_wait3A_106, %dma_wait3A_107] : memref<16x2x10752xf32, #tpu.memory_space<vmem_shared>> -> memref<1x2x10752xf32, #tpu.memory_space<vmem_shared>>
      %dma_wait3A_109 = tpu.memref_squeeze %dma_wait3A_108 : memref<1x2x10752xf32, #tpu.memory_space<vmem_shared>> -> memref<2x10752xf32, #tpu.memory_space<vmem_shared>>
      tpu.wait_dma2 semaphore(%run_scoped3A : memref<!tpu.dma_semaphore, #tpu.memory_space<semaphore_mem>>) src(%arg10 : memref<2x10752xf32, #tpu.memory_space<vmem>>) dst(%dma_wait3A_109 : memref<2x10752xf32, #tpu.memory_space<vmem_shared>>)
      tpu.yield
    }) : () -> ()
    %barrier3A_82 = arith.constant 0 : index
    tpu.barrier barrier_id(%barrier3A_82)
    %mul3A_83 = arith.constant 672 : i32
    %mul3A_84 = arith.muli %arg1, %mul3A_83 : i32
    "tpu.region"() ({
      %run_scoped3A = tpu.sem_alloc : memref<!tpu.dma_semaphore, #tpu.memory_space<semaphore_mem>>
      %dma_start3A_94 = arith.constant 0 : i32
      %dma_start3A_95 = arith.constant 0 : i32
      %dma_start3A_96 = tpu.memref_slice %arg13[%dma_start3A_94, %dma_start3A_95, %mul3A_84] : memref<16x2x10752xf32, #tpu.memory_space<vmem_shared>> -> memref<16x2x672xf32, #tpu.memory_space<vmem_shared>>
      %dma_start3A_97 = arith.constant 0 : i32
      %dma_start3A_98 = arith.constant 0 : i32
      %dma_start3A_99 = tpu.memref_slice %arg13[%dma_start3A_97, %dma_start3A_98, %mul3A_84] : memref<16x2x10752xf32, #tpu.memory_space<vmem_shared>> -> memref<16x2x672xf32, #tpu.memory_space<vmem_shared>>
      tpu.enqueue_dma source(%dma_start3A_99 : memref<16x2x672xf32, #tpu.memory_space<vmem_shared>>) target(%arg11 : memref<16x2x672xf32, #tpu.memory_space<vmem>>) target_semaphore(%run_scoped3A : memref<!tpu.dma_semaphore, #tpu.memory_space<semaphore_mem>>)
      %dma_wait3A_100 = arith.constant 0 : i32
      %dma_wait3A_101 = arith.constant 0 : i32
      %dma_wait3A_102 = tpu.memref_slice %arg13[%dma_wait3A_100, %dma_wait3A_101, %mul3A_84] : memref<16x2x10752xf32, #tpu.memory_space<vmem_shared>> -> memref<16x2x672xf32, #tpu.memory_space<vmem_shared>>
      %dma_wait3A_103 = arith.constant 0 : i32
      %dma_wait3A_104 = arith.constant 0 : i32
      %dma_wait3A_105 = tpu.memref_slice %arg13[%dma_wait3A_103, %dma_wait3A_104, %mul3A_84] : memref<16x2x10752xf32, #tpu.memory_space<vmem_shared>> -> memref<16x2x672xf32, #tpu.memory_space<vmem_shared>>
      tpu.wait_dma2 semaphore(%run_scoped3A : memref<!tpu.dma_semaphore, #tpu.memory_space<semaphore_mem>>) src(%dma_wait3A_105 : memref<16x2x672xf32, #tpu.memory_space<vmem_shared>>) dst(%arg11 : memref<16x2x672xf32, #tpu.memory_space<vmem>>)
      tpu.yield
    }) : () -> ()
    %scan3A_85 = arith.constant 0 : i32
    %scan3A_86 = arith.constant 0 : i32
    %scan3A_87 = arith.constant 42 : i32
    %scan3A_88 = arith.addi %scan3A_86, %scan3A_87 : i32
    %scan3A_89 = arith.constant 1 : i32
    scf.for %scan3A_94 = %scan3A_86 to %scan3A_88 step %scan3A_89  : i32 {
      %mul3A_95 = arith.constant 16 : i32
      %mul3A_96 = arith.muli %scan3A_94, %mul3A_95 : i32
      %get3A_97 = arith.constant 0 : i32
      %get3A_98 = arith.constant 0 : i32
      %get3A_99 = arith.index_cast %get3A_97 : i32 to index
      %get3A_100 = arith.index_cast %get3A_98 : i32 to index
      %get3A_101 = arith.index_cast %mul3A_96 : i32 to index
      %get3A_102 = tpu.vector_load %arg11[%get3A_99, %get3A_100, %get3A_101] {strides = array<i32>} : memref<16x2x672xf32, #tpu.memory_space<vmem>>, vector<16xf32>,
      %mul3A_103 = arith.constant 16 : i32
      %mul3A_104 = arith.muli %scan3A_94, %mul3A_103 : i32
      %get3A_105 = arith.constant 1 : i32
      %get3A_106 = arith.constant 0 : i32
      %get3A_107 = arith.index_cast %get3A_105 : i32 to index
      %get3A_108 = arith.index_cast %get3A_106 : i32 to index
      %get3A_109 = arith.index_cast %mul3A_104 : i32 to index
      %get3A_110 = tpu.vector_load %arg11[%get3A_107, %get3A_108, %get3A_109] {strides = array<i32>} : memref<16x2x672xf32, #tpu.memory_space<vmem>>, vector<16xf32>,
      %add3A_111 = arith.addf %get3A_102, %get3A_110 : vector<16xf32>
      %mul3A_112 = arith.constant 16 : i32
      %mul3A_113 = arith.muli %scan3A_94, %mul3A_112 : i32
      %get3A_114 = arith.constant 2 : i32
      %get3A_115 = arith.constant 0 : i32
      %get3A_116 = arith.index_cast %get3A_114 : i32 to index
      %get3A_117 = arith.index_cast %get3A_115 : i32 to index
      %get3A_118 = arith.index_cast %mul3A_113 : i32 to index
      %get3A_119 = tpu.vector_load %arg11[%get3A_116, %get3A_117, %get3A_118] {strides = array<i32>} : memref<16x2x672xf32, #tpu.memory_space<vmem>>, vector<16xf32>,
      %add3A_120 = arith.addf %add3A_111, %get3A_119 : vector<16xf32>
      %mul3A_121 = arith.constant 16 : i32
      %mul3A_122 = arith.muli %scan3A_94, %mul3A_121 : i32
      %get3A_123 = arith.constant 3 : i32
      %get3A_124 = arith.constant 0 : i32
      %get3A_125 = arith.index_cast %get3A_123 : i32 to index
      %get3A_126 = arith.index_cast %get3A_124 : i32 to index
      %get3A_127 = arith.index_cast %mul3A_122 : i32 to index
      %get3A_128 = tpu.vector_load %arg11[%get3A_125, %get3A_126, %get3A_127] {strides = array<i32>} : memref<16x2x672xf32, #tpu.memory_space<vmem>>, vector<16xf32>,
      %add3A_129 = arith.addf %add3A_120, %get3A_128 : vector<16xf32>
      %mul3A_130 = arith.constant 16 : i32
      %mul3A_131 = arith.muli %scan3A_94, %mul3A_130 : i32
      %get3A_132 = arith.constant 4 : i32
      %get3A_133 = arith.constant 0 : i32
      %get3A_134 = arith.index_cast %get3A_132 : i32 to index
      %get3A_135 = arith.index_cast %get3A_133 : i32 to index
      %get3A_136 = arith.index_cast %mul3A_131 : i32 to index
      %get3A_137 = tpu.vector_load %arg11[%get3A_134, %get3A_135, %get3A_136] {strides = array<i32>} : memref<16x2x672xf32, #tpu.memory_space<vmem>>, vector<16xf32>,
      %add3A_138 = arith.addf %add3A_129, %get3A_137 : vector<16xf32>
      %mul3A_139 = arith.constant 16 : i32
      %mul3A_140 = arith.muli %scan3A_94, %mul3A_139 : i32
      %get3A_141 = arith.constant 5 : i32
      %get3A_142 = arith.constant 0 : i32
      %get3A_143 = arith.index_cast %get3A_141 : i32 to index
      %get3A_144 = arith.index_cast %get3A_142 : i32 to index
      %get3A_145 = arith.index_cast %mul3A_140 : i32 to index
      %get3A_146 = tpu.vector_load %arg11[%get3A_143, %get3A_144, %get3A_145] {strides = array<i32>} : memref<16x2x672xf32, #tpu.memory_space<vmem>>, vector<16xf32>,
      %add3A_147 = arith.addf %add3A_138, %get3A_146 : vector<16xf32>
      %mul3A_148 = arith.constant 16 : i32
      %mul3A_149 = arith.muli %scan3A_94, %mul3A_148 : i32
      %get3A_150 = arith.constant 6 : i32
      %get3A_151 = arith.constant 0 : i32
      %get3A_152 = arith.index_cast %get3A_150 : i32 to index
      %get3A_153 = arith.index_cast %get3A_151 : i32 to index
      %get3A_154 = arith.index_cast %mul3A_149 : i32 to index
      %get3A_155 = tpu.vector_load %arg11[%get3A_152, %get3A_153, %get3A_154] {strides = array<i32>} : memref<16x2x672xf32, #tpu.memory_space<vmem>>, vector<16xf32>,
      %add3A_156 = arith.addf %add3A_147, %get3A_155 : vector<16xf32>
      %mul3A_157 = arith.constant 16 : i32
      %mul3A_158 = arith.muli %scan3A_94, %mul3A_157 : i32
      %get3A_159 = arith.constant 7 : i32
      %get3A_160 = arith.constant 0 : i32
      %get3A_161 = arith.index_cast %get3A_159 : i32 to index
      %get3A_162 = arith.index_cast %get3A_160 : i32 to index
      %get3A_163 = arith.index_cast %mul3A_158 : i32 to index
      %get3A_164 = tpu.vector_load %arg11[%get3A_161, %get3A_162, %get3A_163] {strides = array<i32>} : memref<16x2x672xf32, #tpu.memory_space<vmem>>, vector<16xf32>,
      %add3A_165 = arith.addf %add3A_156, %get3A_164 : vector<16xf32>
      %mul3A_166 = arith.constant 16 : i32
      %mul3A_167 = arith.muli %scan3A_94, %mul3A_166 : i32
      %get3A_168 = arith.constant 8 : i32
      %get3A_169 = arith.constant 0 : i32
      %get3A_170 = arith.index_cast %get3A_168 : i32 to index
      %get3A_171 = arith.index_cast %get3A_169 : i32 to index
      %get3A_172 = arith.index_cast %mul3A_167 : i32 to index
      %get3A_173 = tpu.vector_load %arg11[%get3A_170, %get3A_171, %get3A_172] {strides = array<i32>} : memref<16x2x672xf32, #tpu.memory_space<vmem>>, vector<16xf32>,
      %add3A_174 = arith.addf %add3A_165, %get3A_173 : vector<16xf32>
      %mul3A_175 = arith.constant 16 : i32
      %mul3A_176 = arith.muli %scan3A_94, %mul3A_175 : i32
      %get3A_177 = arith.constant 9 : i32
      %get3A_178 = arith.constant 0 : i32
      %get3A_179 = arith.index_cast %get3A_177 : i32 to index
      %get3A_180 = arith.index_cast %get3A_178 : i32 to index
      %get3A_181 = arith.index_cast %mul3A_176 : i32 to index
      %get3A_182 = tpu.vector_load %arg11[%get3A_179, %get3A_180, %get3A_181] {strides = array<i32>} : memref<16x2x672xf32, #tpu.memory_space<vmem>>, vector<16xf32>,
      %add3A_183 = arith.addf %add3A_174, %get3A_182 : vector<16xf32>
      %mul3A_184 = arith.constant 16 : i32
      %mul3A_185 = arith.muli %scan3A_94, %mul3A_184 : i32
      %get3A_186 = arith.constant 10 : i32
      %get3A_187 = arith.constant 0 : i32
      %get3A_188 = arith.index_cast %get3A_186 : i32 to index
      %get3A_189 = arith.index_cast %get3A_187 : i32 to index
      %get3A_190 = arith.index_cast %mul3A_185 : i32 to index
      %get3A_191 = tpu.vector_load %arg11[%get3A_188, %get3A_189, %get3A_190] {strides = array<i32>} : memref<16x2x672xf32, #tpu.memory_space<vmem>>, vector<16xf32>,
      %add3A_192 = arith.addf %add3A_183, %get3A_191 : vector<16xf32>
      %mul3A_193 = arith.constant 16 : i32
      %mul3A_194 = arith.muli %scan3A_94, %mul3A_193 : i32
      %get3A_195 = arith.constant 11 : i32
      %get3A_196 = arith.constant 0 : i32
      %get3A_197 = arith.index_cast %get3A_195 : i32 to index
      %get3A_198 = arith.index_cast %get3A_196 : i32 to index
      %get3A_199 = arith.index_cast %mul3A_194 : i32 to index
      %get3A_200 = tpu.vector_load %arg11[%get3A_197, %get3A_198, %get3A_199] {strides = array<i32>} : memref<16x2x672xf32, #tpu.memory_space<vmem>>, vector<16xf32>,
      %add3A_201 = arith.addf %add3A_192, %get3A_200 : vector<16xf32>
      %mul3A_202 = arith.constant 16 : i32
      %mul3A_203 = arith.muli %scan3A_94, %mul3A_202 : i32
      %get3A_204 = arith.constant 12 : i32
      %get3A_205 = arith.constant 0 : i32
      %get3A_206 = arith.index_cast %get3A_204 : i32 to index
      %get3A_207 = arith.index_cast %get3A_205 : i32 to index
      %get3A_208 = arith.index_cast %mul3A_203 : i32 to index
      %get3A_209 = tpu.vector_load %arg11[%get3A_206, %get3A_207, %get3A_208] {strides = array<i32>} : memref<16x2x672xf32, #tpu.memory_space<vmem>>, vector<16xf32>,
      %add3A_210 = arith.addf %add3A_201, %get3A_209 : vector<16xf32>
      %mul3A_211 = arith.constant 16 : i32
      %mul3A_212 = arith.muli %scan3A_94, %mul3A_211 : i32
      %get3A_213 = arith.constant 13 : i32
      %get3A_214 = arith.constant 0 : i32
      %get3A_215 = arith.index_cast %get3A_213 : i32 to index
      %get3A_216 = arith.index_cast %get3A_214 : i32 to index
      %get3A_217 = arith.index_cast %mul3A_212 : i32 to index
      %get3A_218 = tpu.vector_load %arg11[%get3A_215, %get3A_216, %get3A_217] {strides = array<i32>} : memref<16x2x672xf32, #tpu.memory_space<vmem>>, vector<16xf32>,
      %add3A_219 = arith.addf %add3A_210, %get3A_218 : vector<16xf32>
      %mul3A_220 = arith.constant 16 : i32
      %mul3A_221 = arith.muli %scan3A_94, %mul3A_220 : i32
      %get3A_222 = arith.constant 14 : i32
      %get3A_223 = arith.constant 0 : i32
      %get3A_224 = arith.index_cast %get3A_222 : i32 to index
      %get3A_225 = arith.index_cast %get3A_223 : i32 to index
      %get3A_226 = arith.index_cast %mul3A_221 : i32 to index
      %get3A_227 = tpu.vector_load %arg11[%get3A_224, %get3A_225, %get3A_226] {strides = array<i32>} : memref<16x2x672xf32, #tpu.memory_space<vmem>>, vector<16xf32>,
      %add3A_228 = arith.addf %add3A_219, %get3A_227 : vector<16xf32>
      %mul3A_229 = arith.constant 16 : i32
      %mul3A_230 = arith.muli %scan3A_94, %mul3A_229 : i32
      %get3A_231 = arith.constant 15 : i32
      %get3A_232 = arith.constant 0 : i32
      %get3A_233 = arith.index_cast %get3A_231 : i32 to index
      %get3A_234 = arith.index_cast %get3A_232 : i32 to index
      %get3A_235 = arith.index_cast %mul3A_230 : i32 to index
      %get3A_236 = tpu.vector_load %arg11[%get3A_233, %get3A_234, %get3A_235] {strides = array<i32>} : memref<16x2x672xf32, #tpu.memory_space<vmem>>, vector<16xf32>,
      %add3A_237 = arith.addf %add3A_228, %get3A_236 : vector<16xf32>
      %mul3A_238 = arith.constant 16 : i32
      %mul3A_239 = arith.muli %scan3A_94, %mul3A_238 : i32
      %swap3A = arith.constant 0 : i32
      %swap3A_240 = arith.index_cast %swap3A : i32 to index
      %swap3A_241 = arith.index_cast %mul3A_239 : i32 to index
      %swap3A_242 = tpu.vector_load %arg12[%swap3A_240, %swap3A_241] {strides = array<i32>} : memref<2x672xf32, #tpu.memory_space<vmem>>, vector<16xf32>,
      tpu.vector_store %arg12[%swap3A_240, %swap3A_241], %add3A_237 {strides = array<i32>} : memref<2x672xf32, #tpu.memory_space<vmem>>, vector<16xf32>,
      %mul3A_243 = arith.constant 16 : i32
      %mul3A_244 = arith.muli %scan3A_94, %mul3A_243 : i32
      %get3A_245 = arith.constant 0 : i32
      %get3A_246 = arith.constant 1 : i32
      %get3A_247 = arith.index_cast %get3A_245 : i32 to index
      %get3A_248 = arith.index_cast %get3A_246 : i32 to index
      %get3A_249 = arith.index_cast %mul3A_244 : i32 to index
      %get3A_250 = tpu.vector_load %arg11[%get3A_247, %get3A_248, %get3A_249] {strides = array<i32>} : memref<16x2x672xf32, #tpu.memory_space<vmem>>, vector<16xf32>,
      %mul3A_251 = arith.constant 16 : i32
      %mul3A_252 = arith.muli %scan3A_94, %mul3A_251 : i32
      %get3A_253 = arith.constant 1 : i32
      %get3A_254 = arith.constant 1 : i32
      %get3A_255 = arith.index_cast %get3A_253 : i32 to index
      %get3A_256 = arith.index_cast %get3A_254 : i32 to index
      %get3A_257 = arith.index_cast %mul3A_252 : i32 to index
      %get3A_258 = tpu.vector_load %arg11[%get3A_255, %get3A_256, %get3A_257] {strides = array<i32>} : memref<16x2x672xf32, #tpu.memory_space<vmem>>, vector<16xf32>,
      %add3A_259 = arith.addf %get3A_250, %get3A_258 : vector<16xf32>
      %mul3A_260 = arith.constant 16 : i32
      %mul3A_261 = arith.muli %scan3A_94, %mul3A_260 : i32
      %get3A_262 = arith.constant 2 : i32
      %get3A_263 = arith.constant 1 : i32
      %get3A_264 = arith.index_cast %get3A_262 : i32 to index
      %get3A_265 = arith.index_cast %get3A_263 : i32 to index
      %get3A_266 = arith.index_cast %mul3A_261 : i32 to index
      %get3A_267 = tpu.vector_load %arg11[%get3A_264, %get3A_265, %get3A_266] {strides = array<i32>} : memref<16x2x672xf32, #tpu.memory_space<vmem>>, vector<16xf32>,
      %add3A_268 = arith.addf %add3A_259, %get3A_267 : vector<16xf32>
      %mul3A_269 = arith.constant 16 : i32
      %mul3A_270 = arith.muli %scan3A_94, %mul3A_269 : i32
      %get3A_271 = arith.constant 3 : i32
      %get3A_272 = arith.constant 1 : i32
      %get3A_273 = arith.index_cast %get3A_271 : i32 to index
      %get3A_274 = arith.index_cast %get3A_272 : i32 to index
      %get3A_275 = arith.index_cast %mul3A_270 : i32 to index
      %get3A_276 = tpu.vector_load %arg11[%get3A_273, %get3A_274, %get3A_275] {strides = array<i32>} : memref<16x2x672xf32, #tpu.memory_space<vmem>>, vector<16xf32>,
      %add3A_277 = arith.addf %add3A_268, %get3A_276 : vector<16xf32>
      %mul3A_278 = arith.constant 16 : i32
      %mul3A_279 = arith.muli %scan3A_94, %mul3A_278 : i32
      %get3A_280 = arith.constant 4 : i32
      %get3A_281 = arith.constant 1 : i32
      %get3A_282 = arith.index_cast %get3A_280 : i32 to index
      %get3A_283 = arith.index_cast %get3A_281 : i32 to index
      %get3A_284 = arith.index_cast %mul3A_279 : i32 to index
      %get3A_285 = tpu.vector_load %arg11[%get3A_282, %get3A_283, %get3A_284] {strides = array<i32>} : memref<16x2x672xf32, #tpu.memory_space<vmem>>, vector<16xf32>,
      %add3A_286 = arith.addf %add3A_277, %get3A_285 : vector<16xf32>
      %mul3A_287 = arith.constant 16 : i32
      %mul3A_288 = arith.muli %scan3A_94, %mul3A_287 : i32
      %get3A_289 = arith.constant 5 : i32
      %get3A_290 = arith.constant 1 : i32
      %get3A_291 = arith.index_cast %get3A_289 : i32 to index
      %get3A_292 = arith.index_cast %get3A_290 : i32 to index
      %get3A_293 = arith.index_cast %mul3A_288 : i32 to index
      %get3A_294 = tpu.vector_load %arg11[%get3A_291, %get3A_292, %get3A_293] {strides = array<i32>} : memref<16x2x672xf32, #tpu.memory_space<vmem>>, vector<16xf32>,
      %add3A_295 = arith.addf %add3A_286, %get3A_294 : vector<16xf32>
      %mul3A_296 = arith.constant 16 : i32
      %mul3A_297 = arith.muli %scan3A_94, %mul3A_296 : i32
      %get3A_298 = arith.constant 6 : i32
      %get3A_299 = arith.constant 1 : i32
      %get3A_300 = arith.index_cast %get3A_298 : i32 to index
      %get3A_301 = arith.index_cast %get3A_299 : i32 to index
      %get3A_302 = arith.index_cast %mul3A_297 : i32 to index
      %get3A_303 = tpu.vector_load %arg11[%get3A_300, %get3A_301, %get3A_302] {strides = array<i32>} : memref<16x2x672xf32, #tpu.memory_space<vmem>>, vector<16xf32>,
      %add3A_304 = arith.addf %add3A_295, %get3A_303 : vector<16xf32>
      %mul3A_305 = arith.constant 16 : i32
      %mul3A_306 = arith.muli %scan3A_94, %mul3A_305 : i32
      %get3A_307 = arith.constant 7 : i32
      %get3A_308 = arith.constant 1 : i32
      %get3A_309 = arith.index_cast %get3A_307 : i32 to index
      %get3A_310 = arith.index_cast %get3A_308 : i32 to index
      %get3A_311 = arith.index_cast %mul3A_306 : i32 to index
      %get3A_312 = tpu.vector_load %arg11[%get3A_309, %get3A_310, %get3A_311] {strides = array<i32>} : memref<16x2x672xf32, #tpu.memory_space<vmem>>, vector<16xf32>,
      %add3A_313 = arith.addf %add3A_304, %get3A_312 : vector<16xf32>
      %mul3A_314 = arith.constant 16 : i32
      %mul3A_315 = arith.muli %scan3A_94, %mul3A_314 : i32
      %get3A_316 = arith.constant 8 : i32
      %get3A_317 = arith.constant 1 : i32
      %get3A_318 = arith.index_cast %get3A_316 : i32 to index
      %get3A_319 = arith.index_cast %get3A_317 : i32 to index
      %get3A_320 = arith.index_cast %mul3A_315 : i32 to index
      %get3A_321 = tpu.vector_load %arg11[%get3A_318, %get3A_319, %get3A_320] {strides = array<i32>} : memref<16x2x672xf32, #tpu.memory_space<vmem>>, vector<16xf32>,
      %add3A_322 = arith.addf %add3A_313, %get3A_321 : vector<16xf32>
      %mul3A_323 = arith.constant 16 : i32
      %mul3A_324 = arith.muli %scan3A_94, %mul3A_323 : i32
      %get3A_325 = arith.constant 9 : i32
      %get3A_326 = arith.constant 1 : i32
      %get3A_327 = arith.index_cast %get3A_325 : i32 to index
      %get3A_328 = arith.index_cast %get3A_326 : i32 to index
      %get3A_329 = arith.index_cast %mul3A_324 : i32 to index
      %get3A_330 = tpu.vector_load %arg11[%get3A_327, %get3A_328, %get3A_329] {strides = array<i32>} : memref<16x2x672xf32, #tpu.memory_space<vmem>>, vector<16xf32>,
      %add3A_331 = arith.addf %add3A_322, %get3A_330 : vector<16xf32>
      %mul3A_332 = arith.constant 16 : i32
      %mul3A_333 = arith.muli %scan3A_94, %mul3A_332 : i32
      %get3A_334 = arith.constant 10 : i32
      %get3A_335 = arith.constant 1 : i32
      %get3A_336 = arith.index_cast %get3A_334 : i32 to index
      %get3A_337 = arith.index_cast %get3A_335 : i32 to index
      %get3A_338 = arith.index_cast %mul3A_333 : i32 to index
      %get3A_339 = tpu.vector_load %arg11[%get3A_336, %get3A_337, %get3A_338] {strides = array<i32>} : memref<16x2x672xf32, #tpu.memory_space<vmem>>, vector<16xf32>,
      %add3A_340 = arith.addf %add3A_331, %get3A_339 : vector<16xf32>
      %mul3A_341 = arith.constant 16 : i32
      %mul3A_342 = arith.muli %scan3A_94, %mul3A_341 : i32
      %get3A_343 = arith.constant 11 : i32
      %get3A_344 = arith.constant 1 : i32
      %get3A_345 = arith.index_cast %get3A_343 : i32 to index
      %get3A_346 = arith.index_cast %get3A_344 : i32 to index
      %get3A_347 = arith.index_cast %mul3A_342 : i32 to index
      %get3A_348 = tpu.vector_load %arg11[%get3A_345, %get3A_346, %get3A_347] {strides = array<i32>} : memref<16x2x672xf32, #tpu.memory_space<vmem>>, vector<16xf32>,
      %add3A_349 = arith.addf %add3A_340, %get3A_348 : vector<16xf32>
      %mul3A_350 = arith.constant 16 : i32
      %mul3A_351 = arith.muli %scan3A_94, %mul3A_350 : i32
      %get3A_352 = arith.constant 12 : i32
      %get3A_353 = arith.constant 1 : i32
      %get3A_354 = arith.index_cast %get3A_352 : i32 to index
      %get3A_355 = arith.index_cast %get3A_353 : i32 to index
      %get3A_356 = arith.index_cast %mul3A_351 : i32 to index
      %get3A_357 = tpu.vector_load %arg11[%get3A_354, %get3A_355, %get3A_356] {strides = array<i32>} : memref<16x2x672xf32, #tpu.memory_space<vmem>>, vector<16xf32>,
      %add3A_358 = arith.addf %add3A_349, %get3A_357 : vector<16xf32>
      %mul3A_359 = arith.constant 16 : i32
      %mul3A_360 = arith.muli %scan3A_94, %mul3A_359 : i32
      %get3A_361 = arith.constant 13 : i32
      %get3A_362 = arith.constant 1 : i32
      %get3A_363 = arith.index_cast %get3A_361 : i32 to index
      %get3A_364 = arith.index_cast %get3A_362 : i32 to index
      %get3A_365 = arith.index_cast %mul3A_360 : i32 to index
      %get3A_366 = tpu.vector_load %arg11[%get3A_363, %get3A_364, %get3A_365] {strides = array<i32>} : memref<16x2x672xf32, #tpu.memory_space<vmem>>, vector<16xf32>,
      %add3A_367 = arith.addf %add3A_358, %get3A_366 : vector<16xf32>
      %mul3A_368 = arith.constant 16 : i32
      %mul3A_369 = arith.muli %scan3A_94, %mul3A_368 : i32
      %get3A_370 = arith.constant 14 : i32
      %get3A_371 = arith.constant 1 : i32
      %get3A_372 = arith.index_cast %get3A_370 : i32 to index
      %get3A_373 = arith.index_cast %get3A_371 : i32 to index
      %get3A_374 = arith.index_cast %mul3A_369 : i32 to index
      %get3A_375 = tpu.vector_load %arg11[%get3A_372, %get3A_373, %get3A_374] {strides = array<i32>} : memref<16x2x672xf32, #tpu.memory_space<vmem>>, vector<16xf32>,
      %add3A_376 = arith.addf %add3A_367, %get3A_375 : vector<16xf32>
      %mul3A_377 = arith.constant 16 : i32
      %mul3A_378 = arith.muli %scan3A_94, %mul3A_377 : i32
      %get3A_379 = arith.constant 15 : i32
      %get3A_380 = arith.constant 1 : i32
      %get3A_381 = arith.index_cast %get3A_379 : i32 to index
      %get3A_382 = arith.index_cast %get3A_380 : i32 to index
      %get3A_383 = arith.index_cast %mul3A_378 : i32 to index
      %get3A_384 = tpu.vector_load %arg11[%get3A_381, %get3A_382, %get3A_383] {strides = array<i32>} : memref<16x2x672xf32, #tpu.memory_space<vmem>>, vector<16xf32>,
      %add3A_385 = arith.addf %add3A_376, %get3A_384 : vector<16xf32>
      %mul3A_386 = arith.constant 16 : i32
      %mul3A_387 = arith.muli %scan3A_94, %mul3A_386 : i32
      %swap3A_388 = arith.constant 1 : i32
      %swap3A_389 = arith.index_cast %swap3A_388 : i32 to index
      %swap3A_390 = arith.index_cast %mul3A_387 : i32 to index
      %swap3A_391 = tpu.vector_load %arg12[%swap3A_389, %swap3A_390] {strides = array<i32>} : memref<2x672xf32, #tpu.memory_space<vmem>>, vector<16xf32>,
      tpu.vector_store %arg12[%swap3A_389, %swap3A_390], %add3A_385 {strides = array<i32>} : memref<2x672xf32, #tpu.memory_space<vmem>>, vector<16xf32>,
    }
    %scan3A_90 = arith.constant 42 : i32
    %mul3A_91 = arith.constant 672 : i32
    %mul3A_92 = arith.muli %arg1, %mul3A_91 : i32
    "tpu.region"() ({
      %run_scoped3A = tpu.sem_alloc : memref<!tpu.dma_semaphore, #tpu.memory_space<semaphore_mem>>
      %dma_start3A_94 = arith.constant 2 : i32
      %dma_start3A_95 = tpu.memref_slice %arg5[%arg0, %dma_start3A_94, %mul3A_92] : memref<2x4x10752xf32, #tpu.memory_space<hbm>> -> memref<1x2x672xf32, #tpu.memory_space<hbm>>
      %dma_start3A_96 = tpu.memref_squeeze %dma_start3A_95 : memref<1x2x672xf32, #tpu.memory_space<hbm>> -> memref<2x672xf32, #tpu.memory_space<hbm>>
      %dma_start3A_97 = arith.constant 2 : i32
      %dma_start3A_98 = tpu.memref_slice %arg5[%arg0, %dma_start3A_97, %mul3A_92] : memref<2x4x10752xf32, #tpu.memory_space<hbm>> -> memref<1x2x672xf32, #tpu.memory_space<hbm>>
      %dma_start3A_99 = tpu.memref_squeeze %dma_start3A_98 : memref<1x2x672xf32, #tpu.memory_space<hbm>> -> memref<2x672xf32, #tpu.memory_space<hbm>>
      tpu.enqueue_dma source(%arg12 : memref<2x672xf32, #tpu.memory_space<vmem>>) target(%dma_start3A_99 : memref<2x672xf32, #tpu.memory_space<hbm>>) target_semaphore(%run_scoped3A : memref<!tpu.dma_semaphore, #tpu.memory_space<semaphore_mem>>)
      %dma_wait3A_100 = arith.constant 2 : i32
      %dma_wait3A_101 = tpu.memref_slice %arg5[%arg0, %dma_wait3A_100, %mul3A_92] : memref<2x4x10752xf32, #tpu.memory_space<hbm>> -> memref<1x2x672xf32, #tpu.memory_space<hbm>>
      %dma_wait3A_102 = tpu.memref_squeeze %dma_wait3A_101 : memref<1x2x672xf32, #tpu.memory_space<hbm>> -> memref<2x672xf32, #tpu.memory_space<hbm>>
      %dma_wait3A_103 = arith.constant 2 : i32
      %dma_wait3A_104 = tpu.memref_slice %arg5[%arg0, %dma_wait3A_103, %mul3A_92] : memref<2x4x10752xf32, #tpu.memory_space<hbm>> -> memref<1x2x672xf32, #tpu.memory_space<hbm>>
      %dma_wait3A_105 = tpu.memref_squeeze %dma_wait3A_104 : memref<1x2x672xf32, #tpu.memory_space<hbm>> -> memref<2x672xf32, #tpu.memory_space<hbm>>
      tpu.wait_dma2 semaphore(%run_scoped3A : memref<!tpu.dma_semaphore, #tpu.memory_space<semaphore_mem>>) src(%arg12 : memref<2x672xf32, #tpu.memory_space<vmem>>) dst(%dma_wait3A_105 : memref<2x672xf32, #tpu.memory_space<hbm>>)
      tpu.yield
    }) : () -> ()
    %barrier3A_93 = arith.constant 0 : index
    tpu.barrier barrier_id(%barrier3A_93)
    return
  }
}

module attributes {stable_mosaic.version = 14 : i64} {
  func.func @_ka1_body(%arg0: memref<10000x128xf32, #tpu.memory_space<vmem>>, %arg1: memref<128x4xf32, #tpu.memory_space<vmem>>, %arg2: memref<4x10000xf32, #tpu.memory_space<vmem>>) attributes {dimension_semantics = [], scalar_prefetch = 0 : i64, scratch_operands = 0 : i64, tpu.core_type = #tpu.core_type<tc>} {
    %get3A = arith.constant 0 : index
    %get3A_0 = arith.constant 0 : index
    %get3A_1 = vector.load %arg0[%get3A, %get3A_0] : memref<10000x128xf32, #tpu.memory_space<vmem>>, vector<10000x128xf32>
    %get3A_2 = arith.constant 0 : index
    %get3A_3 = arith.constant 0 : index
    %get3A_4 = vector.load %arg1[%get3A_2, %get3A_3] : memref<128x4xf32, #tpu.memory_space<vmem>>, vector<128x4xf32>
    %dot_general3A = arith.constant dense<0.000000e+00> : vector<10000x4xf32>
    %dot_general3A_5 = tpu.matmul %get3A_1, %get3A_4, %dot_general3A {dimension_numbers = #tpu.dot_dimension_numbers<[1], [0], [0], [1], [0, 0, 1, 1], [], []>, transpose_lhs_hint = false} : vector<10000x128xf32>, vector<128x4xf32>, vector<10000x4xf32> -> vector<10000x4xf32>
    %transpose3A = tpu.transpose %dot_general3A_5, [1, 0] : vector<10000x4xf32> -> vector<4x10000xf32>
    %swap3A = arith.constant 0 : index
    %swap3A_6 = arith.constant 0 : index
    %swap3A_7 = vector.load %arg2[%swap3A, %swap3A_6] : memref<4x10000xf32, #tpu.memory_space<vmem>>, vector<4x10000xf32>
    tpu.vector_store %arg2[%swap3A, %swap3A_6], %transpose3A {strides = array<i32>} : memref<4x10000xf32, #tpu.memory_space<vmem>>, vector<4x10000xf32>,
    return
  }
}

module attributes {stable_mosaic.version = 14 : i64} {
  func.func @_ka2_body(%arg0: memref<4x10000xf32, #tpu.memory_space<vmem>>, %arg1: memref<2x1x10752xf32, #tpu.memory_space<vmem>>, %arg2: memref<4x10000xf32, #tpu.memory_space<vmem>>, %arg3: memref<1x10000xf32, #tpu.memory_space<vmem>>) attributes {dimension_semantics = [], scalar_prefetch = 0 : i64, scratch_operands = 0 : i64, tpu.core_type = #tpu.core_type<tc>} {
    %get3A = arith.constant 0 : index
    %get3A_0 = arith.constant 0 : index
    %get3A_1 = arith.constant 0 : index
    %get3A_2 = vector.load %arg1[%get3A, %get3A_0, %get3A_1] : memref<2x1x10752xf32, #tpu.memory_space<vmem>>, vector<2x1x10752xf32>
    %reduce_sum3A = arith.constant dense<0.000000e+00> : vector<1x10752xf32>
    %reduce_sum3A_3 = vector.multi_reduction <add>, %get3A_2, %reduce_sum3A [0] : vector<2x1x10752xf32> to vector<1x10752xf32>
    %slice3A = vector.extract_strided_slice %reduce_sum3A_3 {offsets = [0, 0], sizes = [1, 10000], strides = [1, 1]} : vector<1x10752xf32> to vector<1x10000xf32>
    %add3A = arith.constant 1.000000e+00 : f32
    %add3A_4 = vector.broadcast %add3A : f32 to vector<1x10000xf32>
    %add3A_5 = arith.addf %slice3A, %add3A_4 : vector<1x10000xf32>
    %rsqrt3A = math.rsqrt %add3A_5 : vector<1x10000xf32>
    %get3A_6 = arith.constant 0 : index
    %get3A_7 = arith.constant 0 : index
    %get3A_8 = vector.load %arg0[%get3A_6, %get3A_7] : memref<4x10000xf32, #tpu.memory_space<vmem>>, vector<4x10000xf32>
    %mul3A = vector.broadcast %rsqrt3A : vector<1x10000xf32> to vector<4x10000xf32>
    %mul3A_9 = arith.mulf %get3A_8, %mul3A : vector<4x10000xf32>
    %swap3A = arith.constant 0 : index
    %swap3A_10 = arith.constant 0 : index
    %swap3A_11 = vector.load %arg2[%swap3A, %swap3A_10] : memref<4x10000xf32, #tpu.memory_space<vmem>>, vector<4x10000xf32>
    tpu.vector_store %arg2[%swap3A, %swap3A_10], %mul3A_9 {strides = array<i32>} : memref<4x10000xf32, #tpu.memory_space<vmem>>, vector<4x10000xf32>,
    %swap3A_12 = arith.constant 0 : index
    %swap3A_13 = arith.constant 0 : index
    %swap3A_14 = vector.load %arg3[%swap3A_12, %swap3A_13] : memref<1x10000xf32, #tpu.memory_space<vmem>>, vector<1x10000xf32>
    tpu.vector_store %arg3[%swap3A_12, %swap3A_13], %rsqrt3A {strides = array<i32>} : memref<1x10000xf32, #tpu.memory_space<vmem>>, vector<1x10000xf32>,
    return
  }
}

module attributes {stable_mosaic.version = 14 : i64} {
  func.func @_glue_body(%arg0: memref<2x4x10752xf32, #tpu.memory_space<vmem>>, %arg1: memref<4x10000xf32, #tpu.memory_space<vmem>>, %arg2: memref<1x10000xf32, #tpu.memory_space<vmem>>, %arg3: memref<4x1xf32, #tpu.memory_space<vmem>>, %arg4: memref<2x4xf32, #tpu.memory_space<vmem>>, %arg5: memref<2x10000xf32, #tpu.memory_space<vmem>>) attributes {dimension_semantics = [], scalar_prefetch = 0 : i64, scratch_operands = 0 : i64, tpu.core_type = #tpu.core_type<tc>} {
    %get3A = arith.constant 0 : index
    %get3A_0 = arith.constant 0 : index
    %get3A_1 = vector.load %arg2[%get3A, %get3A_0] : memref<1x10000xf32, #tpu.memory_space<vmem>>, vector<1x10000xf32>
    %get3A_2 = arith.constant 0 : index
    %get3A_3 = arith.constant 0 : index
    %get3A_4 = arith.constant 0 : index
    %get3A_5 = vector.load %arg0[%get3A_2, %get3A_3, %get3A_4] : memref<2x4x10752xf32, #tpu.memory_space<vmem>>, vector<2x4x10752xf32>
    %reduce_sum3A = arith.constant dense<0.000000e+00> : vector<4x10752xf32>
    %reduce_sum3A_6 = vector.multi_reduction <add>, %get3A_5, %reduce_sum3A [0] : vector<2x4x10752xf32> to vector<4x10752xf32>
    %slice3A = vector.extract_strided_slice %reduce_sum3A_6 {offsets = [0, 0], sizes = [4, 10000], strides = [1, 1]} : vector<4x10752xf32> to vector<4x10000xf32>
    %get3A_7 = arith.constant 0 : index
    %get3A_8 = arith.constant 0 : index
    %get3A_9 = vector.load %arg1[%get3A_7, %get3A_8] : memref<4x10000xf32, #tpu.memory_space<vmem>>, vector<4x10000xf32>
    %add3A = arith.addf %slice3A, %get3A_9 : vector<4x10000xf32>
    %mul3A = vector.broadcast %get3A_1 : vector<1x10000xf32> to vector<4x10000xf32>
    %mul3A_10 = arith.mulf %mul3A, %add3A : vector<4x10000xf32>
    %get3A_11 = arith.constant 0 : index
    %get3A_12 = arith.constant 0 : index
    %get3A_13 = vector.load %arg3[%get3A_11, %get3A_12] : memref<4x1xf32, #tpu.memory_space<vmem>>, vector<4x1xf32>
    %add3A_14 = vector.broadcast %get3A_13 : vector<4x1xf32> to vector<4x10000xf32>
    %add3A_15 = arith.addf %mul3A_10, %add3A_14 : vector<4x10000xf32>
    %max3A = arith.constant 0.000000e+00 : f32
    %max3A_16 = vector.broadcast %max3A : f32 to vector<4x10000xf32>
    %max3A_17 = arith.maximumf %add3A_15, %max3A_16 : vector<4x10000xf32>
    %get3A_18 = arith.constant 0 : index
    %get3A_19 = arith.constant 0 : index
    %get3A_20 = vector.load %arg4[%get3A_18, %get3A_19] : memref<2x4xf32, #tpu.memory_space<vmem>>, vector<2x1xf32>
    %slice3A_21 = vector.extract_strided_slice %max3A_17 {offsets = [0, 0], sizes = [1, 10000], strides = [1, 1]} : vector<4x10000xf32> to vector<1x10000xf32>
    %mul3A_22 = vector.broadcast %get3A_20 : vector<2x1xf32> to vector<2x10000xf32>
    %mul3A_23 = vector.broadcast %slice3A_21 : vector<1x10000xf32> to vector<2x10000xf32>
    %mul3A_24 = arith.mulf %mul3A_22, %mul3A_23 : vector<2x10000xf32>
    %get3A_25 = arith.constant 0 : index
    %get3A_26 = arith.constant 1 : index
    %get3A_27 = vector.load %arg4[%get3A_25, %get3A_26] : memref<2x4xf32, #tpu.memory_space<vmem>>, vector<2x1xf32>
    %slice3A_28 = vector.extract_strided_slice %max3A_17 {offsets = [1, 0], sizes = [1, 10000], strides = [1, 1]} : vector<4x10000xf32> to vector<1x10000xf32>
    %mul3A_29 = vector.broadcast %get3A_27 : vector<2x1xf32> to vector<2x10000xf32>
    %mul3A_30 = vector.broadcast %slice3A_28 : vector<1x10000xf32> to vector<2x10000xf32>
    %mul3A_31 = arith.mulf %mul3A_29, %mul3A_30 : vector<2x10000xf32>
    %add3A_32 = arith.addf %mul3A_24, %mul3A_31 : vector<2x10000xf32>
    %get3A_33 = arith.constant 0 : index
    %get3A_34 = arith.constant 2 : index
    %get3A_35 = vector.load %arg4[%get3A_33, %get3A_34] : memref<2x4xf32, #tpu.memory_space<vmem>>, vector<2x1xf32>
    %slice3A_36 = vector.extract_strided_slice %max3A_17 {offsets = [2, 0], sizes = [1, 10000], strides = [1, 1]} : vector<4x10000xf32> to vector<1x10000xf32>
    %mul3A_37 = vector.broadcast %get3A_35 : vector<2x1xf32> to vector<2x10000xf32>
    %mul3A_38 = vector.broadcast %slice3A_36 : vector<1x10000xf32> to vector<2x10000xf32>
    %mul3A_39 = arith.mulf %mul3A_37, %mul3A_38 : vector<2x10000xf32>
    %add3A_40 = arith.addf %add3A_32, %mul3A_39 : vector<2x10000xf32>
    %get3A_41 = arith.constant 0 : index
    %get3A_42 = arith.constant 3 : index
    %get3A_43 = vector.load %arg4[%get3A_41, %get3A_42] : memref<2x4xf32, #tpu.memory_space<vmem>>, vector<2x1xf32>
    %slice3A_44 = vector.extract_strided_slice %max3A_17 {offsets = [3, 0], sizes = [1, 10000], strides = [1, 1]} : vector<4x10000xf32> to vector<1x10000xf32>
    %mul3A_45 = vector.broadcast %get3A_43 : vector<2x1xf32> to vector<2x10000xf32>
    %mul3A_46 = vector.broadcast %slice3A_44 : vector<1x10000xf32> to vector<2x10000xf32>
    %mul3A_47 = arith.mulf %mul3A_45, %mul3A_46 : vector<2x10000xf32>
    %add3A_48 = arith.addf %add3A_40, %mul3A_47 : vector<2x10000xf32>
    %mul3A_49 = vector.broadcast %get3A_1 : vector<1x10000xf32> to vector<2x10000xf32>
    %mul3A_50 = arith.mulf %add3A_48, %mul3A_49 : vector<2x10000xf32>
    %swap3A = arith.constant 0 : index
    %swap3A_51 = arith.constant 0 : index
    %swap3A_52 = vector.load %arg5[%swap3A, %swap3A_51] : memref<2x10000xf32, #tpu.memory_space<vmem>>, vector<2x10000xf32>
    tpu.vector_store %arg5[%swap3A, %swap3A_51], %mul3A_50 {strides = array<i32>} : memref<2x10000xf32, #tpu.memory_space<vmem>>, vector<2x10000xf32>,
    return
  }
}

module attributes {stable_mosaic.version = 14 : i64} {
  func.func @_glue_body(%arg0: memref<2x2x10752xf32, #tpu.memory_space<vmem>>, %arg1: memref<2x10000xf32, #tpu.memory_space<vmem>>, %arg2: memref<1x10000xf32, #tpu.memory_space<vmem>>, %arg3: memref<2x1xf32, #tpu.memory_space<vmem>>, %arg4: memref<1x2xf32, #tpu.memory_space<vmem>>, %arg5: memref<1x10000xf32, #tpu.memory_space<vmem>>) attributes {dimension_semantics = [], scalar_prefetch = 0 : i64, scratch_operands = 0 : i64, tpu.core_type = #tpu.core_type<tc>} {
    %get3A = arith.constant 0 : index
    %get3A_0 = arith.constant 0 : index
    %get3A_1 = vector.load %arg2[%get3A, %get3A_0] : memref<1x10000xf32, #tpu.memory_space<vmem>>, vector<1x10000xf32>
    %get3A_2 = arith.constant 0 : index
    %get3A_3 = arith.constant 0 : index
    %get3A_4 = arith.constant 0 : index
    %get3A_5 = vector.load %arg0[%get3A_2, %get3A_3, %get3A_4] : memref<2x2x10752xf32, #tpu.memory_space<vmem>>, vector<2x2x10752xf32>
    %reduce_sum3A = arith.constant dense<0.000000e+00> : vector<2x10752xf32>
    %reduce_sum3A_6 = vector.multi_reduction <add>, %get3A_5, %reduce_sum3A [0] : vector<2x2x10752xf32> to vector<2x10752xf32>
    %slice3A = vector.extract_strided_slice %reduce_sum3A_6 {offsets = [0, 0], sizes = [2, 10000], strides = [1, 1]} : vector<2x10752xf32> to vector<2x10000xf32>
    %get3A_7 = arith.constant 0 : index
    %get3A_8 = arith.constant 0 : index
    %get3A_9 = vector.load %arg1[%get3A_7, %get3A_8] : memref<2x10000xf32, #tpu.memory_space<vmem>>, vector<2x10000xf32>
    %add3A = arith.addf %slice3A, %get3A_9 : vector<2x10000xf32>
    %mul3A = vector.broadcast %get3A_1 : vector<1x10000xf32> to vector<2x10000xf32>
    %mul3A_10 = arith.mulf %mul3A, %add3A : vector<2x10000xf32>
    %get3A_11 = arith.constant 0 : index
    %get3A_12 = arith.constant 0 : index
    %get3A_13 = vector.load %arg3[%get3A_11, %get3A_12] : memref<2x1xf32, #tpu.memory_space<vmem>>, vector<2x1xf32>
    %add3A_14 = vector.broadcast %get3A_13 : vector<2x1xf32> to vector<2x10000xf32>
    %add3A_15 = arith.addf %mul3A_10, %add3A_14 : vector<2x10000xf32>
    %max3A = arith.constant 0.000000e+00 : f32
    %max3A_16 = vector.broadcast %max3A : f32 to vector<2x10000xf32>
    %max3A_17 = arith.maximumf %add3A_15, %max3A_16 : vector<2x10000xf32>
    %get3A_18 = arith.constant 0 : index
    %get3A_19 = arith.constant 0 : index
    %get3A_20 = vector.load %arg4[%get3A_18, %get3A_19] : memref<1x2xf32, #tpu.memory_space<vmem>>, vector<1x1xf32>
    %slice3A_21 = vector.extract_strided_slice %max3A_17 {offsets = [0, 0], sizes = [1, 10000], strides = [1, 1]} : vector<2x10000xf32> to vector<1x10000xf32>
    %mul3A_22 = vector.broadcast %get3A_20 : vector<1x1xf32> to vector<1x10000xf32>
    %mul3A_23 = arith.mulf %mul3A_22, %slice3A_21 : vector<1x10000xf32>
    %get3A_24 = arith.constant 0 : index
    %get3A_25 = arith.constant 1 : index
    %get3A_26 = vector.load %arg4[%get3A_24, %get3A_25] : memref<1x2xf32, #tpu.memory_space<vmem>>, vector<1x1xf32>
    %slice3A_27 = vector.extract_strided_slice %max3A_17 {offsets = [1, 0], sizes = [1, 10000], strides = [1, 1]} : vector<2x10000xf32> to vector<1x10000xf32>
    %mul3A_28 = vector.broadcast %get3A_26 : vector<1x1xf32> to vector<1x10000xf32>
    %mul3A_29 = arith.mulf %mul3A_28, %slice3A_27 : vector<1x10000xf32>
    %add3A_30 = arith.addf %mul3A_23, %mul3A_29 : vector<1x10000xf32>
    %mul3A_31 = arith.mulf %add3A_30, %get3A_1 : vector<1x10000xf32>
    %swap3A = arith.constant 0 : index
    %swap3A_32 = arith.constant 0 : index
    %swap3A_33 = vector.load %arg5[%swap3A, %swap3A_32] : memref<1x10000xf32, #tpu.memory_space<vmem>>, vector<1x10000xf32>
    tpu.vector_store %arg5[%swap3A, %swap3A_32], %mul3A_31 {strides = array<i32>} : memref<1x10000xf32, #tpu.memory_space<vmem>>, vector<1x10000xf32>,
    return
  }
}

module attributes {stable_mosaic.version = 14 : i64} {
  func.func @_kd_body(%arg0: memref<2x1x10752xf32, #tpu.memory_space<vmem>>, %arg1: memref<1x10000xf32, #tpu.memory_space<vmem>>, %arg2: memref<1x10000xf32, #tpu.memory_space<vmem>>, %arg3: memref<1x1xf32, #tpu.memory_space<vmem>>, %arg4: memref<10000x1xf32, #tpu.memory_space<vmem>>) attributes {dimension_semantics = [], scalar_prefetch = 0 : i64, scratch_operands = 0 : i64, tpu.core_type = #tpu.core_type<tc>} {
    %get3A = arith.constant 0 : index
    %get3A_0 = arith.constant 0 : index
    %get3A_1 = arith.constant 0 : index
    %get3A_2 = vector.load %arg0[%get3A, %get3A_0, %get3A_1] : memref<2x1x10752xf32, #tpu.memory_space<vmem>>, vector<2x1x10752xf32>
    %reduce_sum3A = arith.constant dense<0.000000e+00> : vector<1x10752xf32>
    %reduce_sum3A_3 = vector.multi_reduction <add>, %get3A_2, %reduce_sum3A [0] : vector<2x1x10752xf32> to vector<1x10752xf32>
    %slice3A = vector.extract_strided_slice %reduce_sum3A_3 {offsets = [0, 0], sizes = [1, 10000], strides = [1, 1]} : vector<1x10752xf32> to vector<1x10000xf32>
    %get3A_4 = arith.constant 0 : index
    %get3A_5 = arith.constant 0 : index
    %get3A_6 = vector.load %arg2[%get3A_4, %get3A_5] : memref<1x10000xf32, #tpu.memory_space<vmem>>, vector<1x10000xf32>
    %get3A_7 = arith.constant 0 : index
    %get3A_8 = arith.constant 0 : index
    %get3A_9 = vector.load %arg1[%get3A_7, %get3A_8] : memref<1x10000xf32, #tpu.memory_space<vmem>>, vector<1x10000xf32>
    %add3A = arith.addf %slice3A, %get3A_9 : vector<1x10000xf32>
    %mul3A = arith.mulf %get3A_6, %add3A : vector<1x10000xf32>
    %get3A_10 = arith.constant 0 : index
    %get3A_11 = arith.constant 0 : index
    %get3A_12 = vector.load %arg3[%get3A_10, %get3A_11] : memref<1x1xf32, #tpu.memory_space<vmem>>, vector<1x1xf32>
    %add3A_13 = vector.broadcast %get3A_12 : vector<1x1xf32> to vector<1x10000xf32>
    %add3A_14 = arith.addf %mul3A, %add3A_13 : vector<1x10000xf32>
    %tanh3A = math.tanh %add3A_14 : vector<1x10000xf32>
    %reshape3A = vector.shape_cast %tanh3A : vector<1x10000xf32> to vector<10000x1xf32>
    %swap3A = arith.constant 0 : index
    %swap3A_15 = arith.constant 0 : index
    %swap3A_16 = vector.load %arg4[%swap3A, %swap3A_15] : memref<10000x1xf32, #tpu.memory_space<vmem>>, vector<10000x1xf32>
    tpu.vector_store %arg4[%swap3A, %swap3A_15], %reshape3A {strides = array<i32>} : memref<10000x1xf32, #tpu.memory_space<vmem>>, vector<10000x1xf32>,
    return
  }
}

</mosaic_0001>

<sc_bundles>
// kernel: kernel.11.cloned.1.call-start
scs
__scs_entry_jumppad:
0x0: {  	(pc) =	sbr.rel $0x88, $3  }
0x1: {  	(tag) =	ssettag $0x0;
	lr =	simm.s32 $0x1  }
0x2: {  	[smem:$0x3F99] =	sst lr;
	_ =	strace $0xD0000000  }
0x3: {  	_ = 	snop  }
0x4: {  	_ = 	snop  }
0x5: {  	_ = 	snop  }
0x6: {  	_ = 	snop  }
0x7: {  	_ = 	snop  }
__scs_overlays_trampoline_lowered:
0x8: {  	[smem:$0x3FA8] =	sst s0  }
0x9: {  	[smem:$0x3FA9] =	sst s1  }
0xa: {  	[smem:$0x3FAA] =	sst s2  }
0xb: {  	[smem:$0x3FAB] =	sst s3  }
0xc: {  	[smem:$0x3FAC] =	sst s4  }
0xd: {  	[smem:$0x3FAD] =	sst s5  }
0xe: {  	[smem:$0x3FAE] =	sst s6  }
0xf: {  	[smem:$0x3FAF] =	sst s7  }
0x10: {  	[smem:$0x3FB0] =	sst s8  }
0x11: {  	[smem:$0x3FB1] =	sst s9;
	s0 =	simm.s32 @!p0 $0x0  }
0x12: {  	s1 =	sld [smem:$0x3F97];
	s0 =	simm.s32 @p0 $0x1  }
0x13: {  	[smem:$0x3FB2] =	sst s0;
	s0 =	simm.s32 @!p1 $0x0  }
0x14: {  	s2 =	sld [smem:$0x3F96];
	s0 =	simm.s32 @p1 $0x1  }
0x15: {  	[smem:$0x3FB3] =	sst s0;
	s0 =	simm.s32 @!p2 $0x0  }
0x16: {  	s3 =	sld [smem:$0x3FDB];
	s0 =	simm.s32 @p2 $0x1  }
0x17: {  	s4 =	simm.s32 $0x1BF5;
	[smem:$0x3FB5] =	sst s0  }
0x18: {  	s0 =	sld [smem:$0x3F98];
	_ =	swait.ge [sflag:s4], $0x0  }
0x19: {  	s7 =	sld [smem:$0x3F99]  }
0x1a: {  	s8 =	sadd.s32 $0xFFFFE003, lr  }
0x1b: {  	s9 =	sadd.s32 $0xFFFFFEF7, lr;
	s5 =	simm.s32 $0xFFFFFFFF;
	p2 =	slt.u32 s8, $0xFFFFF086  }
0x1c: {  	p1 =	slt.u32 s9, $0xF7A;
	s5 =	simm.s32 @!p2 $0x0  }
0x1d: {  	s5 =	simm.s32 @p1 $0x1;
	p0 =	seq.s32 s7, s2  }
0x1e: {  	s7 =	smul.u32 @!p0 $0xF7A, s2;
	p2 =	seq.s32 @!p0 s5, $0x0  }
0x1f: {  	s9 =	smul.u32 $0xF7A, s1;
	s8 =	simm.s32 @!p0 $0x1BF5;
	p2 =	por !p2, p0  }
0x20: {  	[sflag:s8] =	ssyncset.s32 @!p0 $0xFFFFF086;
	s6 =	sadd.s32 @!p0 s3, s7;
	s7 =	simm.s32 @!p0 $0x108  }
0x21: {  	s3 =	sadd.s32 s3, s9;
	s6 =	sadd.s32 @!p0 $0x88, s6;
	s7 =	simm.s32 @p2 $0x1082  }
0x22: {  	[simem:s7], [sflag:s8] =	dma.local @!p0 [hbm:s6], $0xF7A  }
0x23: {  	s9 =	sor.u32 $0xD0000000, s2;
	s6 =	simm.s32 $0x108;
	_ =	swait.ge @!p0 [sflag:s8], $0x0  }
0x24: {  	s3 =	sadd.s32 $0x88, s3;
	s6 =	simm.s32 @!p1 $0x1082;
	[sflag:s4] =	ssyncset.s32 $0xFFFFF086  }
0x25: {  	[simem:s6], [sflag:s4] =	dma.local [hbm:s3], $0xF7A  }
0x26: {  	[smem:$0x3F99] =	sst s1;
	(tag) =	ssettag s2;
	_ =	strace s9  }
0x27: {  	s1 =	sld [smem:$0x3FA9]  }
0x28: {  	s2 =	sld [smem:$0x3FAA]  }
0x29: {  	s4 =	sld [smem:$0x3FAC]  }
0x2a: {  	p0 =	seq.s32 s5, $0x0;
	s5 =	sld [smem:$0x3FAD]  }
0x2b: {  	s6 =	sld [smem:$0x3FAE]  }
0x2c: {  	s7 =	sld [smem:$0x3FAF]  }
0x2d: {  	s3 =	simm.s32 $0x108;
	s8 =	sld [smem:$0x3FB0]  }
0x2e: {  	s3 =	simm.s32 @!p0 $0x1082;
	s9 =	sld [smem:$0x3FB1]  }
0x2f: {  	lr =	sadd.s32 s0, s3;
	s0 =	sld [smem:$0x3FA8]  }
0x30: {  	s3 =	sld [smem:$0x3FAB]  }
0x31: {  	[smem:$0x3FB4] =	sst s10  }
0x32: {  	s10 =	sld [smem:$0x3FB2];
	_ =	sdelay $0x3  }
0x33: {  	p0 =	seq.s32 s10, $0x1;
	s10 =	sld [smem:$0x3FB4];
	_ =	sdelay $0x3  }
0x34: {  	[smem:$0x3FB4] =	sst s10  }
0x35: {  	s10 =	sld [smem:$0x3FB3];
	_ =	sdelay $0x3  }
0x36: {  	p1 =	seq.s32 s10, $0x1;
	s10 =	sld [smem:$0x3FB4];
	_ =	sdelay $0x3  }
0x37: {  	[smem:$0x3FB4] =	sst s10  }
0x38: {  	s10 =	sld [smem:$0x3FB5]  }
0x39: {  	_ = 	snop;
	(pc) =	sbr.ind lr, $3  }
0x3a: {  	_ = 	snop  }
0x3b: {  	_ = 	snop  }
0x3c: {  	p2 =	seq.s32 s10, $0x1;
	s10 =	sld [smem:$0x3FB4]  }
0x3d: {  	_ =	shalt  }
0x3e: {  	_ =	shalt  }
0x3f: {  	_ =	shalt  }
0x40: {  	_ =	shalt  }
0x41: {  	_ =	shalt  }
0x42: {  	_ =	shalt  }
0x43: {  	_ =	shalt  }
0x44: {  	_ =	shalt  }
0x45: {  	_ =	shalt  }
0x46: {  	_ =	shalt  }
0x47: {  	_ =	shalt  }
0x48: {  	_ =	shalt  }
0x49: {  	_ =	shalt  }
0x4a: {  	_ =	shalt  }
0x4b: {  	_ =	shalt  }
0x4c: {  	_ =	shalt  }
0x4d: {  	_ =	shalt  }
0x4e: {  	_ =	shalt  }
0x4f: {  	_ =	shalt  }
0x50: {  	_ =	shalt  }
0x51: {  	_ =	shalt  }
0x52: {  	_ =	shalt  }
0x53: {  	_ =	shalt  }
0x54: {  	_ =	shalt  }
0x55: {  	_ =	shalt  }
0x56: {  	_ =	shalt  }
0x57: {  	_ =	shalt  }
0x58: {  	_ =	shalt  }
0x59: {  	_ =	shalt  }
0x5a: {  	_ =	shalt  }
0x5b: {  	_ =	shalt  }
0x5c: {  	_ =	shalt  }
0x5d: {  	_ =	shalt  }
0x5e: {  	_ =	shalt  }
0x5f: {  	_ =	shalt  }
0x60: {  	_ =	shalt  }
0x61: {  	_ =	shalt  }
0x62: {  	_ =	shalt  }
0x63: {  	_ =	shalt  }
0x64: {  	_ =	shalt  }
0x65: {  	_ =	shalt  }
0x66: {  	_ =	shalt  }
0x67: {  	_ =	shalt  }
0x68: {  	_ =	shalt  }
0x69: {  	_ =	shalt  }
0x6a: {  	_ =	shalt  }
0x6b: {  	_ =	shalt  }
0x6c: {  	_ =	shalt  }
0x6d: {  	_ =	shalt  }
0x6e: {  	_ =	shalt  }
0x6f: {  	_ =	shalt  }
0x70: {  	_ =	shalt  }
0x71: {  	_ =	shalt  }
0x72: {  	_ =	shalt  }
0x73: {  	_ =	shalt  }
0x74: {  	_ =	shalt  }
0x75: {  	_ =	shalt  }
0x76: {  	_ =	shalt  }
0x77: {  	_ =	shalt  }
0x78: {  	_ =	shalt  }
0x79: {  	_ =	shalt  }
0x7a: {  	_ =	shalt  }
0x7b: {  	_ =	shalt  }
0x7c: {  	_ =	shalt  }
0x7d: {  	_ =	shalt  }
0x7e: {  	_ =	shalt  }
0x7f: {  	_ =	shalt  }
0x80: {  	_ =	shalt  }
0x81: {  	_ =	shalt  }
0x82: {  	_ =	shalt  }
0x83: {  	_ =	shalt  }
0x84: {  	_ =	shalt  }
0x85: {  	_ =	shalt  }
0x86: {  	_ =	shalt  }
0x87: {  	_ =	shalt  }
.Lfunc_end0:
.L_simem_size_0:
called_computation_lowered:
.L_overlay_start_0:
0x88: {  	s2 =	sld [smem:$0x3FD9]  }
0x89: {  	s3 =	sld [smem:$0x3FFE];
	_ =	sdelay $0x1  }
0x8a: {  	s1 =	srdreg.scid  }
0x8b: {  	s0 =	sand.u32 $0x1, s1  }
0x8c: {  	s16 =	sshll.u32 s0, $0xA;
	s2 =	sadd.s32 s3, s2  }
0x8d: {  	s2 =	sadd.s32 s2, s16  }
0x8e: {  	[smem:$0x3FC0] =	sst s2  }
0x8f: {  	_ = 	snop  }
0x90: {  	(tm) =	ssettm $0x1  }
0x91: {  	s17 =	sld [smem:$0x3FFB];
	_ =	sdelay $0x3  }
0x92: {  	_ =	strace s17  }
0x93: {  	s2 =	sld [smem:$0x3FFC];
	_ =	sdelay $0x3  }
0x94: {  	_ =	strace s2  }
0x95: {  	s2 =	sld [smem:$0x3FFD];
	_ =	sdelay $0x3  }
0x96: {  	_ =	strace s2  }
0x97: {  	_ =	strace $0x8FFFFFFF  }
0x98: {  	s18 =	sld [smem:$0x3FDB];
	_ =	sdelay $0x1  }
0x99: {  	s19 =	simm.s32 $_scs_section_size  }
0x9a: {  	s4 =	simm.s32 $_size__tile_overlayer_lowered;
	s5 =	simm.s32 $_tile_overlayer_lowered  }
0x9b: {  	s22 =	simm.s32 $0x1BFF;
	s21 =	sshll.u32 s5, $0x1;
	s2 =	sadd.s32 s19, s18  }
0x9c: {  	s6 =	simm.s32 $0x0;
	s20 =	sshll.u32 s4, $0x1;
	s4 =	sadd.s32 s21, s2  }
0x9d: {  	[timem:s6], [sflag:s22] =	dma.local [hbm:s4], s20  }
0x9e: {  	_ =	swait.ge [sflag:s22], s20  }
0x9f: {  	s3 =	ssub.s32 $0x0, s20;
	[sflag:s22] =	ssyncset.done $0x0  }
0xa0: {  	[sflag:s22] =	ssyncadd.s32 s3;
	_ =	sdelay $0x1  }
0xa1: {  	s23 =	simm.s32 $0x1B8B  }
0xa2: {  	_ =	swait.ge [sflag:s23], $0x1  }
0xa3: {  	[sflag:s23] =	ssyncset.done $0x0  }
0xa4: {  	s25 =	simm.s32 $0x1B8E;
	s24 =	sld [smem:$0x3FFE];
	[sflag:s23] =	ssyncadd.s32 $0xFFFFFFFF  }
0xa5: {  	s26 =	simm.s32 $execute0_lowered;
	[smem:$0x3FD2] =	sst s25  }
0xa6: {  	s4 =	sshll.u32 s26, $0x1;
	_ =	strace $0x80000046;
	[dreg:$0x1] =	wrdreg $0xFFFFFFFF  }
0xa7: {  	s28 =	simm.s32 $_size_execute0_lowered;
	s2 =	sadd.s32 s2, s4;
	[dreg:$0x0] =	wrdreg $0x0  }
0xa8: {  	s4 =	sshll.u32 s28, $0x1;
	[dreg:$0x2] =	wrdreg s2  }
0xa9: {  	[dreg:$0x3] =	wrdreg s4  }
0xaa: {  	[dreg:$0x4] =	wrdreg $0xC0  }
0xab: {  	_ =	task [dreg:s6], $0x5FFFF  }
0xac: {  	[dreg:$0x1] =	wrdreg $0xFFFFFFFF  }
0xad: {  	[dreg:$0x0] =	wrdreg $0x60  }
0xae: {  	[dreg:$0x2] =	wrdreg s24  }
0xaf: {  	[dreg:$0x3] =	wrdreg $0x7DB00  }
0xb0: {  	[dreg:$0x4] =	wrdreg $0x9  }
0xb1: {  	_ =	task.clear_ibuf [dreg:s6], $0x5FFFF;
	_ =	strace $0x90000046  }
0xb2: {  	s29 =	simm.s32 $0x9;
	_ =	strace $0x80000048  }
0xb3: {  	_ =	swait.ge [sflag:s29], $0x1  }
0xb4: {  	[sflag:s29] =	ssyncadd.s32 $0xFFFFFFFF  }
0xb5: {  	_ =	strace $0x90000048  }
0xb6: {  	_ =	sfence  }
0xb7: {  	s30 =	sld [smem:$0x0];
	_ =	sdelay $0x2  }
0xb8: {  	s31 =	sshll.u32 s1, $0xD;
	s1 =	sshrl.u32 s1, $0x2  }
0xb9: {  	s3 =	sand.u32 $0x4000, s31;
	s1 =	sadd.s32 s1, s30  }
0xba: {  	s0 =	sor.u32 s3, s0;
	s1 =	sshll.u32 s1, $0x11  }
0xbb: {  	s0 =	sor.u32 s1, s0  }
0xbc: {  	s0 =	sadd.s32 $0x8F2B, s0  }
0xbd: {  	[sflag:s0] =	ssyncadd.remote.s32 $0x1  }
0xbe: {  	_ =	sfence.sel $0xFFFF  }
0xbf: {  	[dreg:$0x0] =	wrdreg $0xFFFFFFFF;
	(pc) =	sbr.abs _section_cstart, $3  }
0xc0: {  	[dreg:$0x1] =	wrdreg $0xFFFFFFFF  }
0xc1: {  	_ =	task.clear_ibuf [dreg:s6], $0x2FFFF;
	_ =	strace $0x9FFFFFFF  }
0xc2: {  	(tm) =	ssettm $0x7FFFFFFF  }
0xc3: {  	_ =	shalt  }
tec
execute0_lowered:
.L_overlay_start_1:
0x0: {  	(tag) =	ssettag $0x1  }
0x1: {  	s4 =	rddreg [dreg:$0x0]  }
0x2: {  	s6 =	rddreg [dreg:$0x1]  }
0x3: {  	s0 =	rddreg [dreg:$0x2];
	s3 =	srdreg.scid  }
0x4: {  	s1 =	stileid.u32;
	s2 =	simm.s32 $0x0;
	s12 =	simm.s32 $0x2A00  }
0x5: {  	s13 =	simm.s32 $0x5110;
	s14 =	simm.s32 $0x7B10;
	s7 =	smul.u32 $0x2A0, s1  }
0x6: {  	s15 =	simm.s32 $0x0;
	s5 =	sand.u32 $0x1, s3;
	s10 =	smul.u32 $0xA800, s1  }
0x7: {  	[smem:$0x7FF] =	sst s2;
	s8 =	smul.u32 $0x2A00, s5;
	s3 =	sshll.u32 s5, $0x4  }
0x8: {  	_ =	strace $0x80000047;
	s5 =	ssub.s32 $0x2, s5;
	s9 =	sor.u32 s1, s3  }
0x9: {  	s3 =	sadd.s32 $0x15E00, s4;
	s11 =	sshrl.u32 s5, $0x1;
	s31 =	sshrl.u32 s10, $0x2  }
0xa: {  	s10 =	simm.s32 $0x2710;
	s8 =	sadd.s32 s7, s8;
	s9 =	smul.u32 $0x2710, s9  }
0xb: {  	s11 =	ssub.s32 s5, s11;
	s5 =	sadd.s32 s31, s6;
	s8 =	sshrl.u32 s8, $0x3  }
0xc: {  	s6 =	sadd.s32 s7, s6;
	s8 =	sadd.s32 s8, s4;
	s9 =	sshrl.u32 s9, $0x3  }
0xd: {  	s4 =	sadd.s32 s4, s9;
	s7 =	sadd.s32 $0x16400, s8;
	s8 =	smax.u32 s11, $0x1  }
0xe: {  	v0 =	vimm.f32 $1.000000000e+00;
	s9 =	simm.s32 $0x1;
	s11 =	simm.s32 $0x2A0;
	s4 =	sadd.s32 $0xC040, s4  }
.LBB2_1:
0xf: {  	[tilespmem:s2], [sflag:$0x1] =	stream.linear.gather [hbm4b:s4+s2], $0x2710, $0x38;
	[tilespmem:$0xA7B0] =	vst v63  }
0x10: {  	_ =	swait.ge [sflag:s9], $0x2710  }
0x11: {  	[sflag:s9] =	ssyncset.done $0x0  }
0x12: {  	[sflag:s9] =	ssyncadd.s32 $0xFFFFD8F0  }
0x13: {  	[tilespmem:s10], [sflag:$0x1] =	stream.linear.gather [hbm4b:s3+s2], $0x2A00, $0x38;
	[tilespmem:$0xA7B0] =	vst v63  }
0x14: {  	_ =	swait.ge [sflag:s9], $0x2A00  }
0x15: {  	[sflag:s9] =	ssyncset.done $0x0  }
0x16: {  	s16 =	simm.s32 $0x0;
	[sflag:s9] =	ssyncadd.s32 $0xFFFFD600  }
0x17: {  	v2 =	vld [tilespmem:s16+$0x0]  }
0x18: {  	v3 =	vld [tilespmem:s16+$0x10]  }
0x19: {  	v4 =	vld [tilespmem:s16+$0x20]  }
0x1a: {  	v5 =	vld [tilespmem:s16+$0x30]  }
0x1b: {  	v6 =	vld [tilespmem:s16+$0x40]  }
0x1c: {  	v7 =	vld [tilespmem:s16+$0x50]  }
0x1d: {  	v8 =	vld [tilespmem:s16+$0x60]  }
0x1e: {  	v1 =	vld [tilespmem:s16+$0x70]  }
0x1f: {  	[tilespmem:v2+s10+$0x0] =	vst.idx.add.f32.msk $0xffff, v0  }
0x20: {  	[tilespmem:v3+s10+$0x0] =	vst.idx.add.f32.msk $0xffff, v0  }
0x21: {  	[tilespmem:v4+s10+$0x0] =	vst.idx.add.f32.msk $0xffff, v0  }
0x22: {  	[tilespmem:v5+s10+$0x0] =	vst.idx.add.f32.msk $0xffff, v0  }
0x23: {  	[tilespmem:v6+s10+$0x0] =	vst.idx.add.f32.msk $0xffff, v0  }
0x24: {  	[tilespmem:v7+s10+$0x0] =	vst.idx.add.f32.msk $0xffff, v0  }
0x25: {  	s16 =	simm.s32 $0x200;
	[tilespmem:v8+s10+$0x0] =	vst.idx.add.f32.msk $0xffff, v0  }
.LBB2_2:
0x26: {  	s17 =	sshra.s32 s16, $0x2;
	p0 =	sne.s32 s16, $0x9A00;
	s16 =	sadd.s32 $0x200, s16;
	[tilespmem:v1+s10+$0x0] =	vst.idx.add.f32.msk $0xffff, v0  }
0x27: {  	v2 =	vld [tilespmem:s17+$0x0]  }
0x28: {  	v3 =	vld [tilespmem:s17+$0x10]  }
0x29: {  	v4 =	vld [tilespmem:s17+$0x20]  }
0x2a: {  	v5 =	vld [tilespmem:s17+$0x30]  }
0x2b: {  	v6 =	vld [tilespmem:s17+$0x40]  }
0x2c: {  	v7 =	vld [tilespmem:s17+$0x50]  }
0x2d: {  	v8 =	vld [tilespmem:s17+$0x60]  }
0x2e: {  	v1 =	vld [tilespmem:s17+$0x70]  }
0x2f: {  	[tilespmem:v2+s10+$0x0] =	vst.idx.add.f32.msk $0xffff, v0  }
0x30: {  	[tilespmem:v3+s10+$0x0] =	vst.idx.add.f32.msk $0xffff, v0  }
.Ltmp0:
0x31: {  	[tilespmem:v4+s10+$0x0] =	vst.idx.add.f32.msk $0xffff, v0;
	(pc) =	sbr.rel @p0 .LBB2_2-.Ltmp0, $4  }
0x32: {  	[tilespmem:v5+s10+$0x0] =	vst.idx.add.f32.msk $0xffff, v0  }
0x33: {  	[tilespmem:v6+s10+$0x0] =	vst.idx.add.f32.msk $0xffff, v0  }
0x34: {  	[tilespmem:v7+s10+$0x0] =	vst.idx.add.f32.msk $0xffff, v0  }
0x35: {  	[tilespmem:v8+s10+$0x0] =	vst.idx.add.f32.msk $0xffff, v0  }
0x36: {  	_ =	sdelay $0x3  }
0x37: {  	[tilespmem:v1+s10+$0x0] =	vst.idx.add.f32.msk $0xffff, v0  }
0x38: {  	v1 =	vld [tilespmem:$0x2700];
	_ =	sdelay $0x7  }
0x39: {  	[tilespmem:v1+s10+$0x0] =	vst.idx.add.f32.msk $0xffff, v0  }
0x3a: {  	[spmem:s5] =	stream.linear.scatter [tilespmem:s10], [sflag:$0x1], $0x2A00, $0x38;
	[tilespmem:$0xA7B0] =	vst v63  }
0x3b: {  	_ =	swait.ge [sflag:s9], $0x2A00  }
0x3c: {  	[sflag:s9] =	ssyncset.done $0x0  }
0x3d: {  	[sflag:s9] =	ssyncadd.s32 $0xFFFFD600  }
0x3e: {  	[bflag:$0x0] =	sbarrier.arrive $0xFFFF  }
0x3f: {  	[tilespmem:s13], [sflag:$0x1] =	stream.strided.gather [spmem:s6], $0x2A00, s12, s11, $0x38;
	[tilespmem:$0xA7B0] =	vst v63  }
0x40: {  	_ =	swait.ge [sflag:s9], $0x2A00  }
0x41: {  	[sflag:s9] =	ssyncset.done $0x0  }
0x42: {  	s17 =	simm.s32 $0x0;
	[sflag:s9] =	ssyncadd.s32 $0xFFFFD600  }
0x43: {  	v1 =	vld [tilespmem:s17+$0x5110]  }
0x44: {  	v2 =	vld [tilespmem:s17+$0x53B0];
	_ =	sdelay $0x1  }
0x45: {  	v3 =	vld [tilespmem:s17+$0x5650];
	_ =	sdelay $0x1  }
0x46: {  	v4 =	vld [tilespmem:s17+$0x58F0]  }
0x47: {  	v1 =	vadd.f32 v2, v1  }
0x48: {  	v2 =	vld [tilespmem:s17+$0x5B90]  }
0x49: {  	v1 =	vadd.f32 v3, v1  }
0x4a: {  	v3 =	vld [tilespmem:s17+$0x5E30]  }
0x4b: {  	v1 =	vadd.f32 v4, v1  }
0x4c: {  	v4 =	vld [tilespmem:s17+$0x60D0]  }
0x4d: {  	v1 =	vadd.f32 v2, v1  }
0x4e: {  	v2 =	vld [tilespmem:s17+$0x6370]  }
0x4f: {  	s16 =	simm.s32 $0x10;
	v5 =	vld [tilespmem:s17+$0x6610];
	v1 =	vadd.f32 v3, v1  }
0x50: {  	v6 =	vld [tilespmem:s16+$0x5110]  }
0x51: {  	v3 =	vld [tilespmem:s17+$0x68B0];
	v1 =	vadd.f32 v4, v1  }
0x52: {  	v4 =	vld [tilespmem:s16+$0x53B0]  }
0x53: {  	v7 =	vld [tilespmem:s16+$0x5650];
	v1 =	vadd.f32 v2, v1  }
0x54: {  	v2 =	vld [tilespmem:s17+$0x6B50]  }
0x55: {  	v8 =	vld [tilespmem:s16+$0x58F0];
	v1 =	vadd.f32 v5, v1  }
0x56: {  	v5 =	vld [tilespmem:s17+$0x6DF0]  }
0x57: {  	v4 =	vadd.f32 v4, v6;
	v6 =	vld [tilespmem:s16+$0x5B90];
	v1 =	vadd.f32 v3, v1  }
0x58: {  	v3 =	vld [tilespmem:s17+$0x7090]  }
0x59: {  	v4 =	vadd.f32 v7, v4;
	v7 =	vld [tilespmem:s16+$0x5E30];
	v1 =	vadd.f32 v2, v1  }
0x5a: {  	v2 =	vld [tilespmem:s17+$0x7330]  }
0x5b: {  	v9 =	vld [tilespmem:s16+$0x60D0];
	v4 =	vadd.f32 v8, v4;
	v1 =	vadd.f32 v5, v1  }
0x5c: {  	v8 =	vld [tilespmem:s17+$0x75D0]  }
0x5d: {  	v5 =	vadd.f32 v6, v4;
	v4 =	vld [tilespmem:s16+$0x6370];
	v6 =	vadd.f32 v3, v1  }
0x5e: {  	v3 =	vld [tilespmem:s17+$0x7870]  }
0x5f: {  	v1 =	vld [tilespmem:s16+$0x68B0];
	v7 =	vadd.f32 v7, v5;
	v10 =	vadd.f32 v2, v6  }
0x60: {  	s18 =	simm.s32 $0x20;
	v5 =	vld [tilespmem:s16+$0x6610]  }
0x61: {  	s19 =	simm.s32 $0xC0;
	v2 =	vld [tilespmem:s18+$0x5110];
	v6 =	vadd.f32 v9, v7;
	v7 =	vadd.f32 v8, v10  }
.LBB2_4:
0x62: {  	p0 =	sne.s32 s19, $0xA40;
	v8 =	vld [tilespmem:s18+$0x53B0]  }
0x63: {  	v4 =	vadd.f32 v4, v6;
	v6 =	vld [tilespmem:s16+$0x6B50];
	v3 =	vadd.f32 v3, v7  }
0x64: {  	v7 =	vld [tilespmem:s18+$0x5650]  }
0x65: {  	v4 =	vadd.f32 v5, v4;
	v5 =	vld [tilespmem:s16+$0x6DF0];
	[tilespmem:s17+$0x7B10] =	vst v3;
	s17 =	smov.u32 s16;
	s16 =	smov.u32 s18  }
0x66: {  	v3 =	vld [tilespmem:s16+$0x58F0]  }
0x67: {  	v2 =	vadd.f32 v8, v2;
	v1 =	vadd.f32 v1, v4;
	v4 =	vld [tilespmem:s17+$0x7090]  }
0x68: {  	v8 =	vld [tilespmem:s16+$0x5B90]  }
0x69: {  	v2 =	vadd.f32 v7, v2;
	v1 =	vadd.f32 v6, v1;
	v6 =	vld [tilespmem:s17+$0x7330]  }
0x6a: {  	v7 =	vld [tilespmem:s16+$0x5E30]  }
0x6b: {  	v2 =	vadd.f32 v3, v2;
	v1 =	vadd.f32 v5, v1;
	v9 =	vld [tilespmem:s17+$0x75D0]  }
0x6c: {  	v10 =	vld [tilespmem:s16+$0x60D0]  }
.Ltmp1:
0x6d: {  	v2 =	vadd.f32 v8, v2;
	v5 =	vadd.f32 v4, v1;
	v3 =	vld [tilespmem:s17+$0x7870];
	(pc) =	sbr.rel @p0 .LBB2_4-.Ltmp1, $4  }
0x6e: {  	v4 =	vld [tilespmem:s16+$0x6370]  }
0x6f: {  	v7 =	vadd.f32 v7, v2;
	v1 =	vld [tilespmem:s16+$0x68B0];
	v8 =	vadd.f32 v6, v5  }
0x70: {  	s18 =	sshra.s32 s19, $0x2;
	v5 =	vld [tilespmem:s16+$0x6610]  }
0x71: {  	s19 =	sadd.s32 $0x40, s19;
	v2 =	vld [tilespmem:s18+$0x5110];
	v6 =	vadd.f32 v10, v7;
	v7 =	vadd.f32 v9, v8  }
0x72: {  	v8 =	vld [tilespmem:s18+$0x53B0]  }
0x73: {  	v9 =	vld [tilespmem:s16+$0x6B50];
	v3 =	vadd.f32 v3, v7  }
0x74: {  	v52 =	vld [tilespmem:s18+$0x5650]  }
0x75: {  	v10 =	vld [tilespmem:s16+$0x6DF0];
	v4 =	vadd.f32 v4, v6;
	[tilespmem:s17+$0x7B10] =	vst v3  }
0x76: {  	v3 =	vld [tilespmem:s18+$0x58F0]  }
0x77: {  	v4 =	vadd.f32 v5, v4;
	v2 =	vadd.f32 v8, v2  }
0x78: {  	v53 =	vld [tilespmem:s18+$0x5B90]  }
0x79: {  	v54 =	vld [tilespmem:s16+$0x7090];
	v1 =	vadd.f32 v1, v4;
	v2 =	vadd.f32 v52, v2  }
0x7a: {  	v55 =	vld [tilespmem:s18+$0x5E30]  }
0x7b: {  	v56 =	vld [tilespmem:s16+$0x7330];
	v1 =	vadd.f32 v9, v1;
	v2 =	vadd.f32 v3, v2  }
0x7c: {  	v3 =	vld [tilespmem:s18+$0x60D0]  }
0x7d: {  	v57 =	vld [tilespmem:s16+$0x75D0];
	v1 =	vadd.f32 v10, v1;
	v2 =	vadd.f32 v53, v2  }
0x7e: {  	v58 =	vld [tilespmem:s18+$0x6370]  }
0x7f: {  	v59 =	vld [tilespmem:s16+$0x7870];
	v1 =	vadd.f32 v54, v1;
	v2 =	vadd.f32 v55, v2  }
0x80: {  	v60 =	vld [tilespmem:s18+$0x6610]  }
0x81: {  	v1 =	vadd.f32 v56, v1;
	v2 =	vadd.f32 v3, v2  }
0x82: {  	v3 =	vld [tilespmem:s18+$0x68B0]  }
0x83: {  	v1 =	vadd.f32 v57, v1;
	v2 =	vadd.f32 v58, v2  }
0x84: {  	v61 =	vld [tilespmem:s18+$0x6B50]  }
0x85: {  	v1 =	vadd.f32 v59, v1;
	v2 =	vadd.f32 v60, v2  }
0x86: {  	v62 =	vld [tilespmem:s18+$0x6DF0]  }
0x87: {  	[tilespmem:s16+$0x7B10] =	vst v1;
	v1 =	vadd.f32 v3, v2  }
0x88: {  	v2 =	vld [tilespmem:s18+$0x7090]  }
0x89: {  	v1 =	vadd.f32 v61, v1  }
0x8a: {  	v3 =	vld [tilespmem:s18+$0x7330]  }
0x8b: {  	v1 =	vadd.f32 v62, v1  }
0x8c: {  	v63 =	vld [tilespmem:s18+$0x75D0]  }
0x8d: {  	v1 =	vadd.f32 v2, v1  }
0x8e: {  	v2 =	vld [tilespmem:s18+$0x7870]  }
0x8f: {  	v1 =	vadd.f32 v3, v1;
	_ =	sdelay $0x1  }
0x90: {  	v1 =	vadd.f32 v63, v1;
	_ =	sdelay $0x1  }
0x91: {  	v1 =	vadd.f32 v2, v1  }
0x92: {  	s15 =	sadd.s32 $0x1, s15  }
0x93: {  	p0 =	sne.s32 s15, s8;
	[tilespmem:s18+$0x7B10] =	vst v1  }
0x94: {  	[hbm4b:s7+s2] =	stream.linear.scatter [tilespmem:s14], [sflag:$0x1], $0x2A0, $0x38;
	[tilespmem:$0xA7B0] =	vst v63  }
.Ltmp2:
0x95: {  	_ =	swait.ge [sflag:s9], $0x2A0;
	(pc) =	sbr.rel @p0 .LBB2_1-.Ltmp2, $3  }
0x96: {  	[sflag:s9] =	ssyncset.done $0x0  }
0x97: {  	[sflag:s9] =	ssyncadd.s32 $0xFFFFFD60  }
0x98: {  	[bflag:$0x0] =	sbarrier.arrive $0xFFFF;
	_ =	sdelay $0x1  }
0x99: {  	_ =	sfence.sel $0x180000  }
0x9a: {  	[bflag:$0x0] =	sbarrier.arrive $0xFFFF  }
0x9b: {  	p0 =	sne.s32 s1, $0x0;
	_ =	strace $0x90000047  }
0x9c: {  	s0 =	sadd.s32 @!p0 $0x100000, s0;
	[bflag:$0x2] =	sbarrier.arrive $0xFFFF  }
0x9d: {  	[sflag:s0] =	ssyncadd.tile.s32 @!p0 $0x1;
	_ =	shalt  }
.Lfunc_end2:
_tile_overlayer_lowered:
.L_overlay_start_2:
0x9e: {  	(tag) =	ssettag $0x2  }
0x9f: {  	s0 =	rddreg [dreg:$0x0];
	s2 =	stileid.u32  }
0xa0: {  	s1 =	rddreg [dreg:$0x1];
	p0 =	sne.s32 s2, $0x0  }
0xa1: {  	s3 =	rddreg [dreg:$0x2];
	[bflag:$0x3] =	sbarrier.arrive $0xFFFF;
	s2 =	simm.s32 @!p0 $0x1C01  }
0xa2: {  	[timem:s3], [sflag:s2] =	dma.local @!p0 [hbm:s0], s1  }
0xa3: {  	s0 =	simm.s32 @!p0 $0x1  }
0xa4: {  	_ =	swait.ge @!p0 [sflag:s0], s1  }
0xa5: {  	s1 =	ssub.s32 @!p0 $0x0, s1;
	[sflag:s0] =	ssyncset.done @!p0 $0x0  }
0xa6: {  	[sflag:s0] =	ssyncadd.s32 @!p0 s1  }
0xa7: {  	[bflag:$0x3] =	sbarrier.arrive $0xFFFF  }
0xa8: {  	_ =	shalt  }

// kernel: kernel.14.cloned.1.call-start
scs
__scs_entry_jumppad:
0x0: {  	(pc) =	sbr.rel $0x88, $3  }
0x1: {  	(tag) =	ssettag $0x0;
	lr =	simm.s32 $0x1  }
0x2: {  	[smem:$0x3F99] =	sst lr;
	_ =	strace $0xD0000000  }
0x3: {  	_ = 	snop  }
0x4: {  	_ = 	snop  }
0x5: {  	_ = 	snop  }
0x6: {  	_ = 	snop  }
0x7: {  	_ = 	snop  }
__scs_overlays_trampoline_lowered:
0x8: {  	[smem:$0x3FA8] =	sst s0  }
0x9: {  	[smem:$0x3FA9] =	sst s1  }
0xa: {  	[smem:$0x3FAA] =	sst s2  }
0xb: {  	[smem:$0x3FAB] =	sst s3  }
0xc: {  	[smem:$0x3FAC] =	sst s4  }
0xd: {  	[smem:$0x3FAD] =	sst s5  }
0xe: {  	[smem:$0x3FAE] =	sst s6  }
0xf: {  	[smem:$0x3FAF] =	sst s7  }
0x10: {  	[smem:$0x3FB0] =	sst s8  }
0x11: {  	[smem:$0x3FB1] =	sst s9;
	s0 =	simm.s32 @!p0 $0x0  }
0x12: {  	s1 =	sld [smem:$0x3F97];
	s0 =	simm.s32 @p0 $0x1  }
0x13: {  	[smem:$0x3FB2] =	sst s0;
	s0 =	simm.s32 @!p1 $0x0  }
0x14: {  	s2 =	sld [smem:$0x3F96];
	s0 =	simm.s32 @p1 $0x1  }
0x15: {  	[smem:$0x3FB3] =	sst s0;
	s0 =	simm.s32 @!p2 $0x0  }
0x16: {  	s3 =	sld [smem:$0x3FDB];
	s0 =	simm.s32 @p2 $0x1  }
0x17: {  	s4 =	simm.s32 $0x1BF5;
	[smem:$0x3FB5] =	sst s0  }
0x18: {  	s0 =	sld [smem:$0x3F98];
	_ =	swait.ge [sflag:s4], $0x0  }
0x19: {  	s7 =	sld [smem:$0x3F99]  }
0x1a: {  	s8 =	sadd.s32 $0xFFFFE003, lr  }
0x1b: {  	s9 =	sadd.s32 $0xFFFFFEF7, lr;
	s5 =	simm.s32 $0xFFFFFFFF;
	p2 =	slt.u32 s8, $0xFFFFF086  }
0x1c: {  	p1 =	slt.u32 s9, $0xF7A;
	s5 =	simm.s32 @!p2 $0x0  }
0x1d: {  	s5 =	simm.s32 @p1 $0x1;
	p0 =	seq.s32 s7, s2  }
0x1e: {  	s7 =	smul.u32 @!p0 $0xF7A, s2;
	p2 =	seq.s32 @!p0 s5, $0x0  }
0x1f: {  	s9 =	smul.u32 $0xF7A, s1;
	s8 =	simm.s32 @!p0 $0x1BF5;
	p2 =	por !p2, p0  }
0x20: {  	[sflag:s8] =	ssyncset.s32 @!p0 $0xFFFFF086;
	s6 =	sadd.s32 @!p0 s3, s7;
	s7 =	simm.s32 @!p0 $0x108  }
0x21: {  	s3 =	sadd.s32 s3, s9;
	s6 =	sadd.s32 @!p0 $0x88, s6;
	s7 =	simm.s32 @p2 $0x1082  }
0x22: {  	[simem:s7], [sflag:s8] =	dma.local @!p0 [hbm:s6], $0xF7A  }
0x23: {  	s9 =	sor.u32 $0xD0000000, s2;
	s6 =	simm.s32 $0x108;
	_ =	swait.ge @!p0 [sflag:s8], $0x0  }
0x24: {  	s3 =	sadd.s32 $0x88, s3;
	s6 =	simm.s32 @!p1 $0x1082;
	[sflag:s4] =	ssyncset.s32 $0xFFFFF086  }
0x25: {  	[simem:s6], [sflag:s4] =	dma.local [hbm:s3], $0xF7A  }
0x26: {  	[smem:$0x3F99] =	sst s1;
	(tag) =	ssettag s2;
	_ =	strace s9  }
0x27: {  	s1 =	sld [smem:$0x3FA9]  }
0x28: {  	s2 =	sld [smem:$0x3FAA]  }
0x29: {  	s4 =	sld [smem:$0x3FAC]  }
0x2a: {  	p0 =	seq.s32 s5, $0x0;
	s5 =	sld [smem:$0x3FAD]  }
0x2b: {  	s6 =	sld [smem:$0x3FAE]  }
0x2c: {  	s7 =	sld [smem:$0x3FAF]  }
0x2d: {  	s3 =	simm.s32 $0x108;
	s8 =	sld [smem:$0x3FB0]  }
0x2e: {  	s3 =	simm.s32 @!p0 $0x1082;
	s9 =	sld [smem:$0x3FB1]  }
0x2f: {  	lr =	sadd.s32 s0, s3;
	s0 =	sld [smem:$0x3FA8]  }
0x30: {  	s3 =	sld [smem:$0x3FAB]  }
0x31: {  	[smem:$0x3FB4] =	sst s10  }
0x32: {  	s10 =	sld [smem:$0x3FB2];
	_ =	sdelay $0x3  }
0x33: {  	p0 =	seq.s32 s10, $0x1;
	s10 =	sld [smem:$0x3FB4];
	_ =	sdelay $0x3  }
0x34: {  	[smem:$0x3FB4] =	sst s10  }
0x35: {  	s10 =	sld [smem:$0x3FB3];
	_ =	sdelay $0x3  }
0x36: {  	p1 =	seq.s32 s10, $0x1;
	s10 =	sld [smem:$0x3FB4];
	_ =	sdelay $0x3  }
0x37: {  	[smem:$0x3FB4] =	sst s10  }
0x38: {  	s10 =	sld [smem:$0x3FB5]  }
0x39: {  	_ = 	snop;
	(pc) =	sbr.ind lr, $3  }
0x3a: {  	_ = 	snop  }
0x3b: {  	_ = 	snop  }
0x3c: {  	p2 =	seq.s32 s10, $0x1;
	s10 =	sld [smem:$0x3FB4]  }
0x3d: {  	_ =	shalt  }
0x3e: {  	_ =	shalt  }
0x3f: {  	_ =	shalt  }
0x40: {  	_ =	shalt  }
0x41: {  	_ =	shalt  }
0x42: {  	_ =	shalt  }
0x43: {  	_ =	shalt  }
0x44: {  	_ =	shalt  }
0x45: {  	_ =	shalt  }
0x46: {  	_ =	shalt  }
0x47: {  	_ =	shalt  }
0x48: {  	_ =	shalt  }
0x49: {  	_ =	shalt  }
0x4a: {  	_ =	shalt  }
0x4b: {  	_ =	shalt  }
0x4c: {  	_ =	shalt  }
0x4d: {  	_ =	shalt  }
0x4e: {  	_ =	shalt  }
0x4f: {  	_ =	shalt  }
0x50: {  	_ =	shalt  }
0x51: {  	_ =	shalt  }
0x52: {  	_ =	shalt  }
0x53: {  	_ =	shalt  }
0x54: {  	_ =	shalt  }
0x55: {  	_ =	shalt  }
0x56: {  	_ =	shalt  }
0x57: {  	_ =	shalt  }
0x58: {  	_ =	shalt  }
0x59: {  	_ =	shalt  }
0x5a: {  	_ =	shalt  }
0x5b: {  	_ =	shalt  }
0x5c: {  	_ =	shalt  }
0x5d: {  	_ =	shalt  }
0x5e: {  	_ =	shalt  }
0x5f: {  	_ =	shalt  }
0x60: {  	_ =	shalt  }
0x61: {  	_ =	shalt  }
0x62: {  	_ =	shalt  }
0x63: {  	_ =	shalt  }
0x64: {  	_ =	shalt  }
0x65: {  	_ =	shalt  }
0x66: {  	_ =	shalt  }
0x67: {  	_ =	shalt  }
0x68: {  	_ =	shalt  }
0x69: {  	_ =	shalt  }
0x6a: {  	_ =	shalt  }
0x6b: {  	_ =	shalt  }
0x6c: {  	_ =	shalt  }
0x6d: {  	_ =	shalt  }
0x6e: {  	_ =	shalt  }
0x6f: {  	_ =	shalt  }
0x70: {  	_ =	shalt  }
0x71: {  	_ =	shalt  }
0x72: {  	_ =	shalt  }
0x73: {  	_ =	shalt  }
0x74: {  	_ =	shalt  }
0x75: {  	_ =	shalt  }
0x76: {  	_ =	shalt  }
0x77: {  	_ =	shalt  }
0x78: {  	_ =	shalt  }
0x79: {  	_ =	shalt  }
0x7a: {  	_ =	shalt  }
0x7b: {  	_ =	shalt  }
0x7c: {  	_ =	shalt  }
0x7d: {  	_ =	shalt  }
0x7e: {  	_ =	shalt  }
0x7f: {  	_ =	shalt  }
0x80: {  	_ =	shalt  }
0x81: {  	_ =	shalt  }
0x82: {  	_ =	shalt  }
0x83: {  	_ =	shalt  }
0x84: {  	_ =	shalt  }
0x85: {  	_ =	shalt  }
0x86: {  	_ =	shalt  }
0x87: {  	_ =	shalt  }
.Lfunc_end0:
.L_simem_size_0:
called_computation.1_lowered:
.L_overlay_start_0:
0x88: {  	s2 =	sld [smem:$0x3FD9]  }
0x89: {  	s3 =	sld [smem:$0x3FFE];
	_ =	sdelay $0x1  }
0x8a: {  	s1 =	srdreg.scid  }
0x8b: {  	s0 =	sand.u32 $0x1, s1  }
0x8c: {  	s16 =	sshll.u32 s0, $0xA;
	s2 =	sadd.s32 s3, s2  }
0x8d: {  	s2 =	sadd.s32 s2, s16  }
0x8e: {  	[smem:$0x3FC0] =	sst s2  }
0x8f: {  	_ = 	snop  }
0x90: {  	(tm) =	ssettm $0x1  }
0x91: {  	s17 =	sld [smem:$0x3FFB];
	_ =	sdelay $0x3  }
0x92: {  	_ =	strace s17  }
0x93: {  	s2 =	sld [smem:$0x3FFC];
	_ =	sdelay $0x3  }
0x94: {  	_ =	strace s2  }
0x95: {  	s2 =	sld [smem:$0x3FFD];
	_ =	sdelay $0x3  }
0x96: {  	_ =	strace s2  }
0x97: {  	_ =	strace $0x8FFFFFFF  }
0x98: {  	s18 =	sld [smem:$0x3FDB];
	_ =	sdelay $0x1  }
0x99: {  	s19 =	simm.s32 $_scs_section_size  }
0x9a: {  	s4 =	simm.s32 $_size__tile_overlayer_lowered;
	s5 =	simm.s32 $_tile_overlayer_lowered  }
0x9b: {  	s22 =	simm.s32 $0x1BFF;
	s21 =	sshll.u32 s5, $0x1;
	s2 =	sadd.s32 s19, s18  }
0x9c: {  	s6 =	simm.s32 $0x0;
	s20 =	sshll.u32 s4, $0x1;
	s4 =	sadd.s32 s21, s2  }
0x9d: {  	[timem:s6], [sflag:s22] =	dma.local [hbm:s4], s20  }
0x9e: {  	_ =	swait.ge [sflag:s22], s20  }
0x9f: {  	s3 =	ssub.s32 $0x0, s20;
	[sflag:s22] =	ssyncset.done $0x0  }
0xa0: {  	[sflag:s22] =	ssyncadd.s32 s3;
	_ =	sdelay $0x1  }
0xa1: {  	s23 =	simm.s32 $0x1B8B  }
0xa2: {  	_ =	swait.ge [sflag:s23], $0x1  }
0xa3: {  	[sflag:s23] =	ssyncset.done $0x0  }
0xa4: {  	s25 =	simm.s32 $0x1B8E;
	s24 =	sld [smem:$0x3FFE];
	[sflag:s23] =	ssyncadd.s32 $0xFFFFFFFF  }
0xa5: {  	s26 =	simm.s32 $execute0_lowered;
	[smem:$0x3FD2] =	sst s25  }
0xa6: {  	s4 =	sshll.u32 s26, $0x1;
	_ =	strace $0x80000049;
	[dreg:$0x1] =	wrdreg $0xFFFFFFFF  }
0xa7: {  	s28 =	simm.s32 $_size_execute0_lowered;
	s2 =	sadd.s32 s2, s4;
	[dreg:$0x0] =	wrdreg $0x0  }
0xa8: {  	s4 =	sshll.u32 s28, $0x1;
	[dreg:$0x2] =	wrdreg s2  }
0xa9: {  	[dreg:$0x3] =	wrdreg s4  }
0xaa: {  	[dreg:$0x4] =	wrdreg $0xC0  }
0xab: {  	_ =	task [dreg:s6], $0x5FFFF  }
0xac: {  	[dreg:$0x1] =	wrdreg $0xFFFFFFFF  }
0xad: {  	[dreg:$0x0] =	wrdreg $0x60  }
0xae: {  	[dreg:$0x2] =	wrdreg s24  }
0xaf: {  	[dreg:$0x3] =	wrdreg $0x197A00  }
0xb0: {  	[dreg:$0x4] =	wrdreg $0x9  }
0xb1: {  	_ =	task.clear_ibuf [dreg:s6], $0x5FFFF;
	_ =	strace $0x90000049  }
0xb2: {  	s29 =	simm.s32 $0x9;
	_ =	strace $0x8000004B  }
0xb3: {  	_ =	swait.ge [sflag:s29], $0x1  }
0xb4: {  	[sflag:s29] =	ssyncadd.s32 $0xFFFFFFFF  }
0xb5: {  	_ =	strace $0x9000004B  }
0xb6: {  	_ =	sfence  }
0xb7: {  	s30 =	sld [smem:$0x0];
	_ =	sdelay $0x2  }
0xb8: {  	s31 =	sshll.u32 s1, $0xD;
	s1 =	sshrl.u32 s1, $0x2  }
0xb9: {  	s3 =	sand.u32 $0x4000, s31;
	s1 =	sadd.s32 s1, s30  }
0xba: {  	s0 =	sor.u32 s3, s0;
	s1 =	sshll.u32 s1, $0x11  }
0xbb: {  	s0 =	sor.u32 s1, s0  }
0xbc: {  	s0 =	sadd.s32 $0x8F2B, s0  }
0xbd: {  	[sflag:s0] =	ssyncadd.remote.s32 $0x1  }
0xbe: {  	_ =	sfence.sel $0xFFFF  }
0xbf: {  	[dreg:$0x0] =	wrdreg $0xFFFFFFFF;
	(pc) =	sbr.abs _section_cstart, $3  }
0xc0: {  	[dreg:$0x1] =	wrdreg $0xFFFFFFFF  }
0xc1: {  	_ =	task.clear_ibuf [dreg:s6], $0x2FFFF;
	_ =	strace $0x9FFFFFFF  }
0xc2: {  	(tm) =	ssettm $0x7FFFFFFF  }
0xc3: {  	_ =	shalt  }
tec
execute0_lowered:
.L_overlay_start_1:
0x0: {  	(tag) =	ssettag $0x1  }
0x1: {  	s8 =	rddreg [dreg:$0x0]  }
0x2: {  	s0 =	srdreg.scid;
	s9 =	rddreg [dreg:$0x1]  }
0x3: {  	s2 =	simm.s32 $0x0;
	s14 =	simm.s32 $0x4E20;
	s15 =	simm.s32 $0xEA60  }
0x4: {  	s16 =	simm.s32 $0x1;
	s17 =	simm.s32 $0x2;
	s18 =	simm.s32 $0x3  }
0x5: {  	s19 =	simm.s32 $0x4;
	s20 =	simm.s32 $0x5;
	s21 =	simm.s32 $0x9C40  }
0x6: {  	s22 =	simm.s32 $0x2A0;
	s23 =	simm.s32 $0x2A00;
	s24 =	simm.s32 $0x13E60  }
0x7: {  	s25 =	simm.s32 $0x19260;
	s4 =	sand.u32 $0x1, s0;
	s0 =	stileid.u32  }
0x8: {  	s26 =	simm.s32 $0x0;
	[smem:$0x7FF] =	sst s2;
	s10 =	smul.u32 $0x2A0, s0  }
0x9: {  	s1 =	sshll.u32 s4, $0x4;
	s5 =	smul.u32 $0xA800, s4;
	s7 =	ssub.s32 $0x2, s4  }
0xa: {  	s11 =	smul.u32 $0x15000, s0;
	s4 =	sadd.s32 $0x17800, s8;
	s1 =	sor.u32 s0, s1  }
0xb: {  	s30 =	sshrl.u32 s7, $0x1;
	s3 =	smul.u32 $0x2710, s1;
	s1 =	rddreg [dreg:$0x2]  }
0xc: {  	_ =	strace $0x8000004A;
	s5 =	sadd.s32 s10, s5;
	s31 =	sshrl.u32 s11, $0x2  }
0xd: {  	s13 =	ssub.s32 s7, s30;
	s5 =	sshrl.u32 s5, $0x3;
	s7 =	sadd.s32 s31, s9  }
0xe: {  	s9 =	sadd.s32 s10, s9;
	s6 =	sshrl.u32 s3, $0x3;
	s3 =	sadd.s32 $0x16400, s8  }
0xf: {  	s12 =	sadd.s32 s5, s8;
	s6 =	sadd.s32 s6, s8;
	s8 =	sadd.s32 $0x16DC4, s8  }
0x10: {  	s10 =	sadd.s32 $0x18400, s12;
	s11 =	sadd.s32 $0x18E80, s12;
	s12 =	smax.u32 s13, $0x1  }
0x11: {  	s13 =	simm.s32 $0x2710;
	s5 =	sadd.s32 $0x2400, s6;
	s6 =	sadd.s32 $0xC040, s6  }
.LBB2_1:
0x12: {  	[tilespmem:s2], [sflag:$0x1] =	stream.linear.gather [hbm4b:s5+s2], $0x2710, $0x38;
	[tilespmem:$0x1EBA0] =	vst v63  }
0x13: {  	_ = 	snop  }
0x14: {  	[tilespmem:s13], [sflag:$0x2] =	stream.linear.gather [hbm4b:s6+s2], $0x2710, $0x38;
	[tilespmem:$0x1EBA0] =	vst v63  }
0x15: {  	_ = 	snop  }
0x16: {  	[tilespmem:s14], [sflag:$0x3] =	stream.linear.gather [hbm4b:s3+s2], $0x4E20, $0x38;
	[tilespmem:$0x1EBA0] =	vst v63  }
0x17: {  	_ = 	snop  }
0x18: {  	[tilespmem:s15], [sflag:$0x4] =	stream.linear.gather [hbm4b:s4+s2], $0x5400, $0x38;
	[tilespmem:$0x1EBA0] =	vst v63  }
0x19: {  	_ =	swait.ge [sflag:s16], $0x2710  }
0x1a: {  	[sflag:s16] =	ssyncset.done $0x0  }
0x1b: {  	[sflag:s16] =	ssyncadd.s32 $0xFFFFD8F0  }
0x1c: {  	_ =	swait.ge [sflag:s17], $0x2710  }
0x1d: {  	[sflag:s17] =	ssyncset.done $0x0  }
0x1e: {  	[sflag:s17] =	ssyncadd.s32 $0xFFFFD8F0  }
0x1f: {  	_ =	swait.ge [sflag:s18], $0x4E20  }
0x20: {  	[sflag:s18] =	ssyncset.done $0x0  }
0x21: {  	[sflag:s18] =	ssyncadd.s32 $0xFFFFB1E0  }
0x22: {  	_ =	swait.ge [sflag:s19], $0x5400  }
0x23: {  	[sflag:s19] =	ssyncset.done $0x0  }
0x24: {  	s28 =	simm.s32 $0x0;
	[sflag:s19] =	ssyncadd.s32 $0xFFFFAC00  }
0x25: {  	v2 =	vld [tilespmem:s28+$0x2780]  }
0x26: {  	v1 =	vld [tilespmem:s28+$0x2760]  }
0x27: {  	v3 =	vld [tilespmem:s28+$0x2750]  }
0x28: {  	v4 =	vld [tilespmem:s28+$0x2740]  }
0x29: {  	v5 =	vld [tilespmem:s28+$0x2720]  }
0x2a: {  	v0 =	vld [tilespmem:s28+$0x30]  }
0x2b: {  	v6 =	vld [tilespmem:s28+$0x60]  }
0x2c: {  	v7 =	vld [tilespmem:s28+$0x70]  }
0x2d: {  	v8 =	vld [tilespmem:s28+$0x20]  }
0x2e: {  	v9 =	vld [tilespmem:s28+$0x10]  }
0x2f: {  	v10 =	vld [tilespmem:s28+$0x50]  }
0x30: {  	v11 =	vld [tilespmem:s28+$0x0]  }
0x31: {  	v12 =	vld [tilespmem:s28+$0x2730]  }
0x32: {  	v13 =	vld [tilespmem:s28+$0x2770]  }
0x33: {  	v14 =	vld [tilespmem:s28+$0x40]  }
0x34: {  	v15 =	vld [tilespmem:s28+$0x2710]  }
0x35: {  	v16 =	vld.idx.msk [tilespmem:v8+s14+$0x0], $0xffff  }
0x36: {  	v18 =	vld.idx.msk [tilespmem:v9+s14+$0x0], $0xffff  }
0x37: {  	v19 =	vld.idx.msk [tilespmem:v10+s14+$0x0], $0xffff  }
0x38: {  	v17 =	vadd.s32 $0x2710, v7;
	v21 =	vld.idx.msk [tilespmem:v0+s14+$0x0], $0xffff  }
0x39: {  	v20 =	vadd.s32 $0x2710, v0;
	v7 =	vld.idx.msk [tilespmem:v7+s14+$0x0], $0xffff  }
0x3a: {  	v22 =	vadd.s32 $0x2710, v11;
	v23 =	vld.idx.msk [tilespmem:v6+s14+$0x0], $0xffff  }
0x3b: {  	v9 =	vadd.s32 $0x2710, v9;
	v60 =	vld.idx.msk [tilespmem:v14+s14+$0x0], $0xffff  }
0x3c: {  	v14 =	vadd.s32 $0x2710, v14;
	v11 =	vld.idx.msk [tilespmem:v11+s14+$0x0], $0xffff  }
0x3d: {  	v10 =	vadd.s32 $0x2710, v10;
	v0 =	vld.idx.msk [tilespmem:v17+s14+$0x0], $0xffff  }
0x3e: {  	v8 =	vadd.s32 $0x2710, v8;
	v20 =	vld.idx.msk [tilespmem:v20+s14+$0x0], $0xffff  }
0x3f: {  	v6 =	vadd.s32 $0x2710, v6;
	v22 =	vld.idx.msk [tilespmem:v22+s14+$0x0], $0xffff  }
0x40: {  	v9 =	vld.idx.msk [tilespmem:v9+s14+$0x0], $0xffff  }
0x41: {  	v24 =	vadd.s32 $0x2A00, v15;
	v14 =	vld.idx.msk [tilespmem:v14+s14+$0x0], $0xffff  }
0x42: {  	v10 =	vld.idx.msk [tilespmem:v10+s14+$0x0], $0xffff  }
0x43: {  	v25 =	vadd.s32 $0x2A00, v5;
	v8 =	vld.idx.msk [tilespmem:v8+s14+$0x0], $0xffff  }
0x44: {  	v6 =	vld.idx.msk [tilespmem:v6+s14+$0x0], $0xffff  }
0x45: {  	v26 =	vadd.s32 $0x2A00, v12;
	[tilespmem:v15+s15+$0x0] =	vst.idx.add.f32.msk $0xffff, v11  }
0x46: {  	[tilespmem:v24+s15+$0x0] =	vst.idx.add.f32.msk $0xffff, v22  }
0x47: {  	v61 =	vadd.s32 $0x2A00, v4;
	[tilespmem:v5+s15+$0x0] =	vst.idx.add.f32.msk $0xffff, v18  }
0x48: {  	[tilespmem:v25+s15+$0x0] =	vst.idx.add.f32.msk $0xffff, v9  }
0x49: {  	v62 =	vadd.s32 $0x2A00, v3;
	[tilespmem:v12+s15+$0x0] =	vst.idx.add.f32.msk $0xffff, v16  }
0x4a: {  	[tilespmem:v26+s15+$0x0] =	vst.idx.add.f32.msk $0xffff, v8  }
0x4b: {  	v63 =	vadd.s32 $0x2A00, v1;
	[tilespmem:v4+s15+$0x0] =	vst.idx.add.f32.msk $0xffff, v21  }
0x4c: {  	[tilespmem:v61+s15+$0x0] =	vst.idx.add.f32.msk $0xffff, v20  }
0x4d: {  	[tilespmem:v3+s15+$0x0] =	vst.idx.add.f32.msk $0xffff, v60;
	v3 =	vadd.s32 $0x2A00, v13  }
0x4e: {  	[tilespmem:v62+s15+$0x0] =	vst.idx.add.f32.msk $0xffff, v14  }
0x4f: {  	[tilespmem:v1+s15+$0x0] =	vst.idx.add.f32.msk $0xffff, v19;
	v1 =	vadd.s32 $0x2A00, v2  }
0x50: {  	[tilespmem:v63+s15+$0x0] =	vst.idx.add.f32.msk $0xffff, v10  }
0x51: {  	[tilespmem:v13+s15+$0x0] =	vst.idx.add.f32.msk $0xffff, v23  }
0x52: {  	[tilespmem:v3+s15+$0x0] =	vst.idx.add.f32.msk $0xffff, v6  }
0x53: {  	s28 =	simm.s32 $0x200;
	[tilespmem:v2+s15+$0x0] =	vst.idx.add.f32.msk $0xffff, v7  }
.LBB2_2:
0x54: {  	s29 =	sshra.s32 s28, $0x2;
	p0 =	sne.s32 s28, $0x9A00;
	s28 =	sadd.s32 $0x200, s28;
	[tilespmem:v1+s15+$0x0] =	vst.idx.add.f32.msk $0xffff, v0  }
0x55: {  	v2 =	vld [tilespmem:s29+$0x2780]  }
0x56: {  	v1 =	vld [tilespmem:s29+$0x2760]  }
0x57: {  	v3 =	vld [tilespmem:s29+$0x2750]  }
0x58: {  	v4 =	vld [tilespmem:s29+$0x2740]  }
0x59: {  	v5 =	vld [tilespmem:s29+$0x2720]  }
0x5a: {  	v0 =	vld [tilespmem:s29+$0x30]  }
0x5b: {  	v6 =	vld [tilespmem:s29+$0x60]  }
0x5c: {  	v7 =	vld [tilespmem:s29+$0x70]  }
0x5d: {  	v8 =	vld [tilespmem:s29+$0x20]  }
0x5e: {  	v9 =	vld [tilespmem:s29+$0x10]  }
0x5f: {  	v10 =	vld [tilespmem:s29+$0x50]  }
0x60: {  	v11 =	vld [tilespmem:s29+$0x0]  }
0x61: {  	v12 =	vld [tilespmem:s29+$0x2730]  }
0x62: {  	v14 =	vadd.s32 $0x2710, v7;
	v13 =	vld [tilespmem:s29+$0x2770]  }
0x63: {  	v16 =	vadd.s32 $0x2710, v6;
	v15 =	vld [tilespmem:s29+$0x40]  }
0x64: {  	v17 =	vld [tilespmem:s29+$0x2710]  }
0x65: {  	v18 =	vld.idx.msk [tilespmem:v8+s14+$0x0], $0xffff  }
0x66: {  	v20 =	vadd.s32 $0x2710, v0;
	v19 =	vld.idx.msk [tilespmem:v9+s14+$0x0], $0xffff  }
0x67: {  	v21 =	vld.idx.msk [tilespmem:v10+s14+$0x0], $0xffff  }
0x68: {  	v22 =	vld.idx.msk [tilespmem:v0+s14+$0x0], $0xffff  }
0x69: {  	v7 =	vld.idx.msk [tilespmem:v7+s14+$0x0], $0xffff  }
0x6a: {  	v23 =	vadd.s32 $0x2710, v11;
	v6 =	vld.idx.msk [tilespmem:v6+s14+$0x0], $0xffff  }
0x6b: {  	v9 =	vadd.s32 $0x2710, v9;
	v0 =	vld.idx.msk [tilespmem:v14+s14+$0x0], $0xffff;
	v14 =	vadd.s32 $0x2A00, v17  }
0x6c: {  	v24 =	vld.idx.msk [tilespmem:v15+s14+$0x0], $0xffff;
	v15 =	vadd.s32 $0x2710, v15  }
0x6d: {  	v10 =	vadd.s32 $0x2710, v10;
	v20 =	vld.idx.msk [tilespmem:v20+s14+$0x0], $0xffff  }
0x6e: {  	v8 =	vadd.s32 $0x2710, v8;
	v11 =	vld.idx.msk [tilespmem:v11+s14+$0x0], $0xffff  }
0x6f: {  	v25 =	vadd.s32 $0x2A00, v5;
	v23 =	vld.idx.msk [tilespmem:v23+s14+$0x0], $0xffff  }
0x70: {  	v9 =	vld.idx.msk [tilespmem:v9+s14+$0x0], $0xffff  }
0x71: {  	v15 =	vld.idx.msk [tilespmem:v15+s14+$0x0], $0xffff  }
0x72: {  	v26 =	vadd.s32 $0x2A00, v12;
	v10 =	vld.idx.msk [tilespmem:v10+s14+$0x0], $0xffff  }
0x73: {  	v8 =	vld.idx.msk [tilespmem:v8+s14+$0x0], $0xffff  }
0x74: {  	v16 =	vld.idx.msk [tilespmem:v16+s14+$0x0], $0xffff  }
0x75: {  	[tilespmem:v17+s15+$0x0] =	vst.idx.add.f32.msk $0xffff, v11  }
0x76: {  	[tilespmem:v14+s15+$0x0] =	vst.idx.add.f32.msk $0xffff, v23  }
0x77: {  	[tilespmem:v5+s15+$0x0] =	vst.idx.add.f32.msk $0xffff, v19;
	v5 =	vadd.s32 $0x2A00, v4  }
0x78: {  	[tilespmem:v25+s15+$0x0] =	vst.idx.add.f32.msk $0xffff, v9  }
0x79: {  	v9 =	vadd.s32 $0x2A00, v3;
	[tilespmem:v12+s15+$0x0] =	vst.idx.add.f32.msk $0xffff, v18  }
0x7a: {  	[tilespmem:v26+s15+$0x0] =	vst.idx.add.f32.msk $0xffff, v8  }
0x7b: {  	[tilespmem:v4+s15+$0x0] =	vst.idx.add.f32.msk $0xffff, v22;
	v4 =	vadd.s32 $0x2A00, v1  }
0x7c: {  	[tilespmem:v5+s15+$0x0] =	vst.idx.add.f32.msk $0xffff, v20  }
0x7d: {  	[tilespmem:v3+s15+$0x0] =	vst.idx.add.f32.msk $0xffff, v24;
	v3 =	vadd.s32 $0x2A00, v13  }
0x7e: {  	[tilespmem:v9+s15+$0x0] =	vst.idx.add.f32.msk $0xffff, v15  }
.Ltmp0:
0x7f: {  	[tilespmem:v1+s15+$0x0] =	vst.idx.add.f32.msk $0xffff, v21;
	v1 =	vadd.s32 $0x2A00, v2;
	(pc) =	sbr.rel @p0 .LBB2_2-.Ltmp0, $4  }
0x80: {  	[tilespmem:v4+s15+$0x0] =	vst.idx.add.f32.msk $0xffff, v10  }
0x81: {  	[tilespmem:v13+s15+$0x0] =	vst.idx.add.f32.msk $0xffff, v6  }
0x82: {  	[tilespmem:v3+s15+$0x0] =	vst.idx.add.f32.msk $0xffff, v16  }
0x83: {  	[tilespmem:v2+s15+$0x0] =	vst.idx.add.f32.msk $0xffff, v7  }
0x84: {  	_ =	sdelay $0x3  }
0x85: {  	[tilespmem:v1+s15+$0x0] =	vst.idx.add.f32.msk $0xffff, v0  }
0x86: {  	v0 =	vld [tilespmem:$0x2700];
	_ =	sdelay $0x4  }
0x87: {  	v1 =	vld [tilespmem:$0x4E10];
	_ =	sdelay $0x2  }
0x88: {  	v2 =	vld.idx.msk [tilespmem:v0+s14+$0x0], $0xffff  }
0x89: {  	v0 =	vadd.s32 $0x2710, v0;
	_ =	sdelay $0x3  }
0x8a: {  	[tilespmem:v1+s15+$0x0] =	vst.idx.add.f32.msk $0xffff, v2  }
0x8b: {  	v1 =	vadd.s32 $0x2A00, v1;
	v0 =	vld.idx.msk [tilespmem:v0+s14+$0x0], $0xffff;
	_ =	sdelay $0x4  }
0x8c: {  	[tilespmem:v1+s15+$0x0] =	vst.idx.add.f32.msk $0xffff, v0  }
0x8d: {  	[spmem:s7] =	stream.linear.scatter [tilespmem:s15], [sflag:$0x5], $0x5400, $0x38;
	[tilespmem:$0x1EBA0] =	vst v63  }
0x8e: {  	_ =	swait.ge [sflag:s20], $0x5400  }
0x8f: {  	[sflag:s20] =	ssyncset.done $0x0  }
0x90: {  	s28 =	simm.s32 $0x0;
	[sflag:s20] =	ssyncadd.s32 $0xFFFFAC00  }
0x91: {  	[tilespmem:s21], [sflag:$0x3] =	stream.linear.gather [hbm4b:s8+s28], $0x4E20, $0x38;
	[tilespmem:$0x1EBA0] =	vst v63  }
0x92: {  	_ = 	snop  }
0x93: {  	[tilespmem:s15], [sflag:$0x4] =	stream.linear.gather [hbm4b:s4+s28], $0x5400, $0x38;
	[tilespmem:$0x1EBA0] =	vst v63  }
0x94: {  	[bflag:$0x0] =	sbarrier.arrive $0xFFFF  }
0x95: {  	[tilespmem:s24], [sflag:$0x5] =	stream.strided.gather [spmem:s9], $0x5400, s23, s22, $0x38;
	[tilespmem:$0x1EBA0] =	vst v63  }
0x96: {  	_ =	swait.ge [sflag:s20], $0x5400  }
0x97: {  	[sflag:s20] =	ssyncset.done $0x0  }
0x98: {  	s28 =	simm.s32 $0x0;
	[sflag:s20] =	ssyncadd.s32 $0xFFFFAC00  }
0x99: {  	v0 =	vld [tilespmem:s28+$0x14100]  }
0x9a: {  	v1 =	vld [tilespmem:s28+$0x14640]  }
0x9b: {  	v2 =	vld [tilespmem:s28+$0x13E60]  }
0x9c: {  	v3 =	vld [tilespmem:s28+$0x14B80]  }
0x9d: {  	v4 =	vld [tilespmem:s28+$0x143A0]  }
0x9e: {  	v5 =	vld [tilespmem:s28+$0x150C0]  }
0x9f: {  	v6 =	vld [tilespmem:s28+$0x148E0];
	v0 =	vadd.f32 v1, v0  }
0xa0: {  	v1 =	vld [tilespmem:s28+$0x15600]  }
0xa1: {  	v7 =	vld [tilespmem:s28+$0x14E20];
	v0 =	vadd.f32 v3, v0  }
0xa2: {  	v2 =	vadd.f32 v4, v2;
	v3 =	vld [tilespmem:s28+$0x15B40]  }
0xa3: {  	v4 =	vld [tilespmem:s28+$0x15360];
	v0 =	vadd.f32 v5, v0  }
0xa4: {  	v2 =	vadd.f32 v6, v2;
	v5 =	vld [tilespmem:s28+$0x16080]  }
0xa5: {  	v6 =	vld [tilespmem:s28+$0x158A0];
	v0 =	vadd.f32 v1, v0  }
0xa6: {  	v2 =	vadd.f32 v7, v2;
	v1 =	vld [tilespmem:s28+$0x165C0]  }
0xa7: {  	v7 =	vld [tilespmem:s28+$0x15DE0];
	v0 =	vadd.f32 v3, v0  }
0xa8: {  	v2 =	vadd.f32 v4, v2;
	v3 =	vld [tilespmem:s28+$0x16B00]  }
0xa9: {  	v4 =	vld [tilespmem:s28+$0x16320];
	v0 =	vadd.f32 v5, v0  }
0xaa: {  	v2 =	vadd.f32 v6, v2;
	v5 =	vld [tilespmem:s28+$0x17040]  }
0xab: {  	v6 =	vld [tilespmem:s28+$0x16860];
	v0 =	vadd.f32 v1, v0  }
0xac: {  	v2 =	vadd.f32 v7, v2;
	v1 =	vld [tilespmem:s28+$0x17580]  }
0xad: {  	v7 =	vld [tilespmem:s28+$0x16DA0];
	v0 =	vadd.f32 v3, v0  }
0xae: {  	v2 =	vadd.f32 v4, v2;
	v3 =	vld [tilespmem:s28+$0x17AC0]  }
0xaf: {  	v4 =	vld [tilespmem:s28+$0x172E0];
	v0 =	vadd.f32 v5, v0  }
0xb0: {  	v2 =	vadd.f32 v6, v2;
	v5 =	vld [tilespmem:s28+$0x18000]  }
0xb1: {  	v6 =	vld [tilespmem:s28+$0x17820];
	v0 =	vadd.f32 v1, v0  }
0xb2: {  	v2 =	vadd.f32 v7, v2;
	v1 =	vld [tilespmem:s28+$0x18540]  }
0xb3: {  	v7 =	vld [tilespmem:s28+$0x17D60];
	v0 =	vadd.f32 v3, v0  }
0xb4: {  	v8 =	vld [tilespmem:s28+$0x18A80];
	v3 =	vadd.f32 v4, v2  }
0xb5: {  	v2 =	vld [tilespmem:s28+$0x182A0];
	v0 =	vadd.f32 v5, v0  }
0xb6: {  	v4 =	vld [tilespmem:s28+$0x18FC0];
	v5 =	vadd.f32 v6, v3  }
0xb7: {  	v3 =	vld [tilespmem:s28+$0x187E0];
	v6 =	vadd.f32 v1, v0  }
0xb8: {  	s29 =	simm.s32 $0x10;
	v1 =	vld [tilespmem:s28+$0x18D20];
	v5 =	vadd.f32 v7, v5  }
0xb9: {  	s30 =	simm.s32 $0x80;
	v0 =	vld [tilespmem:s29+$0x14100];
	v6 =	vadd.f32 v8, v6  }
.LBB2_4:
0xba: {  	p0 =	sne.s32 s30, $0xA40;
	v7 =	vld [tilespmem:s29+$0x14640];
	v2 =	vadd.f32 v2, v5  }
0xbb: {  	v5 =	vld [tilespmem:s29+$0x13E60];
	v4 =	vadd.f32 v4, v6  }
0xbc: {  	v6 =	vld [tilespmem:s29+$0x14B80];
	v2 =	vadd.f32 v3, v2  }
0xbd: {  	v3 =	vld [tilespmem:s29+$0x143A0];
	[tilespmem:s28+$0x19500] =	vst v4  }
0xbe: {  	v4 =	vld [tilespmem:s29+$0x150C0];
	v1 =	vadd.f32 v1, v2  }
0xbf: {  	v2 =	vld [tilespmem:s29+$0x148E0];
	v0 =	vadd.f32 v7, v0  }
0xc0: {  	v7 =	vld [tilespmem:s29+$0x15600];
	[tilespmem:s28+$0x19260] =	vst v1;
	s28 =	smov.u32 s29  }
0xc1: {  	v1 =	vld [tilespmem:s28+$0x14E20];
	v0 =	vadd.f32 v6, v0  }
0xc2: {  	v3 =	vadd.f32 v3, v5;
	v5 =	vld [tilespmem:s28+$0x15B40]  }
0xc3: {  	v6 =	vld [tilespmem:s28+$0x15360];
	v0 =	vadd.f32 v4, v0  }
0xc4: {  	v2 =	vadd.f32 v2, v3;
	v3 =	vld [tilespmem:s28+$0x16080]  }
0xc5: {  	v4 =	vld [tilespmem:s28+$0x158A0];
	v0 =	vadd.f32 v7, v0  }
0xc6: {  	v1 =	vadd.f32 v1, v2;
	v2 =	vld [tilespmem:s28+$0x165C0]  }
0xc7: {  	v7 =	vld [tilespmem:s28+$0x15DE0];
	v0 =	vadd.f32 v5, v0  }
0xc8: {  	v1 =	vadd.f32 v6, v1;
	v5 =	vld [tilespmem:s28+$0x16B00]  }
0xc9: {  	v6 =	vld [tilespmem:s28+$0x16320];
	v0 =	vadd.f32 v3, v0  }
0xca: {  	v1 =	vadd.f32 v4, v1;
	v3 =	vld [tilespmem:s28+$0x17040]  }
0xcb: {  	v4 =	vld [tilespmem:s28+$0x16860];
	v0 =	vadd.f32 v2, v0  }
0xcc: {  	v1 =	vadd.f32 v7, v1;
	v2 =	vld [tilespmem:s28+$0x17580]  }
0xcd: {  	v7 =	vld [tilespmem:s28+$0x16DA0];
	v0 =	vadd.f32 v5, v0  }
0xce: {  	v1 =	vadd.f32 v6, v1;
	v5 =	vld [tilespmem:s28+$0x17AC0]  }
0xcf: {  	v6 =	vld [tilespmem:s28+$0x172E0];
	v0 =	vadd.f32 v3, v0  }
0xd0: {  	v1 =	vadd.f32 v4, v1;
	v3 =	vld [tilespmem:s28+$0x18000]  }
0xd1: {  	v4 =	vld [tilespmem:s28+$0x17820];
	v0 =	vadd.f32 v2, v0  }
0xd2: {  	v1 =	vadd.f32 v7, v1;
	v7 =	vld [tilespmem:s28+$0x18540]  }
0xd3: {  	v8 =	vld [tilespmem:s28+$0x17D60];
	v0 =	vadd.f32 v5, v0  }
0xd4: {  	v1 =	vadd.f32 v6, v1;
	v6 =	vld [tilespmem:s28+$0x18A80]  }
.Ltmp1:
0xd5: {  	v2 =	vld [tilespmem:s28+$0x182A0];
	v0 =	vadd.f32 v3, v0;
	(pc) =	sbr.rel @p0 .LBB2_4-.Ltmp1, $4  }
0xd6: {  	v1 =	vadd.f32 v4, v1;
	v4 =	vld [tilespmem:s28+$0x18FC0]  }
0xd7: {  	v3 =	vld [tilespmem:s28+$0x187E0];
	v7 =	vadd.f32 v7, v0  }
0xd8: {  	s29 =	sshra.s32 s30, $0x2;
	v5 =	vadd.f32 v8, v1;
	v1 =	vld [tilespmem:s28+$0x18D20]  }
0xd9: {  	s30 =	sadd.s32 $0x40, s30;
	v0 =	vld [tilespmem:s29+$0x14100];
	v6 =	vadd.f32 v6, v7  }
0xda: {  	v7 =	vld [tilespmem:s29+$0x14640];
	v2 =	vadd.f32 v2, v5  }
0xdb: {  	v8 =	vld [tilespmem:s29+$0x13E60];
	v4 =	vadd.f32 v4, v6  }
0xdc: {  	v38 =	vld [tilespmem:s29+$0x14B80];
	v2 =	vadd.f32 v3, v2  }
0xdd: {  	v39 =	vld [tilespmem:s29+$0x143A0];
	[tilespmem:s28+$0x19500] =	vst v4  }
0xde: {  	v3 =	vld [tilespmem:s29+$0x150C0];
	v1 =	vadd.f32 v1, v2  }
0xdf: {  	v2 =	vld [tilespmem:s29+$0x148E0]  }
0xe0: {  	v4 =	vld [tilespmem:s29+$0x15600];
	[tilespmem:s28+$0x19260] =	vst v1  }
0xe1: {  	v0 =	vadd.f32 v7, v0;
	v1 =	vld [tilespmem:s29+$0x14E20]  }
0xe2: {  	v6 =	vadd.f32 v39, v8  }
0xe3: {  	v0 =	vadd.f32 v38, v0;
	v40 =	vld [tilespmem:s29+$0x15360]  }
0xe4: {  	v41 =	vld [tilespmem:s29+$0x15B40];
	v2 =	vadd.f32 v2, v6  }
0xe5: {  	v0 =	vadd.f32 v3, v0;
	v3 =	vld [tilespmem:s29+$0x158A0]  }
0xe6: {  	v42 =	vld [tilespmem:s29+$0x16080];
	v1 =	vadd.f32 v1, v2  }
0xe7: {  	v0 =	vadd.f32 v4, v0;
	v2 =	vld [tilespmem:s29+$0x15DE0]  }
0xe8: {  	v43 =	vld [tilespmem:s29+$0x165C0];
	v1 =	vadd.f32 v40, v1  }
0xe9: {  	v44 =	vld [tilespmem:s29+$0x16320];
	v0 =	vadd.f32 v41, v0  }
0xea: {  	v45 =	vld [tilespmem:s29+$0x16B00];
	v1 =	vadd.f32 v3, v1  }
0xeb: {  	v0 =	vadd.f32 v42, v0;
	v3 =	vld [tilespmem:s29+$0x16860]  }
0xec: {  	v46 =	vld [tilespmem:s29+$0x17040];
	v1 =	vadd.f32 v2, v1  }
0xed: {  	v0 =	vadd.f32 v43, v0;
	v2 =	vld [tilespmem:s29+$0x16DA0]  }
0xee: {  	v47 =	vld [tilespmem:s29+$0x17580];
	v1 =	vadd.f32 v44, v1  }
0xef: {  	v48 =	vld [tilespmem:s29+$0x172E0];
	v0 =	vadd.f32 v45, v0  }
0xf0: {  	v49 =	vld [tilespmem:s29+$0x17AC0];
	v1 =	vadd.f32 v3, v1  }
0xf1: {  	v0 =	vadd.f32 v46, v0;
	v3 =	vld [tilespmem:s29+$0x17820]  }
0xf2: {  	v50 =	vld [tilespmem:s29+$0x18000];
	v1 =	vadd.f32 v2, v1  }
0xf3: {  	v0 =	vadd.f32 v47, v0;
	v2 =	vld [tilespmem:s29+$0x17D60]  }
0xf4: {  	v51 =	vld [tilespmem:s29+$0x18540];
	v1 =	vadd.f32 v48, v1  }
0xf5: {  	v52 =	vld [tilespmem:s29+$0x182A0];
	v0 =	vadd.f32 v49, v0  }
0xf6: {  	v53 =	vld [tilespmem:s29+$0x18A80];
	v1 =	vadd.f32 v3, v1  }
0xf7: {  	v0 =	vadd.f32 v50, v0;
	v3 =	vld [tilespmem:s29+$0x187E0]  }
0xf8: {  	v54 =	vld [tilespmem:s29+$0x18FC0];
	v1 =	vadd.f32 v2, v1  }
0xf9: {  	v0 =	vadd.f32 v51, v0;
	v2 =	vld [tilespmem:s29+$0x18D20]  }
0xfa: {  	v1 =	vadd.f32 v52, v1  }
0xfb: {  	v0 =	vadd.f32 v53, v0  }
0xfc: {  	v1 =	vadd.f32 v3, v1  }
0xfd: {  	v0 =	vadd.f32 v54, v0  }
0xfe: {  	v1 =	vadd.f32 v2, v1  }
0xff: {  	[tilespmem:s29+$0x19500] =	vst v0  }
0x100: {  	[tilespmem:s29+$0x19260] =	vst v1  }
0x101: {  	[hbm4b:s10+s22] =	stream.strided.scatter [tilespmem:s25], [sflag:$0x5], $0x540, s23, s22, $0x38;
	[tilespmem:$0x1EBA0] =	vst v63  }
0x102: {  	_ =	swait.ge [sflag:s20], $0x540  }
0x103: {  	[sflag:s20] =	ssyncset.done $0x0  }
0x104: {  	[sflag:s20] =	ssyncadd.s32 $0xFFFFFAC0  }
0x105: {  	_ =	swait.ge [sflag:s18], $0x4E20  }
0x106: {  	[sflag:s18] =	ssyncset.done $0x0  }
0x107: {  	[sflag:s18] =	ssyncadd.s32 $0xFFFFB1E0  }
0x108: {  	_ =	swait.ge [sflag:s19], $0x5400  }
0x109: {  	[sflag:s19] =	ssyncset.done $0x0  }
0x10a: {  	[sflag:s19] =	ssyncadd.s32 $0xFFFFAC00  }
0x10b: {  	s28 =	simm.s32 $0x0;
	[bflag:$0x0] =	sbarrier.arrive $0xFFFF  }
0x10c: {  	v2 =	vld [tilespmem:s28+$0x2780]  }
0x10d: {  	v1 =	vld [tilespmem:s28+$0x2760]  }
0x10e: {  	v3 =	vld [tilespmem:s28+$0x2750]  }
0x10f: {  	v55 =	vld [tilespmem:s28+$0x2740]  }
0x110: {  	v56 =	vld [tilespmem:s28+$0x2720]  }
0x111: {  	v0 =	vld [tilespmem:s28+$0x30]  }
0x112: {  	v57 =	vld [tilespmem:s28+$0x60]  }
0x113: {  	v58 =	vld [tilespmem:s28+$0x70]  }
0x114: {  	v59 =	vld [tilespmem:s28+$0x20]  }
0x115: {  	v9 =	vld [tilespmem:s28+$0x10]  }
0x116: {  	v10 =	vld [tilespmem:s28+$0x50]  }
0x117: {  	v11 =	vld [tilespmem:s28+$0x0]  }
0x118: {  	v12 =	vld [tilespmem:s28+$0x2730]  }
0x119: {  	v13 =	vld [tilespmem:s28+$0x2770]  }
0x11a: {  	v14 =	vld [tilespmem:s28+$0x40]  }
0x11b: {  	v15 =	vld [tilespmem:s28+$0x2710]  }
0x11c: {  	v16 =	vld.idx.msk [tilespmem:v59+s21+$0x0], $0xffff  }
0x11d: {  	v18 =	vld.idx.msk [tilespmem:v9+s21+$0x0], $0xffff  }
0x11e: {  	v19 =	vld.idx.msk [tilespmem:v10+s21+$0x0], $0xffff  }
0x11f: {  	v17 =	vadd.s32 $0x2710, v58;
	v21 =	vld.idx.msk [tilespmem:v0+s21+$0x0], $0xffff  }
0x120: {  	v20 =	vadd.s32 $0x2710, v0;
	v7 =	vld.idx.msk [tilespmem:v58+s21+$0x0], $0xffff  }
0x121: {  	v22 =	vadd.s32 $0x2710, v11;
	v23 =	vld.idx.msk [tilespmem:v57+s21+$0x0], $0xffff  }
0x122: {  	v8 =	vadd.s32 $0x2710, v59;
	v60 =	vld.idx.msk [tilespmem:v14+s21+$0x0], $0xffff  }
0x123: {  	v6 =	vadd.s32 $0x2710, v57;
	v11 =	vld.idx.msk [tilespmem:v11+s21+$0x0], $0xffff  }
0x124: {  	v9 =	vadd.s32 $0x2710, v9;
	v0 =	vld.idx.msk [tilespmem:v17+s21+$0x0], $0xffff  }
0x125: {  	v14 =	vadd.s32 $0x2710, v14;
	v20 =	vld.idx.msk [tilespmem:v20+s21+$0x0], $0xffff  }
0x126: {  	v10 =	vadd.s32 $0x2710, v10;
	v22 =	vld.idx.msk [tilespmem:v22+s21+$0x0], $0xffff  }
0x127: {  	v8 =	vld.idx.msk [tilespmem:v8+s21+$0x0], $0xffff  }
0x128: {  	v24 =	vadd.s32 $0x2A00, v15;
	v6 =	vld.idx.msk [tilespmem:v6+s21+$0x0], $0xffff  }
0x129: {  	v9 =	vld.idx.msk [tilespmem:v9+s21+$0x0], $0xffff  }
0x12a: {  	v25 =	vadd.s32 $0x2A00, v56;
	v14 =	vld.idx.msk [tilespmem:v14+s21+$0x0], $0xffff  }
0x12b: {  	v10 =	vld.idx.msk [tilespmem:v10+s21+$0x0], $0xffff  }
0x12c: {  	v26 =	vadd.s32 $0x2A00, v12;
	[tilespmem:v15+s15+$0x0] =	vst.idx.add.f32.msk $0xffff, v11  }
0x12d: {  	[tilespmem:v24+s15+$0x0] =	vst.idx.add.f32.msk $0xffff, v22  }
0x12e: {  	v61 =	vadd.s32 $0x2A00, v55;
	[tilespmem:v56+s15+$0x0] =	vst.idx.add.f32.msk $0xffff, v18  }
0x12f: {  	[tilespmem:v25+s15+$0x0] =	vst.idx.add.f32.msk $0xffff, v9  }
0x130: {  	v62 =	vadd.s32 $0x2A00, v3;
	[tilespmem:v12+s15+$0x0] =	vst.idx.add.f32.msk $0xffff, v16  }
0x131: {  	[tilespmem:v26+s15+$0x0] =	vst.idx.add.f32.msk $0xffff, v8  }
0x132: {  	v63 =	vadd.s32 $0x2A00, v1;
	[tilespmem:v55+s15+$0x0] =	vst.idx.add.f32.msk $0xffff, v21  }
0x133: {  	[tilespmem:v61+s15+$0x0] =	vst.idx.add.f32.msk $0xffff, v20  }
0x134: {  	[tilespmem:v3+s15+$0x0] =	vst.idx.add.f32.msk $0xffff, v60;
	v3 =	vadd.s32 $0x2A00, v13  }
0x135: {  	[tilespmem:v62+s15+$0x0] =	vst.idx.add.f32.msk $0xffff, v14  }
0x136: {  	[tilespmem:v1+s15+$0x0] =	vst.idx.add.f32.msk $0xffff, v19;
	v1 =	vadd.s32 $0x2A00, v2  }
0x137: {  	[tilespmem:v63+s15+$0x0] =	vst.idx.add.f32.msk $0xffff, v10  }
0x138: {  	[tilespmem:v13+s15+$0x0] =	vst.idx.add.f32.msk $0xffff, v23  }
0x139: {  	[tilespmem:v3+s15+$0x0] =	vst.idx.add.f32.msk $0xffff, v6  }
0x13a: {  	s28 =	simm.s32 $0x200;
	[tilespmem:v2+s15+$0x0] =	vst.idx.add.f32.msk $0xffff, v7  }
.LBB2_6:
0x13b: {  	s29 =	sshra.s32 s28, $0x2;
	p0 =	sne.s32 s28, $0x9A00;
	s28 =	sadd.s32 $0x200, s28;
	[tilespmem:v1+s15+$0x0] =	vst.idx.add.f32.msk $0xffff, v0  }
0x13c: {  	v2 =	vld [tilespmem:s29+$0x2780]  }
0x13d: {  	v1 =	vld [tilespmem:s29+$0x2760]  }
0x13e: {  	v3 =	vld [tilespmem:s29+$0x2750]  }
0x13f: {  	v4 =	vld [tilespmem:s29+$0x2740]  }
0x140: {  	v5 =	vld [tilespmem:s29+$0x2720]  }
0x141: {  	v0 =	vld [tilespmem:s29+$0x30]  }
0x142: {  	v6 =	vld [tilespmem:s29+$0x60]  }
0x143: {  	v7 =	vld [tilespmem:s29+$0x70]  }
0x144: {  	v8 =	vld [tilespmem:s29+$0x20]  }
0x145: {  	v9 =	vld [tilespmem:s29+$0x10]  }
0x146: {  	v10 =	vld [tilespmem:s29+$0x50]  }
0x147: {  	v11 =	vld [tilespmem:s29+$0x0]  }
0x148: {  	v12 =	vld [tilespmem:s29+$0x2730]  }
0x149: {  	v14 =	vadd.s32 $0x2710, v7;
	v13 =	vld [tilespmem:s29+$0x2770]  }
0x14a: {  	v16 =	vadd.s32 $0x2710, v6;
	v15 =	vld [tilespmem:s29+$0x40]  }
0x14b: {  	v17 =	vld [tilespmem:s29+$0x2710]  }
0x14c: {  	v18 =	vld.idx.msk [tilespmem:v8+s21+$0x0], $0xffff  }
0x14d: {  	v20 =	vadd.s32 $0x2710, v0;
	v19 =	vld.idx.msk [tilespmem:v9+s21+$0x0], $0xffff  }
0x14e: {  	v21 =	vld.idx.msk [tilespmem:v10+s21+$0x0], $0xffff  }
0x14f: {  	v22 =	vld.idx.msk [tilespmem:v0+s21+$0x0], $0xffff  }
0x150: {  	v7 =	vld.idx.msk [tilespmem:v7+s21+$0x0], $0xffff  }
0x151: {  	v23 =	vadd.s32 $0x2710, v11;
	v6 =	vld.idx.msk [tilespmem:v6+s21+$0x0], $0xffff  }
0x152: {  	v9 =	vadd.s32 $0x2710, v9;
	v0 =	vld.idx.msk [tilespmem:v14+s21+$0x0], $0xffff;
	v14 =	vadd.s32 $0x2A00, v17  }
0x153: {  	v24 =	vld.idx.msk [tilespmem:v15+s21+$0x0], $0xffff;
	v15 =	vadd.s32 $0x2710, v15  }
0x154: {  	v10 =	vadd.s32 $0x2710, v10;
	v20 =	vld.idx.msk [tilespmem:v20+s21+$0x0], $0xffff  }
0x155: {  	v8 =	vadd.s32 $0x2710, v8;
	v11 =	vld.idx.msk [tilespmem:v11+s21+$0x0], $0xffff  }
0x156: {  	v25 =	vadd.s32 $0x2A00, v5;
	v23 =	vld.idx.msk [tilespmem:v23+s21+$0x0], $0xffff  }
0x157: {  	v9 =	vld.idx.msk [tilespmem:v9+s21+$0x0], $0xffff  }
0x158: {  	v15 =	vld.idx.msk [tilespmem:v15+s21+$0x0], $0xffff  }
0x159: {  	v26 =	vadd.s32 $0x2A00, v12;
	v10 =	vld.idx.msk [tilespmem:v10+s21+$0x0], $0xffff  }
0x15a: {  	v8 =	vld.idx.msk [tilespmem:v8+s21+$0x0], $0xffff  }
0x15b: {  	v16 =	vld.idx.msk [tilespmem:v16+s21+$0x0], $0xffff  }
0x15c: {  	[tilespmem:v17+s15+$0x0] =	vst.idx.add.f32.msk $0xffff, v11  }
0x15d: {  	[tilespmem:v14+s15+$0x0] =	vst.idx.add.f32.msk $0xffff, v23  }
0x15e: {  	[tilespmem:v5+s15+$0x0] =	vst.idx.add.f32.msk $0xffff, v19;
	v5 =	vadd.s32 $0x2A00, v4  }
0x15f: {  	[tilespmem:v25+s15+$0x0] =	vst.idx.add.f32.msk $0xffff, v9  }
0x160: {  	v9 =	vadd.s32 $0x2A00, v3;
	[tilespmem:v12+s15+$0x0] =	vst.idx.add.f32.msk $0xffff, v18  }
0x161: {  	[tilespmem:v26+s15+$0x0] =	vst.idx.add.f32.msk $0xffff, v8  }
0x162: {  	[tilespmem:v4+s15+$0x0] =	vst.idx.add.f32.msk $0xffff, v22;
	v4 =	vadd.s32 $0x2A00, v1  }
0x163: {  	[tilespmem:v5+s15+$0x0] =	vst.idx.add.f32.msk $0xffff, v20  }
0x164: {  	[tilespmem:v3+s15+$0x0] =	vst.idx.add.f32.msk $0xffff, v24;
	v3 =	vadd.s32 $0x2A00, v13  }
0x165: {  	[tilespmem:v9+s15+$0x0] =	vst.idx.add.f32.msk $0xffff, v15  }
.Ltmp2:
0x166: {  	[tilespmem:v1+s15+$0x0] =	vst.idx.add.f32.msk $0xffff, v21;
	v1 =	vadd.s32 $0x2A00, v2;
	(pc) =	sbr.rel @p0 .LBB2_6-.Ltmp2, $4  }
0x167: {  	[tilespmem:v4+s15+$0x0] =	vst.idx.add.f32.msk $0xffff, v10  }
0x168: {  	[tilespmem:v13+s15+$0x0] =	vst.idx.add.f32.msk $0xffff, v6  }
0x169: {  	[tilespmem:v3+s15+$0x0] =	vst.idx.add.f32.msk $0xffff, v16  }
0x16a: {  	[tilespmem:v2+s15+$0x0] =	vst.idx.add.f32.msk $0xffff, v7  }
0x16b: {  	_ =	sdelay $0x3  }
0x16c: {  	[tilespmem:v1+s15+$0x0] =	vst.idx.add.f32.msk $0xffff, v0  }
0x16d: {  	v0 =	vld [tilespmem:$0x2700];
	_ =	sdelay $0x4  }
0x16e: {  	v1 =	vld [tilespmem:$0x4E10];
	_ =	sdelay $0x2  }
0x16f: {  	v2 =	vld.idx.msk [tilespmem:v0+s21+$0x0], $0xffff  }
0x170: {  	v0 =	vadd.s32 $0x2710, v0;
	_ =	sdelay $0x3  }
0x171: {  	[tilespmem:v1+s15+$0x0] =	vst.idx.add.f32.msk $0xffff, v2  }
0x172: {  	v1 =	vadd.s32 $0x2A00, v1;
	v0 =	vld.idx.msk [tilespmem:v0+s21+$0x0], $0xffff;
	_ =	sdelay $0x4  }
0x173: {  	[tilespmem:v1+s15+$0x0] =	vst.idx.add.f32.msk $0xffff, v0  }
0x174: {  	[spmem:s7] =	stream.linear.scatter [tilespmem:s15], [sflag:$0x5], $0x5400, $0x38;
	[tilespmem:$0x1EBA0] =	vst v63  }
0x175: {  	_ =	swait.ge [sflag:s20], $0x5400  }
0x176: {  	[sflag:s20] =	ssyncset.done $0x0  }
0x177: {  	[sflag:s20] =	ssyncadd.s32 $0xFFFFAC00  }
0x178: {  	[bflag:$0x0] =	sbarrier.arrive $0xFFFF  }
0x179: {  	[tilespmem:s24], [sflag:$0x5] =	stream.strided.gather [spmem:s9], $0x5400, s23, s22, $0x38;
	[tilespmem:$0x1EBA0] =	vst v63  }
0x17a: {  	_ =	swait.ge [sflag:s20], $0x5400  }
0x17b: {  	[sflag:s20] =	ssyncset.done $0x0  }
0x17c: {  	s28 =	simm.s32 $0x0;
	[sflag:s20] =	ssyncadd.s32 $0xFFFFAC00  }
0x17d: {  	v0 =	vld [tilespmem:s28+$0x14100]  }
0x17e: {  	v1 =	vld [tilespmem:s28+$0x14640]  }
0x17f: {  	v2 =	vld [tilespmem:s28+$0x13E60]  }
0x180: {  	v3 =	vld [tilespmem:s28+$0x14B80]  }
0x181: {  	v4 =	vld [tilespmem:s28+$0x143A0]  }
0x182: {  	v5 =	vld [tilespmem:s28+$0x150C0]  }
0x183: {  	v6 =	vld [tilespmem:s28+$0x148E0];
	v0 =	vadd.f32 v1, v0  }
0x184: {  	v1 =	vld [tilespmem:s28+$0x15600]  }
0x185: {  	v7 =	vld [tilespmem:s28+$0x14E20];
	v0 =	vadd.f32 v3, v0  }
0x186: {  	v2 =	vadd.f32 v4, v2;
	v3 =	vld [tilespmem:s28+$0x15B40]  }
0x187: {  	v4 =	vld [tilespmem:s28+$0x15360];
	v0 =	vadd.f32 v5, v0  }
0x188: {  	v2 =	vadd.f32 v6, v2;
	v5 =	vld [tilespmem:s28+$0x16080]  }
0x189: {  	v6 =	vld [tilespmem:s28+$0x158A0];
	v0 =	vadd.f32 v1, v0  }
0x18a: {  	v2 =	vadd.f32 v7, v2;
	v1 =	vld [tilespmem:s28+$0x165C0]  }
0x18b: {  	v7 =	vld [tilespmem:s28+$0x15DE0];
	v0 =	vadd.f32 v3, v0  }
0x18c: {  	v2 =	vadd.f32 v4, v2;
	v3 =	vld [tilespmem:s28+$0x16B00]  }
0x18d: {  	v4 =	vld [tilespmem:s28+$0x16320];
	v0 =	vadd.f32 v5, v0  }
0x18e: {  	v2 =	vadd.f32 v6, v2;
	v5 =	vld [tilespmem:s28+$0x17040]  }
0x18f: {  	v6 =	vld [tilespmem:s28+$0x16860];
	v0 =	vadd.f32 v1, v0  }
0x190: {  	v2 =	vadd.f32 v7, v2;
	v1 =	vld [tilespmem:s28+$0x17580]  }
0x191: {  	v7 =	vld [tilespmem:s28+$0x16DA0];
	v0 =	vadd.f32 v3, v0  }
0x192: {  	v2 =	vadd.f32 v4, v2;
	v3 =	vld [tilespmem:s28+$0x17AC0]  }
0x193: {  	v4 =	vld [tilespmem:s28+$0x172E0];
	v0 =	vadd.f32 v5, v0  }
0x194: {  	v2 =	vadd.f32 v6, v2;
	v5 =	vld [tilespmem:s28+$0x18000]  }
0x195: {  	v6 =	vld [tilespmem:s28+$0x17820];
	v0 =	vadd.f32 v1, v0  }
0x196: {  	v2 =	vadd.f32 v7, v2;
	v1 =	vld [tilespmem:s28+$0x18540]  }
0x197: {  	v7 =	vld [tilespmem:s28+$0x17D60];
	v0 =	vadd.f32 v3, v0  }
0x198: {  	v8 =	vld [tilespmem:s28+$0x18A80];
	v3 =	vadd.f32 v4, v2  }
0x199: {  	v2 =	vld [tilespmem:s28+$0x182A0];
	v0 =	vadd.f32 v5, v0  }
0x19a: {  	v4 =	vld [tilespmem:s28+$0x18FC0];
	v5 =	vadd.f32 v6, v3  }
0x19b: {  	v3 =	vld [tilespmem:s28+$0x187E0];
	v6 =	vadd.f32 v1, v0  }
0x19c: {  	s29 =	simm.s32 $0x10;
	v1 =	vld [tilespmem:s28+$0x18D20];
	v5 =	vadd.f32 v7, v5  }
0x19d: {  	s30 =	simm.s32 $0x80;
	v0 =	vld [tilespmem:s29+$0x14100];
	v6 =	vadd.f32 v8, v6  }
.LBB2_8:
0x19e: {  	p0 =	sne.s32 s30, $0xA40;
	v7 =	vld [tilespmem:s29+$0x14640];
	v2 =	vadd.f32 v2, v5  }
0x19f: {  	v5 =	vld [tilespmem:s29+$0x13E60];
	v4 =	vadd.f32 v4, v6  }
0x1a0: {  	v6 =	vld [tilespmem:s29+$0x14B80];
	v2 =	vadd.f32 v3, v2  }
0x1a1: {  	v3 =	vld [tilespmem:s29+$0x143A0];
	[tilespmem:s28+$0x19500] =	vst v4  }
0x1a2: {  	v4 =	vld [tilespmem:s29+$0x150C0];
	v1 =	vadd.f32 v1, v2  }
0x1a3: {  	v2 =	vld [tilespmem:s29+$0x148E0];
	v0 =	vadd.f32 v7, v0  }
0x1a4: {  	v7 =	vld [tilespmem:s29+$0x15600];
	[tilespmem:s28+$0x19260] =	vst v1;
	s28 =	smov.u32 s29  }
0x1a5: {  	v1 =	vld [tilespmem:s28+$0x14E20];
	v0 =	vadd.f32 v6, v0  }
0x1a6: {  	v3 =	vadd.f32 v3, v5;
	v5 =	vld [tilespmem:s28+$0x15B40]  }
0x1a7: {  	v6 =	vld [tilespmem:s28+$0x15360];
	v0 =	vadd.f32 v4, v0  }
0x1a8: {  	v2 =	vadd.f32 v2, v3;
	v3 =	vld [tilespmem:s28+$0x16080]  }
0x1a9: {  	v4 =	vld [tilespmem:s28+$0x158A0];
	v0 =	vadd.f32 v7, v0  }
0x1aa: {  	v1 =	vadd.f32 v1, v2;
	v2 =	vld [tilespmem:s28+$0x165C0]  }
0x1ab: {  	v7 =	vld [tilespmem:s28+$0x15DE0];
	v0 =	vadd.f32 v5, v0  }
0x1ac: {  	v1 =	vadd.f32 v6, v1;
	v5 =	vld [tilespmem:s28+$0x16B00]  }
0x1ad: {  	v6 =	vld [tilespmem:s28+$0x16320];
	v0 =	vadd.f32 v3, v0  }
0x1ae: {  	v1 =	vadd.f32 v4, v1;
	v3 =	vld [tilespmem:s28+$0x17040]  }
0x1af: {  	v4 =	vld [tilespmem:s28+$0x16860];
	v0 =	vadd.f32 v2, v0  }
0x1b0: {  	v1 =	vadd.f32 v7, v1;
	v2 =	vld [tilespmem:s28+$0x17580]  }
0x1b1: {  	v7 =	vld [tilespmem:s28+$0x16DA0];
	v0 =	vadd.f32 v5, v0  }
0x1b2: {  	v1 =	vadd.f32 v6, v1;
	v5 =	vld [tilespmem:s28+$0x17AC0]  }
0x1b3: {  	v6 =	vld [tilespmem:s28+$0x172E0];
	v0 =	vadd.f32 v3, v0  }
0x1b4: {  	v1 =	vadd.f32 v4, v1;
	v3 =	vld [tilespmem:s28+$0x18000]  }
0x1b5: {  	v4 =	vld [tilespmem:s28+$0x17820];
	v0 =	vadd.f32 v2, v0  }
0x1b6: {  	v1 =	vadd.f32 v7, v1;
	v7 =	vld [tilespmem:s28+$0x18540]  }
0x1b7: {  	v8 =	vld [tilespmem:s28+$0x17D60];
	v0 =	vadd.f32 v5, v0  }
0x1b8: {  	v1 =	vadd.f32 v6, v1;
	v6 =	vld [tilespmem:s28+$0x18A80]  }
.Ltmp3:
0x1b9: {  	v2 =	vld [tilespmem:s28+$0x182A0];
	v0 =	vadd.f32 v3, v0;
	(pc) =	sbr.rel @p0 .LBB2_8-.Ltmp3, $4  }
0x1ba: {  	v1 =	vadd.f32 v4, v1;
	v4 =	vld [tilespmem:s28+$0x18FC0]  }
0x1bb: {  	v3 =	vld [tilespmem:s28+$0x187E0];
	v7 =	vadd.f32 v7, v0  }
0x1bc: {  	s29 =	sshra.s32 s30, $0x2;
	v5 =	vadd.f32 v8, v1;
	v1 =	vld [tilespmem:s28+$0x18D20]  }
0x1bd: {  	s30 =	sadd.s32 $0x40, s30;
	v0 =	vld [tilespmem:s29+$0x14100];
	v6 =	vadd.f32 v6, v7  }
0x1be: {  	v7 =	vld [tilespmem:s29+$0x14640];
	v2 =	vadd.f32 v2, v5  }
0x1bf: {  	v8 =	vld [tilespmem:s29+$0x13E60];
	v4 =	vadd.f32 v4, v6  }
0x1c0: {  	v37 =	vld [tilespmem:s29+$0x14B80];
	v2 =	vadd.f32 v3, v2  }
0x1c1: {  	v38 =	vld [tilespmem:s29+$0x143A0];
	[tilespmem:s28+$0x19500] =	vst v4  }
0x1c2: {  	v39 =	vld [tilespmem:s29+$0x150C0];
	v1 =	vadd.f32 v1, v2  }
0x1c3: {  	v40 =	vld [tilespmem:s29+$0x148E0]  }
0x1c4: {  	v4 =	vld [tilespmem:s29+$0x15600];
	[tilespmem:s28+$0x19260] =	vst v1  }
0x1c5: {  	v0 =	vadd.f32 v7, v0;
	v1 =	vld [tilespmem:s29+$0x14E20]  }
0x1c6: {  	v6 =	vadd.f32 v38, v8  }
0x1c7: {  	v0 =	vadd.f32 v37, v0;
	v41 =	vld [tilespmem:s29+$0x15360]  }
0x1c8: {  	v42 =	vld [tilespmem:s29+$0x15B40];
	v2 =	vadd.f32 v40, v6  }
0x1c9: {  	v43 =	vld [tilespmem:s29+$0x158A0];
	v0 =	vadd.f32 v39, v0  }
0x1ca: {  	v44 =	vld [tilespmem:s29+$0x16080];
	v1 =	vadd.f32 v1, v2  }
0x1cb: {  	v45 =	vld [tilespmem:s29+$0x15DE0];
	v0 =	vadd.f32 v4, v0  }
0x1cc: {  	v46 =	vld [tilespmem:s29+$0x165C0];
	v1 =	vadd.f32 v41, v1  }
0x1cd: {  	v47 =	vld [tilespmem:s29+$0x16320];
	v0 =	vadd.f32 v42, v0  }
0x1ce: {  	v48 =	vld [tilespmem:s29+$0x16B00];
	v1 =	vadd.f32 v43, v1  }
0x1cf: {  	v49 =	vld [tilespmem:s29+$0x16860];
	v0 =	vadd.f32 v44, v0  }
0x1d0: {  	v50 =	vld [tilespmem:s29+$0x17040];
	v1 =	vadd.f32 v45, v1  }
0x1d1: {  	v51 =	vld [tilespmem:s29+$0x16DA0];
	v0 =	vadd.f32 v46, v0  }
0x1d2: {  	v52 =	vld [tilespmem:s29+$0x17580];
	v1 =	vadd.f32 v47, v1  }
0x1d3: {  	v53 =	vld [tilespmem:s29+$0x172E0];
	v0 =	vadd.f32 v48, v0  }
0x1d4: {  	v54 =	vld [tilespmem:s29+$0x17AC0];
	v1 =	vadd.f32 v49, v1  }
0x1d5: {  	v55 =	vld [tilespmem:s29+$0x17820];
	v0 =	vadd.f32 v50, v0  }
0x1d6: {  	v56 =	vld [tilespmem:s29+$0x18000];
	v1 =	vadd.f32 v51, v1  }
0x1d7: {  	v57 =	vld [tilespmem:s29+$0x17D60];
	v0 =	vadd.f32 v52, v0  }
0x1d8: {  	v58 =	vld [tilespmem:s29+$0x18540];
	v1 =	vadd.f32 v53, v1  }
0x1d9: {  	v59 =	vld [tilespmem:s29+$0x182A0];
	v0 =	vadd.f32 v54, v0  }
0x1da: {  	v60 =	vld [tilespmem:s29+$0x18A80];
	v1 =	vadd.f32 v55, v1  }
0x1db: {  	v61 =	vld [tilespmem:s29+$0x187E0];
	v0 =	vadd.f32 v56, v0  }
0x1dc: {  	v62 =	vld [tilespmem:s29+$0x18FC0];
	v1 =	vadd.f32 v57, v1  }
0x1dd: {  	v63 =	vld [tilespmem:s29+$0x18D20];
	v0 =	vadd.f32 v58, v0  }
0x1de: {  	v1 =	vadd.f32 v59, v1  }
0x1df: {  	v0 =	vadd.f32 v60, v0  }
0x1e0: {  	v1 =	vadd.f32 v61, v1  }
0x1e1: {  	v0 =	vadd.f32 v62, v0  }
0x1e2: {  	v1 =	vadd.f32 v63, v1  }
0x1e3: {  	s26 =	sadd.s32 $0x1, s26;
	[tilespmem:s29+$0x19500] =	vst v0  }
0x1e4: {  	p0 =	sne.s32 s26, s12;
	[tilespmem:s29+$0x19260] =	vst v1  }
0x1e5: {  	[hbm4b:s11+s22] =	stream.strided.scatter [tilespmem:s25], [sflag:$0x5], $0x540, s23, s22, $0x38;
	[tilespmem:$0x1EBA0] =	vst v63  }
.Ltmp4:
0x1e6: {  	_ =	swait.ge [sflag:s20], $0x540;
	(pc) =	sbr.rel @p0 .LBB2_1-.Ltmp4, $3  }
0x1e7: {  	[sflag:s20] =	ssyncset.done $0x0  }
0x1e8: {  	[sflag:s20] =	ssyncadd.s32 $0xFFFFFAC0  }
0x1e9: {  	[bflag:$0x0] =	sbarrier.arrive $0xFFFF;
	_ =	sdelay $0x1  }
0x1ea: {  	_ =	sfence.sel $0x180000  }
0x1eb: {  	[bflag:$0x0] =	sbarrier.arrive $0xFFFF  }
0x1ec: {  	p0 =	sne.s32 s0, $0x0;
	_ =	strace $0x9000004A  }
0x1ed: {  	s0 =	sadd.s32 @!p0 $0x100000, s1;
	[bflag:$0x2] =	sbarrier.arrive $0xFFFF  }
0x1ee: {  	[sflag:s0] =	ssyncadd.tile.s32 @!p0 $0x1;
	_ =	shalt  }
.Lfunc_end2:
_tile_overlayer_lowered:
.L_overlay_start_2:
0x1ef: {  	(tag) =	ssettag $0x2  }
0x1f0: {  	s0 =	rddreg [dreg:$0x0];
	s2 =	stileid.u32  }
0x1f1: {  	s1 =	rddreg [dreg:$0x1];
	p0 =	sne.s32 s2, $0x0  }
0x1f2: {  	s3 =	rddreg [dreg:$0x2];
	[bflag:$0x3] =	sbarrier.arrive $0xFFFF;
	s2 =	simm.s32 @!p0 $0x1C05  }
0x1f3: {  	[timem:s3], [sflag:s2] =	dma.local @!p0 [hbm:s0], s1  }
0x1f4: {  	s0 =	simm.s32 @!p0 $0x5  }
0x1f5: {  	_ =	swait.ge @!p0 [sflag:s0], s1  }
0x1f6: {  	s1 =	ssub.s32 @!p0 $0x0, s1;
	[sflag:s0] =	ssyncset.done @!p0 $0x0  }
0x1f7: {  	[sflag:s0] =	ssyncadd.s32 @!p0 s1  }
0x1f8: {  	[bflag:$0x3] =	sbarrier.arrive $0xFFFF  }
0x1f9: {  	_ =	shalt  }

// kernel: kernel.17.cloned.1.call-start
scs
__scs_entry_jumppad:
0x0: {  	(pc) =	sbr.rel $0x88, $3  }
0x1: {  	(tag) =	ssettag $0x0;
	lr =	simm.s32 $0x1  }
0x2: {  	[smem:$0x3F99] =	sst lr;
	_ =	strace $0xD0000000  }
0x3: {  	_ = 	snop  }
0x4: {  	_ = 	snop  }
0x5: {  	_ = 	snop  }
0x6: {  	_ = 	snop  }
0x7: {  	_ = 	snop  }
__scs_overlays_trampoline_lowered:
0x8: {  	[smem:$0x3FA8] =	sst s0  }
0x9: {  	[smem:$0x3FA9] =	sst s1  }
0xa: {  	[smem:$0x3FAA] =	sst s2  }
0xb: {  	[smem:$0x3FAB] =	sst s3  }
0xc: {  	[smem:$0x3FAC] =	sst s4  }
0xd: {  	[smem:$0x3FAD] =	sst s5  }
0xe: {  	[smem:$0x3FAE] =	sst s6  }
0xf: {  	[smem:$0x3FAF] =	sst s7  }
0x10: {  	[smem:$0x3FB0] =	sst s8  }
0x11: {  	[smem:$0x3FB1] =	sst s9;
	s0 =	simm.s32 @!p0 $0x0  }
0x12: {  	s1 =	sld [smem:$0x3F97];
	s0 =	simm.s32 @p0 $0x1  }
0x13: {  	[smem:$0x3FB2] =	sst s0;
	s0 =	simm.s32 @!p1 $0x0  }
0x14: {  	s2 =	sld [smem:$0x3F96];
	s0 =	simm.s32 @p1 $0x1  }
0x15: {  	[smem:$0x3FB3] =	sst s0;
	s0 =	simm.s32 @!p2 $0x0  }
0x16: {  	s3 =	sld [smem:$0x3FDB];
	s0 =	simm.s32 @p2 $0x1  }
0x17: {  	s4 =	simm.s32 $0x1BF5;
	[smem:$0x3FB5] =	sst s0  }
0x18: {  	s0 =	sld [smem:$0x3F98];
	_ =	swait.ge [sflag:s4], $0x0  }
0x19: {  	s7 =	sld [smem:$0x3F99]  }
0x1a: {  	s8 =	sadd.s32 $0xFFFFE003, lr  }
0x1b: {  	s9 =	sadd.s32 $0xFFFFFEF7, lr;
	s5 =	simm.s32 $0xFFFFFFFF;
	p2 =	slt.u32 s8, $0xFFFFF086  }
0x1c: {  	p1 =	slt.u32 s9, $0xF7A;
	s5 =	simm.s32 @!p2 $0x0  }
0x1d: {  	s5 =	simm.s32 @p1 $0x1;
	p0 =	seq.s32 s7, s2  }
0x1e: {  	s7 =	smul.u32 @!p0 $0xF7A, s2;
	p2 =	seq.s32 @!p0 s5, $0x0  }
0x1f: {  	s9 =	smul.u32 $0xF7A, s1;
	s8 =	simm.s32 @!p0 $0x1BF5;
	p2 =	por !p2, p0  }
0x20: {  	[sflag:s8] =	ssyncset.s32 @!p0 $0xFFFFF086;
	s6 =	sadd.s32 @!p0 s3, s7;
	s7 =	simm.s32 @!p0 $0x108  }
0x21: {  	s3 =	sadd.s32 s3, s9;
	s6 =	sadd.s32 @!p0 $0x88, s6;
	s7 =	simm.s32 @p2 $0x1082  }
0x22: {  	[simem:s7], [sflag:s8] =	dma.local @!p0 [hbm:s6], $0xF7A  }
0x23: {  	s9 =	sor.u32 $0xD0000000, s2;
	s6 =	simm.s32 $0x108;
	_ =	swait.ge @!p0 [sflag:s8], $0x0  }
0x24: {  	s3 =	sadd.s32 $0x88, s3;
	s6 =	simm.s32 @!p1 $0x1082;
	[sflag:s4] =	ssyncset.s32 $0xFFFFF086  }
0x25: {  	[simem:s6], [sflag:s4] =	dma.local [hbm:s3], $0xF7A  }
0x26: {  	[smem:$0x3F99] =	sst s1;
	(tag) =	ssettag s2;
	_ =	strace s9  }
0x27: {  	s1 =	sld [smem:$0x3FA9]  }
0x28: {  	s2 =	sld [smem:$0x3FAA]  }
0x29: {  	s4 =	sld [smem:$0x3FAC]  }
0x2a: {  	p0 =	seq.s32 s5, $0x0;
	s5 =	sld [smem:$0x3FAD]  }
0x2b: {  	s6 =	sld [smem:$0x3FAE]  }
0x2c: {  	s7 =	sld [smem:$0x3FAF]  }
0x2d: {  	s3 =	simm.s32 $0x108;
	s8 =	sld [smem:$0x3FB0]  }
0x2e: {  	s3 =	simm.s32 @!p0 $0x1082;
	s9 =	sld [smem:$0x3FB1]  }
0x2f: {  	lr =	sadd.s32 s0, s3;
	s0 =	sld [smem:$0x3FA8]  }
0x30: {  	s3 =	sld [smem:$0x3FAB]  }
0x31: {  	[smem:$0x3FB4] =	sst s10  }
0x32: {  	s10 =	sld [smem:$0x3FB2];
	_ =	sdelay $0x3  }
0x33: {  	p0 =	seq.s32 s10, $0x1;
	s10 =	sld [smem:$0x3FB4];
	_ =	sdelay $0x3  }
0x34: {  	[smem:$0x3FB4] =	sst s10  }
0x35: {  	s10 =	sld [smem:$0x3FB3];
	_ =	sdelay $0x3  }
0x36: {  	p1 =	seq.s32 s10, $0x1;
	s10 =	sld [smem:$0x3FB4];
	_ =	sdelay $0x3  }
0x37: {  	[smem:$0x3FB4] =	sst s10  }
0x38: {  	s10 =	sld [smem:$0x3FB5]  }
0x39: {  	_ = 	snop;
	(pc) =	sbr.ind lr, $3  }
0x3a: {  	_ = 	snop  }
0x3b: {  	_ = 	snop  }
0x3c: {  	p2 =	seq.s32 s10, $0x1;
	s10 =	sld [smem:$0x3FB4]  }
0x3d: {  	_ =	shalt  }
0x3e: {  	_ =	shalt  }
0x3f: {  	_ =	shalt  }
0x40: {  	_ =	shalt  }
0x41: {  	_ =	shalt  }
0x42: {  	_ =	shalt  }
0x43: {  	_ =	shalt  }
0x44: {  	_ =	shalt  }
0x45: {  	_ =	shalt  }
0x46: {  	_ =	shalt  }
0x47: {  	_ =	shalt  }
0x48: {  	_ =	shalt  }
0x49: {  	_ =	shalt  }
0x4a: {  	_ =	shalt  }
0x4b: {  	_ =	shalt  }
0x4c: {  	_ =	shalt  }
0x4d: {  	_ =	shalt  }
0x4e: {  	_ =	shalt  }
0x4f: {  	_ =	shalt  }
0x50: {  	_ =	shalt  }
0x51: {  	_ =	shalt  }
0x52: {  	_ =	shalt  }
0x53: {  	_ =	shalt  }
0x54: {  	_ =	shalt  }
0x55: {  	_ =	shalt  }
0x56: {  	_ =	shalt  }
0x57: {  	_ =	shalt  }
0x58: {  	_ =	shalt  }
0x59: {  	_ =	shalt  }
0x5a: {  	_ =	shalt  }
0x5b: {  	_ =	shalt  }
0x5c: {  	_ =	shalt  }
0x5d: {  	_ =	shalt  }
0x5e: {  	_ =	shalt  }
0x5f: {  	_ =	shalt  }
0x60: {  	_ =	shalt  }
0x61: {  	_ =	shalt  }
0x62: {  	_ =	shalt  }
0x63: {  	_ =	shalt  }
0x64: {  	_ =	shalt  }
0x65: {  	_ =	shalt  }
0x66: {  	_ =	shalt  }
0x67: {  	_ =	shalt  }
0x68: {  	_ =	shalt  }
0x69: {  	_ =	shalt  }
0x6a: {  	_ =	shalt  }
0x6b: {  	_ =	shalt  }
0x6c: {  	_ =	shalt  }
0x6d: {  	_ =	shalt  }
0x6e: {  	_ =	shalt  }
0x6f: {  	_ =	shalt  }
0x70: {  	_ =	shalt  }
0x71: {  	_ =	shalt  }
0x72: {  	_ =	shalt  }
0x73: {  	_ =	shalt  }
0x74: {  	_ =	shalt  }
0x75: {  	_ =	shalt  }
0x76: {  	_ =	shalt  }
0x77: {  	_ =	shalt  }
0x78: {  	_ =	shalt  }
0x79: {  	_ =	shalt  }
0x7a: {  	_ =	shalt  }
0x7b: {  	_ =	shalt  }
0x7c: {  	_ =	shalt  }
0x7d: {  	_ =	shalt  }
0x7e: {  	_ =	shalt  }
0x7f: {  	_ =	shalt  }
0x80: {  	_ =	shalt  }
0x81: {  	_ =	shalt  }
0x82: {  	_ =	shalt  }
0x83: {  	_ =	shalt  }
0x84: {  	_ =	shalt  }
0x85: {  	_ =	shalt  }
0x86: {  	_ =	shalt  }
0x87: {  	_ =	shalt  }
.Lfunc_end0:
.L_simem_size_0:
called_computation.2_lowered:
.L_overlay_start_0:
0x88: {  	s2 =	sld [smem:$0x3FD9]  }
0x89: {  	s3 =	sld [smem:$0x3FFE];
	_ =	sdelay $0x1  }
0x8a: {  	s1 =	srdreg.scid  }
0x8b: {  	s0 =	sand.u32 $0x1, s1  }
0x8c: {  	s16 =	sshll.u32 s0, $0xA;
	s2 =	sadd.s32 s3, s2  }
0x8d: {  	s2 =	sadd.s32 s2, s16  }
0x8e: {  	[smem:$0x3FC0] =	sst s2  }
0x8f: {  	_ = 	snop  }
0x90: {  	(tm) =	ssettm $0x1  }
0x91: {  	s17 =	sld [smem:$0x3FFB];
	_ =	sdelay $0x3  }
0x92: {  	_ =	strace s17  }
0x93: {  	s2 =	sld [smem:$0x3FFC];
	_ =	sdelay $0x3  }
0x94: {  	_ =	strace s2  }
0x95: {  	s2 =	sld [smem:$0x3FFD];
	_ =	sdelay $0x3  }
0x96: {  	_ =	strace s2  }
0x97: {  	_ =	strace $0x8FFFFFFF  }
0x98: {  	s18 =	sld [smem:$0x3FDB];
	_ =	sdelay $0x1  }
0x99: {  	s19 =	simm.s32 $_scs_section_size  }
0x9a: {  	s4 =	simm.s32 $_size__tile_overlayer_lowered;
	s5 =	simm.s32 $_tile_overlayer_lowered  }
0x9b: {  	s22 =	simm.s32 $0x1BFF;
	s21 =	sshll.u32 s5, $0x1;
	s2 =	sadd.s32 s19, s18  }
0x9c: {  	s6 =	simm.s32 $0x0;
	s20 =	sshll.u32 s4, $0x1;
	s4 =	sadd.s32 s21, s2  }
0x9d: {  	[timem:s6], [sflag:s22] =	dma.local [hbm:s4], s20  }
0x9e: {  	_ =	swait.ge [sflag:s22], s20  }
0x9f: {  	s3 =	ssub.s32 $0x0, s20;
	[sflag:s22] =	ssyncset.done $0x0  }
0xa0: {  	[sflag:s22] =	ssyncadd.s32 s3;
	_ =	sdelay $0x1  }
0xa1: {  	s23 =	simm.s32 $0x1B8B  }
0xa2: {  	_ =	swait.ge [sflag:s23], $0x1  }
0xa3: {  	[sflag:s23] =	ssyncset.done $0x0  }
0xa4: {  	s25 =	simm.s32 $0x1B8E;
	s24 =	sld [smem:$0x3FFE];
	[sflag:s23] =	ssyncadd.s32 $0xFFFFFFFF  }
0xa5: {  	s26 =	simm.s32 $execute0_lowered;
	[smem:$0x3FD2] =	sst s25  }
0xa6: {  	s4 =	sshll.u32 s26, $0x1;
	_ =	strace $0x8000004C;
	[dreg:$0x1] =	wrdreg $0xFFFFFFFF  }
0xa7: {  	s28 =	simm.s32 $_size_execute0_lowered;
	s2 =	sadd.s32 s2, s4;
	[dreg:$0x0] =	wrdreg $0x0  }
0xa8: {  	s4 =	sshll.u32 s28, $0x1;
	[dreg:$0x2] =	wrdreg s2  }
0xa9: {  	[dreg:$0x3] =	wrdreg s4  }
0xaa: {  	[dreg:$0x4] =	wrdreg $0xC0  }
0xab: {  	_ =	task [dreg:s6], $0x5FFFF  }
0xac: {  	[dreg:$0x1] =	wrdreg $0xFFFFFFFF  }
0xad: {  	[dreg:$0x0] =	wrdreg $0x60  }
0xae: {  	[dreg:$0x2] =	wrdreg s24  }
0xaf: {  	[dreg:$0x3] =	wrdreg $0x149800  }
0xb0: {  	[dreg:$0x4] =	wrdreg $0x9  }
0xb1: {  	_ =	task.clear_ibuf [dreg:s6], $0x5FFFF;
	_ =	strace $0x9000004C  }
0xb2: {  	s29 =	simm.s32 $0x9;
	_ =	strace $0x8000004E  }
0xb3: {  	_ =	swait.ge [sflag:s29], $0x1  }
0xb4: {  	[sflag:s29] =	ssyncadd.s32 $0xFFFFFFFF  }
0xb5: {  	_ =	strace $0x9000004E  }
0xb6: {  	_ =	sfence  }
0xb7: {  	s30 =	sld [smem:$0x0];
	_ =	sdelay $0x2  }
0xb8: {  	s31 =	sshll.u32 s1, $0xD;
	s1 =	sshrl.u32 s1, $0x2  }
0xb9: {  	s3 =	sand.u32 $0x4000, s31;
	s1 =	sadd.s32 s1, s30  }
0xba: {  	s0 =	sor.u32 s3, s0;
	s1 =	sshll.u32 s1, $0x11  }
0xbb: {  	s0 =	sor.u32 s1, s0  }
0xbc: {  	s0 =	sadd.s32 $0x8F2B, s0  }
0xbd: {  	[sflag:s0] =	ssyncadd.remote.s32 $0x1  }
0xbe: {  	_ =	sfence.sel $0xFFFF  }
0xbf: {  	[dreg:$0x0] =	wrdreg $0xFFFFFFFF;
	(pc) =	sbr.abs _section_cstart, $3  }
0xc0: {  	[dreg:$0x1] =	wrdreg $0xFFFFFFFF  }
0xc1: {  	_ =	task.clear_ibuf [dreg:s6], $0x2FFFF;
	_ =	strace $0x9FFFFFFF  }
0xc2: {  	(tm) =	ssettm $0x7FFFFFFF  }
0xc3: {  	_ =	shalt  }
tec
execute0_lowered:
.L_overlay_start_1:
0x0: {  	(tag) =	ssettag $0x1  }
0x1: {  	s5 =	rddreg [dreg:$0x0]  }
0x2: {  	s0 =	srdreg.scid;
	s8 =	rddreg [dreg:$0x1]  }
0x3: {  	s2 =	simm.s32 $0x0;
	s13 =	simm.s32 $0x9C40;
	s14 =	simm.s32 $0x1  }
0x4: {  	s15 =	simm.s32 $0x2;
	s16 =	simm.s32 $0x3;
	s17 =	simm.s32 $0x4  }
0x5: {  	s18 =	simm.s32 $0x5;
	s19 =	simm.s32 $0x2A0;
	s20 =	simm.s32 $0x2A00  }
0x6: {  	s21 =	simm.s32 $0xF040;
	s4 =	sand.u32 $0x1, s0;
	s0 =	stileid.u32  }
0x7: {  	s22 =	simm.s32 $0x14440;
	s23 =	simm.s32 $0x0;
	s9 =	smul.u32 $0x2A0, s0  }
0x8: {  	[smem:$0x7FF] =	sst s2;
	s1 =	sshll.u32 s4, $0x4;
	s6 =	smul.u32 $0x5400, s4  }
0x9: {  	s10 =	ssub.s32 $0x2, s4;
	s11 =	smul.u32 $0x15000, s0;
	s1 =	sor.u32 s0, s1  }
0xa: {  	s4 =	sadd.s32 $0x17800, s5;
	s31 =	sshrl.u32 s10, $0x1;
	s3 =	smul.u32 $0x2710, s1  }
0xb: {  	s1 =	rddreg [dreg:$0x2];
	_ =	strace $0x8000004D;
	s6 =	sadd.s32 s9, s6  }
0xc: {  	s10 =	ssub.s32 s10, s31;
	s11 =	sshrl.u32 s11, $0x2;
	s7 =	sshrl.u32 s3, $0x3  }
0xd: {  	s6 =	sshrl.u32 s6, $0x3;
	s10 =	smax.u32 s10, $0x1;
	s7 =	sadd.s32 s7, s5  }
0xe: {  	s3 =	sadd.s32 $0x16400, s5;
	s12 =	sadd.s32 s6, s5;
	s5 =	sadd.s32 $0x2400, s7  }
0xf: {  	s6 =	sadd.s32 $0xC040, s7;
	s7 =	sadd.s32 s11, s8;
	s8 =	sadd.s32 s9, s8  }
0x10: {  	s9 =	sadd.s32 $0x18400, s12;
	s11 =	simm.s32 $0x2710;
	s12 =	simm.s32 $0x4E20  }
.LBB2_1:
0x11: {  	[tilespmem:s2], [sflag:$0x1] =	stream.linear.gather [hbm4b:s5+s2], $0x2710, $0x38;
	[tilespmem:$0x19D80] =	vst v63  }
0x12: {  	_ = 	snop  }
0x13: {  	[tilespmem:s11], [sflag:$0x2] =	stream.linear.gather [hbm4b:s6+s2], $0x2710, $0x38;
	[tilespmem:$0x19D80] =	vst v63  }
0x14: {  	_ = 	snop  }
0x15: {  	[tilespmem:s12], [sflag:$0x3] =	stream.linear.gather [hbm4b:s3+s2], $0x4E20, $0x38;
	[tilespmem:$0x19D80] =	vst v63  }
0x16: {  	_ = 	snop  }
0x17: {  	[tilespmem:s13], [sflag:$0x4] =	stream.linear.gather [hbm4b:s4+s2], $0x5400, $0x38;
	[tilespmem:$0x19D80] =	vst v63  }
0x18: {  	_ =	swait.ge [sflag:s14], $0x2710  }
0x19: {  	[sflag:s14] =	ssyncset.done $0x0  }
0x1a: {  	[sflag:s14] =	ssyncadd.s32 $0xFFFFD8F0  }
0x1b: {  	_ =	swait.ge [sflag:s15], $0x2710  }
0x1c: {  	[sflag:s15] =	ssyncset.done $0x0  }
0x1d: {  	[sflag:s15] =	ssyncadd.s32 $0xFFFFD8F0  }
0x1e: {  	_ =	swait.ge [sflag:s16], $0x4E20  }
0x1f: {  	[sflag:s16] =	ssyncset.done $0x0  }
0x20: {  	[sflag:s16] =	ssyncadd.s32 $0xFFFFB1E0  }
0x21: {  	_ =	swait.ge [sflag:s17], $0x5400  }
0x22: {  	[sflag:s17] =	ssyncset.done $0x0  }
0x23: {  	s24 =	simm.s32 $0x0;
	[sflag:s17] =	ssyncadd.s32 $0xFFFFAC00  }
0x24: {  	v2 =	vld [tilespmem:s24+$0x2780]  }
0x25: {  	v1 =	vld [tilespmem:s24+$0x2760]  }
0x26: {  	v3 =	vld [tilespmem:s24+$0x2750]  }
0x27: {  	v4 =	vld [tilespmem:s24+$0x2740]  }
0x28: {  	v5 =	vld [tilespmem:s24+$0x2720]  }
0x29: {  	v0 =	vld [tilespmem:s24+$0x30]  }
0x2a: {  	v6 =	vld [tilespmem:s24+$0x60]  }
0x2b: {  	v7 =	vld [tilespmem:s24+$0x70]  }
0x2c: {  	v8 =	vld [tilespmem:s24+$0x20]  }
0x2d: {  	v9 =	vld [tilespmem:s24+$0x10]  }
0x2e: {  	v10 =	vld [tilespmem:s24+$0x50]  }
0x2f: {  	v11 =	vld [tilespmem:s24+$0x0]  }
0x30: {  	v12 =	vld [tilespmem:s24+$0x2730]  }
0x31: {  	v13 =	vld [tilespmem:s24+$0x2770]  }
0x32: {  	v14 =	vld [tilespmem:s24+$0x40]  }
0x33: {  	v15 =	vld [tilespmem:s24+$0x2710]  }
0x34: {  	v16 =	vld.idx.msk [tilespmem:v8+s12+$0x0], $0xffff  }
0x35: {  	v18 =	vld.idx.msk [tilespmem:v9+s12+$0x0], $0xffff  }
0x36: {  	v19 =	vld.idx.msk [tilespmem:v10+s12+$0x0], $0xffff  }
0x37: {  	v17 =	vadd.s32 $0x2710, v7;
	v21 =	vld.idx.msk [tilespmem:v0+s12+$0x0], $0xffff  }
0x38: {  	v20 =	vadd.s32 $0x2710, v0;
	v7 =	vld.idx.msk [tilespmem:v7+s12+$0x0], $0xffff  }
0x39: {  	v22 =	vadd.s32 $0x2710, v11;
	v23 =	vld.idx.msk [tilespmem:v6+s12+$0x0], $0xffff  }
0x3a: {  	v9 =	vadd.s32 $0x2710, v9;
	v60 =	vld.idx.msk [tilespmem:v14+s12+$0x0], $0xffff  }
0x3b: {  	v14 =	vadd.s32 $0x2710, v14;
	v11 =	vld.idx.msk [tilespmem:v11+s12+$0x0], $0xffff  }
0x3c: {  	v10 =	vadd.s32 $0x2710, v10;
	v0 =	vld.idx.msk [tilespmem:v17+s12+$0x0], $0xffff  }
0x3d: {  	v8 =	vadd.s32 $0x2710, v8;
	v20 =	vld.idx.msk [tilespmem:v20+s12+$0x0], $0xffff  }
0x3e: {  	v6 =	vadd.s32 $0x2710, v6;
	v22 =	vld.idx.msk [tilespmem:v22+s12+$0x0], $0xffff  }
0x3f: {  	v9 =	vld.idx.msk [tilespmem:v9+s12+$0x0], $0xffff  }
0x40: {  	v24 =	vadd.s32 $0x2A00, v15;
	v14 =	vld.idx.msk [tilespmem:v14+s12+$0x0], $0xffff  }
0x41: {  	v10 =	vld.idx.msk [tilespmem:v10+s12+$0x0], $0xffff  }
0x42: {  	v25 =	vadd.s32 $0x2A00, v5;
	v8 =	vld.idx.msk [tilespmem:v8+s12+$0x0], $0xffff  }
0x43: {  	v6 =	vld.idx.msk [tilespmem:v6+s12+$0x0], $0xffff  }
0x44: {  	v26 =	vadd.s32 $0x2A00, v12;
	[tilespmem:v15+s13+$0x0] =	vst.idx.add.f32.msk $0xffff, v11  }
0x45: {  	[tilespmem:v24+s13+$0x0] =	vst.idx.add.f32.msk $0xffff, v22  }
0x46: {  	v61 =	vadd.s32 $0x2A00, v4;
	[tilespmem:v5+s13+$0x0] =	vst.idx.add.f32.msk $0xffff, v18  }
0x47: {  	[tilespmem:v25+s13+$0x0] =	vst.idx.add.f32.msk $0xffff, v9  }
0x48: {  	v62 =	vadd.s32 $0x2A00, v3;
	[tilespmem:v12+s13+$0x0] =	vst.idx.add.f32.msk $0xffff, v16  }
0x49: {  	[tilespmem:v26+s13+$0x0] =	vst.idx.add.f32.msk $0xffff, v8  }
0x4a: {  	v63 =	vadd.s32 $0x2A00, v1;
	[tilespmem:v4+s13+$0x0] =	vst.idx.add.f32.msk $0xffff, v21  }
0x4b: {  	[tilespmem:v61+s13+$0x0] =	vst.idx.add.f32.msk $0xffff, v20  }
0x4c: {  	[tilespmem:v3+s13+$0x0] =	vst.idx.add.f32.msk $0xffff, v60;
	v3 =	vadd.s32 $0x2A00, v13  }
0x4d: {  	[tilespmem:v62+s13+$0x0] =	vst.idx.add.f32.msk $0xffff, v14  }
0x4e: {  	[tilespmem:v1+s13+$0x0] =	vst.idx.add.f32.msk $0xffff, v19;
	v1 =	vadd.s32 $0x2A00, v2  }
0x4f: {  	[tilespmem:v63+s13+$0x0] =	vst.idx.add.f32.msk $0xffff, v10  }
0x50: {  	[tilespmem:v13+s13+$0x0] =	vst.idx.add.f32.msk $0xffff, v23  }
0x51: {  	[tilespmem:v3+s13+$0x0] =	vst.idx.add.f32.msk $0xffff, v6  }
0x52: {  	s24 =	simm.s32 $0x200;
	[tilespmem:v2+s13+$0x0] =	vst.idx.add.f32.msk $0xffff, v7  }
.LBB2_2:
0x53: {  	s25 =	sshra.s32 s24, $0x2;
	p0 =	sne.s32 s24, $0x9A00;
	s24 =	sadd.s32 $0x200, s24;
	[tilespmem:v1+s13+$0x0] =	vst.idx.add.f32.msk $0xffff, v0  }
0x54: {  	v2 =	vld [tilespmem:s25+$0x2780]  }
0x55: {  	v1 =	vld [tilespmem:s25+$0x2760]  }
0x56: {  	v3 =	vld [tilespmem:s25+$0x2750]  }
0x57: {  	v4 =	vld [tilespmem:s25+$0x2740]  }
0x58: {  	v5 =	vld [tilespmem:s25+$0x2720]  }
0x59: {  	v0 =	vld [tilespmem:s25+$0x30]  }
0x5a: {  	v6 =	vld [tilespmem:s25+$0x60]  }
0x5b: {  	v7 =	vld [tilespmem:s25+$0x70]  }
0x5c: {  	v8 =	vld [tilespmem:s25+$0x20]  }
0x5d: {  	v9 =	vld [tilespmem:s25+$0x10]  }
0x5e: {  	v10 =	vld [tilespmem:s25+$0x50]  }
0x5f: {  	v11 =	vld [tilespmem:s25+$0x0]  }
0x60: {  	v12 =	vld [tilespmem:s25+$0x2730]  }
0x61: {  	v14 =	vadd.s32 $0x2710, v7;
	v13 =	vld [tilespmem:s25+$0x2770]  }
0x62: {  	v16 =	vadd.s32 $0x2710, v6;
	v15 =	vld [tilespmem:s25+$0x40]  }
0x63: {  	v17 =	vld [tilespmem:s25+$0x2710]  }
0x64: {  	v18 =	vld.idx.msk [tilespmem:v8+s12+$0x0], $0xffff  }
0x65: {  	v20 =	vadd.s32 $0x2710, v0;
	v19 =	vld.idx.msk [tilespmem:v9+s12+$0x0], $0xffff  }
0x66: {  	v21 =	vld.idx.msk [tilespmem:v10+s12+$0x0], $0xffff  }
0x67: {  	v22 =	vld.idx.msk [tilespmem:v0+s12+$0x0], $0xffff  }
0x68: {  	v7 =	vld.idx.msk [tilespmem:v7+s12+$0x0], $0xffff  }
0x69: {  	v23 =	vadd.s32 $0x2710, v11;
	v6 =	vld.idx.msk [tilespmem:v6+s12+$0x0], $0xffff  }
0x6a: {  	v9 =	vadd.s32 $0x2710, v9;
	v0 =	vld.idx.msk [tilespmem:v14+s12+$0x0], $0xffff;
	v14 =	vadd.s32 $0x2A00, v17  }
0x6b: {  	v24 =	vld.idx.msk [tilespmem:v15+s12+$0x0], $0xffff;
	v15 =	vadd.s32 $0x2710, v15  }
0x6c: {  	v10 =	vadd.s32 $0x2710, v10;
	v20 =	vld.idx.msk [tilespmem:v20+s12+$0x0], $0xffff  }
0x6d: {  	v8 =	vadd.s32 $0x2710, v8;
	v11 =	vld.idx.msk [tilespmem:v11+s12+$0x0], $0xffff  }
0x6e: {  	v25 =	vadd.s32 $0x2A00, v5;
	v23 =	vld.idx.msk [tilespmem:v23+s12+$0x0], $0xffff  }
0x6f: {  	v9 =	vld.idx.msk [tilespmem:v9+s12+$0x0], $0xffff  }
0x70: {  	v15 =	vld.idx.msk [tilespmem:v15+s12+$0x0], $0xffff  }
0x71: {  	v26 =	vadd.s32 $0x2A00, v12;
	v10 =	vld.idx.msk [tilespmem:v10+s12+$0x0], $0xffff  }
0x72: {  	v8 =	vld.idx.msk [tilespmem:v8+s12+$0x0], $0xffff  }
0x73: {  	v16 =	vld.idx.msk [tilespmem:v16+s12+$0x0], $0xffff  }
0x74: {  	[tilespmem:v17+s13+$0x0] =	vst.idx.add.f32.msk $0xffff, v11  }
0x75: {  	[tilespmem:v14+s13+$0x0] =	vst.idx.add.f32.msk $0xffff, v23  }
0x76: {  	[tilespmem:v5+s13+$0x0] =	vst.idx.add.f32.msk $0xffff, v19;
	v5 =	vadd.s32 $0x2A00, v4  }
0x77: {  	[tilespmem:v25+s13+$0x0] =	vst.idx.add.f32.msk $0xffff, v9  }
0x78: {  	v9 =	vadd.s32 $0x2A00, v3;
	[tilespmem:v12+s13+$0x0] =	vst.idx.add.f32.msk $0xffff, v18  }
0x79: {  	[tilespmem:v26+s13+$0x0] =	vst.idx.add.f32.msk $0xffff, v8  }
0x7a: {  	[tilespmem:v4+s13+$0x0] =	vst.idx.add.f32.msk $0xffff, v22;
	v4 =	vadd.s32 $0x2A00, v1  }
0x7b: {  	[tilespmem:v5+s13+$0x0] =	vst.idx.add.f32.msk $0xffff, v20  }
0x7c: {  	[tilespmem:v3+s13+$0x0] =	vst.idx.add.f32.msk $0xffff, v24;
	v3 =	vadd.s32 $0x2A00, v13  }
0x7d: {  	[tilespmem:v9+s13+$0x0] =	vst.idx.add.f32.msk $0xffff, v15  }
.Ltmp0:
0x7e: {  	[tilespmem:v1+s13+$0x0] =	vst.idx.add.f32.msk $0xffff, v21;
	v1 =	vadd.s32 $0x2A00, v2;
	(pc) =	sbr.rel @p0 .LBB2_2-.Ltmp0, $4  }
0x7f: {  	[tilespmem:v4+s13+$0x0] =	vst.idx.add.f32.msk $0xffff, v10  }
0x80: {  	[tilespmem:v13+s13+$0x0] =	vst.idx.add.f32.msk $0xffff, v6  }
0x81: {  	[tilespmem:v3+s13+$0x0] =	vst.idx.add.f32.msk $0xffff, v16  }
0x82: {  	[tilespmem:v2+s13+$0x0] =	vst.idx.add.f32.msk $0xffff, v7  }
0x83: {  	_ =	sdelay $0x3  }
0x84: {  	[tilespmem:v1+s13+$0x0] =	vst.idx.add.f32.msk $0xffff, v0  }
0x85: {  	v0 =	vld [tilespmem:$0x2700];
	_ =	sdelay $0x4  }
0x86: {  	v1 =	vld [tilespmem:$0x4E10];
	_ =	sdelay $0x2  }
0x87: {  	v2 =	vld.idx.msk [tilespmem:v0+s12+$0x0], $0xffff  }
0x88: {  	v0 =	vadd.s32 $0x2710, v0;
	_ =	sdelay $0x3  }
0x89: {  	[tilespmem:v1+s13+$0x0] =	vst.idx.add.f32.msk $0xffff, v2  }
0x8a: {  	v1 =	vadd.s32 $0x2A00, v1;
	v0 =	vld.idx.msk [tilespmem:v0+s12+$0x0], $0xffff;
	_ =	sdelay $0x4  }
0x8b: {  	[tilespmem:v1+s13+$0x0] =	vst.idx.add.f32.msk $0xffff, v0  }
0x8c: {  	[spmem:s7] =	stream.linear.scatter [tilespmem:s13], [sflag:$0x5], $0x5400, $0x38;
	[tilespmem:$0x19D80] =	vst v63  }
0x8d: {  	_ =	swait.ge [sflag:s18], $0x5400  }
0x8e: {  	[sflag:s18] =	ssyncset.done $0x0  }
0x8f: {  	[sflag:s18] =	ssyncadd.s32 $0xFFFFAC00  }
0x90: {  	[bflag:$0x0] =	sbarrier.arrive $0xFFFF  }
0x91: {  	[tilespmem:s21], [sflag:$0x5] =	stream.strided.gather [spmem:s8], $0x5400, s20, s19, $0x38;
	[tilespmem:$0x19D80] =	vst v63  }
0x92: {  	_ =	swait.ge [sflag:s18], $0x5400  }
0x93: {  	[sflag:s18] =	ssyncset.done $0x0  }
0x94: {  	s24 =	simm.s32 $0x0;
	[sflag:s18] =	ssyncadd.s32 $0xFFFFAC00  }
0x95: {  	v0 =	vld [tilespmem:s24+$0xF2E0]  }
0x96: {  	v1 =	vld [tilespmem:s24+$0xF820]  }
0x97: {  	v2 =	vld [tilespmem:s24+$0xF040]  }
0x98: {  	v3 =	vld [tilespmem:s24+$0xFD60]  }
0x99: {  	v4 =	vld [tilespmem:s24+$0xF580]  }
0x9a: {  	v5 =	vld [tilespmem:s24+$0x102A0]  }
0x9b: {  	v6 =	vld [tilespmem:s24+$0xFAC0];
	v0 =	vadd.f32 v1, v0  }
0x9c: {  	v1 =	vld [tilespmem:s24+$0x107E0]  }
0x9d: {  	v7 =	vld [tilespmem:s24+$0x10000];
	v0 =	vadd.f32 v3, v0  }
0x9e: {  	v2 =	vadd.f32 v4, v2;
	v3 =	vld [tilespmem:s24+$0x10D20]  }
0x9f: {  	v4 =	vld [tilespmem:s24+$0x10540];
	v0 =	vadd.f32 v5, v0  }
0xa0: {  	v2 =	vadd.f32 v6, v2;
	v5 =	vld [tilespmem:s24+$0x11260]  }
0xa1: {  	v6 =	vld [tilespmem:s24+$0x10A80];
	v0 =	vadd.f32 v1, v0  }
0xa2: {  	v2 =	vadd.f32 v7, v2;
	v1 =	vld [tilespmem:s24+$0x117A0]  }
0xa3: {  	v7 =	vld [tilespmem:s24+$0x10FC0];
	v0 =	vadd.f32 v3, v0  }
0xa4: {  	v2 =	vadd.f32 v4, v2;
	v3 =	vld [tilespmem:s24+$0x11CE0]  }
0xa5: {  	v4 =	vld [tilespmem:s24+$0x11500];
	v0 =	vadd.f32 v5, v0  }
0xa6: {  	v2 =	vadd.f32 v6, v2;
	v5 =	vld [tilespmem:s24+$0x12220]  }
0xa7: {  	v6 =	vld [tilespmem:s24+$0x11A40];
	v0 =	vadd.f32 v1, v0  }
0xa8: {  	v2 =	vadd.f32 v7, v2;
	v1 =	vld [tilespmem:s24+$0x12760]  }
0xa9: {  	v7 =	vld [tilespmem:s24+$0x11F80];
	v0 =	vadd.f32 v3, v0  }
0xaa: {  	v2 =	vadd.f32 v4, v2;
	v3 =	vld [tilespmem:s24+$0x12CA0]  }
0xab: {  	v4 =	vld [tilespmem:s24+$0x124C0];
	v0 =	vadd.f32 v5, v0  }
0xac: {  	v2 =	vadd.f32 v6, v2;
	v5 =	vld [tilespmem:s24+$0x131E0]  }
0xad: {  	v6 =	vld [tilespmem:s24+$0x12A00];
	v0 =	vadd.f32 v1, v0  }
0xae: {  	v2 =	vadd.f32 v7, v2;
	v1 =	vld [tilespmem:s24+$0x13720]  }
0xaf: {  	v7 =	vld [tilespmem:s24+$0x12F40];
	v0 =	vadd.f32 v3, v0  }
0xb0: {  	v8 =	vld [tilespmem:s24+$0x13C60];
	v3 =	vadd.f32 v4, v2  }
0xb1: {  	v2 =	vld [tilespmem:s24+$0x13480];
	v0 =	vadd.f32 v5, v0  }
0xb2: {  	v4 =	vld [tilespmem:s24+$0x141A0];
	v5 =	vadd.f32 v6, v3  }
0xb3: {  	v3 =	vld [tilespmem:s24+$0x139C0];
	v6 =	vadd.f32 v1, v0  }
0xb4: {  	s25 =	simm.s32 $0x10;
	v1 =	vld [tilespmem:s24+$0x13F00];
	v5 =	vadd.f32 v7, v5  }
0xb5: {  	s26 =	simm.s32 $0x80;
	v0 =	vld [tilespmem:s25+$0xF2E0];
	v6 =	vadd.f32 v8, v6  }
.LBB2_4:
0xb6: {  	p0 =	sne.s32 s26, $0xA40;
	v7 =	vld [tilespmem:s25+$0xF820];
	v2 =	vadd.f32 v2, v5  }
0xb7: {  	v5 =	vld [tilespmem:s25+$0xF040];
	v4 =	vadd.f32 v4, v6  }
0xb8: {  	v6 =	vld [tilespmem:s25+$0xFD60];
	v2 =	vadd.f32 v3, v2  }
0xb9: {  	v3 =	vld [tilespmem:s25+$0xF580];
	[tilespmem:s24+$0x146E0] =	vst v4  }
0xba: {  	v4 =	vld [tilespmem:s25+$0x102A0];
	v1 =	vadd.f32 v1, v2  }
0xbb: {  	v2 =	vld [tilespmem:s25+$0xFAC0];
	v0 =	vadd.f32 v7, v0  }
0xbc: {  	v7 =	vld [tilespmem:s25+$0x107E0];
	[tilespmem:s24+$0x14440] =	vst v1;
	s24 =	smov.u32 s25  }
0xbd: {  	v1 =	vld [tilespmem:s24+$0x10000];
	v0 =	vadd.f32 v6, v0  }
0xbe: {  	v3 =	vadd.f32 v3, v5;
	v5 =	vld [tilespmem:s24+$0x10D20]  }
0xbf: {  	v6 =	vld [tilespmem:s24+$0x10540];
	v0 =	vadd.f32 v4, v0  }
0xc0: {  	v2 =	vadd.f32 v2, v3;
	v3 =	vld [tilespmem:s24+$0x11260]  }
0xc1: {  	v4 =	vld [tilespmem:s24+$0x10A80];
	v0 =	vadd.f32 v7, v0  }
0xc2: {  	v1 =	vadd.f32 v1, v2;
	v2 =	vld [tilespmem:s24+$0x117A0]  }
0xc3: {  	v7 =	vld [tilespmem:s24+$0x10FC0];
	v0 =	vadd.f32 v5, v0  }
0xc4: {  	v1 =	vadd.f32 v6, v1;
	v5 =	vld [tilespmem:s24+$0x11CE0]  }
0xc5: {  	v6 =	vld [tilespmem:s24+$0x11500];
	v0 =	vadd.f32 v3, v0  }
0xc6: {  	v1 =	vadd.f32 v4, v1;
	v3 =	vld [tilespmem:s24+$0x12220]  }
0xc7: {  	v4 =	vld [tilespmem:s24+$0x11A40];
	v0 =	vadd.f32 v2, v0  }
0xc8: {  	v1 =	vadd.f32 v7, v1;
	v2 =	vld [tilespmem:s24+$0x12760]  }
0xc9: {  	v7 =	vld [tilespmem:s24+$0x11F80];
	v0 =	vadd.f32 v5, v0  }
0xca: {  	v1 =	vadd.f32 v6, v1;
	v5 =	vld [tilespmem:s24+$0x12CA0]  }
0xcb: {  	v6 =	vld [tilespmem:s24+$0x124C0];
	v0 =	vadd.f32 v3, v0  }
0xcc: {  	v1 =	vadd.f32 v4, v1;
	v3 =	vld [tilespmem:s24+$0x131E0]  }
0xcd: {  	v4 =	vld [tilespmem:s24+$0x12A00];
	v0 =	vadd.f32 v2, v0  }
0xce: {  	v1 =	vadd.f32 v7, v1;
	v7 =	vld [tilespmem:s24+$0x13720]  }
0xcf: {  	v8 =	vld [tilespmem:s24+$0x12F40];
	v0 =	vadd.f32 v5, v0  }
0xd0: {  	v1 =	vadd.f32 v6, v1;
	v6 =	vld [tilespmem:s24+$0x13C60]  }
.Ltmp1:
0xd1: {  	v2 =	vld [tilespmem:s24+$0x13480];
	v0 =	vadd.f32 v3, v0;
	(pc) =	sbr.rel @p0 .LBB2_4-.Ltmp1, $4  }
0xd2: {  	v1 =	vadd.f32 v4, v1;
	v4 =	vld [tilespmem:s24+$0x141A0]  }
0xd3: {  	v3 =	vld [tilespmem:s24+$0x139C0];
	v7 =	vadd.f32 v7, v0  }
0xd4: {  	s25 =	sshra.s32 s26, $0x2;
	v5 =	vadd.f32 v8, v1;
	v1 =	vld [tilespmem:s24+$0x13F00]  }
0xd5: {  	s26 =	sadd.s32 $0x40, s26;
	v0 =	vld [tilespmem:s25+$0xF2E0];
	v6 =	vadd.f32 v6, v7  }
0xd6: {  	v7 =	vld [tilespmem:s25+$0xF820];
	v2 =	vadd.f32 v2, v5  }
0xd7: {  	v8 =	vld [tilespmem:s25+$0xF040];
	v4 =	vadd.f32 v4, v6  }
0xd8: {  	v37 =	vld [tilespmem:s25+$0xFD60];
	v2 =	vadd.f32 v3, v2  }
0xd9: {  	v38 =	vld [tilespmem:s25+$0xF580];
	[tilespmem:s24+$0x146E0] =	vst v4  }
0xda: {  	v39 =	vld [tilespmem:s25+$0x102A0];
	v1 =	vadd.f32 v1, v2  }
0xdb: {  	v40 =	vld [tilespmem:s25+$0xFAC0]  }
0xdc: {  	v4 =	vld [tilespmem:s25+$0x107E0];
	[tilespmem:s24+$0x14440] =	vst v1  }
0xdd: {  	v0 =	vadd.f32 v7, v0;
	v1 =	vld [tilespmem:s25+$0x10000]  }
0xde: {  	v6 =	vadd.f32 v38, v8  }
0xdf: {  	v0 =	vadd.f32 v37, v0;
	v41 =	vld [tilespmem:s25+$0x10540]  }
0xe0: {  	v42 =	vld [tilespmem:s25+$0x10D20];
	v2 =	vadd.f32 v40, v6  }
0xe1: {  	v43 =	vld [tilespmem:s25+$0x10A80];
	v0 =	vadd.f32 v39, v0  }
0xe2: {  	v44 =	vld [tilespmem:s25+$0x11260];
	v1 =	vadd.f32 v1, v2  }
0xe3: {  	v45 =	vld [tilespmem:s25+$0x10FC0];
	v0 =	vadd.f32 v4, v0  }
0xe4: {  	v46 =	vld [tilespmem:s25+$0x117A0];
	v1 =	vadd.f32 v41, v1  }
0xe5: {  	v47 =	vld [tilespmem:s25+$0x11500];
	v0 =	vadd.f32 v42, v0  }
0xe6: {  	v48 =	vld [tilespmem:s25+$0x11CE0];
	v1 =	vadd.f32 v43, v1  }
0xe7: {  	v49 =	vld [tilespmem:s25+$0x11A40];
	v0 =	vadd.f32 v44, v0  }
0xe8: {  	v50 =	vld [tilespmem:s25+$0x12220];
	v1 =	vadd.f32 v45, v1  }
0xe9: {  	v51 =	vld [tilespmem:s25+$0x11F80];
	v0 =	vadd.f32 v46, v0  }
0xea: {  	v52 =	vld [tilespmem:s25+$0x12760];
	v1 =	vadd.f32 v47, v1  }
0xeb: {  	v53 =	vld [tilespmem:s25+$0x124C0];
	v0 =	vadd.f32 v48, v0  }
0xec: {  	v54 =	vld [tilespmem:s25+$0x12CA0];
	v1 =	vadd.f32 v49, v1  }
0xed: {  	v55 =	vld [tilespmem:s25+$0x12A00];
	v0 =	vadd.f32 v50, v0  }
0xee: {  	v56 =	vld [tilespmem:s25+$0x131E0];
	v1 =	vadd.f32 v51, v1  }
0xef: {  	v57 =	vld [tilespmem:s25+$0x12F40];
	v0 =	vadd.f32 v52, v0  }
0xf0: {  	v58 =	vld [tilespmem:s25+$0x13720];
	v1 =	vadd.f32 v53, v1  }
0xf1: {  	v59 =	vld [tilespmem:s25+$0x13480];
	v0 =	vadd.f32 v54, v0  }
0xf2: {  	v60 =	vld [tilespmem:s25+$0x13C60];
	v1 =	vadd.f32 v55, v1  }
0xf3: {  	v61 =	vld [tilespmem:s25+$0x139C0];
	v0 =	vadd.f32 v56, v0  }
0xf4: {  	v62 =	vld [tilespmem:s25+$0x141A0];
	v1 =	vadd.f32 v57, v1  }
0xf5: {  	v63 =	vld [tilespmem:s25+$0x13F00];
	v0 =	vadd.f32 v58, v0  }
0xf6: {  	v1 =	vadd.f32 v59, v1  }
0xf7: {  	v0 =	vadd.f32 v60, v0  }
0xf8: {  	v1 =	vadd.f32 v61, v1  }
0xf9: {  	v0 =	vadd.f32 v62, v0  }
0xfa: {  	v1 =	vadd.f32 v63, v1  }
0xfb: {  	s23 =	sadd.s32 $0x1, s23;
	[tilespmem:s25+$0x146E0] =	vst v0  }
0xfc: {  	p0 =	sne.s32 s23, s10;
	[tilespmem:s25+$0x14440] =	vst v1  }
0xfd: {  	[hbm4b:s9+s19] =	stream.strided.scatter [tilespmem:s22], [sflag:$0x5], $0x540, s20, s19, $0x38;
	[tilespmem:$0x19D80] =	vst v63  }
.Ltmp2:
0xfe: {  	_ =	swait.ge [sflag:s18], $0x540;
	(pc) =	sbr.rel @p0 .LBB2_1-.Ltmp2, $3  }
0xff: {  	[sflag:s18] =	ssyncset.done $0x0  }
0x100: {  	[sflag:s18] =	ssyncadd.s32 $0xFFFFFAC0  }
0x101: {  	[bflag:$0x0] =	sbarrier.arrive $0xFFFF;
	_ =	sdelay $0x1  }
0x102: {  	_ =	sfence.sel $0x180000  }
0x103: {  	[bflag:$0x0] =	sbarrier.arrive $0xFFFF  }
0x104: {  	p0 =	sne.s32 s0, $0x0;
	_ =	strace $0x9000004D  }
0x105: {  	s0 =	sadd.s32 @!p0 $0x100000, s1;
	[bflag:$0x2] =	sbarrier.arrive $0xFFFF  }
0x106: {  	[sflag:s0] =	ssyncadd.tile.s32 @!p0 $0x1;
	_ =	shalt  }
.Lfunc_end2:
_tile_overlayer_lowered:
.L_overlay_start_2:
0x107: {  	(tag) =	ssettag $0x2  }
0x108: {  	s0 =	rddreg [dreg:$0x0];
	s2 =	stileid.u32  }
0x109: {  	s1 =	rddreg [dreg:$0x1];
	p0 =	sne.s32 s2, $0x0  }
0x10a: {  	s3 =	rddreg [dreg:$0x2];
	[bflag:$0x3] =	sbarrier.arrive $0xFFFF;
	s2 =	simm.s32 @!p0 $0x1C05  }
0x10b: {  	[timem:s3], [sflag:s2] =	dma.local @!p0 [hbm:s0], s1  }
0x10c: {  	s0 =	simm.s32 @!p0 $0x5  }
0x10d: {  	_ =	swait.ge @!p0 [sflag:s0], s1  }
0x10e: {  	s1 =	ssub.s32 @!p0 $0x0, s1;
	[sflag:s0] =	ssyncset.done @!p0 $0x0  }
0x10f: {  	[sflag:s0] =	ssyncadd.s32 @!p0 s1  }
0x110: {  	[bflag:$0x3] =	sbarrier.arrive $0xFFFF  }
0x111: {  	_ =	shalt  }

// kernel: kernel.20.cloned.1.call-start
scs
__scs_entry_jumppad:
0x0: {  	(pc) =	sbr.rel $0x88, $3  }
0x1: {  	(tag) =	ssettag $0x0;
	lr =	simm.s32 $0x1  }
0x2: {  	[smem:$0x3F99] =	sst lr;
	_ =	strace $0xD0000000  }
0x3: {  	_ = 	snop  }
0x4: {  	_ = 	snop  }
0x5: {  	_ = 	snop  }
0x6: {  	_ = 	snop  }
0x7: {  	_ = 	snop  }
__scs_overlays_trampoline_lowered:
0x8: {  	[smem:$0x3FA8] =	sst s0  }
0x9: {  	[smem:$0x3FA9] =	sst s1  }
0xa: {  	[smem:$0x3FAA] =	sst s2  }
0xb: {  	[smem:$0x3FAB] =	sst s3  }
0xc: {  	[smem:$0x3FAC] =	sst s4  }
0xd: {  	[smem:$0x3FAD] =	sst s5  }
0xe: {  	[smem:$0x3FAE] =	sst s6  }
0xf: {  	[smem:$0x3FAF] =	sst s7  }
0x10: {  	[smem:$0x3FB0] =	sst s8  }
0x11: {  	[smem:$0x3FB1] =	sst s9;
	s0 =	simm.s32 @!p0 $0x0  }
0x12: {  	s1 =	sld [smem:$0x3F97];
	s0 =	simm.s32 @p0 $0x1  }
0x13: {  	[smem:$0x3FB2] =	sst s0;
	s0 =	simm.s32 @!p1 $0x0  }
0x14: {  	s2 =	sld [smem:$0x3F96];
	s0 =	simm.s32 @p1 $0x1  }
0x15: {  	[smem:$0x3FB3] =	sst s0;
	s0 =	simm.s32 @!p2 $0x0  }
0x16: {  	s3 =	sld [smem:$0x3FDB];
	s0 =	simm.s32 @p2 $0x1  }
0x17: {  	s4 =	simm.s32 $0x1BF5;
	[smem:$0x3FB5] =	sst s0  }
0x18: {  	s0 =	sld [smem:$0x3F98];
	_ =	swait.ge [sflag:s4], $0x0  }
0x19: {  	s7 =	sld [smem:$0x3F99]  }
0x1a: {  	s8 =	sadd.s32 $0xFFFFE003, lr  }
0x1b: {  	s9 =	sadd.s32 $0xFFFFFEF7, lr;
	s5 =	simm.s32 $0xFFFFFFFF;
	p2 =	slt.u32 s8, $0xFFFFF086  }
0x1c: {  	p1 =	slt.u32 s9, $0xF7A;
	s5 =	simm.s32 @!p2 $0x0  }
0x1d: {  	s5 =	simm.s32 @p1 $0x1;
	p0 =	seq.s32 s7, s2  }
0x1e: {  	s7 =	smul.u32 @!p0 $0xF7A, s2;
	p2 =	seq.s32 @!p0 s5, $0x0  }
0x1f: {  	s9 =	smul.u32 $0xF7A, s1;
	s8 =	simm.s32 @!p0 $0x1BF5;
	p2 =	por !p2, p0  }
0x20: {  	[sflag:s8] =	ssyncset.s32 @!p0 $0xFFFFF086;
	s6 =	sadd.s32 @!p0 s3, s7;
	s7 =	simm.s32 @!p0 $0x108  }
0x21: {  	s3 =	sadd.s32 s3, s9;
	s6 =	sadd.s32 @!p0 $0x88, s6;
	s7 =	simm.s32 @p2 $0x1082  }
0x22: {  	[simem:s7], [sflag:s8] =	dma.local @!p0 [hbm:s6], $0xF7A  }
0x23: {  	s9 =	sor.u32 $0xD0000000, s2;
	s6 =	simm.s32 $0x108;
	_ =	swait.ge @!p0 [sflag:s8], $0x0  }
0x24: {  	s3 =	sadd.s32 $0x88, s3;
	s6 =	simm.s32 @!p1 $0x1082;
	[sflag:s4] =	ssyncset.s32 $0xFFFFF086  }
0x25: {  	[simem:s6], [sflag:s4] =	dma.local [hbm:s3], $0xF7A  }
0x26: {  	[smem:$0x3F99] =	sst s1;
	(tag) =	ssettag s2;
	_ =	strace s9  }
0x27: {  	s1 =	sld [smem:$0x3FA9]  }
0x28: {  	s2 =	sld [smem:$0x3FAA]  }
0x29: {  	s4 =	sld [smem:$0x3FAC]  }
0x2a: {  	p0 =	seq.s32 s5, $0x0;
	s5 =	sld [smem:$0x3FAD]  }
0x2b: {  	s6 =	sld [smem:$0x3FAE]  }
0x2c: {  	s7 =	sld [smem:$0x3FAF]  }
0x2d: {  	s3 =	simm.s32 $0x108;
	s8 =	sld [smem:$0x3FB0]  }
0x2e: {  	s3 =	simm.s32 @!p0 $0x1082;
	s9 =	sld [smem:$0x3FB1]  }
0x2f: {  	lr =	sadd.s32 s0, s3;
	s0 =	sld [smem:$0x3FA8]  }
0x30: {  	s3 =	sld [smem:$0x3FAB]  }
0x31: {  	[smem:$0x3FB4] =	sst s10  }
0x32: {  	s10 =	sld [smem:$0x3FB2];
	_ =	sdelay $0x3  }
0x33: {  	p0 =	seq.s32 s10, $0x1;
	s10 =	sld [smem:$0x3FB4];
	_ =	sdelay $0x3  }
0x34: {  	[smem:$0x3FB4] =	sst s10  }
0x35: {  	s10 =	sld [smem:$0x3FB3];
	_ =	sdelay $0x3  }
0x36: {  	p1 =	seq.s32 s10, $0x1;
	s10 =	sld [smem:$0x3FB4];
	_ =	sdelay $0x3  }
0x37: {  	[smem:$0x3FB4] =	sst s10  }
0x38: {  	s10 =	sld [smem:$0x3FB5]  }
0x39: {  	_ = 	snop;
	(pc) =	sbr.ind lr, $3  }
0x3a: {  	_ = 	snop  }
0x3b: {  	_ = 	snop  }
0x3c: {  	p2 =	seq.s32 s10, $0x1;
	s10 =	sld [smem:$0x3FB4]  }
0x3d: {  	_ =	shalt  }
0x3e: {  	_ =	shalt  }
0x3f: {  	_ =	shalt  }
0x40: {  	_ =	shalt  }
0x41: {  	_ =	shalt  }
0x42: {  	_ =	shalt  }
0x43: {  	_ =	shalt  }
0x44: {  	_ =	shalt  }
0x45: {  	_ =	shalt  }
0x46: {  	_ =	shalt  }
0x47: {  	_ =	shalt  }
0x48: {  	_ =	shalt  }
0x49: {  	_ =	shalt  }
0x4a: {  	_ =	shalt  }
0x4b: {  	_ =	shalt  }
0x4c: {  	_ =	shalt  }
0x4d: {  	_ =	shalt  }
0x4e: {  	_ =	shalt  }
0x4f: {  	_ =	shalt  }
0x50: {  	_ =	shalt  }
0x51: {  	_ =	shalt  }
0x52: {  	_ =	shalt  }
0x53: {  	_ =	shalt  }
0x54: {  	_ =	shalt  }
0x55: {  	_ =	shalt  }
0x56: {  	_ =	shalt  }
0x57: {  	_ =	shalt  }
0x58: {  	_ =	shalt  }
0x59: {  	_ =	shalt  }
0x5a: {  	_ =	shalt  }
0x5b: {  	_ =	shalt  }
0x5c: {  	_ =	shalt  }
0x5d: {  	_ =	shalt  }
0x5e: {  	_ =	shalt  }
0x5f: {  	_ =	shalt  }
0x60: {  	_ =	shalt  }
0x61: {  	_ =	shalt  }
0x62: {  	_ =	shalt  }
0x63: {  	_ =	shalt  }
0x64: {  	_ =	shalt  }
0x65: {  	_ =	shalt  }
0x66: {  	_ =	shalt  }
0x67: {  	_ =	shalt  }
0x68: {  	_ =	shalt  }
0x69: {  	_ =	shalt  }
0x6a: {  	_ =	shalt  }
0x6b: {  	_ =	shalt  }
0x6c: {  	_ =	shalt  }
0x6d: {  	_ =	shalt  }
0x6e: {  	_ =	shalt  }
0x6f: {  	_ =	shalt  }
0x70: {  	_ =	shalt  }
0x71: {  	_ =	shalt  }
0x72: {  	_ =	shalt  }
0x73: {  	_ =	shalt  }
0x74: {  	_ =	shalt  }
0x75: {  	_ =	shalt  }
0x76: {  	_ =	shalt  }
0x77: {  	_ =	shalt  }
0x78: {  	_ =	shalt  }
0x79: {  	_ =	shalt  }
0x7a: {  	_ =	shalt  }
0x7b: {  	_ =	shalt  }
0x7c: {  	_ =	shalt  }
0x7d: {  	_ =	shalt  }
0x7e: {  	_ =	shalt  }
0x7f: {  	_ =	shalt  }
0x80: {  	_ =	shalt  }
0x81: {  	_ =	shalt  }
0x82: {  	_ =	shalt  }
0x83: {  	_ =	shalt  }
0x84: {  	_ =	shalt  }
0x85: {  	_ =	shalt  }
0x86: {  	_ =	shalt  }
0x87: {  	_ =	shalt  }
.Lfunc_end0:
.L_simem_size_0:
called_computation.3_lowered:
.L_overlay_start_0:
0x88: {  	s2 =	sld [smem:$0x3FD9]  }
0x89: {  	s3 =	sld [smem:$0x3FFE];
	_ =	sdelay $0x1  }
0x8a: {  	s1 =	srdreg.scid  }
0x8b: {  	s0 =	sand.u32 $0x1, s1  }
0x8c: {  	s16 =	sshll.u32 s0, $0xA;
	s2 =	sadd.s32 s3, s2  }
0x8d: {  	s2 =	sadd.s32 s2, s16  }
0x8e: {  	[smem:$0x3FC0] =	sst s2  }
0x8f: {  	_ = 	snop  }
0x90: {  	(tm) =	ssettm $0x1  }
0x91: {  	s17 =	sld [smem:$0x3FFB];
	_ =	sdelay $0x3  }
0x92: {  	_ =	strace s17  }
0x93: {  	s2 =	sld [smem:$0x3FFC];
	_ =	sdelay $0x3  }
0x94: {  	_ =	strace s2  }
0x95: {  	s2 =	sld [smem:$0x3FFD];
	_ =	sdelay $0x3  }
0x96: {  	_ =	strace s2  }
0x97: {  	_ =	strace $0x8FFFFFFF  }
0x98: {  	s18 =	sld [smem:$0x3FDB];
	_ =	sdelay $0x1  }
0x99: {  	s19 =	simm.s32 $_scs_section_size  }
0x9a: {  	s4 =	simm.s32 $_size__tile_overlayer_lowered;
	s5 =	simm.s32 $_tile_overlayer_lowered  }
0x9b: {  	s22 =	simm.s32 $0x1BFF;
	s21 =	sshll.u32 s5, $0x1;
	s2 =	sadd.s32 s19, s18  }
0x9c: {  	s6 =	simm.s32 $0x0;
	s20 =	sshll.u32 s4, $0x1;
	s4 =	sadd.s32 s21, s2  }
0x9d: {  	[timem:s6], [sflag:s22] =	dma.local [hbm:s4], s20  }
0x9e: {  	_ =	swait.ge [sflag:s22], s20  }
0x9f: {  	s3 =	ssub.s32 $0x0, s20;
	[sflag:s22] =	ssyncset.done $0x0  }
0xa0: {  	[sflag:s22] =	ssyncadd.s32 s3;
	_ =	sdelay $0x1  }
0xa1: {  	s23 =	simm.s32 $0x1B8B  }
0xa2: {  	_ =	swait.ge [sflag:s23], $0x1  }
0xa3: {  	[sflag:s23] =	ssyncset.done $0x0  }
0xa4: {  	s25 =	simm.s32 $0x1B8E;
	s24 =	sld [smem:$0x3FFE];
	[sflag:s23] =	ssyncadd.s32 $0xFFFFFFFF  }
0xa5: {  	s26 =	simm.s32 $execute0_lowered;
	[smem:$0x3FD2] =	sst s25  }
0xa6: {  	s4 =	sshll.u32 s26, $0x1;
	_ =	strace $0x8000004F;
	[dreg:$0x1] =	wrdreg $0xFFFFFFFF  }
0xa7: {  	s28 =	simm.s32 $_size_execute0_lowered;
	s2 =	sadd.s32 s2, s4;
	[dreg:$0x0] =	wrdreg $0x0  }
0xa8: {  	s4 =	sshll.u32 s28, $0x1;
	[dreg:$0x2] =	wrdreg s2  }
0xa9: {  	[dreg:$0x3] =	wrdreg s4  }
0xaa: {  	[dreg:$0x4] =	wrdreg $0xC0  }
0xab: {  	_ =	task [dreg:s6], $0x5FFFF  }
0xac: {  	[dreg:$0x1] =	wrdreg $0xFFFFFFFF  }
0xad: {  	[dreg:$0x0] =	wrdreg $0x60  }
0xae: {  	[dreg:$0x2] =	wrdreg s24  }
0xaf: {  	[dreg:$0x3] =	wrdreg $0xCBD00  }
0xb0: {  	[dreg:$0x4] =	wrdreg $0x9  }
0xb1: {  	_ =	task.clear_ibuf [dreg:s6], $0x5FFFF;
	_ =	strace $0x9000004F  }
0xb2: {  	s29 =	simm.s32 $0x9;
	_ =	strace $0x80000051  }
0xb3: {  	_ =	swait.ge [sflag:s29], $0x1  }
0xb4: {  	[sflag:s29] =	ssyncadd.s32 $0xFFFFFFFF  }
0xb5: {  	_ =	strace $0x90000051  }
0xb6: {  	_ =	sfence  }
0xb7: {  	s30 =	sld [smem:$0x0];
	_ =	sdelay $0x2  }
0xb8: {  	s31 =	sshll.u32 s1, $0xD;
	s1 =	sshrl.u32 s1, $0x2  }
0xb9: {  	s3 =	sand.u32 $0x4000, s31;
	s1 =	sadd.s32 s1, s30  }
0xba: {  	s0 =	sor.u32 s3, s0;
	s1 =	sshll.u32 s1, $0x11  }
0xbb: {  	s0 =	sor.u32 s1, s0  }
0xbc: {  	s0 =	sadd.s32 $0x8F2B, s0  }
0xbd: {  	[sflag:s0] =	ssyncadd.remote.s32 $0x1  }
0xbe: {  	_ =	sfence.sel $0xFFFF  }
0xbf: {  	[dreg:$0x0] =	wrdreg $0xFFFFFFFF;
	(pc) =	sbr.abs _section_cstart, $3  }
0xc0: {  	[dreg:$0x1] =	wrdreg $0xFFFFFFFF  }
0xc1: {  	_ =	task.clear_ibuf [dreg:s6], $0x2FFFF;
	_ =	strace $0x9FFFFFFF  }
0xc2: {  	(tm) =	ssettm $0x7FFFFFFF  }
0xc3: {  	_ =	shalt  }
tec
execute0_lowered:
.L_overlay_start_1:
0x0: {  	(tag) =	ssettag $0x1  }
0x1: {  	s5 =	rddreg [dreg:$0x0]  }
0x2: {  	s0 =	srdreg.scid;
	s8 =	rddreg [dreg:$0x1]  }
0x3: {  	s2 =	simm.s32 $0x0;
	s13 =	simm.s32 $0x7530;
	s14 =	simm.s32 $0x1  }
0x4: {  	s15 =	simm.s32 $0x2;
	s16 =	simm.s32 $0x3;
	s17 =	simm.s32 $0x4  }
0x5: {  	s18 =	simm.s32 $0x5;
	s19 =	simm.s32 $0x2A0;
	s20 =	simm.s32 $0x2A00  }
0x6: {  	s21 =	simm.s32 $0x9F30;
	s4 =	sand.u32 $0x1, s0;
	s0 =	stileid.u32  }
0x7: {  	s22 =	simm.s32 $0xC930;
	s23 =	simm.s32 $0x0;
	s9 =	smul.u32 $0x2A0, s0  }
0x8: {  	[smem:$0x7FF] =	sst s2;
	s1 =	sshll.u32 s4, $0x4;
	s6 =	smul.u32 $0x2A00, s4  }
0x9: {  	s10 =	ssub.s32 $0x2, s4;
	s11 =	smul.u32 $0xA800, s0;
	s1 =	sor.u32 s0, s1  }
0xa: {  	s4 =	sadd.s32 $0x15E00, s5;
	s31 =	sshrl.u32 s10, $0x1;
	s3 =	smul.u32 $0x2710, s1  }
0xb: {  	s1 =	rddreg [dreg:$0x2];
	_ =	strace $0x80000050;
	s6 =	sadd.s32 s9, s6  }
0xc: {  	s10 =	ssub.s32 s10, s31;
	s11 =	sshrl.u32 s11, $0x2;
	s7 =	sshrl.u32 s3, $0x3  }
0xd: {  	s6 =	sshrl.u32 s6, $0x3;
	s10 =	smax.u32 s10, $0x1;
	s7 =	sadd.s32 s7, s5  }
0xe: {  	s3 =	sadd.s32 $0x16400, s5;
	s12 =	sadd.s32 s6, s5;
	s5 =	sadd.s32 $0x2400, s7  }
0xf: {  	s6 =	sadd.s32 $0xC040, s7;
	s7 =	sadd.s32 s11, s8;
	s8 =	sadd.s32 s9, s8  }
0x10: {  	s9 =	sadd.s32 $0x16A00, s12;
	s11 =	simm.s32 $0x2710;
	s12 =	simm.s32 $0x4E20  }
.LBB2_1:
0x11: {  	[tilespmem:s2], [sflag:$0x1] =	stream.linear.gather [hbm4b:s5+s2], $0x2710, $0x38;
	[tilespmem:$0xF5D0] =	vst v63  }
0x12: {  	_ = 	snop  }
0x13: {  	[tilespmem:s11], [sflag:$0x2] =	stream.linear.gather [hbm4b:s6+s2], $0x2710, $0x38;
	[tilespmem:$0xF5D0] =	vst v63  }
0x14: {  	_ = 	snop  }
0x15: {  	[tilespmem:s12], [sflag:$0x3] =	stream.linear.gather [hbm4b:s3+s2], $0x2710, $0x38;
	[tilespmem:$0xF5D0] =	vst v63  }
0x16: {  	_ = 	snop  }
0x17: {  	[tilespmem:s13], [sflag:$0x4] =	stream.linear.gather [hbm4b:s4+s2], $0x2A00, $0x38;
	[tilespmem:$0xF5D0] =	vst v63  }
0x18: {  	_ =	swait.ge [sflag:s14], $0x2710  }
0x19: {  	[sflag:s14] =	ssyncset.done $0x0  }
0x1a: {  	[sflag:s14] =	ssyncadd.s32 $0xFFFFD8F0  }
0x1b: {  	_ =	swait.ge [sflag:s15], $0x2710  }
0x1c: {  	[sflag:s15] =	ssyncset.done $0x0  }
0x1d: {  	[sflag:s15] =	ssyncadd.s32 $0xFFFFD8F0  }
0x1e: {  	_ =	swait.ge [sflag:s16], $0x2710  }
0x1f: {  	[sflag:s16] =	ssyncset.done $0x0  }
0x20: {  	[sflag:s16] =	ssyncadd.s32 $0xFFFFD8F0  }
0x21: {  	_ =	swait.ge [sflag:s17], $0x2A00  }
0x22: {  	[sflag:s17] =	ssyncset.done $0x0  }
0x23: {  	s24 =	simm.s32 $0x0;
	[sflag:s17] =	ssyncadd.s32 $0xFFFFD600  }
0x24: {  	v0 =	vld [tilespmem:s24+$0x2780]  }
0x25: {  	v2 =	vld [tilespmem:s24+$0x2750]  }
0x26: {  	v1 =	vld [tilespmem:s24+$0x70]  }
0x27: {  	v3 =	vld [tilespmem:s24+$0x60]  }
0x28: {  	v4 =	vld [tilespmem:s24+$0x2740]  }
0x29: {  	v5 =	vld [tilespmem:s24+$0x40]  }
0x2a: {  	v6 =	vld [tilespmem:s24+$0x50]  }
0x2b: {  	v7 =	vld [tilespmem:s24+$0x30]  }
0x2c: {  	v8 =	vld [tilespmem:s24+$0x20]  }
0x2d: {  	v9 =	vld [tilespmem:s24+$0x10]  }
0x2e: {  	v10 =	vld [tilespmem:s24+$0x0]  }
0x2f: {  	v11 =	vld [tilespmem:s24+$0x2710]  }
0x30: {  	v12 =	vld [tilespmem:s24+$0x2760]  }
0x31: {  	v13 =	vld [tilespmem:s24+$0x2720]  }
0x32: {  	v14 =	vld [tilespmem:s24+$0x2730]  }
0x33: {  	v15 =	vld [tilespmem:s24+$0x2770]  }
0x34: {  	v5 =	vld.idx.msk [tilespmem:v5+s12+$0x0], $0xffff  }
0x35: {  	v8 =	vld.idx.msk [tilespmem:v8+s12+$0x0], $0xffff  }
0x36: {  	v9 =	vld.idx.msk [tilespmem:v9+s12+$0x0], $0xffff  }
0x37: {  	v10 =	vld.idx.msk [tilespmem:v10+s12+$0x0], $0xffff  }
0x38: {  	v3 =	vld.idx.msk [tilespmem:v3+s12+$0x0], $0xffff  }
0x39: {  	v7 =	vld.idx.msk [tilespmem:v7+s12+$0x0], $0xffff  }
0x3a: {  	v6 =	vld.idx.msk [tilespmem:v6+s12+$0x0], $0xffff  }
0x3b: {  	v1 =	vld.idx.msk [tilespmem:v1+s12+$0x0], $0xffff  }
0x3c: {  	[tilespmem:v11+s13+$0x0] =	vst.idx.add.f32.msk $0xffff, v10  }
0x3d: {  	[tilespmem:v13+s13+$0x0] =	vst.idx.add.f32.msk $0xffff, v9  }
0x3e: {  	[tilespmem:v14+s13+$0x0] =	vst.idx.add.f32.msk $0xffff, v8  }
0x3f: {  	[tilespmem:v4+s13+$0x0] =	vst.idx.add.f32.msk $0xffff, v7  }
0x40: {  	[tilespmem:v2+s13+$0x0] =	vst.idx.add.f32.msk $0xffff, v5  }
0x41: {  	[tilespmem:v12+s13+$0x0] =	vst.idx.add.f32.msk $0xffff, v6  }
0x42: {  	s24 =	simm.s32 $0x200;
	[tilespmem:v15+s13+$0x0] =	vst.idx.add.f32.msk $0xffff, v3  }
.LBB2_2:
0x43: {  	s25 =	sshra.s32 s24, $0x2;
	p0 =	sne.s32 s24, $0x9A00;
	s24 =	sadd.s32 $0x200, s24;
	[tilespmem:v0+s13+$0x0] =	vst.idx.add.f32.msk $0xffff, v1  }
0x44: {  	v0 =	vld [tilespmem:s25+$0x2780]  }
0x45: {  	v2 =	vld [tilespmem:s25+$0x2750]  }
0x46: {  	v1 =	vld [tilespmem:s25+$0x70]  }
0x47: {  	v3 =	vld [tilespmem:s25+$0x60]  }
0x48: {  	v4 =	vld [tilespmem:s25+$0x2740]  }
0x49: {  	v5 =	vld [tilespmem:s25+$0x40]  }
0x4a: {  	v6 =	vld [tilespmem:s25+$0x50]  }
0x4b: {  	v7 =	vld [tilespmem:s25+$0x30]  }
0x4c: {  	v8 =	vld [tilespmem:s25+$0x20]  }
0x4d: {  	v9 =	vld [tilespmem:s25+$0x10]  }
0x4e: {  	v10 =	vld [tilespmem:s25+$0x0]  }
0x4f: {  	v11 =	vld [tilespmem:s25+$0x2710]  }
0x50: {  	v12 =	vld [tilespmem:s25+$0x2760]  }
0x51: {  	v5 =	vld.idx.msk [tilespmem:v5+s12+$0x0], $0xffff  }
0x52: {  	v13 =	vld [tilespmem:s25+$0x2720]  }
0x53: {  	v14 =	vld [tilespmem:s25+$0x2730]  }
0x54: {  	v8 =	vld.idx.msk [tilespmem:v8+s12+$0x0], $0xffff  }
0x55: {  	v9 =	vld.idx.msk [tilespmem:v9+s12+$0x0], $0xffff  }
0x56: {  	v10 =	vld.idx.msk [tilespmem:v10+s12+$0x0], $0xffff  }
0x57: {  	v3 =	vld.idx.msk [tilespmem:v3+s12+$0x0], $0xffff  }
0x58: {  	v7 =	vld.idx.msk [tilespmem:v7+s12+$0x0], $0xffff  }
0x59: {  	v15 =	vld [tilespmem:s25+$0x2770]  }
0x5a: {  	v6 =	vld.idx.msk [tilespmem:v6+s12+$0x0], $0xffff  }
0x5b: {  	v1 =	vld.idx.msk [tilespmem:v1+s12+$0x0], $0xffff  }
0x5c: {  	[tilespmem:v11+s13+$0x0] =	vst.idx.add.f32.msk $0xffff, v10  }
0x5d: {  	[tilespmem:v13+s13+$0x0] =	vst.idx.add.f32.msk $0xffff, v9  }
.Ltmp0:
0x5e: {  	[tilespmem:v14+s13+$0x0] =	vst.idx.add.f32.msk $0xffff, v8;
	(pc) =	sbr.rel @p0 .LBB2_2-.Ltmp0, $4  }
0x5f: {  	[tilespmem:v4+s13+$0x0] =	vst.idx.add.f32.msk $0xffff, v7  }
0x60: {  	[tilespmem:v2+s13+$0x0] =	vst.idx.add.f32.msk $0xffff, v5  }
0x61: {  	[tilespmem:v12+s13+$0x0] =	vst.idx.add.f32.msk $0xffff, v6  }
0x62: {  	[tilespmem:v15+s13+$0x0] =	vst.idx.add.f32.msk $0xffff, v3  }
0x63: {  	_ =	sdelay $0x3  }
0x64: {  	[tilespmem:v0+s13+$0x0] =	vst.idx.add.f32.msk $0xffff, v1  }
0x65: {  	v0 =	vld [tilespmem:$0x2700];
	_ =	sdelay $0x4  }
0x66: {  	v1 =	vld [tilespmem:$0x4E10];
	_ =	sdelay $0x2  }
0x67: {  	v0 =	vld.idx.msk [tilespmem:v0+s12+$0x0], $0xffff;
	_ =	sdelay $0x4  }
0x68: {  	[tilespmem:v1+s13+$0x0] =	vst.idx.add.f32.msk $0xffff, v0  }
0x69: {  	[spmem:s7] =	stream.linear.scatter [tilespmem:s13], [sflag:$0x5], $0x2A00, $0x38;
	[tilespmem:$0xF5D0] =	vst v63  }
0x6a: {  	_ =	swait.ge [sflag:s18], $0x2A00  }
0x6b: {  	[sflag:s18] =	ssyncset.done $0x0  }
0x6c: {  	[sflag:s18] =	ssyncadd.s32 $0xFFFFD600  }
0x6d: {  	[bflag:$0x0] =	sbarrier.arrive $0xFFFF  }
0x6e: {  	[tilespmem:s21], [sflag:$0x5] =	stream.strided.gather [spmem:s8], $0x2A00, s20, s19, $0x38;
	[tilespmem:$0xF5D0] =	vst v63  }
0x6f: {  	_ =	swait.ge [sflag:s18], $0x2A00  }
0x70: {  	[sflag:s18] =	ssyncset.done $0x0  }
0x71: {  	s25 =	simm.s32 $0x0;
	[sflag:s18] =	ssyncadd.s32 $0xFFFFD600  }
0x72: {  	v0 =	vld [tilespmem:s25+$0x9F30]  }
0x73: {  	v1 =	vld [tilespmem:s25+$0xA1D0];
	_ =	sdelay $0x1  }
0x74: {  	v2 =	vld [tilespmem:s25+$0xA470];
	_ =	sdelay $0x1  }
0x75: {  	v3 =	vld [tilespmem:s25+$0xA710]  }
0x76: {  	v0 =	vadd.f32 v1, v0  }
0x77: {  	v1 =	vld [tilespmem:s25+$0xA9B0]  }
0x78: {  	v0 =	vadd.f32 v2, v0  }
0x79: {  	v2 =	vld [tilespmem:s25+$0xAC50]  }
0x7a: {  	v0 =	vadd.f32 v3, v0  }
0x7b: {  	v3 =	vld [tilespmem:s25+$0xAEF0]  }
0x7c: {  	v0 =	vadd.f32 v1, v0  }
0x7d: {  	v1 =	vld [tilespmem:s25+$0xB190]  }
0x7e: {  	s24 =	simm.s32 $0x10;
	v4 =	vld [tilespmem:s25+$0xB430];
	v0 =	vadd.f32 v2, v0  }
0x7f: {  	v5 =	vld [tilespmem:s24+$0x9F30]  }
0x80: {  	v2 =	vld [tilespmem:s25+$0xB6D0];
	v0 =	vadd.f32 v3, v0  }
0x81: {  	v3 =	vld [tilespmem:s24+$0xA1D0]  }
0x82: {  	v6 =	vld [tilespmem:s24+$0xA470];
	v0 =	vadd.f32 v1, v0  }
0x83: {  	v1 =	vld [tilespmem:s25+$0xB970]  }
0x84: {  	v7 =	vld [tilespmem:s24+$0xA710];
	v0 =	vadd.f32 v4, v0  }
0x85: {  	v4 =	vld [tilespmem:s25+$0xBC10]  }
0x86: {  	v3 =	vadd.f32 v3, v5;
	v5 =	vld [tilespmem:s24+$0xA9B0];
	v0 =	vadd.f32 v2, v0  }
0x87: {  	v2 =	vld [tilespmem:s25+$0xBEB0]  }
0x88: {  	v3 =	vadd.f32 v6, v3;
	v6 =	vld [tilespmem:s24+$0xAC50];
	v0 =	vadd.f32 v1, v0  }
0x89: {  	v1 =	vld [tilespmem:s25+$0xC150]  }
0x8a: {  	v8 =	vld [tilespmem:s24+$0xAEF0];
	v3 =	vadd.f32 v7, v3;
	v0 =	vadd.f32 v4, v0  }
0x8b: {  	v7 =	vld [tilespmem:s25+$0xC3F0]  }
0x8c: {  	v4 =	vadd.f32 v5, v3;
	v3 =	vld [tilespmem:s24+$0xB190];
	v5 =	vadd.f32 v2, v0  }
0x8d: {  	v2 =	vld [tilespmem:s25+$0xC690]  }
0x8e: {  	v0 =	vld [tilespmem:s24+$0xB6D0];
	v6 =	vadd.f32 v6, v4;
	v9 =	vadd.f32 v1, v5  }
0x8f: {  	s26 =	simm.s32 $0x20;
	v4 =	vld [tilespmem:s24+$0xB430]  }
0x90: {  	s28 =	simm.s32 $0xC0;
	v1 =	vld [tilespmem:s26+$0x9F30];
	v5 =	vadd.f32 v8, v6;
	v6 =	vadd.f32 v7, v9  }
.LBB2_4:
0x91: {  	p0 =	sne.s32 s28, $0xA40;
	v7 =	vld [tilespmem:s26+$0xA1D0]  }
0x92: {  	v3 =	vadd.f32 v3, v5;
	v5 =	vld [tilespmem:s24+$0xB970];
	v2 =	vadd.f32 v2, v6  }
0x93: {  	v6 =	vld [tilespmem:s26+$0xA470]  }
0x94: {  	v3 =	vadd.f32 v4, v3;
	v4 =	vld [tilespmem:s24+$0xBC10];
	[tilespmem:s25+$0xC930] =	vst v2;
	s25 =	smov.u32 s24;
	s24 =	smov.u32 s26  }
0x95: {  	v2 =	vld [tilespmem:s24+$0xA710]  }
0x96: {  	v1 =	vadd.f32 v7, v1;
	v0 =	vadd.f32 v0, v3;
	v3 =	vld [tilespmem:s25+$0xBEB0]  }
0x97: {  	v7 =	vld [tilespmem:s24+$0xA9B0]  }
0x98: {  	v1 =	vadd.f32 v6, v1;
	v0 =	vadd.f32 v5, v0;
	v5 =	vld [tilespmem:s25+$0xC150]  }
0x99: {  	v6 =	vld [tilespmem:s24+$0xAC50]  }
0x9a: {  	v1 =	vadd.f32 v2, v1;
	v0 =	vadd.f32 v4, v0;
	v8 =	vld [tilespmem:s25+$0xC3F0]  }
0x9b: {  	v9 =	vld [tilespmem:s24+$0xAEF0]  }
.Ltmp1:
0x9c: {  	v1 =	vadd.f32 v7, v1;
	v4 =	vadd.f32 v3, v0;
	v2 =	vld [tilespmem:s25+$0xC690];
	(pc) =	sbr.rel @p0 .LBB2_4-.Ltmp1, $4  }
0x9d: {  	v3 =	vld [tilespmem:s24+$0xB190]  }
0x9e: {  	v6 =	vadd.f32 v6, v1;
	v0 =	vld [tilespmem:s24+$0xB6D0];
	v7 =	vadd.f32 v5, v4  }
0x9f: {  	s26 =	sshra.s32 s28, $0x2;
	v4 =	vld [tilespmem:s24+$0xB430]  }
0xa0: {  	s28 =	sadd.s32 $0x40, s28;
	v1 =	vld [tilespmem:s26+$0x9F30];
	v5 =	vadd.f32 v9, v6;
	v6 =	vadd.f32 v8, v7  }
0xa1: {  	v7 =	vld [tilespmem:s26+$0xA1D0]  }
0xa2: {  	v8 =	vld [tilespmem:s24+$0xB970];
	v2 =	vadd.f32 v2, v6  }
0xa3: {  	v46 =	vld [tilespmem:s26+$0xA470]  }
0xa4: {  	v9 =	vld [tilespmem:s24+$0xBC10];
	v3 =	vadd.f32 v3, v5;
	[tilespmem:s25+$0xC930] =	vst v2  }
0xa5: {  	v2 =	vld [tilespmem:s26+$0xA710]  }
0xa6: {  	v3 =	vadd.f32 v4, v3;
	v1 =	vadd.f32 v7, v1  }
0xa7: {  	v47 =	vld [tilespmem:s26+$0xA9B0]  }
0xa8: {  	v48 =	vld [tilespmem:s24+$0xBEB0];
	v0 =	vadd.f32 v0, v3;
	v1 =	vadd.f32 v46, v1  }
0xa9: {  	v49 =	vld [tilespmem:s26+$0xAC50]  }
0xaa: {  	v50 =	vld [tilespmem:s24+$0xC150];
	v0 =	vadd.f32 v8, v0;
	v1 =	vadd.f32 v2, v1  }
0xab: {  	v51 =	vld [tilespmem:s26+$0xAEF0]  }
0xac: {  	v52 =	vld [tilespmem:s24+$0xC3F0];
	v0 =	vadd.f32 v9, v0;
	v1 =	vadd.f32 v47, v1  }
0xad: {  	v53 =	vld [tilespmem:s26+$0xB190]  }
0xae: {  	v54 =	vld [tilespmem:s24+$0xC690];
	v0 =	vadd.f32 v48, v0;
	v1 =	vadd.f32 v49, v1  }
0xaf: {  	v55 =	vld [tilespmem:s26+$0xB430]  }
0xb0: {  	v0 =	vadd.f32 v50, v0;
	v1 =	vadd.f32 v51, v1  }
0xb1: {  	v56 =	vld [tilespmem:s26+$0xB6D0]  }
0xb2: {  	v0 =	vadd.f32 v52, v0;
	v1 =	vadd.f32 v53, v1  }
0xb3: {  	v57 =	vld [tilespmem:s26+$0xB970]  }
0xb4: {  	v0 =	vadd.f32 v54, v0;
	v1 =	vadd.f32 v55, v1  }
0xb5: {  	v58 =	vld [tilespmem:s26+$0xBC10]  }
0xb6: {  	[tilespmem:s24+$0xC930] =	vst v0;
	v59 =	vadd.f32 v56, v1  }
0xb7: {  	v60 =	vld [tilespmem:s26+$0xBEB0]  }
0xb8: {  	v0 =	vadd.f32 v57, v59  }
0xb9: {  	v61 =	vld [tilespmem:s26+$0xC150]  }
0xba: {  	v0 =	vadd.f32 v58, v0  }
0xbb: {  	v62 =	vld [tilespmem:s26+$0xC3F0]  }
0xbc: {  	v0 =	vadd.f32 v60, v0  }
0xbd: {  	v63 =	vld [tilespmem:s26+$0xC690]  }
0xbe: {  	v0 =	vadd.f32 v61, v0;
	_ =	sdelay $0x1  }
0xbf: {  	v0 =	vadd.f32 v62, v0;
	_ =	sdelay $0x1  }
0xc0: {  	v0 =	vadd.f32 v63, v0  }
0xc1: {  	s23 =	sadd.s32 $0x1, s23  }
0xc2: {  	p0 =	sne.s32 s23, s10;
	[tilespmem:s26+$0xC930] =	vst v0  }
0xc3: {  	[hbm4b:s9+s2] =	stream.linear.scatter [tilespmem:s22], [sflag:$0x5], $0x2A0, $0x38;
	[tilespmem:$0xF5D0] =	vst v63  }
.Ltmp2:
0xc4: {  	_ =	swait.ge [sflag:s18], $0x2A0;
	(pc) =	sbr.rel @p0 .LBB2_1-.Ltmp2, $3  }
0xc5: {  	[sflag:s18] =	ssyncset.done $0x0  }
0xc6: {  	[sflag:s18] =	ssyncadd.s32 $0xFFFFFD60  }
0xc7: {  	[bflag:$0x0] =	sbarrier.arrive $0xFFFF;
	_ =	sdelay $0x1  }
0xc8: {  	_ =	sfence.sel $0x180000  }
0xc9: {  	[bflag:$0x0] =	sbarrier.arrive $0xFFFF  }
0xca: {  	p0 =	sne.s32 s0, $0x0;
	_ =	strace $0x90000050  }
0xcb: {  	s0 =	sadd.s32 @!p0 $0x100000, s1;
	[bflag:$0x2] =	sbarrier.arrive $0xFFFF  }
0xcc: {  	[sflag:s0] =	ssyncadd.tile.s32 @!p0 $0x1;
	_ =	shalt  }
.Lfunc_end2:
_tile_overlayer_lowered:
.L_overlay_start_2:
0xcd: {  	(tag) =	ssettag $0x2  }
0xce: {  	s0 =	rddreg [dreg:$0x0];
	s2 =	stileid.u32  }
0xcf: {  	s1 =	rddreg [dreg:$0x1];
	p0 =	sne.s32 s2, $0x0  }
0xd0: {  	s3 =	rddreg [dreg:$0x2];
	[bflag:$0x3] =	sbarrier.arrive $0xFFFF;
	s2 =	simm.s32 @!p0 $0x1C05  }
0xd1: {  	[timem:s3], [sflag:s2] =	dma.local @!p0 [hbm:s0], s1  }
0xd2: {  	s0 =	simm.s32 @!p0 $0x5  }
0xd3: {  	_ =	swait.ge @!p0 [sflag:s0], s1  }
0xd4: {  	s1 =	ssub.s32 @!p0 $0x0, s1;
	[sflag:s0] =	ssyncset.done @!p0 $0x0  }
0xd5: {  	[sflag:s0] =	ssyncadd.s32 @!p0 s1  }
0xd6: {  	[bflag:$0x3] =	sbarrier.arrive $0xFFFF  }
0xd7: {  	_ =	shalt  }

</sc_bundles>
